<compile_context>
chip_gen: v7x
topology: tpu7x:2x2x1
jax: 0.10.2.dev20260603
libtpu: 0.0.44.dev20260713+nightly
codegen_flags: <defaults>
</compile_context>

<pallas_src>
import jax
import jax.numpy as jnp
from jax import lax
from jax.experimental import pallas as pl
from jax.experimental.pallas import tpu as pltpu
from jax.experimental.pallas import tpu_sc as plsc

_N = 10000
_E = 320000
_D = 128
_H = 128
_C = 64
_G = 16
_NPAD = 10240
_EP = 327680
_EPT = 10240
_NSLAB = 5
_S0 = 9
_S1 = 10 - _S0
_ES0 = 5
_ES1 = 10 - _ES0
_SLAB = 2048
_CHUNK = 128
_NCH = _SLAB // _CHUNK
_BLK = 1000

_mesh = plsc.VectorSubcoreMesh(core_axis_name="c", subcore_axis_name="s")


def _edge_body(src_hbm, dst_hbm, attr_hbm, par_hbm,
               ew_hbm, degp_hbm,
               src_v, dst_v, attr_v, ew_v, par_v, deg_local, tmp_v, acc_v,
               deg_sh):
    c = lax.axis_index("c")
    s = lax.axis_index("s")
    base_slab = jnp.where(c == 0, s * _ES0, 16 * _ES0 + s * _ES1)
    nsl = jnp.where(c == 0, _ES0, _ES1)
    zero16 = jnp.zeros((16,), jnp.float32)

    def zbody(i, _):
        deg_local[pl.ds(i * 16, 16)] = zero16
        return 0
    lax.fori_loop(0, _NPAD // 16, zbody, 0)

    pltpu.sync_copy(par_hbm, par_v)
    pv = par_v[...]
    w10 = pv[0]
    w11 = pv[1]
    w12 = pv[2]
    b1 = pv[3]
    w20 = pv[4]
    b2 = pv[5]

    def sbbody(sb, _):
        sbase = (base_slab + sb) * _SLAB
        pltpu.sync_copy(src_hbm.at[pl.ds(sbase, _SLAB)], src_v)
        pltpu.sync_copy(dst_hbm.at[pl.ds(sbase, _SLAB)], dst_v)
        pltpu.sync_copy(attr_hbm.at[pl.ds(sbase, _SLAB)], attr_v)

        def gbody(g, _):
            col = g * 16
            di = dst_v[pl.ds(col, 16)]
            sf = src_v[pl.ds(col, 16)].astype(jnp.float32)
            df = di.astype(jnp.float32)
            af = attr_v[pl.ds(col, 16)]
            t = jnp.maximum(sf * w10 + df * w11 + af * w12 + b1, 0.0)
            ew = 1.0 / (1.0 + jnp.exp(-(t * w20 + b2)))
            ew_v[pl.ds(col, 16)] = ew
            plsc.addupdate_scatter(deg_local, [di], ew)
            return 0
        lax.fori_loop(0, _SLAB // 16, gbody, 0)
        pltpu.sync_copy(ew_v, ew_hbm.at[pl.ds(sbase, _SLAB)])
        return 0
    lax.fori_loop(0, nsl, sbbody, 0)

    pltpu.sync_copy(deg_local, deg_sh.at[s, 0])
    plsc.subcore_barrier()
    sl = s * 640

    def z2(i, _):
        acc_v[pl.ds(i * 16, 16)] = zero16
        return 0
    lax.fori_loop(0, 40, z2, 0)
    for t in range(16):
        pltpu.sync_copy(deg_sh.at[t, 0, pl.ds(sl, 640)], tmp_v)

        def abody(i, _):
            acc_v[pl.ds(i * 16, 16)] = (acc_v[pl.ds(i * 16, 16)]
                                        + tmp_v[pl.ds(i * 16, 16)])
            return 0
        lax.fori_loop(0, 40, abody, 0)
    pltpu.sync_copy(acc_v, degp_hbm.at[c, 0, pl.ds(sl, 640)])


_edge_kernel = pl.kernel(
    _edge_body,
    compiler_params=pltpu.CompilerParams(needs_layout_passes=False),
    out_type=[jax.ShapeDtypeStruct((_EP,), jnp.float32),
              jax.ShapeDtypeStruct((2, 1, _NPAD), jnp.float32)],
    mesh=_mesh,
    scratch_types=[
        pltpu.VMEM((_SLAB,), jnp.int32),
        pltpu.VMEM((_SLAB,), jnp.int32),
        pltpu.VMEM((_SLAB,), jnp.float32),
        pltpu.VMEM((_SLAB,), jnp.float32),
        pltpu.VMEM((16,), jnp.float32),
        pltpu.VMEM((_NPAD,), jnp.float32),
        pltpu.VMEM((640,), jnp.float32),
        pltpu.VMEM((640,), jnp.float32),
        pltpu.VMEM_SHARED((16, 1, _NPAD), jnp.float32),
    ],
)


def _msg_body(src_hbm, dst3_hbm, ew_hbm, gs_hbm, zeros_hbm,
              msgp_hbm,
              src_v, dst_v, ew_v, rows_0, rows_1,
              sem_g, sem_s, msg_sh):
    c = lax.axis_index("c")
    s = lax.axis_index("s")
    base_slab = jnp.where(c == 0, s * _S0, 16 * _S0 + s * _S1)
    nsl = jnp.where(c == 0, _S0, _S1)
    nb = s * 640
    rows = (rows_0, rows_1)
    pltpu.sync_copy(zeros_hbm.at[pl.ds(nb, 640)], msg_sh.at[pl.ds(nb, 640)])
    plsc.subcore_barrier()

    def gissue(ci, buf):
        idx = src_v.at[pl.ds(ci * _CHUNK, _CHUNK)]
        pltpu.async_copy(gs_hbm.at[idx], buf, sem_g)

    def gwait(buf):
        pltpu.make_async_copy(gs_hbm.at[pl.ds(0, _CHUNK)], buf, sem_g).wait()

    def sissue(ci, buf):
        pltpu.async_copy(buf, msg_sh.at[dst_v.at[ci]], sem_s, add=True)

    def swait(ci, buf):
        pltpu.make_async_copy(buf, msg_sh.at[dst_v.at[ci]], sem_s).wait()

    def sbbody(sb, _):
        sbase = (base_slab + sb) * _SLAB
        pltpu.sync_copy(src_hbm.at[pl.ds(sbase, _SLAB)], src_v)
        pltpu.sync_copy(dst3_hbm.at[base_slab + sb], dst_v)
        pltpu.sync_copy(ew_hbm.at[pl.ds(sbase, _SLAB)], ew_v)
        gissue(0, rows_0)

        def pairbody(cq, _):
            for q in range(2):
                ci = 2 * cq + q
                buf = rows[q]
                nxt = rows[(q + 1) % 2]

                @pl.when(ci >= 1)
                def _():
                    swait(ci - 1, nxt)

                @pl.when(ci < _NCH - 1)
                def _():
                    gissue(ci + 1, nxt)
                gwait(buf)

                def ebody(b, _):
                    e16 = jnp.full((16,), ci * _CHUNK + b, jnp.int32)
                    w = plsc.load_gather(ew_v, [e16])
                    for j in range(8):
                        buf[b, pl.ds(j * 16, 16)] = (
                            buf[b, pl.ds(j * 16, 16)] * w)
                    return 0
                lax.fori_loop(0, _CHUNK, ebody, 0, unroll=2)
                sissue(ci, buf)
            return 0
        lax.fori_loop(0, _NCH // 2, pairbody, 0)
        swait(_NCH - 1, rows[1])
        return 0
    lax.fori_loop(0, nsl, sbbody, 0)

    plsc.subcore_barrier()
    pltpu.sync_copy(msg_sh.at[pl.ds(nb, 640)],
                    msgp_hbm.at[c, pl.ds(nb, 640)])


_msg_kernel = pl.kernel(
    _msg_body,
    compiler_params=pltpu.CompilerParams(needs_layout_passes=False),
    out_type=jax.ShapeDtypeStruct((2, _NPAD, _H), jnp.float32),
    mesh=_mesh,
    scratch_types=[
        pltpu.VMEM((_SLAB,), jnp.int32),
        pltpu.VMEM((_NCH, _CHUNK), jnp.int32),
        pltpu.VMEM((_SLAB,), jnp.float32),
        pltpu.VMEM((_CHUNK, _H), jnp.float32),
        pltpu.VMEM((_CHUNK, _H), jnp.float32),
        pltpu.SemaphoreType.DMA,
        pltpu.SemaphoreType.DMA,
        pltpu.VMEM_SHARED((_NPAD, _H), jnp.float32),
    ],
)


def _k2_body(dp0, dp1, x, w, dis_out, gs_out):
    deg = dp0[...] + dp1[...] + 1.0
    dis = lax.rsqrt(jnp.maximum(deg, 1e-12))
    dis_out[...] = dis
    gs_out[...] = dis * jnp.dot(x[...], w[...],
                                preferred_element_type=jnp.float32)


_k2 = pl.pallas_call(
    _k2_body,
    grid=(_N // _BLK,),
    in_specs=[
        pl.BlockSpec((_BLK, 1), lambda i: (i, 0)),
        pl.BlockSpec((_BLK, 1), lambda i: (i, 0)),
        pl.BlockSpec((_BLK, _D), lambda i: (i, 0)),
        pl.BlockSpec((_D, _H), lambda i: (0, 0)),
    ],
    out_specs=[pl.BlockSpec((_BLK, 1), lambda i: (i, 0)),
               pl.BlockSpec((_BLK, _H), lambda i: (i, 0))],
    out_shape=[jax.ShapeDtypeStruct((_N, 1), jnp.float32),
               jax.ShapeDtypeStruct((_N, _H), jnp.float32)],
)


def _k4_body(dis, m0, m1, gs, b, w, gs2_out):
    h = jnp.maximum(dis[...] * (m0[...] + m1[...] + gs[...]) + b[...], 0.0)
    gs2_out[...] = dis[...] * jnp.dot(h, w[...],
                                      preferred_element_type=jnp.float32)


_k4 = pl.pallas_call(
    _k4_body,
    grid=(_N // _BLK,),
    in_specs=[
        pl.BlockSpec((_BLK, 1), lambda i: (i, 0)),
        pl.BlockSpec((_BLK, _H), lambda i: (i, 0)),
        pl.BlockSpec((_BLK, _H), lambda i: (i, 0)),
        pl.BlockSpec((_BLK, _H), lambda i: (i, 0)),
        pl.BlockSpec((1, _H), lambda i: (0, 0)),
        pl.BlockSpec((_H, _H), lambda i: (0, 0)),
    ],
    out_specs=pl.BlockSpec((_BLK, _H), lambda i: (i, 0)),
    out_shape=jax.ShapeDtypeStruct((_N, _H), jnp.float32),
)


def _k6_body(dis, m0, m1, gs, b, batch, lw, lb, out, sums, cnts):
    i = pl.program_id(0)

    @pl.when(i == 0)
    def _():
        sums[...] = jnp.zeros_like(sums)
        cnts[...] = jnp.zeros_like(cnts)

    h = jnp.maximum(dis[...] * (m0[...] + m1[...] + gs[...]) + b[...], 0.0)
    gi = lax.broadcasted_iota(jnp.int32, (_BLK, _G), 1)
    oh = (gi == batch[...]).astype(jnp.float32)
    dn = (((0,), (0,)), ((), ()))
    sums[...] += lax.dot_general(oh, h, dn,
                                 preferred_element_type=jnp.float32)
    cnts[...] += lax.dot_general(oh, jnp.ones((_BLK, 1), jnp.float32), dn,
                                 preferred_element_type=jnp.float32)

    @pl.when(i == pl.num_programs(0) - 1)
    def _():
        pooled = sums[...] / jnp.maximum(cnts[...], 1.0)
        out[...] = jnp.dot(pooled, lw[...],
                           preferred_element_type=jnp.float32) + lb[...]


_k6 = pl.pallas_call(
    _k6_body,
    grid=(_N // _BLK,),
    in_specs=[
        pl.BlockSpec((_BLK, 1), lambda i: (i, 0)),
        pl.BlockSpec((_BLK, _H), lambda i: (i, 0)),
        pl.BlockSpec((_BLK, _H), lambda i: (i, 0)),
        pl.BlockSpec((_BLK, _H), lambda i: (i, 0)),
        pl.BlockSpec((1, _H), lambda i: (0, 0)),
        pl.BlockSpec((_BLK, 1), lambda i: (i, 0)),
        pl.BlockSpec((_H, _C), lambda i: (0, 0)),
        pl.BlockSpec((1, _C), lambda i: (0, 0)),
    ],
    out_specs=pl.BlockSpec((_G, _C), lambda i: (0, 0)),
    out_shape=jax.ShapeDtypeStruct((_G, _C), jnp.float32),
    scratch_shapes=[pltpu.VMEM((_G, _H), jnp.float32),
                    pltpu.VMEM((_G, 1), jnp.float32)],
)


def kernel(x, edge_index, edge_attr, batch, ee_w1, ee_b1, ee_w2, ee_b2,
           conv1_w, conv1_b, stem_w, stem_b, lin_w, lin_b):
    npad = _EP - _E
    srcp = jnp.concatenate([edge_index[0], jnp.zeros((npad,), jnp.int32)])
    dstp = jnp.concatenate([edge_index[1],
                            jnp.full((npad,), _N + 200, jnp.int32)])
    attrp = jnp.concatenate([edge_attr[:, 0],
                             jnp.zeros((npad,), jnp.float32)])
    dst3d = dstp.reshape(32 * _NSLAB, _NCH, _CHUNK)
    par = jnp.concatenate([ee_w1[:, 0], ee_b1, ee_w2[0], ee_b2,
                           jnp.zeros((10,), jnp.float32)])

    ew1d, degp = _edge_kernel(srcp, dstp, attrp, par)
    dp0 = degp[0, 0, :_N, None]
    dp1 = degp[1, 0, :_N, None]
    dis, gs1 = _k2(dp0, dp1, x, conv1_w)

    zeros = jnp.zeros((_NPAD, _H), jnp.float32)
    msgp1 = _msg_kernel(srcp, dst3d, ew1d, gs1, zeros)
    gs2 = _k4(dis, msgp1[0, :_N], msgp1[1, :_N], gs1,
              conv1_b.reshape(1, _H), stem_w)
    msgp2 = _msg_kernel(srcp, dst3d, ew1d, gs2, zeros)
    out = _k6(dis, msgp2[0, :_N], msgp2[1, :_N], gs2, stem_b.reshape(1, _H),
              batch.reshape(_N, 1), lin_w, lin_b.reshape(1, _C))
    return out

# --- scband reference (transcript-rebuilt; emitter-appended) ---
"""Pipeline reference for scband-gcn-11312943857935 (READ-ONLY COPY).

The authoritative reference and input builder live on the scoring server;
editing this copy changes nothing except your own understanding.
"""

import jax, jax.numpy as jnp
import numpy as np

N = 10000
E = 320000
D = 128
H = 128
C = 64
G = 16

def setup_inputs(seed: int = 0):
    key = jax.random.key(seed)
    ks = jax.random.split(key, 12)
    x = jax.random.normal(ks[0], (N, D), dtype=jnp.float32)
    edge_index = jax.random.randint(ks[1], (2, E), 0, N, dtype=jnp.int32)
    edge_attr = jax.random.uniform(ks[2], (E, 1), dtype=jnp.float32)
    batch = jnp.sort(jax.random.randint(ks[3], (N,), 0, G, dtype=jnp.int32))
    ee_w1 = jax.random.normal(ks[4], (3, 1), dtype=jnp.float32) * 0.001
    ee_b1 = jnp.zeros((1,), dtype=jnp.float32)
    ee_w2 = jax.random.normal(ks[5], (1, 1), dtype=jnp.float32) * 0.5
    ee_b2 = jnp.zeros((1,), dtype=jnp.float32)
    conv1_w = jax.random.normal(ks[6], (D, H), dtype=jnp.float32) * (1.0 / np.sqrt(D))
    conv1_b = jnp.zeros((H,), dtype=jnp.float32)
    stem_w = jax.random.normal(ks[7], (H, H), dtype=jnp.float32) * (1.0 / np.sqrt(H))
    stem_b = jnp.zeros((H,), dtype=jnp.float32)
    lin_w = jax.random.normal(ks[8], (H, C), dtype=jnp.float32) * (1.0 / np.sqrt(H))
    lin_b = jnp.zeros((C,), dtype=jnp.float32)
    return {"x": x, "edge_index": edge_index, "edge_attr": edge_attr, "batch": batch, "ee_w1": ee_w1, "ee_b1": ee_b1, "ee_w2": ee_w2, "ee_b2": ee_b2, "conv1_w": conv1_w, "conv1_b": conv1_b, "stem_w": stem_w, "stem_b": stem_b, "lin_w": lin_w, "lin_b": lin_b}

def _gcn_conv(x, src, dst, ew, W, b):
    n = x.shape[0]
    loop = jnp.arange(n, dtype=src.dtype)
    s = jnp.concatenate([src, loop])
    d = jnp.concatenate([dst, loop])
    w = jnp.concatenate([ew, jnp.ones((n,), dtype=ew.dtype)])
    deg = jnp.zeros((n,), dtype=x.dtype).at[d].add(w)
    dis = jax.lax.rsqrt(jnp.maximum(deg, 1e-12))
    norm = dis[s] * w * dis[d]
    h = x @ W
    out = jnp.zeros((n, W.shape[1]), dtype=x.dtype).at[d].add(norm[:, None] * h[s])
    return out + b

def reference(x, edge_index, edge_attr, batch, ee_w1, ee_b1, ee_w2, ee_b2, conv1_w, conv1_b, stem_w, stem_b, lin_w, lin_b):
    src = edge_index[0]
    dst = edge_index[1]
    feat = jnp.concatenate([edge_index.astype(jnp.float32), edge_attr.T], axis=0).T
    h_e = jax.nn.relu(feat @ ee_w1 + ee_b1)
    ew = jax.nn.sigmoid(h_e @ ee_w2 + ee_b2)[:, 0]
    h = jax.nn.relu(_gcn_conv(x, src, dst, ew, conv1_w, conv1_b))
    h = jax.nn.relu(_gcn_conv(h, src, dst, ew, stem_w, stem_b))
    sums = jax.ops.segment_sum(h, batch, num_segments=G)
    cnts = jax.ops.segment_sum(jnp.ones((h.shape[0],), dtype=h.dtype), batch, num_segments=G)
    pooled = sums / jnp.maximum(cnts, 1.0)[:, None]
    return pooled @ lin_w + lin_b

if __name__ == "__main__":
    import jax
    _d = setup_inputs()
    print(jax.jit(kernel)(*tuple(_d.values())))

</pallas_src>

<mosaic_0001>
#map = affine_map<(d0, d1) -> (0)>
#map1 = affine_map<(d0, d1) -> (0, 0, 0)>
#map2 = affine_map<(d0, d1) -> (0, 0)>
module attributes {stable_mosaic.version = 14 : i64} {
  func.func @_msg_body(%arg0: i32, %arg1: i32, %arg2: memref<327680xi32, #tpu.memory_space<hbm>>, %arg3: memref<160x16x128xi32, #tpu.memory_space<hbm>>, %arg4: memref<327680xf32, #tpu.memory_space<hbm>>, %arg5: memref<10000x128xf32, #tpu.memory_space<hbm>>, %arg6: memref<10240x128xf32, #tpu.memory_space<hbm>>, %arg7: memref<2x10240x128xf32, #tpu.memory_space<hbm>>, %arg8: memref<2048xi32, #tpu.memory_space<vmem>>, %arg9: memref<16x128xi32, #tpu.memory_space<vmem>>, %arg10: memref<2048xf32, #tpu.memory_space<vmem>>, %arg11: memref<128x128xf32, #tpu.memory_space<vmem>>, %arg12: memref<128x128xf32, #tpu.memory_space<vmem>>, %arg13: memref<!tpu.dma_semaphore, #tpu.memory_space<semaphore_mem>>, %arg14: memref<!tpu.dma_semaphore, #tpu.memory_space<semaphore_mem>>, %arg15: memref<10240x128xf32, #tpu.memory_space<vmem_shared>>) attributes {dimension_semantics = [#tpu.dimension_semantics<core_parallel>, #tpu.dimension_semantics<subcore_parallel>], iteration_bounds = array<i64: 2, 16>, scalar_prefetch = 0 : i64, scratch_operands = 8 : i64, tpu.core_type = #tpu.core_type<sc_vector_subcore>, window_params = [{transform_indices = #map}, {transform_indices = #map1}, {transform_indices = #map}, {transform_indices = #map2}, {transform_indices = #map2}, {transform_indices = #map1}]} {
    %eq3A = arith.constant 0 : i32
    %eq3A_0 = arith.cmpi eq, %arg0, %eq3A : i32
    %mul3A = arith.constant 9 : i32
    %mul3A_1 = arith.muli %arg1, %mul3A : i32
    %mul3A_2 = arith.constant 1 : i32
    %mul3A_3 = arith.muli %arg1, %mul3A_2 : i32
    %add3A = arith.constant 144 : i32
    %add3A_4 = arith.addi %add3A, %mul3A_3 : i32
    %select_n3A = arith.select %eq3A_0, %mul3A_1, %add3A_4 : i32
    %eq3A_5 = arith.constant 0 : i32
    %eq3A_6 = arith.cmpi eq, %arg0, %eq3A_5 : i32
    %jit3A = arith.constant 9 : i32
    %jit3A_7 = arith.constant 1 : i32
    %select_n3A_8 = arith.select %eq3A_6, %jit3A, %jit3A_7 : i32
    %mul3A_9 = arith.constant 640 : i32
    %mul3A_10 = arith.muli %arg1, %mul3A_9 : i32
    "tpu.region"() ({
      %run_scoped3A = tpu.sem_alloc : memref<!tpu.dma_semaphore, #tpu.memory_space<semaphore_mem>>
      %dma_start3A = arith.constant 0 : i32
      %dma_start3A_23 = tpu.memref_slice %arg15[%mul3A_10, %dma_start3A] : memref<10240x128xf32, #tpu.memory_space<vmem_shared>> -> memref<640x128xf32, #tpu.memory_space<vmem_shared>>
      %dma_start3A_24 = arith.constant 0 : i32
      %dma_start3A_25 = tpu.memref_slice %arg6[%mul3A_10, %dma_start3A_24] : memref<10240x128xf32, #tpu.memory_space<hbm>> -> memref<640x128xf32, #tpu.memory_space<hbm>>
      tpu.enqueue_dma source(%dma_start3A_25 : memref<640x128xf32, #tpu.memory_space<hbm>>) target(%dma_start3A_23 : memref<640x128xf32, #tpu.memory_space<vmem_shared>>) target_semaphore(%run_scoped3A : memref<!tpu.dma_semaphore, #tpu.memory_space<semaphore_mem>>)
      %dma_wait3A = arith.constant 0 : i32
      %dma_wait3A_26 = tpu.memref_slice %arg15[%mul3A_10, %dma_wait3A] : memref<10240x128xf32, #tpu.memory_space<vmem_shared>> -> memref<640x128xf32, #tpu.memory_space<vmem_shared>>
      %dma_wait3A_27 = arith.constant 0 : i32
      %dma_wait3A_28 = tpu.memref_slice %arg6[%mul3A_10, %dma_wait3A_27] : memref<10240x128xf32, #tpu.memory_space<hbm>> -> memref<640x128xf32, #tpu.memory_space<hbm>>
      tpu.wait_dma2 semaphore(%run_scoped3A : memref<!tpu.dma_semaphore, #tpu.memory_space<semaphore_mem>>) src(%dma_wait3A_28 : memref<640x128xf32, #tpu.memory_space<hbm>>) dst(%dma_wait3A_26 : memref<640x128xf32, #tpu.memory_space<vmem_shared>>)
      tpu.yield
    }) : () -> ()
    %barrier3A = arith.constant 0 : index
    tpu.barrier barrier_id(%barrier3A)
    %while3A = arith.constant 0 : i32
    %while3A_11 = arith.constant 0 : i32
    %while3A_12 = arith.subi %select_n3A_8, %while3A : i32
    %while3A_13 = arith.addi %while3A, %while3A_12 : i32
    %while3A_14 = arith.constant 1 : i32
    %while3A_15 = arith.divsi %while3A_12, %while3A_14 : i32
    %while3A_16 = arith.muli %while3A_15, %while3A_14 : i32
    %while3A_17 = arith.addi %while3A, %while3A_16 : i32
    %while3A_18 = arith.constant 1 : i32
    %while3A_19 = scf.for %while3A_23 = %while3A to %while3A_17 step %while3A_18 iter_args(%while3A_24 = %while3A_11) -> (i32)  : i32 {
      %add3A_25 = arith.addi %select_n3A, %while3A_23 : i32
      %mul3A_26 = arith.constant 2048 : i32
      %mul3A_27 = arith.muli %add3A_25, %mul3A_26 : i32
      "tpu.region"() ({
        %run_scoped3A = tpu.sem_alloc : memref<!tpu.dma_semaphore, #tpu.memory_space<semaphore_mem>>
        %dma_start3A_46 = tpu.memref_slice %arg2[%mul3A_27] : memref<327680xi32, #tpu.memory_space<hbm>> -> memref<2048xi32, #tpu.memory_space<hbm>>
        %dma_start3A_47 = tpu.memref_slice %arg2[%mul3A_27] : memref<327680xi32, #tpu.memory_space<hbm>> -> memref<2048xi32, #tpu.memory_space<hbm>>
        tpu.enqueue_dma source(%dma_start3A_47 : memref<2048xi32, #tpu.memory_space<hbm>>) target(%arg8 : memref<2048xi32, #tpu.memory_space<vmem>>) target_semaphore(%run_scoped3A : memref<!tpu.dma_semaphore, #tpu.memory_space<semaphore_mem>>)
        %dma_wait3A_48 = tpu.memref_slice %arg2[%mul3A_27] : memref<327680xi32, #tpu.memory_space<hbm>> -> memref<2048xi32, #tpu.memory_space<hbm>>
        %dma_wait3A_49 = tpu.memref_slice %arg2[%mul3A_27] : memref<327680xi32, #tpu.memory_space<hbm>> -> memref<2048xi32, #tpu.memory_space<hbm>>
        tpu.wait_dma2 semaphore(%run_scoped3A : memref<!tpu.dma_semaphore, #tpu.memory_space<semaphore_mem>>) src(%dma_wait3A_49 : memref<2048xi32, #tpu.memory_space<hbm>>) dst(%arg8 : memref<2048xi32, #tpu.memory_space<vmem>>)
        tpu.yield
      }) : () -> ()
      %add3A_28 = arith.addi %select_n3A, %while3A_23 : i32
      "tpu.region"() ({
        %run_scoped3A = tpu.sem_alloc : memref<!tpu.dma_semaphore, #tpu.memory_space<semaphore_mem>>
        %dma_start3A_46 = arith.constant 0 : i32
        %dma_start3A_47 = arith.constant 0 : i32
        %dma_start3A_48 = tpu.memref_slice %arg3[%add3A_28, %dma_start3A_46, %dma_start3A_47] : memref<160x16x128xi32, #tpu.memory_space<hbm>> -> memref<1x16x128xi32, #tpu.memory_space<hbm>>
        %dma_start3A_49 = tpu.memref_squeeze %dma_start3A_48 : memref<1x16x128xi32, #tpu.memory_space<hbm>> -> memref<16x128xi32, #tpu.memory_space<hbm>>
        %dma_start3A_50 = arith.constant 0 : i32
        %dma_start3A_51 = arith.constant 0 : i32
        %dma_start3A_52 = tpu.memref_slice %arg3[%add3A_28, %dma_start3A_50, %dma_start3A_51] : memref<160x16x128xi32, #tpu.memory_space<hbm>> -> memref<1x16x128xi32, #tpu.memory_space<hbm>>
        %dma_start3A_53 = tpu.memref_squeeze %dma_start3A_52 : memref<1x16x128xi32, #tpu.memory_space<hbm>> -> memref<16x128xi32, #tpu.memory_space<hbm>>
        tpu.enqueue_dma source(%dma_start3A_53 : memref<16x128xi32, #tpu.memory_space<hbm>>) target(%arg9 : memref<16x128xi32, #tpu.memory_space<vmem>>) target_semaphore(%run_scoped3A : memref<!tpu.dma_semaphore, #tpu.memory_space<semaphore_mem>>)
        %dma_wait3A_54 = arith.constant 0 : i32
        %dma_wait3A_55 = arith.constant 0 : i32
        %dma_wait3A_56 = tpu.memref_slice %arg3[%add3A_28, %dma_wait3A_54, %dma_wait3A_55] : memref<160x16x128xi32, #tpu.memory_space<hbm>> -> memref<1x16x128xi32, #tpu.memory_space<hbm>>
        %dma_wait3A_57 = tpu.memref_squeeze %dma_wait3A_56 : memref<1x16x128xi32, #tpu.memory_space<hbm>> -> memref<16x128xi32, #tpu.memory_space<hbm>>
        %dma_wait3A_58 = arith.constant 0 : i32
        %dma_wait3A_59 = arith.constant 0 : i32
        %dma_wait3A_60 = tpu.memref_slice %arg3[%add3A_28, %dma_wait3A_58, %dma_wait3A_59] : memref<160x16x128xi32, #tpu.memory_space<hbm>> -> memref<1x16x128xi32, #tpu.memory_space<hbm>>
        %dma_wait3A_61 = tpu.memref_squeeze %dma_wait3A_60 : memref<1x16x128xi32, #tpu.memory_space<hbm>> -> memref<16x128xi32, #tpu.memory_space<hbm>>
        tpu.wait_dma2 semaphore(%run_scoped3A : memref<!tpu.dma_semaphore, #tpu.memory_space<semaphore_mem>>) src(%dma_wait3A_61 : memref<16x128xi32, #tpu.memory_space<hbm>>) dst(%arg9 : memref<16x128xi32, #tpu.memory_space<vmem>>)
        tpu.yield
      }) : () -> ()
      "tpu.region"() ({
        %run_scoped3A = tpu.sem_alloc : memref<!tpu.dma_semaphore, #tpu.memory_space<semaphore_mem>>
        %dma_start3A_46 = tpu.memref_slice %arg4[%mul3A_27] : memref<327680xf32, #tpu.memory_space<hbm>> -> memref<2048xf32, #tpu.memory_space<hbm>>
        %dma_start3A_47 = tpu.memref_slice %arg4[%mul3A_27] : memref<327680xf32, #tpu.memory_space<hbm>> -> memref<2048xf32, #tpu.memory_space<hbm>>
        tpu.enqueue_dma source(%dma_start3A_47 : memref<2048xf32, #tpu.memory_space<hbm>>) target(%arg10 : memref<2048xf32, #tpu.memory_space<vmem>>) target_semaphore(%run_scoped3A : memref<!tpu.dma_semaphore, #tpu.memory_space<semaphore_mem>>)
        %dma_wait3A_48 = tpu.memref_slice %arg4[%mul3A_27] : memref<327680xf32, #tpu.memory_space<hbm>> -> memref<2048xf32, #tpu.memory_space<hbm>>
        %dma_wait3A_49 = tpu.memref_slice %arg4[%mul3A_27] : memref<327680xf32, #tpu.memory_space<hbm>> -> memref<2048xf32, #tpu.memory_space<hbm>>
        tpu.wait_dma2 semaphore(%run_scoped3A : memref<!tpu.dma_semaphore, #tpu.memory_space<semaphore_mem>>) src(%dma_wait3A_49 : memref<2048xf32, #tpu.memory_space<hbm>>) dst(%arg10 : memref<2048xf32, #tpu.memory_space<vmem>>)
        tpu.yield
      }) : () -> ()
      %dma_start3A = arith.constant 0 : i32
      %dma_start3A_29 = tpu.memref_slice %arg8[%dma_start3A] : memref<2048xi32, #tpu.memory_space<vmem>> -> memref<128xi32, #tpu.memory_space<vmem>>
      %dma_start3A_30 = arith.constant 0 : i32
      %dma_start3A_31 = arith.constant 0 : i32
      %dma_start3A_32 = tpu.memref_slice %arg5[%dma_start3A_30, %dma_start3A_31] : memref<10000x128xf32, #tpu.memory_space<hbm>> -> memref<10000x128xf32, #tpu.memory_space<hbm>>
      tpu.enqueue_indirect_dma source(%dma_start3A_32 : memref<10000x128xf32, #tpu.memory_space<hbm>>) target(%arg11 : memref<128x128xf32, #tpu.memory_space<vmem>>) offsets(%dma_start3A_29 : memref<128xi32, #tpu.memory_space<vmem>>) semaphore(%arg13 : memref<!tpu.dma_semaphore, #tpu.memory_space<semaphore_mem>>)
      %scan3A = arith.constant 0 : i32
      %scan3A_33 = arith.constant 0 : i32
      %scan3A_34 = arith.constant 8 : i32
      %scan3A_35 = arith.addi %scan3A_33, %scan3A_34 : i32
      %scan3A_36 = arith.constant 1 : i32
      %scan3A_37 = scf.for %scan3A_46 = %scan3A_33 to %scan3A_35 step %scan3A_36 iter_args(%scan3A_47 = %scan3A) -> (i32)  : i32 {
        %mul3A_48 = arith.constant 2 : i32
        %mul3A_49 = arith.muli %mul3A_48, %scan3A_46 : i32
        %add3A_50 = arith.constant 0 : i32
        %add3A_51 = arith.addi %mul3A_49, %add3A_50 : i32
        %ge3A = arith.constant 1 : i32
        %ge3A_52 = arith.cmpi sge, %add3A_51, %ge3A : i32
        %convert_element_type3A = arith.extui %ge3A_52 : i1 to i32
        %cond3A = arith.constant 0 : i32
        %cond3A_53 = arith.cmpi ne, %convert_element_type3A, %cond3A : i32
        scf.if %cond3A_53 {
          %sub3A = arith.constant 1 : i32
          %sub3A_111 = arith.subi %add3A_51, %sub3A : i32
          %dma_wait3A_112 = arith.constant 0 : i32
          %dma_wait3A_113 = tpu.memref_slice %arg9[%sub3A_111, %dma_wait3A_112] : memref<16x128xi32, #tpu.memory_space<vmem>> -> memref<1x128xi32, #tpu.memory_space<vmem>>
          %dma_wait3A_114 = tpu.memref_squeeze %dma_wait3A_113 : memref<1x128xi32, #tpu.memory_space<vmem>> -> memref<128xi32, #tpu.memory_space<vmem>>
          %dma_wait3A_115 = arith.constant 0 : i32
          %dma_wait3A_116 = arith.constant 0 : i32
          %dma_wait3A_117 = tpu.memref_slice %arg15[%dma_wait3A_115, %dma_wait3A_116] : memref<10240x128xf32, #tpu.memory_space<vmem_shared>> -> memref<10240x128xf32, #tpu.memory_space<vmem_shared>>
          tpu.wait_indirect_dma semaphore(%arg14 : memref<!tpu.dma_semaphore, #tpu.memory_space<semaphore_mem>>) src(%arg12 : memref<128x128xf32, #tpu.memory_space<vmem>>) dst(%dma_wait3A_117 : memref<10240x128xf32, #tpu.memory_space<vmem_shared>>)
        } else {
        }
        %lt3A = arith.constant 15 : i32
        %lt3A_54 = arith.cmpi slt, %add3A_51, %lt3A : i32
        %convert_element_type3A_55 = arith.extui %lt3A_54 : i1 to i32
        %cond3A_56 = arith.constant 0 : i32
        %cond3A_57 = arith.cmpi ne, %convert_element_type3A_55, %cond3A_56 : i32
        scf.if %cond3A_57 {
          %add3A_111 = arith.constant 1 : i32
          %add3A_112 = arith.addi %add3A_51, %add3A_111 : i32
          %mul3A_113 = arith.constant 128 : i32
          %mul3A_114 = arith.muli %add3A_112, %mul3A_113 : i32
          %dma_start3A_115 = tpu.memref_slice %arg8[%mul3A_114] : memref<2048xi32, #tpu.memory_space<vmem>> -> memref<128xi32, #tpu.memory_space<vmem>>
          %dma_start3A_116 = arith.constant 0 : i32
          %dma_start3A_117 = arith.constant 0 : i32
          %dma_start3A_118 = tpu.memref_slice %arg5[%dma_start3A_116, %dma_start3A_117] : memref<10000x128xf32, #tpu.memory_space<hbm>> -> memref<10000x128xf32, #tpu.memory_space<hbm>>
          tpu.enqueue_indirect_dma source(%dma_start3A_118 : memref<10000x128xf32, #tpu.memory_space<hbm>>) target(%arg12 : memref<128x128xf32, #tpu.memory_space<vmem>>) offsets(%dma_start3A_115 : memref<128xi32, #tpu.memory_space<vmem>>) semaphore(%arg13 : memref<!tpu.dma_semaphore, #tpu.memory_space<semaphore_mem>>)
        } else {
        }
        %dma_wait3A_58 = arith.constant 0 : i32
        %dma_wait3A_59 = arith.constant 0 : i32
        %dma_wait3A_60 = tpu.memref_slice %arg5[%dma_wait3A_58, %dma_wait3A_59] : memref<10000x128xf32, #tpu.memory_space<hbm>> -> memref<128x128xf32, #tpu.memory_space<hbm>>
        %dma_wait3A_61 = arith.constant 0 : i32
        %dma_wait3A_62 = arith.constant 0 : i32
        %dma_wait3A_63 = tpu.memref_slice %arg5[%dma_wait3A_61, %dma_wait3A_62] : memref<10000x128xf32, #tpu.memory_space<hbm>> -> memref<128x128xf32, #tpu.memory_space<hbm>>
        tpu.wait_dma2 semaphore(%arg13 : memref<!tpu.dma_semaphore, #tpu.memory_space<semaphore_mem>>) src(%dma_wait3A_63 : memref<128x128xf32, #tpu.memory_space<hbm>>) dst(%arg11 : memref<128x128xf32, #tpu.memory_space<vmem>>)
        %scan3A_64 = arith.constant 0 : i32
        %scan3A_65 = arith.constant 0 : i32
        %scan3A_66 = arith.constant 128 : i32
        %scan3A_67 = arith.addi %scan3A_65, %scan3A_66 : i32
        %scan3A_68 = arith.constant 2 : i32
        %scan3A_69 = scf.for %scan3A_111 = %scan3A_65 to %scan3A_67 step %scan3A_68 iter_args(%scan3A_112 = %scan3A_64) -> (i32)  : i32 {
          %mul3A_113 = arith.constant 128 : i32
          %mul3A_114 = arith.muli %add3A_51, %mul3A_113 : i32
          %add3A_115 = arith.addi %mul3A_114, %scan3A_111 : i32
          %broadcast_in_dim3A = vector.broadcast %add3A_115 : i32 to vector<16xi32>
          %gather3A = tpu.vector_load_idx %arg10[%broadcast_in_dim3A] : memref<2048xf32, #tpu.memory_space<vmem>>[vector<16xi32>], vector<16xf32>,
          %get3A = arith.index_cast %scan3A_111 : i32 to index
          %get3A_116 = arith.constant 0 : index
          %get3A_117 = tpu.vector_load %arg11[%get3A, %get3A_116] {strides = array<i32>} : memref<128x128xf32, #tpu.memory_space<vmem>>, vector<16xf32>,
          %mul3A_118 = arith.mulf %get3A_117, %gather3A : vector<16xf32>
          %swap3A = arith.index_cast %scan3A_111 : i32 to index
          %swap3A_119 = arith.constant 0 : index
          %swap3A_120 = tpu.vector_load %arg11[%swap3A, %swap3A_119] {strides = array<i32>} : memref<128x128xf32, #tpu.memory_space<vmem>>, vector<16xf32>,
          tpu.vector_store %arg11[%swap3A, %swap3A_119], %mul3A_118 {strides = array<i32>} : memref<128x128xf32, #tpu.memory_space<vmem>>, vector<16xf32>,
          %get3A_121 = arith.index_cast %scan3A_111 : i32 to index
          %get3A_122 = arith.constant 16 : index
          %get3A_123 = tpu.vector_load %arg11[%get3A_121, %get3A_122] {strides = array<i32>} : memref<128x128xf32, #tpu.memory_space<vmem>>, vector<16xf32>,
          %mul3A_124 = arith.mulf %get3A_123, %gather3A : vector<16xf32>
          %swap3A_125 = arith.index_cast %scan3A_111 : i32 to index
          %swap3A_126 = arith.constant 16 : index
          %swap3A_127 = tpu.vector_load %arg11[%swap3A_125, %swap3A_126] {strides = array<i32>} : memref<128x128xf32, #tpu.memory_space<vmem>>, vector<16xf32>,
          tpu.vector_store %arg11[%swap3A_125, %swap3A_126], %mul3A_124 {strides = array<i32>} : memref<128x128xf32, #tpu.memory_space<vmem>>, vector<16xf32>,
          %get3A_128 = arith.index_cast %scan3A_111 : i32 to index
          %get3A_129 = arith.constant 32 : index
          %get3A_130 = tpu.vector_load %arg11[%get3A_128, %get3A_129] {strides = array<i32>} : memref<128x128xf32, #tpu.memory_space<vmem>>, vector<16xf32>,
          %mul3A_131 = arith.mulf %get3A_130, %gather3A : vector<16xf32>
          %swap3A_132 = arith.index_cast %scan3A_111 : i32 to index
          %swap3A_133 = arith.constant 32 : index
          %swap3A_134 = tpu.vector_load %arg11[%swap3A_132, %swap3A_133] {strides = array<i32>} : memref<128x128xf32, #tpu.memory_space<vmem>>, vector<16xf32>,
          tpu.vector_store %arg11[%swap3A_132, %swap3A_133], %mul3A_131 {strides = array<i32>} : memref<128x128xf32, #tpu.memory_space<vmem>>, vector<16xf32>,
          %get3A_135 = arith.index_cast %scan3A_111 : i32 to index
          %get3A_136 = arith.constant 48 : index
          %get3A_137 = tpu.vector_load %arg11[%get3A_135, %get3A_136] {strides = array<i32>} : memref<128x128xf32, #tpu.memory_space<vmem>>, vector<16xf32>,
          %mul3A_138 = arith.mulf %get3A_137, %gather3A : vector<16xf32>
          %swap3A_139 = arith.index_cast %scan3A_111 : i32 to index
          %swap3A_140 = arith.constant 48 : index
          %swap3A_141 = tpu.vector_load %arg11[%swap3A_139, %swap3A_140] {strides = array<i32>} : memref<128x128xf32, #tpu.memory_space<vmem>>, vector<16xf32>,
          tpu.vector_store %arg11[%swap3A_139, %swap3A_140], %mul3A_138 {strides = array<i32>} : memref<128x128xf32, #tpu.memory_space<vmem>>, vector<16xf32>,
          %get3A_142 = arith.index_cast %scan3A_111 : i32 to index
          %get3A_143 = arith.constant 64 : index
          %get3A_144 = tpu.vector_load %arg11[%get3A_142, %get3A_143] {strides = array<i32>} : memref<128x128xf32, #tpu.memory_space<vmem>>, vector<16xf32>,
          %mul3A_145 = arith.mulf %get3A_144, %gather3A : vector<16xf32>
          %swap3A_146 = arith.index_cast %scan3A_111 : i32 to index
          %swap3A_147 = arith.constant 64 : index
          %swap3A_148 = tpu.vector_load %arg11[%swap3A_146, %swap3A_147] {strides = array<i32>} : memref<128x128xf32, #tpu.memory_space<vmem>>, vector<16xf32>,
          tpu.vector_store %arg11[%swap3A_146, %swap3A_147], %mul3A_145 {strides = array<i32>} : memref<128x128xf32, #tpu.memory_space<vmem>>, vector<16xf32>,
          %get3A_149 = arith.index_cast %scan3A_111 : i32 to index
          %get3A_150 = arith.constant 80 : index
          %get3A_151 = tpu.vector_load %arg11[%get3A_149, %get3A_150] {strides = array<i32>} : memref<128x128xf32, #tpu.memory_space<vmem>>, vector<16xf32>,
          %mul3A_152 = arith.mulf %get3A_151, %gather3A : vector<16xf32>
          %swap3A_153 = arith.index_cast %scan3A_111 : i32 to index
          %swap3A_154 = arith.constant 80 : index
          %swap3A_155 = tpu.vector_load %arg11[%swap3A_153, %swap3A_154] {strides = array<i32>} : memref<128x128xf32, #tpu.memory_space<vmem>>, vector<16xf32>,
          tpu.vector_store %arg11[%swap3A_153, %swap3A_154], %mul3A_152 {strides = array<i32>} : memref<128x128xf32, #tpu.memory_space<vmem>>, vector<16xf32>,
          %get3A_156 = arith.index_cast %scan3A_111 : i32 to index
          %get3A_157 = arith.constant 96 : index
          %get3A_158 = tpu.vector_load %arg11[%get3A_156, %get3A_157] {strides = array<i32>} : memref<128x128xf32, #tpu.memory_space<vmem>>, vector<16xf32>,
          %mul3A_159 = arith.mulf %get3A_158, %gather3A : vector<16xf32>
          %swap3A_160 = arith.index_cast %scan3A_111 : i32 to index
          %swap3A_161 = arith.constant 96 : index
          %swap3A_162 = tpu.vector_load %arg11[%swap3A_160, %swap3A_161] {strides = array<i32>} : memref<128x128xf32, #tpu.memory_space<vmem>>, vector<16xf32>,
          tpu.vector_store %arg11[%swap3A_160, %swap3A_161], %mul3A_159 {strides = array<i32>} : memref<128x128xf32, #tpu.memory_space<vmem>>, vector<16xf32>,
          %get3A_163 = arith.index_cast %scan3A_111 : i32 to index
          %get3A_164 = arith.constant 112 : index
          %get3A_165 = tpu.vector_load %arg11[%get3A_163, %get3A_164] {strides = array<i32>} : memref<128x128xf32, #tpu.memory_space<vmem>>, vector<16xf32>,
          %mul3A_166 = arith.mulf %get3A_165, %gather3A : vector<16xf32>
          %swap3A_167 = arith.index_cast %scan3A_111 : i32 to index
          %swap3A_168 = arith.constant 112 : index
          %swap3A_169 = tpu.vector_load %arg11[%swap3A_167, %swap3A_168] {strides = array<i32>} : memref<128x128xf32, #tpu.memory_space<vmem>>, vector<16xf32>,
          tpu.vector_store %arg11[%swap3A_167, %swap3A_168], %mul3A_166 {strides = array<i32>} : memref<128x128xf32, #tpu.memory_space<vmem>>, vector<16xf32>,
          %scan3A_170 = arith.constant 0 : i32
          %scan3A_171 = arith.constant 1 : i32
          %scan3A_172 = arith.addi %scan3A_111, %scan3A_171 : i32
          %mul3A_173 = arith.constant 128 : i32
          %mul3A_174 = arith.muli %add3A_51, %mul3A_173 : i32
          %add3A_175 = arith.addi %mul3A_174, %scan3A_172 : i32
          %broadcast_in_dim3A_176 = vector.broadcast %add3A_175 : i32 to vector<16xi32>
          %gather3A_177 = tpu.vector_load_idx %arg10[%broadcast_in_dim3A_176] : memref<2048xf32, #tpu.memory_space<vmem>>[vector<16xi32>], vector<16xf32>,
          %get3A_178 = arith.index_cast %scan3A_172 : i32 to index
          %get3A_179 = arith.constant 0 : index
          %get3A_180 = tpu.vector_load %arg11[%get3A_178, %get3A_179] {strides = array<i32>} : memref<128x128xf32, #tpu.memory_space<vmem>>, vector<16xf32>,
          %mul3A_181 = arith.mulf %get3A_180, %gather3A_177 : vector<16xf32>
          %swap3A_182 = arith.index_cast %scan3A_172 : i32 to index
          %swap3A_183 = arith.constant 0 : index
          %swap3A_184 = tpu.vector_load %arg11[%swap3A_182, %swap3A_183] {strides = array<i32>} : memref<128x128xf32, #tpu.memory_space<vmem>>, vector<16xf32>,
          tpu.vector_store %arg11[%swap3A_182, %swap3A_183], %mul3A_181 {strides = array<i32>} : memref<128x128xf32, #tpu.memory_space<vmem>>, vector<16xf32>,
          %get3A_185 = arith.index_cast %scan3A_172 : i32 to index
          %get3A_186 = arith.constant 16 : index
          %get3A_187 = tpu.vector_load %arg11[%get3A_185, %get3A_186] {strides = array<i32>} : memref<128x128xf32, #tpu.memory_space<vmem>>, vector<16xf32>,
          %mul3A_188 = arith.mulf %get3A_187, %gather3A_177 : vector<16xf32>
          %swap3A_189 = arith.index_cast %scan3A_172 : i32 to index
          %swap3A_190 = arith.constant 16 : index
          %swap3A_191 = tpu.vector_load %arg11[%swap3A_189, %swap3A_190] {strides = array<i32>} : memref<128x128xf32, #tpu.memory_space<vmem>>, vector<16xf32>,
          tpu.vector_store %arg11[%swap3A_189, %swap3A_190], %mul3A_188 {strides = array<i32>} : memref<128x128xf32, #tpu.memory_space<vmem>>, vector<16xf32>,
          %get3A_192 = arith.index_cast %scan3A_172 : i32 to index
          %get3A_193 = arith.constant 32 : index
          %get3A_194 = tpu.vector_load %arg11[%get3A_192, %get3A_193] {strides = array<i32>} : memref<128x128xf32, #tpu.memory_space<vmem>>, vector<16xf32>,
          %mul3A_195 = arith.mulf %get3A_194, %gather3A_177 : vector<16xf32>
          %swap3A_196 = arith.index_cast %scan3A_172 : i32 to index
          %swap3A_197 = arith.constant 32 : index
          %swap3A_198 = tpu.vector_load %arg11[%swap3A_196, %swap3A_197] {strides = array<i32>} : memref<128x128xf32, #tpu.memory_space<vmem>>, vector<16xf32>,
          tpu.vector_store %arg11[%swap3A_196, %swap3A_197], %mul3A_195 {strides = array<i32>} : memref<128x128xf32, #tpu.memory_space<vmem>>, vector<16xf32>,
          %get3A_199 = arith.index_cast %scan3A_172 : i32 to index
          %get3A_200 = arith.constant 48 : index
          %get3A_201 = tpu.vector_load %arg11[%get3A_199, %get3A_200] {strides = array<i32>} : memref<128x128xf32, #tpu.memory_space<vmem>>, vector<16xf32>,
          %mul3A_202 = arith.mulf %get3A_201, %gather3A_177 : vector<16xf32>
          %swap3A_203 = arith.index_cast %scan3A_172 : i32 to index
          %swap3A_204 = arith.constant 48 : index
          %swap3A_205 = tpu.vector_load %arg11[%swap3A_203, %swap3A_204] {strides = array<i32>} : memref<128x128xf32, #tpu.memory_space<vmem>>, vector<16xf32>,
          tpu.vector_store %arg11[%swap3A_203, %swap3A_204], %mul3A_202 {strides = array<i32>} : memref<128x128xf32, #tpu.memory_space<vmem>>, vector<16xf32>,
          %get3A_206 = arith.index_cast %scan3A_172 : i32 to index
          %get3A_207 = arith.constant 64 : index
          %get3A_208 = tpu.vector_load %arg11[%get3A_206, %get3A_207] {strides = array<i32>} : memref<128x128xf32, #tpu.memory_space<vmem>>, vector<16xf32>,
          %mul3A_209 = arith.mulf %get3A_208, %gather3A_177 : vector<16xf32>
          %swap3A_210 = arith.index_cast %scan3A_172 : i32 to index
          %swap3A_211 = arith.constant 64 : index
          %swap3A_212 = tpu.vector_load %arg11[%swap3A_210, %swap3A_211] {strides = array<i32>} : memref<128x128xf32, #tpu.memory_space<vmem>>, vector<16xf32>,
          tpu.vector_store %arg11[%swap3A_210, %swap3A_211], %mul3A_209 {strides = array<i32>} : memref<128x128xf32, #tpu.memory_space<vmem>>, vector<16xf32>,
          %get3A_213 = arith.index_cast %scan3A_172 : i32 to index
          %get3A_214 = arith.constant 80 : index
          %get3A_215 = tpu.vector_load %arg11[%get3A_213, %get3A_214] {strides = array<i32>} : memref<128x128xf32, #tpu.memory_space<vmem>>, vector<16xf32>,
          %mul3A_216 = arith.mulf %get3A_215, %gather3A_177 : vector<16xf32>
          %swap3A_217 = arith.index_cast %scan3A_172 : i32 to index
          %swap3A_218 = arith.constant 80 : index
          %swap3A_219 = tpu.vector_load %arg11[%swap3A_217, %swap3A_218] {strides = array<i32>} : memref<128x128xf32, #tpu.memory_space<vmem>>, vector<16xf32>,
          tpu.vector_store %arg11[%swap3A_217, %swap3A_218], %mul3A_216 {strides = array<i32>} : memref<128x128xf32, #tpu.memory_space<vmem>>, vector<16xf32>,
          %get3A_220 = arith.index_cast %scan3A_172 : i32 to index
          %get3A_221 = arith.constant 96 : index
          %get3A_222 = tpu.vector_load %arg11[%get3A_220, %get3A_221] {strides = array<i32>} : memref<128x128xf32, #tpu.memory_space<vmem>>, vector<16xf32>,
          %mul3A_223 = arith.mulf %get3A_222, %gather3A_177 : vector<16xf32>
          %swap3A_224 = arith.index_cast %scan3A_172 : i32 to index
          %swap3A_225 = arith.constant 96 : index
          %swap3A_226 = tpu.vector_load %arg11[%swap3A_224, %swap3A_225] {strides = array<i32>} : memref<128x128xf32, #tpu.memory_space<vmem>>, vector<16xf32>,
          tpu.vector_store %arg11[%swap3A_224, %swap3A_225], %mul3A_223 {strides = array<i32>} : memref<128x128xf32, #tpu.memory_space<vmem>>, vector<16xf32>,
          %get3A_227 = arith.index_cast %scan3A_172 : i32 to index
          %get3A_228 = arith.constant 112 : index
          %get3A_229 = tpu.vector_load %arg11[%get3A_227, %get3A_228] {strides = array<i32>} : memref<128x128xf32, #tpu.memory_space<vmem>>, vector<16xf32>,
          %mul3A_230 = arith.mulf %get3A_229, %gather3A_177 : vector<16xf32>
          %swap3A_231 = arith.index_cast %scan3A_172 : i32 to index
          %swap3A_232 = arith.constant 112 : index
          %swap3A_233 = tpu.vector_load %arg11[%swap3A_231, %swap3A_232] {strides = array<i32>} : memref<128x128xf32, #tpu.memory_space<vmem>>, vector<16xf32>,
          tpu.vector_store %arg11[%swap3A_231, %swap3A_232], %mul3A_230 {strides = array<i32>} : memref<128x128xf32, #tpu.memory_space<vmem>>, vector<16xf32>,
          %scan3A_234 = arith.constant 0 : i32
          scf.yield %scan3A_234 : i32
        }
        %scan3A_70 = arith.constant 128 : i32
        %dma_start3A_71 = arith.constant 0 : i32
        %dma_start3A_72 = tpu.memref_slice %arg9[%add3A_51, %dma_start3A_71] : memref<16x128xi32, #tpu.memory_space<vmem>> -> memref<1x128xi32, #tpu.memory_space<vmem>>
        %dma_start3A_73 = tpu.memref_squeeze %dma_start3A_72 : memref<1x128xi32, #tpu.memory_space<vmem>> -> memref<128xi32, #tpu.memory_space<vmem>>
        %dma_start3A_74 = arith.constant 0 : i32
        %dma_start3A_75 = arith.constant 0 : i32
        %dma_start3A_76 = tpu.memref_slice %arg15[%dma_start3A_74, %dma_start3A_75] : memref<10240x128xf32, #tpu.memory_space<vmem_shared>> -> memref<10240x128xf32, #tpu.memory_space<vmem_shared>>
        tpu.enqueue_indirect_dma source(%arg11 : memref<128x128xf32, #tpu.memory_space<vmem>>) target(%dma_start3A_76 : memref<10240x128xf32, #tpu.memory_space<vmem_shared>>) offsets(%dma_start3A_73 : memref<128xi32, #tpu.memory_space<vmem>>) semaphore(%arg14 : memref<!tpu.dma_semaphore, #tpu.memory_space<semaphore_mem>>) {add = true}
        %mul3A_77 = arith.constant 2 : i32
        %mul3A_78 = arith.muli %mul3A_77, %scan3A_46 : i32
        %add3A_79 = arith.constant 1 : i32
        %add3A_80 = arith.addi %mul3A_78, %add3A_79 : i32
        %ge3A_81 = arith.constant 1 : i32
        %ge3A_82 = arith.cmpi sge, %add3A_80, %ge3A_81 : i32
        %convert_element_type3A_83 = arith.extui %ge3A_82 : i1 to i32
        %cond3A_84 = arith.constant 0 : i32
        %cond3A_85 = arith.cmpi ne, %convert_element_type3A_83, %cond3A_84 : i32
        scf.if %cond3A_85 {
          %sub3A = arith.constant 1 : i32
          %sub3A_111 = arith.subi %add3A_80, %sub3A : i32
          %dma_wait3A_112 = arith.constant 0 : i32
          %dma_wait3A_113 = tpu.memref_slice %arg9[%sub3A_111, %dma_wait3A_112] : memref<16x128xi32, #tpu.memory_space<vmem>> -> memref<1x128xi32, #tpu.memory_space<vmem>>
          %dma_wait3A_114 = tpu.memref_squeeze %dma_wait3A_113 : memref<1x128xi32, #tpu.memory_space<vmem>> -> memref<128xi32, #tpu.memory_space<vmem>>
          %dma_wait3A_115 = arith.constant 0 : i32
          %dma_wait3A_116 = arith.constant 0 : i32
          %dma_wait3A_117 = tpu.memref_slice %arg15[%dma_wait3A_115, %dma_wait3A_116] : memref<10240x128xf32, #tpu.memory_space<vmem_shared>> -> memref<10240x128xf32, #tpu.memory_space<vmem_shared>>
          tpu.wait_indirect_dma semaphore(%arg14 : memref<!tpu.dma_semaphore, #tpu.memory_space<semaphore_mem>>) src(%arg11 : memref<128x128xf32, #tpu.memory_space<vmem>>) dst(%dma_wait3A_117 : memref<10240x128xf32, #tpu.memory_space<vmem_shared>>)
        } else {
        }
        %lt3A_86 = arith.constant 15 : i32
        %lt3A_87 = arith.cmpi slt, %add3A_80, %lt3A_86 : i32
        %convert_element_type3A_88 = arith.extui %lt3A_87 : i1 to i32
        %cond3A_89 = arith.constant 0 : i32
        %cond3A_90 = arith.cmpi ne, %convert_element_type3A_88, %cond3A_89 : i32
        scf.if %cond3A_90 {
          %add3A_111 = arith.constant 1 : i32
          %add3A_112 = arith.addi %add3A_80, %add3A_111 : i32
          %mul3A_113 = arith.constant 128 : i32
          %mul3A_114 = arith.muli %add3A_112, %mul3A_113 : i32
          %dma_start3A_115 = tpu.memref_slice %arg8[%mul3A_114] : memref<2048xi32, #tpu.memory_space<vmem>> -> memref<128xi32, #tpu.memory_space<vmem>>
          %dma_start3A_116 = arith.constant 0 : i32
          %dma_start3A_117 = arith.constant 0 : i32
          %dma_start3A_118 = tpu.memref_slice %arg5[%dma_start3A_116, %dma_start3A_117] : memref<10000x128xf32, #tpu.memory_space<hbm>> -> memref<10000x128xf32, #tpu.memory_space<hbm>>
          tpu.enqueue_indirect_dma source(%dma_start3A_118 : memref<10000x128xf32, #tpu.memory_space<hbm>>) target(%arg11 : memref<128x128xf32, #tpu.memory_space<vmem>>) offsets(%dma_start3A_115 : memref<128xi32, #tpu.memory_space<vmem>>) semaphore(%arg13 : memref<!tpu.dma_semaphore, #tpu.memory_space<semaphore_mem>>)
        } else {
        }
        %dma_wait3A_91 = arith.constant 0 : i32
        %dma_wait3A_92 = arith.constant 0 : i32
        %dma_wait3A_93 = tpu.memref_slice %arg5[%dma_wait3A_91, %dma_wait3A_92] : memref<10000x128xf32, #tpu.memory_space<hbm>> -> memref<128x128xf32, #tpu.memory_space<hbm>>
        %dma_wait3A_94 = arith.constant 0 : i32
        %dma_wait3A_95 = arith.constant 0 : i32
        %dma_wait3A_96 = tpu.memref_slice %arg5[%dma_wait3A_94, %dma_wait3A_95] : memref<10000x128xf32, #tpu.memory_space<hbm>> -> memref<128x128xf32, #tpu.memory_space<hbm>>
        tpu.wait_dma2 semaphore(%arg13 : memref<!tpu.dma_semaphore, #tpu.memory_space<semaphore_mem>>) src(%dma_wait3A_96 : memref<128x128xf32, #tpu.memory_space<hbm>>) dst(%arg12 : memref<128x128xf32, #tpu.memory_space<vmem>>)
        %scan3A_97 = arith.constant 0 : i32
        %scan3A_98 = arith.constant 0 : i32
        %scan3A_99 = arith.constant 128 : i32
        %scan3A_100 = arith.addi %scan3A_98, %scan3A_99 : i32
        %scan3A_101 = arith.constant 2 : i32
        %scan3A_102 = scf.for %scan3A_111 = %scan3A_98 to %scan3A_100 step %scan3A_101 iter_args(%scan3A_112 = %scan3A_97) -> (i32)  : i32 {
          %mul3A_113 = arith.constant 128 : i32
          %mul3A_114 = arith.muli %add3A_80, %mul3A_113 : i32
          %add3A_115 = arith.addi %mul3A_114, %scan3A_111 : i32
          %broadcast_in_dim3A = vector.broadcast %add3A_115 : i32 to vector<16xi32>
          %gather3A = tpu.vector_load_idx %arg10[%broadcast_in_dim3A] : memref<2048xf32, #tpu.memory_space<vmem>>[vector<16xi32>], vector<16xf32>,
          %get3A = arith.index_cast %scan3A_111 : i32 to index
          %get3A_116 = arith.constant 0 : index
          %get3A_117 = tpu.vector_load %arg12[%get3A, %get3A_116] {strides = array<i32>} : memref<128x128xf32, #tpu.memory_space<vmem>>, vector<16xf32>,
          %mul3A_118 = arith.mulf %get3A_117, %gather3A : vector<16xf32>
          %swap3A = arith.index_cast %scan3A_111 : i32 to index
          %swap3A_119 = arith.constant 0 : index
          %swap3A_120 = tpu.vector_load %arg12[%swap3A, %swap3A_119] {strides = array<i32>} : memref<128x128xf32, #tpu.memory_space<vmem>>, vector<16xf32>,
          tpu.vector_store %arg12[%swap3A, %swap3A_119], %mul3A_118 {strides = array<i32>} : memref<128x128xf32, #tpu.memory_space<vmem>>, vector<16xf32>,
          %get3A_121 = arith.index_cast %scan3A_111 : i32 to index
          %get3A_122 = arith.constant 16 : index
          %get3A_123 = tpu.vector_load %arg12[%get3A_121, %get3A_122] {strides = array<i32>} : memref<128x128xf32, #tpu.memory_space<vmem>>, vector<16xf32>,
          %mul3A_124 = arith.mulf %get3A_123, %gather3A : vector<16xf32>
          %swap3A_125 = arith.index_cast %scan3A_111 : i32 to index
          %swap3A_126 = arith.constant 16 : index
          %swap3A_127 = tpu.vector_load %arg12[%swap3A_125, %swap3A_126] {strides = array<i32>} : memref<128x128xf32, #tpu.memory_space<vmem>>, vector<16xf32>,
          tpu.vector_store %arg12[%swap3A_125, %swap3A_126], %mul3A_124 {strides = array<i32>} : memref<128x128xf32, #tpu.memory_space<vmem>>, vector<16xf32>,
          %get3A_128 = arith.index_cast %scan3A_111 : i32 to index
          %get3A_129 = arith.constant 32 : index
          %get3A_130 = tpu.vector_load %arg12[%get3A_128, %get3A_129] {strides = array<i32>} : memref<128x128xf32, #tpu.memory_space<vmem>>, vector<16xf32>,
          %mul3A_131 = arith.mulf %get3A_130, %gather3A : vector<16xf32>
          %swap3A_132 = arith.index_cast %scan3A_111 : i32 to index
          %swap3A_133 = arith.constant 32 : index
          %swap3A_134 = tpu.vector_load %arg12[%swap3A_132, %swap3A_133] {strides = array<i32>} : memref<128x128xf32, #tpu.memory_space<vmem>>, vector<16xf32>,
          tpu.vector_store %arg12[%swap3A_132, %swap3A_133], %mul3A_131 {strides = array<i32>} : memref<128x128xf32, #tpu.memory_space<vmem>>, vector<16xf32>,
          %get3A_135 = arith.index_cast %scan3A_111 : i32 to index
          %get3A_136 = arith.constant 48 : index
          %get3A_137 = tpu.vector_load %arg12[%get3A_135, %get3A_136] {strides = array<i32>} : memref<128x128xf32, #tpu.memory_space<vmem>>, vector<16xf32>,
          %mul3A_138 = arith.mulf %get3A_137, %gather3A : vector<16xf32>
          %swap3A_139 = arith.index_cast %scan3A_111 : i32 to index
          %swap3A_140 = arith.constant 48 : index
          %swap3A_141 = tpu.vector_load %arg12[%swap3A_139, %swap3A_140] {strides = array<i32>} : memref<128x128xf32, #tpu.memory_space<vmem>>, vector<16xf32>,
          tpu.vector_store %arg12[%swap3A_139, %swap3A_140], %mul3A_138 {strides = array<i32>} : memref<128x128xf32, #tpu.memory_space<vmem>>, vector<16xf32>,
          %get3A_142 = arith.index_cast %scan3A_111 : i32 to index
          %get3A_143 = arith.constant 64 : index
          %get3A_144 = tpu.vector_load %arg12[%get3A_142, %get3A_143] {strides = array<i32>} : memref<128x128xf32, #tpu.memory_space<vmem>>, vector<16xf32>,
          %mul3A_145 = arith.mulf %get3A_144, %gather3A : vector<16xf32>
          %swap3A_146 = arith.index_cast %scan3A_111 : i32 to index
          %swap3A_147 = arith.constant 64 : index
          %swap3A_148 = tpu.vector_load %arg12[%swap3A_146, %swap3A_147] {strides = array<i32>} : memref<128x128xf32, #tpu.memory_space<vmem>>, vector<16xf32>,
          tpu.vector_store %arg12[%swap3A_146, %swap3A_147], %mul3A_145 {strides = array<i32>} : memref<128x128xf32, #tpu.memory_space<vmem>>, vector<16xf32>,
          %get3A_149 = arith.index_cast %scan3A_111 : i32 to index
          %get3A_150 = arith.constant 80 : index
          %get3A_151 = tpu.vector_load %arg12[%get3A_149, %get3A_150] {strides = array<i32>} : memref<128x128xf32, #tpu.memory_space<vmem>>, vector<16xf32>,
          %mul3A_152 = arith.mulf %get3A_151, %gather3A : vector<16xf32>
          %swap3A_153 = arith.index_cast %scan3A_111 : i32 to index
          %swap3A_154 = arith.constant 80 : index
          %swap3A_155 = tpu.vector_load %arg12[%swap3A_153, %swap3A_154] {strides = array<i32>} : memref<128x128xf32, #tpu.memory_space<vmem>>, vector<16xf32>,
          tpu.vector_store %arg12[%swap3A_153, %swap3A_154], %mul3A_152 {strides = array<i32>} : memref<128x128xf32, #tpu.memory_space<vmem>>, vector<16xf32>,
          %get3A_156 = arith.index_cast %scan3A_111 : i32 to index
          %get3A_157 = arith.constant 96 : index
          %get3A_158 = tpu.vector_load %arg12[%get3A_156, %get3A_157] {strides = array<i32>} : memref<128x128xf32, #tpu.memory_space<vmem>>, vector<16xf32>,
          %mul3A_159 = arith.mulf %get3A_158, %gather3A : vector<16xf32>
          %swap3A_160 = arith.index_cast %scan3A_111 : i32 to index
          %swap3A_161 = arith.constant 96 : index
          %swap3A_162 = tpu.vector_load %arg12[%swap3A_160, %swap3A_161] {strides = array<i32>} : memref<128x128xf32, #tpu.memory_space<vmem>>, vector<16xf32>,
          tpu.vector_store %arg12[%swap3A_160, %swap3A_161], %mul3A_159 {strides = array<i32>} : memref<128x128xf32, #tpu.memory_space<vmem>>, vector<16xf32>,
          %get3A_163 = arith.index_cast %scan3A_111 : i32 to index
          %get3A_164 = arith.constant 112 : index
          %get3A_165 = tpu.vector_load %arg12[%get3A_163, %get3A_164] {strides = array<i32>} : memref<128x128xf32, #tpu.memory_space<vmem>>, vector<16xf32>,
          %mul3A_166 = arith.mulf %get3A_165, %gather3A : vector<16xf32>
          %swap3A_167 = arith.index_cast %scan3A_111 : i32 to index
          %swap3A_168 = arith.constant 112 : index
          %swap3A_169 = tpu.vector_load %arg12[%swap3A_167, %swap3A_168] {strides = array<i32>} : memref<128x128xf32, #tpu.memory_space<vmem>>, vector<16xf32>,
          tpu.vector_store %arg12[%swap3A_167, %swap3A_168], %mul3A_166 {strides = array<i32>} : memref<128x128xf32, #tpu.memory_space<vmem>>, vector<16xf32>,
          %scan3A_170 = arith.constant 0 : i32
          %scan3A_171 = arith.constant 1 : i32
          %scan3A_172 = arith.addi %scan3A_111, %scan3A_171 : i32
          %mul3A_173 = arith.constant 128 : i32
          %mul3A_174 = arith.muli %add3A_80, %mul3A_173 : i32
          %add3A_175 = arith.addi %mul3A_174, %scan3A_172 : i32
          %broadcast_in_dim3A_176 = vector.broadcast %add3A_175 : i32 to vector<16xi32>
          %gather3A_177 = tpu.vector_load_idx %arg10[%broadcast_in_dim3A_176] : memref<2048xf32, #tpu.memory_space<vmem>>[vector<16xi32>], vector<16xf32>,
          %get3A_178 = arith.index_cast %scan3A_172 : i32 to index
          %get3A_179 = arith.constant 0 : index
          %get3A_180 = tpu.vector_load %arg12[%get3A_178, %get3A_179] {strides = array<i32>} : memref<128x128xf32, #tpu.memory_space<vmem>>, vector<16xf32>,
          %mul3A_181 = arith.mulf %get3A_180, %gather3A_177 : vector<16xf32>
          %swap3A_182 = arith.index_cast %scan3A_172 : i32 to index
          %swap3A_183 = arith.constant 0 : index
          %swap3A_184 = tpu.vector_load %arg12[%swap3A_182, %swap3A_183] {strides = array<i32>} : memref<128x128xf32, #tpu.memory_space<vmem>>, vector<16xf32>,
          tpu.vector_store %arg12[%swap3A_182, %swap3A_183], %mul3A_181 {strides = array<i32>} : memref<128x128xf32, #tpu.memory_space<vmem>>, vector<16xf32>,
          %get3A_185 = arith.index_cast %scan3A_172 : i32 to index
          %get3A_186 = arith.constant 16 : index
          %get3A_187 = tpu.vector_load %arg12[%get3A_185, %get3A_186] {strides = array<i32>} : memref<128x128xf32, #tpu.memory_space<vmem>>, vector<16xf32>,
          %mul3A_188 = arith.mulf %get3A_187, %gather3A_177 : vector<16xf32>
          %swap3A_189 = arith.index_cast %scan3A_172 : i32 to index
          %swap3A_190 = arith.constant 16 : index
          %swap3A_191 = tpu.vector_load %arg12[%swap3A_189, %swap3A_190] {strides = array<i32>} : memref<128x128xf32, #tpu.memory_space<vmem>>, vector<16xf32>,
          tpu.vector_store %arg12[%swap3A_189, %swap3A_190], %mul3A_188 {strides = array<i32>} : memref<128x128xf32, #tpu.memory_space<vmem>>, vector<16xf32>,
          %get3A_192 = arith.index_cast %scan3A_172 : i32 to index
          %get3A_193 = arith.constant 32 : index
          %get3A_194 = tpu.vector_load %arg12[%get3A_192, %get3A_193] {strides = array<i32>} : memref<128x128xf32, #tpu.memory_space<vmem>>, vector<16xf32>,
          %mul3A_195 = arith.mulf %get3A_194, %gather3A_177 : vector<16xf32>
          %swap3A_196 = arith.index_cast %scan3A_172 : i32 to index
          %swap3A_197 = arith.constant 32 : index
          %swap3A_198 = tpu.vector_load %arg12[%swap3A_196, %swap3A_197] {strides = array<i32>} : memref<128x128xf32, #tpu.memory_space<vmem>>, vector<16xf32>,
          tpu.vector_store %arg12[%swap3A_196, %swap3A_197], %mul3A_195 {strides = array<i32>} : memref<128x128xf32, #tpu.memory_space<vmem>>, vector<16xf32>,
          %get3A_199 = arith.index_cast %scan3A_172 : i32 to index
          %get3A_200 = arith.constant 48 : index
          %get3A_201 = tpu.vector_load %arg12[%get3A_199, %get3A_200] {strides = array<i32>} : memref<128x128xf32, #tpu.memory_space<vmem>>, vector<16xf32>,
          %mul3A_202 = arith.mulf %get3A_201, %gather3A_177 : vector<16xf32>
          %swap3A_203 = arith.index_cast %scan3A_172 : i32 to index
          %swap3A_204 = arith.constant 48 : index
          %swap3A_205 = tpu.vector_load %arg12[%swap3A_203, %swap3A_204] {strides = array<i32>} : memref<128x128xf32, #tpu.memory_space<vmem>>, vector<16xf32>,
          tpu.vector_store %arg12[%swap3A_203, %swap3A_204], %mul3A_202 {strides = array<i32>} : memref<128x128xf32, #tpu.memory_space<vmem>>, vector<16xf32>,
          %get3A_206 = arith.index_cast %scan3A_172 : i32 to index
          %get3A_207 = arith.constant 64 : index
          %get3A_208 = tpu.vector_load %arg12[%get3A_206, %get3A_207] {strides = array<i32>} : memref<128x128xf32, #tpu.memory_space<vmem>>, vector<16xf32>,
          %mul3A_209 = arith.mulf %get3A_208, %gather3A_177 : vector<16xf32>
          %swap3A_210 = arith.index_cast %scan3A_172 : i32 to index
          %swap3A_211 = arith.constant 64 : index
          %swap3A_212 = tpu.vector_load %arg12[%swap3A_210, %swap3A_211] {strides = array<i32>} : memref<128x128xf32, #tpu.memory_space<vmem>>, vector<16xf32>,
          tpu.vector_store %arg12[%swap3A_210, %swap3A_211], %mul3A_209 {strides = array<i32>} : memref<128x128xf32, #tpu.memory_space<vmem>>, vector<16xf32>,
          %get3A_213 = arith.index_cast %scan3A_172 : i32 to index
          %get3A_214 = arith.constant 80 : index
          %get3A_215 = tpu.vector_load %arg12[%get3A_213, %get3A_214] {strides = array<i32>} : memref<128x128xf32, #tpu.memory_space<vmem>>, vector<16xf32>,
          %mul3A_216 = arith.mulf %get3A_215, %gather3A_177 : vector<16xf32>
          %swap3A_217 = arith.index_cast %scan3A_172 : i32 to index
          %swap3A_218 = arith.constant 80 : index
          %swap3A_219 = tpu.vector_load %arg12[%swap3A_217, %swap3A_218] {strides = array<i32>} : memref<128x128xf32, #tpu.memory_space<vmem>>, vector<16xf32>,
          tpu.vector_store %arg12[%swap3A_217, %swap3A_218], %mul3A_216 {strides = array<i32>} : memref<128x128xf32, #tpu.memory_space<vmem>>, vector<16xf32>,
          %get3A_220 = arith.index_cast %scan3A_172 : i32 to index
          %get3A_221 = arith.constant 96 : index
          %get3A_222 = tpu.vector_load %arg12[%get3A_220, %get3A_221] {strides = array<i32>} : memref<128x128xf32, #tpu.memory_space<vmem>>, vector<16xf32>,
          %mul3A_223 = arith.mulf %get3A_222, %gather3A_177 : vector<16xf32>
          %swap3A_224 = arith.index_cast %scan3A_172 : i32 to index
          %swap3A_225 = arith.constant 96 : index
          %swap3A_226 = tpu.vector_load %arg12[%swap3A_224, %swap3A_225] {strides = array<i32>} : memref<128x128xf32, #tpu.memory_space<vmem>>, vector<16xf32>,
          tpu.vector_store %arg12[%swap3A_224, %swap3A_225], %mul3A_223 {strides = array<i32>} : memref<128x128xf32, #tpu.memory_space<vmem>>, vector<16xf32>,
          %get3A_227 = arith.index_cast %scan3A_172 : i32 to index
          %get3A_228 = arith.constant 112 : index
          %get3A_229 = tpu.vector_load %arg12[%get3A_227, %get3A_228] {strides = array<i32>} : memref<128x128xf32, #tpu.memory_space<vmem>>, vector<16xf32>,
          %mul3A_230 = arith.mulf %get3A_229, %gather3A_177 : vector<16xf32>
          %swap3A_231 = arith.index_cast %scan3A_172 : i32 to index
          %swap3A_232 = arith.constant 112 : index
          %swap3A_233 = tpu.vector_load %arg12[%swap3A_231, %swap3A_232] {strides = array<i32>} : memref<128x128xf32, #tpu.memory_space<vmem>>, vector<16xf32>,
          tpu.vector_store %arg12[%swap3A_231, %swap3A_232], %mul3A_230 {strides = array<i32>} : memref<128x128xf32, #tpu.memory_space<vmem>>, vector<16xf32>,
          %scan3A_234 = arith.constant 0 : i32
          scf.yield %scan3A_234 : i32
        }
        %scan3A_103 = arith.constant 128 : i32
        %dma_start3A_104 = arith.constant 0 : i32
        %dma_start3A_105 = tpu.memref_slice %arg9[%add3A_80, %dma_start3A_104] : memref<16x128xi32, #tpu.memory_space<vmem>> -> memref<1x128xi32, #tpu.memory_space<vmem>>
        %dma_start3A_106 = tpu.memref_squeeze %dma_start3A_105 : memref<1x128xi32, #tpu.memory_space<vmem>> -> memref<128xi32, #tpu.memory_space<vmem>>
        %dma_start3A_107 = arith.constant 0 : i32
        %dma_start3A_108 = arith.constant 0 : i32
        %dma_start3A_109 = tpu.memref_slice %arg15[%dma_start3A_107, %dma_start3A_108] : memref<10240x128xf32, #tpu.memory_space<vmem_shared>> -> memref<10240x128xf32, #tpu.memory_space<vmem_shared>>
        tpu.enqueue_indirect_dma source(%arg12 : memref<128x128xf32, #tpu.memory_space<vmem>>) target(%dma_start3A_109 : memref<10240x128xf32, #tpu.memory_space<vmem_shared>>) offsets(%dma_start3A_106 : memref<128xi32, #tpu.memory_space<vmem>>) semaphore(%arg14 : memref<!tpu.dma_semaphore, #tpu.memory_space<semaphore_mem>>) {add = true}
        %scan3A_110 = arith.constant 0 : i32
        scf.yield %scan3A_110 : i32
      }
      %scan3A_38 = arith.constant 8 : i32
      %dma_wait3A = arith.constant 15 : i32
      %dma_wait3A_39 = arith.constant 0 : i32
      %dma_wait3A_40 = tpu.memref_slice %arg9[%dma_wait3A, %dma_wait3A_39] : memref<16x128xi32, #tpu.memory_space<vmem>> -> memref<1x128xi32, #tpu.memory_space<vmem>>
      %dma_wait3A_41 = tpu.memref_squeeze %dma_wait3A_40 : memref<1x128xi32, #tpu.memory_space<vmem>> -> memref<128xi32, #tpu.memory_space<vmem>>
      %dma_wait3A_42 = arith.constant 0 : i32
      %dma_wait3A_43 = arith.constant 0 : i32
      %dma_wait3A_44 = tpu.memref_slice %arg15[%dma_wait3A_42, %dma_wait3A_43] : memref<10240x128xf32, #tpu.memory_space<vmem_shared>> -> memref<10240x128xf32, #tpu.memory_space<vmem_shared>>
      tpu.wait_indirect_dma semaphore(%arg14 : memref<!tpu.dma_semaphore, #tpu.memory_space<semaphore_mem>>) src(%arg12 : memref<128x128xf32, #tpu.memory_space<vmem>>) dst(%dma_wait3A_44 : memref<10240x128xf32, #tpu.memory_space<vmem_shared>>)
      %while3A_45 = arith.constant 0 : i32
      scf.yield %while3A_45 : i32
    }
    %while3A_20 = arith.constant 1 : i32
    %while3A_21 = scf.for %while3A_23 = %while3A_17 to %while3A_13 step %while3A_20 iter_args(%while3A_24 = %while3A_19) -> (i32)  : i32 {
      %add3A_25 = arith.addi %select_n3A, %while3A_23 : i32
      %mul3A_26 = arith.constant 2048 : i32
      %mul3A_27 = arith.muli %add3A_25, %mul3A_26 : i32
      "tpu.region"() ({
        %run_scoped3A = tpu.sem_alloc : memref<!tpu.dma_semaphore, #tpu.memory_space<semaphore_mem>>
        %dma_start3A_46 = tpu.memref_slice %arg2[%mul3A_27] : memref<327680xi32, #tpu.memory_space<hbm>> -> memref<2048xi32, #tpu.memory_space<hbm>>
        %dma_start3A_47 = tpu.memref_slice %arg2[%mul3A_27] : memref<327680xi32, #tpu.memory_space<hbm>> -> memref<2048xi32, #tpu.memory_space<hbm>>
        tpu.enqueue_dma source(%dma_start3A_47 : memref<2048xi32, #tpu.memory_space<hbm>>) target(%arg8 : memref<2048xi32, #tpu.memory_space<vmem>>) target_semaphore(%run_scoped3A : memref<!tpu.dma_semaphore, #tpu.memory_space<semaphore_mem>>)
        %dma_wait3A_48 = tpu.memref_slice %arg2[%mul3A_27] : memref<327680xi32, #tpu.memory_space<hbm>> -> memref<2048xi32, #tpu.memory_space<hbm>>
        %dma_wait3A_49 = tpu.memref_slice %arg2[%mul3A_27] : memref<327680xi32, #tpu.memory_space<hbm>> -> memref<2048xi32, #tpu.memory_space<hbm>>
        tpu.wait_dma2 semaphore(%run_scoped3A : memref<!tpu.dma_semaphore, #tpu.memory_space<semaphore_mem>>) src(%dma_wait3A_49 : memref<2048xi32, #tpu.memory_space<hbm>>) dst(%arg8 : memref<2048xi32, #tpu.memory_space<vmem>>)
        tpu.yield
      }) : () -> ()
      %add3A_28 = arith.addi %select_n3A, %while3A_23 : i32
      "tpu.region"() ({
        %run_scoped3A = tpu.sem_alloc : memref<!tpu.dma_semaphore, #tpu.memory_space<semaphore_mem>>
        %dma_start3A_46 = arith.constant 0 : i32
        %dma_start3A_47 = arith.constant 0 : i32
        %dma_start3A_48 = tpu.memref_slice %arg3[%add3A_28, %dma_start3A_46, %dma_start3A_47] : memref<160x16x128xi32, #tpu.memory_space<hbm>> -> memref<1x16x128xi32, #tpu.memory_space<hbm>>
        %dma_start3A_49 = tpu.memref_squeeze %dma_start3A_48 : memref<1x16x128xi32, #tpu.memory_space<hbm>> -> memref<16x128xi32, #tpu.memory_space<hbm>>
        %dma_start3A_50 = arith.constant 0 : i32
        %dma_start3A_51 = arith.constant 0 : i32
        %dma_start3A_52 = tpu.memref_slice %arg3[%add3A_28, %dma_start3A_50, %dma_start3A_51] : memref<160x16x128xi32, #tpu.memory_space<hbm>> -> memref<1x16x128xi32, #tpu.memory_space<hbm>>
        %dma_start3A_53 = tpu.memref_squeeze %dma_start3A_52 : memref<1x16x128xi32, #tpu.memory_space<hbm>> -> memref<16x128xi32, #tpu.memory_space<hbm>>
        tpu.enqueue_dma source(%dma_start3A_53 : memref<16x128xi32, #tpu.memory_space<hbm>>) target(%arg9 : memref<16x128xi32, #tpu.memory_space<vmem>>) target_semaphore(%run_scoped3A : memref<!tpu.dma_semaphore, #tpu.memory_space<semaphore_mem>>)
        %dma_wait3A_54 = arith.constant 0 : i32
        %dma_wait3A_55 = arith.constant 0 : i32
        %dma_wait3A_56 = tpu.memref_slice %arg3[%add3A_28, %dma_wait3A_54, %dma_wait3A_55] : memref<160x16x128xi32, #tpu.memory_space<hbm>> -> memref<1x16x128xi32, #tpu.memory_space<hbm>>
        %dma_wait3A_57 = tpu.memref_squeeze %dma_wait3A_56 : memref<1x16x128xi32, #tpu.memory_space<hbm>> -> memref<16x128xi32, #tpu.memory_space<hbm>>
        %dma_wait3A_58 = arith.constant 0 : i32
        %dma_wait3A_59 = arith.constant 0 : i32
        %dma_wait3A_60 = tpu.memref_slice %arg3[%add3A_28, %dma_wait3A_58, %dma_wait3A_59] : memref<160x16x128xi32, #tpu.memory_space<hbm>> -> memref<1x16x128xi32, #tpu.memory_space<hbm>>
        %dma_wait3A_61 = tpu.memref_squeeze %dma_wait3A_60 : memref<1x16x128xi32, #tpu.memory_space<hbm>> -> memref<16x128xi32, #tpu.memory_space<hbm>>
        tpu.wait_dma2 semaphore(%run_scoped3A : memref<!tpu.dma_semaphore, #tpu.memory_space<semaphore_mem>>) src(%dma_wait3A_61 : memref<16x128xi32, #tpu.memory_space<hbm>>) dst(%arg9 : memref<16x128xi32, #tpu.memory_space<vmem>>)
        tpu.yield
      }) : () -> ()
      "tpu.region"() ({
        %run_scoped3A = tpu.sem_alloc : memref<!tpu.dma_semaphore, #tpu.memory_space<semaphore_mem>>
        %dma_start3A_46 = tpu.memref_slice %arg4[%mul3A_27] : memref<327680xf32, #tpu.memory_space<hbm>> -> memref<2048xf32, #tpu.memory_space<hbm>>
        %dma_start3A_47 = tpu.memref_slice %arg4[%mul3A_27] : memref<327680xf32, #tpu.memory_space<hbm>> -> memref<2048xf32, #tpu.memory_space<hbm>>
        tpu.enqueue_dma source(%dma_start3A_47 : memref<2048xf32, #tpu.memory_space<hbm>>) target(%arg10 : memref<2048xf32, #tpu.memory_space<vmem>>) target_semaphore(%run_scoped3A : memref<!tpu.dma_semaphore, #tpu.memory_space<semaphore_mem>>)
        %dma_wait3A_48 = tpu.memref_slice %arg4[%mul3A_27] : memref<327680xf32, #tpu.memory_space<hbm>> -> memref<2048xf32, #tpu.memory_space<hbm>>
        %dma_wait3A_49 = tpu.memref_slice %arg4[%mul3A_27] : memref<327680xf32, #tpu.memory_space<hbm>> -> memref<2048xf32, #tpu.memory_space<hbm>>
        tpu.wait_dma2 semaphore(%run_scoped3A : memref<!tpu.dma_semaphore, #tpu.memory_space<semaphore_mem>>) src(%dma_wait3A_49 : memref<2048xf32, #tpu.memory_space<hbm>>) dst(%arg10 : memref<2048xf32, #tpu.memory_space<vmem>>)
        tpu.yield
      }) : () -> ()
      %dma_start3A = arith.constant 0 : i32
      %dma_start3A_29 = tpu.memref_slice %arg8[%dma_start3A] : memref<2048xi32, #tpu.memory_space<vmem>> -> memref<128xi32, #tpu.memory_space<vmem>>
      %dma_start3A_30 = arith.constant 0 : i32
      %dma_start3A_31 = arith.constant 0 : i32
      %dma_start3A_32 = tpu.memref_slice %arg5[%dma_start3A_30, %dma_start3A_31] : memref<10000x128xf32, #tpu.memory_space<hbm>> -> memref<10000x128xf32, #tpu.memory_space<hbm>>
      tpu.enqueue_indirect_dma source(%dma_start3A_32 : memref<10000x128xf32, #tpu.memory_space<hbm>>) target(%arg11 : memref<128x128xf32, #tpu.memory_space<vmem>>) offsets(%dma_start3A_29 : memref<128xi32, #tpu.memory_space<vmem>>) semaphore(%arg13 : memref<!tpu.dma_semaphore, #tpu.memory_space<semaphore_mem>>)
      %scan3A = arith.constant 0 : i32
      %scan3A_33 = arith.constant 0 : i32
      %scan3A_34 = arith.constant 8 : i32
      %scan3A_35 = arith.addi %scan3A_33, %scan3A_34 : i32
      %scan3A_36 = arith.constant 1 : i32
      %scan3A_37 = scf.for %scan3A_46 = %scan3A_33 to %scan3A_35 step %scan3A_36 iter_args(%scan3A_47 = %scan3A) -> (i32)  : i32 {
        %mul3A_48 = arith.constant 2 : i32
        %mul3A_49 = arith.muli %mul3A_48, %scan3A_46 : i32
        %add3A_50 = arith.constant 0 : i32
        %add3A_51 = arith.addi %mul3A_49, %add3A_50 : i32
        %ge3A = arith.constant 1 : i32
        %ge3A_52 = arith.cmpi sge, %add3A_51, %ge3A : i32
        %convert_element_type3A = arith.extui %ge3A_52 : i1 to i32
        %cond3A = arith.constant 0 : i32
        %cond3A_53 = arith.cmpi ne, %convert_element_type3A, %cond3A : i32
        scf.if %cond3A_53 {
          %sub3A = arith.constant 1 : i32
          %sub3A_111 = arith.subi %add3A_51, %sub3A : i32
          %dma_wait3A_112 = arith.constant 0 : i32
          %dma_wait3A_113 = tpu.memref_slice %arg9[%sub3A_111, %dma_wait3A_112] : memref<16x128xi32, #tpu.memory_space<vmem>> -> memref<1x128xi32, #tpu.memory_space<vmem>>
          %dma_wait3A_114 = tpu.memref_squeeze %dma_wait3A_113 : memref<1x128xi32, #tpu.memory_space<vmem>> -> memref<128xi32, #tpu.memory_space<vmem>>
          %dma_wait3A_115 = arith.constant 0 : i32
          %dma_wait3A_116 = arith.constant 0 : i32
          %dma_wait3A_117 = tpu.memref_slice %arg15[%dma_wait3A_115, %dma_wait3A_116] : memref<10240x128xf32, #tpu.memory_space<vmem_shared>> -> memref<10240x128xf32, #tpu.memory_space<vmem_shared>>
          tpu.wait_indirect_dma semaphore(%arg14 : memref<!tpu.dma_semaphore, #tpu.memory_space<semaphore_mem>>) src(%arg12 : memref<128x128xf32, #tpu.memory_space<vmem>>) dst(%dma_wait3A_117 : memref<10240x128xf32, #tpu.memory_space<vmem_shared>>)
        } else {
        }
        %lt3A = arith.constant 15 : i32
        %lt3A_54 = arith.cmpi slt, %add3A_51, %lt3A : i32
        %convert_element_type3A_55 = arith.extui %lt3A_54 : i1 to i32
        %cond3A_56 = arith.constant 0 : i32
        %cond3A_57 = arith.cmpi ne, %convert_element_type3A_55, %cond3A_56 : i32
        scf.if %cond3A_57 {
          %add3A_111 = arith.constant 1 : i32
          %add3A_112 = arith.addi %add3A_51, %add3A_111 : i32
          %mul3A_113 = arith.constant 128 : i32
          %mul3A_114 = arith.muli %add3A_112, %mul3A_113 : i32
          %dma_start3A_115 = tpu.memref_slice %arg8[%mul3A_114] : memref<2048xi32, #tpu.memory_space<vmem>> -> memref<128xi32, #tpu.memory_space<vmem>>
          %dma_start3A_116 = arith.constant 0 : i32
          %dma_start3A_117 = arith.constant 0 : i32
          %dma_start3A_118 = tpu.memref_slice %arg5[%dma_start3A_116, %dma_start3A_117] : memref<10000x128xf32, #tpu.memory_space<hbm>> -> memref<10000x128xf32, #tpu.memory_space<hbm>>
          tpu.enqueue_indirect_dma source(%dma_start3A_118 : memref<10000x128xf32, #tpu.memory_space<hbm>>) target(%arg12 : memref<128x128xf32, #tpu.memory_space<vmem>>) offsets(%dma_start3A_115 : memref<128xi32, #tpu.memory_space<vmem>>) semaphore(%arg13 : memref<!tpu.dma_semaphore, #tpu.memory_space<semaphore_mem>>)
        } else {
        }
        %dma_wait3A_58 = arith.constant 0 : i32
        %dma_wait3A_59 = arith.constant 0 : i32
        %dma_wait3A_60 = tpu.memref_slice %arg5[%dma_wait3A_58, %dma_wait3A_59] : memref<10000x128xf32, #tpu.memory_space<hbm>> -> memref<128x128xf32, #tpu.memory_space<hbm>>
        %dma_wait3A_61 = arith.constant 0 : i32
        %dma_wait3A_62 = arith.constant 0 : i32
        %dma_wait3A_63 = tpu.memref_slice %arg5[%dma_wait3A_61, %dma_wait3A_62] : memref<10000x128xf32, #tpu.memory_space<hbm>> -> memref<128x128xf32, #tpu.memory_space<hbm>>
        tpu.wait_dma2 semaphore(%arg13 : memref<!tpu.dma_semaphore, #tpu.memory_space<semaphore_mem>>) src(%dma_wait3A_63 : memref<128x128xf32, #tpu.memory_space<hbm>>) dst(%arg11 : memref<128x128xf32, #tpu.memory_space<vmem>>)
        %scan3A_64 = arith.constant 0 : i32
        %scan3A_65 = arith.constant 0 : i32
        %scan3A_66 = arith.constant 128 : i32
        %scan3A_67 = arith.addi %scan3A_65, %scan3A_66 : i32
        %scan3A_68 = arith.constant 2 : i32
        %scan3A_69 = scf.for %scan3A_111 = %scan3A_65 to %scan3A_67 step %scan3A_68 iter_args(%scan3A_112 = %scan3A_64) -> (i32)  : i32 {
          %mul3A_113 = arith.constant 128 : i32
          %mul3A_114 = arith.muli %add3A_51, %mul3A_113 : i32
          %add3A_115 = arith.addi %mul3A_114, %scan3A_111 : i32
          %broadcast_in_dim3A = vector.broadcast %add3A_115 : i32 to vector<16xi32>
          %gather3A = tpu.vector_load_idx %arg10[%broadcast_in_dim3A] : memref<2048xf32, #tpu.memory_space<vmem>>[vector<16xi32>], vector<16xf32>,
          %get3A = arith.index_cast %scan3A_111 : i32 to index
          %get3A_116 = arith.constant 0 : index
          %get3A_117 = tpu.vector_load %arg11[%get3A, %get3A_116] {strides = array<i32>} : memref<128x128xf32, #tpu.memory_space<vmem>>, vector<16xf32>,
          %mul3A_118 = arith.mulf %get3A_117, %gather3A : vector<16xf32>
          %swap3A = arith.index_cast %scan3A_111 : i32 to index
          %swap3A_119 = arith.constant 0 : index
          %swap3A_120 = tpu.vector_load %arg11[%swap3A, %swap3A_119] {strides = array<i32>} : memref<128x128xf32, #tpu.memory_space<vmem>>, vector<16xf32>,
          tpu.vector_store %arg11[%swap3A, %swap3A_119], %mul3A_118 {strides = array<i32>} : memref<128x128xf32, #tpu.memory_space<vmem>>, vector<16xf32>,
          %get3A_121 = arith.index_cast %scan3A_111 : i32 to index
          %get3A_122 = arith.constant 16 : index
          %get3A_123 = tpu.vector_load %arg11[%get3A_121, %get3A_122] {strides = array<i32>} : memref<128x128xf32, #tpu.memory_space<vmem>>, vector<16xf32>,
          %mul3A_124 = arith.mulf %get3A_123, %gather3A : vector<16xf32>
          %swap3A_125 = arith.index_cast %scan3A_111 : i32 to index
          %swap3A_126 = arith.constant 16 : index
          %swap3A_127 = tpu.vector_load %arg11[%swap3A_125, %swap3A_126] {strides = array<i32>} : memref<128x128xf32, #tpu.memory_space<vmem>>, vector<16xf32>,
          tpu.vector_store %arg11[%swap3A_125, %swap3A_126], %mul3A_124 {strides = array<i32>} : memref<128x128xf32, #tpu.memory_space<vmem>>, vector<16xf32>,
          %get3A_128 = arith.index_cast %scan3A_111 : i32 to index
          %get3A_129 = arith.constant 32 : index
          %get3A_130 = tpu.vector_load %arg11[%get3A_128, %get3A_129] {strides = array<i32>} : memref<128x128xf32, #tpu.memory_space<vmem>>, vector<16xf32>,
          %mul3A_131 = arith.mulf %get3A_130, %gather3A : vector<16xf32>
          %swap3A_132 = arith.index_cast %scan3A_111 : i32 to index
          %swap3A_133 = arith.constant 32 : index
          %swap3A_134 = tpu.vector_load %arg11[%swap3A_132, %swap3A_133] {strides = array<i32>} : memref<128x128xf32, #tpu.memory_space<vmem>>, vector<16xf32>,
          tpu.vector_store %arg11[%swap3A_132, %swap3A_133], %mul3A_131 {strides = array<i32>} : memref<128x128xf32, #tpu.memory_space<vmem>>, vector<16xf32>,
          %get3A_135 = arith.index_cast %scan3A_111 : i32 to index
          %get3A_136 = arith.constant 48 : index
          %get3A_137 = tpu.vector_load %arg11[%get3A_135, %get3A_136] {strides = array<i32>} : memref<128x128xf32, #tpu.memory_space<vmem>>, vector<16xf32>,
          %mul3A_138 = arith.mulf %get3A_137, %gather3A : vector<16xf32>
          %swap3A_139 = arith.index_cast %scan3A_111 : i32 to index
          %swap3A_140 = arith.constant 48 : index
          %swap3A_141 = tpu.vector_load %arg11[%swap3A_139, %swap3A_140] {strides = array<i32>} : memref<128x128xf32, #tpu.memory_space<vmem>>, vector<16xf32>,
          tpu.vector_store %arg11[%swap3A_139, %swap3A_140], %mul3A_138 {strides = array<i32>} : memref<128x128xf32, #tpu.memory_space<vmem>>, vector<16xf32>,
          %get3A_142 = arith.index_cast %scan3A_111 : i32 to index
          %get3A_143 = arith.constant 64 : index
          %get3A_144 = tpu.vector_load %arg11[%get3A_142, %get3A_143] {strides = array<i32>} : memref<128x128xf32, #tpu.memory_space<vmem>>, vector<16xf32>,
          %mul3A_145 = arith.mulf %get3A_144, %gather3A : vector<16xf32>
          %swap3A_146 = arith.index_cast %scan3A_111 : i32 to index
          %swap3A_147 = arith.constant 64 : index
          %swap3A_148 = tpu.vector_load %arg11[%swap3A_146, %swap3A_147] {strides = array<i32>} : memref<128x128xf32, #tpu.memory_space<vmem>>, vector<16xf32>,
          tpu.vector_store %arg11[%swap3A_146, %swap3A_147], %mul3A_145 {strides = array<i32>} : memref<128x128xf32, #tpu.memory_space<vmem>>, vector<16xf32>,
          %get3A_149 = arith.index_cast %scan3A_111 : i32 to index
          %get3A_150 = arith.constant 80 : index
          %get3A_151 = tpu.vector_load %arg11[%get3A_149, %get3A_150] {strides = array<i32>} : memref<128x128xf32, #tpu.memory_space<vmem>>, vector<16xf32>,
          %mul3A_152 = arith.mulf %get3A_151, %gather3A : vector<16xf32>
          %swap3A_153 = arith.index_cast %scan3A_111 : i32 to index
          %swap3A_154 = arith.constant 80 : index
          %swap3A_155 = tpu.vector_load %arg11[%swap3A_153, %swap3A_154] {strides = array<i32>} : memref<128x128xf32, #tpu.memory_space<vmem>>, vector<16xf32>,
          tpu.vector_store %arg11[%swap3A_153, %swap3A_154], %mul3A_152 {strides = array<i32>} : memref<128x128xf32, #tpu.memory_space<vmem>>, vector<16xf32>,
          %get3A_156 = arith.index_cast %scan3A_111 : i32 to index
          %get3A_157 = arith.constant 96 : index
          %get3A_158 = tpu.vector_load %arg11[%get3A_156, %get3A_157] {strides = array<i32>} : memref<128x128xf32, #tpu.memory_space<vmem>>, vector<16xf32>,
          %mul3A_159 = arith.mulf %get3A_158, %gather3A : vector<16xf32>
          %swap3A_160 = arith.index_cast %scan3A_111 : i32 to index
          %swap3A_161 = arith.constant 96 : index
          %swap3A_162 = tpu.vector_load %arg11[%swap3A_160, %swap3A_161] {strides = array<i32>} : memref<128x128xf32, #tpu.memory_space<vmem>>, vector<16xf32>,
          tpu.vector_store %arg11[%swap3A_160, %swap3A_161], %mul3A_159 {strides = array<i32>} : memref<128x128xf32, #tpu.memory_space<vmem>>, vector<16xf32>,
          %get3A_163 = arith.index_cast %scan3A_111 : i32 to index
          %get3A_164 = arith.constant 112 : index
          %get3A_165 = tpu.vector_load %arg11[%get3A_163, %get3A_164] {strides = array<i32>} : memref<128x128xf32, #tpu.memory_space<vmem>>, vector<16xf32>,
          %mul3A_166 = arith.mulf %get3A_165, %gather3A : vector<16xf32>
          %swap3A_167 = arith.index_cast %scan3A_111 : i32 to index
          %swap3A_168 = arith.constant 112 : index
          %swap3A_169 = tpu.vector_load %arg11[%swap3A_167, %swap3A_168] {strides = array<i32>} : memref<128x128xf32, #tpu.memory_space<vmem>>, vector<16xf32>,
          tpu.vector_store %arg11[%swap3A_167, %swap3A_168], %mul3A_166 {strides = array<i32>} : memref<128x128xf32, #tpu.memory_space<vmem>>, vector<16xf32>,
          %scan3A_170 = arith.constant 0 : i32
          %scan3A_171 = arith.constant 1 : i32
          %scan3A_172 = arith.addi %scan3A_111, %scan3A_171 : i32
          %mul3A_173 = arith.constant 128 : i32
          %mul3A_174 = arith.muli %add3A_51, %mul3A_173 : i32
          %add3A_175 = arith.addi %mul3A_174, %scan3A_172 : i32
          %broadcast_in_dim3A_176 = vector.broadcast %add3A_175 : i32 to vector<16xi32>
          %gather3A_177 = tpu.vector_load_idx %arg10[%broadcast_in_dim3A_176] : memref<2048xf32, #tpu.memory_space<vmem>>[vector<16xi32>], vector<16xf32>,
          %get3A_178 = arith.index_cast %scan3A_172 : i32 to index
          %get3A_179 = arith.constant 0 : index
          %get3A_180 = tpu.vector_load %arg11[%get3A_178, %get3A_179] {strides = array<i32>} : memref<128x128xf32, #tpu.memory_space<vmem>>, vector<16xf32>,
          %mul3A_181 = arith.mulf %get3A_180, %gather3A_177 : vector<16xf32>
          %swap3A_182 = arith.index_cast %scan3A_172 : i32 to index
          %swap3A_183 = arith.constant 0 : index
          %swap3A_184 = tpu.vector_load %arg11[%swap3A_182, %swap3A_183] {strides = array<i32>} : memref<128x128xf32, #tpu.memory_space<vmem>>, vector<16xf32>,
          tpu.vector_store %arg11[%swap3A_182, %swap3A_183], %mul3A_181 {strides = array<i32>} : memref<128x128xf32, #tpu.memory_space<vmem>>, vector<16xf32>,
          %get3A_185 = arith.index_cast %scan3A_172 : i32 to index
          %get3A_186 = arith.constant 16 : index
          %get3A_187 = tpu.vector_load %arg11[%get3A_185, %get3A_186] {strides = array<i32>} : memref<128x128xf32, #tpu.memory_space<vmem>>, vector<16xf32>,
          %mul3A_188 = arith.mulf %get3A_187, %gather3A_177 : vector<16xf32>
          %swap3A_189 = arith.index_cast %scan3A_172 : i32 to index
          %swap3A_190 = arith.constant 16 : index
          %swap3A_191 = tpu.vector_load %arg11[%swap3A_189, %swap3A_190] {strides = array<i32>} : memref<128x128xf32, #tpu.memory_space<vmem>>, vector<16xf32>,
          tpu.vector_store %arg11[%swap3A_189, %swap3A_190], %mul3A_188 {strides = array<i32>} : memref<128x128xf32, #tpu.memory_space<vmem>>, vector<16xf32>,
          %get3A_192 = arith.index_cast %scan3A_172 : i32 to index
          %get3A_193 = arith.constant 32 : index
          %get3A_194 = tpu.vector_load %arg11[%get3A_192, %get3A_193] {strides = array<i32>} : memref<128x128xf32, #tpu.memory_space<vmem>>, vector<16xf32>,
          %mul3A_195 = arith.mulf %get3A_194, %gather3A_177 : vector<16xf32>
          %swap3A_196 = arith.index_cast %scan3A_172 : i32 to index
          %swap3A_197 = arith.constant 32 : index
          %swap3A_198 = tpu.vector_load %arg11[%swap3A_196, %swap3A_197] {strides = array<i32>} : memref<128x128xf32, #tpu.memory_space<vmem>>, vector<16xf32>,
          tpu.vector_store %arg11[%swap3A_196, %swap3A_197], %mul3A_195 {strides = array<i32>} : memref<128x128xf32, #tpu.memory_space<vmem>>, vector<16xf32>,
          %get3A_199 = arith.index_cast %scan3A_172 : i32 to index
          %get3A_200 = arith.constant 48 : index
          %get3A_201 = tpu.vector_load %arg11[%get3A_199, %get3A_200] {strides = array<i32>} : memref<128x128xf32, #tpu.memory_space<vmem>>, vector<16xf32>,
          %mul3A_202 = arith.mulf %get3A_201, %gather3A_177 : vector<16xf32>
          %swap3A_203 = arith.index_cast %scan3A_172 : i32 to index
          %swap3A_204 = arith.constant 48 : index
          %swap3A_205 = tpu.vector_load %arg11[%swap3A_203, %swap3A_204] {strides = array<i32>} : memref<128x128xf32, #tpu.memory_space<vmem>>, vector<16xf32>,
          tpu.vector_store %arg11[%swap3A_203, %swap3A_204], %mul3A_202 {strides = array<i32>} : memref<128x128xf32, #tpu.memory_space<vmem>>, vector<16xf32>,
          %get3A_206 = arith.index_cast %scan3A_172 : i32 to index
          %get3A_207 = arith.constant 64 : index
          %get3A_208 = tpu.vector_load %arg11[%get3A_206, %get3A_207] {strides = array<i32>} : memref<128x128xf32, #tpu.memory_space<vmem>>, vector<16xf32>,
          %mul3A_209 = arith.mulf %get3A_208, %gather3A_177 : vector<16xf32>
          %swap3A_210 = arith.index_cast %scan3A_172 : i32 to index
          %swap3A_211 = arith.constant 64 : index
          %swap3A_212 = tpu.vector_load %arg11[%swap3A_210, %swap3A_211] {strides = array<i32>} : memref<128x128xf32, #tpu.memory_space<vmem>>, vector<16xf32>,
          tpu.vector_store %arg11[%swap3A_210, %swap3A_211], %mul3A_209 {strides = array<i32>} : memref<128x128xf32, #tpu.memory_space<vmem>>, vector<16xf32>,
          %get3A_213 = arith.index_cast %scan3A_172 : i32 to index
          %get3A_214 = arith.constant 80 : index
          %get3A_215 = tpu.vector_load %arg11[%get3A_213, %get3A_214] {strides = array<i32>} : memref<128x128xf32, #tpu.memory_space<vmem>>, vector<16xf32>,
          %mul3A_216 = arith.mulf %get3A_215, %gather3A_177 : vector<16xf32>
          %swap3A_217 = arith.index_cast %scan3A_172 : i32 to index
          %swap3A_218 = arith.constant 80 : index
          %swap3A_219 = tpu.vector_load %arg11[%swap3A_217, %swap3A_218] {strides = array<i32>} : memref<128x128xf32, #tpu.memory_space<vmem>>, vector<16xf32>,
          tpu.vector_store %arg11[%swap3A_217, %swap3A_218], %mul3A_216 {strides = array<i32>} : memref<128x128xf32, #tpu.memory_space<vmem>>, vector<16xf32>,
          %get3A_220 = arith.index_cast %scan3A_172 : i32 to index
          %get3A_221 = arith.constant 96 : index
          %get3A_222 = tpu.vector_load %arg11[%get3A_220, %get3A_221] {strides = array<i32>} : memref<128x128xf32, #tpu.memory_space<vmem>>, vector<16xf32>,
          %mul3A_223 = arith.mulf %get3A_222, %gather3A_177 : vector<16xf32>
          %swap3A_224 = arith.index_cast %scan3A_172 : i32 to index
          %swap3A_225 = arith.constant 96 : index
          %swap3A_226 = tpu.vector_load %arg11[%swap3A_224, %swap3A_225] {strides = array<i32>} : memref<128x128xf32, #tpu.memory_space<vmem>>, vector<16xf32>,
          tpu.vector_store %arg11[%swap3A_224, %swap3A_225], %mul3A_223 {strides = array<i32>} : memref<128x128xf32, #tpu.memory_space<vmem>>, vector<16xf32>,
          %get3A_227 = arith.index_cast %scan3A_172 : i32 to index
          %get3A_228 = arith.constant 112 : index
          %get3A_229 = tpu.vector_load %arg11[%get3A_227, %get3A_228] {strides = array<i32>} : memref<128x128xf32, #tpu.memory_space<vmem>>, vector<16xf32>,
          %mul3A_230 = arith.mulf %get3A_229, %gather3A_177 : vector<16xf32>
          %swap3A_231 = arith.index_cast %scan3A_172 : i32 to index
          %swap3A_232 = arith.constant 112 : index
          %swap3A_233 = tpu.vector_load %arg11[%swap3A_231, %swap3A_232] {strides = array<i32>} : memref<128x128xf32, #tpu.memory_space<vmem>>, vector<16xf32>,
          tpu.vector_store %arg11[%swap3A_231, %swap3A_232], %mul3A_230 {strides = array<i32>} : memref<128x128xf32, #tpu.memory_space<vmem>>, vector<16xf32>,
          %scan3A_234 = arith.constant 0 : i32
          scf.yield %scan3A_234 : i32
        }
        %scan3A_70 = arith.constant 128 : i32
        %dma_start3A_71 = arith.constant 0 : i32
        %dma_start3A_72 = tpu.memref_slice %arg9[%add3A_51, %dma_start3A_71] : memref<16x128xi32, #tpu.memory_space<vmem>> -> memref<1x128xi32, #tpu.memory_space<vmem>>
        %dma_start3A_73 = tpu.memref_squeeze %dma_start3A_72 : memref<1x128xi32, #tpu.memory_space<vmem>> -> memref<128xi32, #tpu.memory_space<vmem>>
        %dma_start3A_74 = arith.constant 0 : i32
        %dma_start3A_75 = arith.constant 0 : i32
        %dma_start3A_76 = tpu.memref_slice %arg15[%dma_start3A_74, %dma_start3A_75] : memref<10240x128xf32, #tpu.memory_space<vmem_shared>> -> memref<10240x128xf32, #tpu.memory_space<vmem_shared>>
        tpu.enqueue_indirect_dma source(%arg11 : memref<128x128xf32, #tpu.memory_space<vmem>>) target(%dma_start3A_76 : memref<10240x128xf32, #tpu.memory_space<vmem_shared>>) offsets(%dma_start3A_73 : memref<128xi32, #tpu.memory_space<vmem>>) semaphore(%arg14 : memref<!tpu.dma_semaphore, #tpu.memory_space<semaphore_mem>>) {add = true}
        %mul3A_77 = arith.constant 2 : i32
        %mul3A_78 = arith.muli %mul3A_77, %scan3A_46 : i32
        %add3A_79 = arith.constant 1 : i32
        %add3A_80 = arith.addi %mul3A_78, %add3A_79 : i32
        %ge3A_81 = arith.constant 1 : i32
        %ge3A_82 = arith.cmpi sge, %add3A_80, %ge3A_81 : i32
        %convert_element_type3A_83 = arith.extui %ge3A_82 : i1 to i32
        %cond3A_84 = arith.constant 0 : i32
        %cond3A_85 = arith.cmpi ne, %convert_element_type3A_83, %cond3A_84 : i32
        scf.if %cond3A_85 {
          %sub3A = arith.constant 1 : i32
          %sub3A_111 = arith.subi %add3A_80, %sub3A : i32
          %dma_wait3A_112 = arith.constant 0 : i32
          %dma_wait3A_113 = tpu.memref_slice %arg9[%sub3A_111, %dma_wait3A_112] : memref<16x128xi32, #tpu.memory_space<vmem>> -> memref<1x128xi32, #tpu.memory_space<vmem>>
          %dma_wait3A_114 = tpu.memref_squeeze %dma_wait3A_113 : memref<1x128xi32, #tpu.memory_space<vmem>> -> memref<128xi32, #tpu.memory_space<vmem>>
          %dma_wait3A_115 = arith.constant 0 : i32
          %dma_wait3A_116 = arith.constant 0 : i32
          %dma_wait3A_117 = tpu.memref_slice %arg15[%dma_wait3A_115, %dma_wait3A_116] : memref<10240x128xf32, #tpu.memory_space<vmem_shared>> -> memref<10240x128xf32, #tpu.memory_space<vmem_shared>>
          tpu.wait_indirect_dma semaphore(%arg14 : memref<!tpu.dma_semaphore, #tpu.memory_space<semaphore_mem>>) src(%arg11 : memref<128x128xf32, #tpu.memory_space<vmem>>) dst(%dma_wait3A_117 : memref<10240x128xf32, #tpu.memory_space<vmem_shared>>)
        } else {
        }
        %lt3A_86 = arith.constant 15 : i32
        %lt3A_87 = arith.cmpi slt, %add3A_80, %lt3A_86 : i32
        %convert_element_type3A_88 = arith.extui %lt3A_87 : i1 to i32
        %cond3A_89 = arith.constant 0 : i32
        %cond3A_90 = arith.cmpi ne, %convert_element_type3A_88, %cond3A_89 : i32
        scf.if %cond3A_90 {
          %add3A_111 = arith.constant 1 : i32
          %add3A_112 = arith.addi %add3A_80, %add3A_111 : i32
          %mul3A_113 = arith.constant 128 : i32
          %mul3A_114 = arith.muli %add3A_112, %mul3A_113 : i32
          %dma_start3A_115 = tpu.memref_slice %arg8[%mul3A_114] : memref<2048xi32, #tpu.memory_space<vmem>> -> memref<128xi32, #tpu.memory_space<vmem>>
          %dma_start3A_116 = arith.constant 0 : i32
          %dma_start3A_117 = arith.constant 0 : i32
          %dma_start3A_118 = tpu.memref_slice %arg5[%dma_start3A_116, %dma_start3A_117] : memref<10000x128xf32, #tpu.memory_space<hbm>> -> memref<10000x128xf32, #tpu.memory_space<hbm>>
          tpu.enqueue_indirect_dma source(%dma_start3A_118 : memref<10000x128xf32, #tpu.memory_space<hbm>>) target(%arg11 : memref<128x128xf32, #tpu.memory_space<vmem>>) offsets(%dma_start3A_115 : memref<128xi32, #tpu.memory_space<vmem>>) semaphore(%arg13 : memref<!tpu.dma_semaphore, #tpu.memory_space<semaphore_mem>>)
        } else {
        }
        %dma_wait3A_91 = arith.constant 0 : i32
        %dma_wait3A_92 = arith.constant 0 : i32
        %dma_wait3A_93 = tpu.memref_slice %arg5[%dma_wait3A_91, %dma_wait3A_92] : memref<10000x128xf32, #tpu.memory_space<hbm>> -> memref<128x128xf32, #tpu.memory_space<hbm>>
        %dma_wait3A_94 = arith.constant 0 : i32
        %dma_wait3A_95 = arith.constant 0 : i32
        %dma_wait3A_96 = tpu.memref_slice %arg5[%dma_wait3A_94, %dma_wait3A_95] : memref<10000x128xf32, #tpu.memory_space<hbm>> -> memref<128x128xf32, #tpu.memory_space<hbm>>
        tpu.wait_dma2 semaphore(%arg13 : memref<!tpu.dma_semaphore, #tpu.memory_space<semaphore_mem>>) src(%dma_wait3A_96 : memref<128x128xf32, #tpu.memory_space<hbm>>) dst(%arg12 : memref<128x128xf32, #tpu.memory_space<vmem>>)
        %scan3A_97 = arith.constant 0 : i32
        %scan3A_98 = arith.constant 0 : i32
        %scan3A_99 = arith.constant 128 : i32
        %scan3A_100 = arith.addi %scan3A_98, %scan3A_99 : i32
        %scan3A_101 = arith.constant 2 : i32
        %scan3A_102 = scf.for %scan3A_111 = %scan3A_98 to %scan3A_100 step %scan3A_101 iter_args(%scan3A_112 = %scan3A_97) -> (i32)  : i32 {
          %mul3A_113 = arith.constant 128 : i32
          %mul3A_114 = arith.muli %add3A_80, %mul3A_113 : i32
          %add3A_115 = arith.addi %mul3A_114, %scan3A_111 : i32
          %broadcast_in_dim3A = vector.broadcast %add3A_115 : i32 to vector<16xi32>
          %gather3A = tpu.vector_load_idx %arg10[%broadcast_in_dim3A] : memref<2048xf32, #tpu.memory_space<vmem>>[vector<16xi32>], vector<16xf32>,
          %get3A = arith.index_cast %scan3A_111 : i32 to index
          %get3A_116 = arith.constant 0 : index
          %get3A_117 = tpu.vector_load %arg12[%get3A, %get3A_116] {strides = array<i32>} : memref<128x128xf32, #tpu.memory_space<vmem>>, vector<16xf32>,
          %mul3A_118 = arith.mulf %get3A_117, %gather3A : vector<16xf32>
          %swap3A = arith.index_cast %scan3A_111 : i32 to index
          %swap3A_119 = arith.constant 0 : index
          %swap3A_120 = tpu.vector_load %arg12[%swap3A, %swap3A_119] {strides = array<i32>} : memref<128x128xf32, #tpu.memory_space<vmem>>, vector<16xf32>,
          tpu.vector_store %arg12[%swap3A, %swap3A_119], %mul3A_118 {strides = array<i32>} : memref<128x128xf32, #tpu.memory_space<vmem>>, vector<16xf32>,
          %get3A_121 = arith.index_cast %scan3A_111 : i32 to index
          %get3A_122 = arith.constant 16 : index
          %get3A_123 = tpu.vector_load %arg12[%get3A_121, %get3A_122] {strides = array<i32>} : memref<128x128xf32, #tpu.memory_space<vmem>>, vector<16xf32>,
          %mul3A_124 = arith.mulf %get3A_123, %gather3A : vector<16xf32>
          %swap3A_125 = arith.index_cast %scan3A_111 : i32 to index
          %swap3A_126 = arith.constant 16 : index
          %swap3A_127 = tpu.vector_load %arg12[%swap3A_125, %swap3A_126] {strides = array<i32>} : memref<128x128xf32, #tpu.memory_space<vmem>>, vector<16xf32>,
          tpu.vector_store %arg12[%swap3A_125, %swap3A_126], %mul3A_124 {strides = array<i32>} : memref<128x128xf32, #tpu.memory_space<vmem>>, vector<16xf32>,
          %get3A_128 = arith.index_cast %scan3A_111 : i32 to index
          %get3A_129 = arith.constant 32 : index
          %get3A_130 = tpu.vector_load %arg12[%get3A_128, %get3A_129] {strides = array<i32>} : memref<128x128xf32, #tpu.memory_space<vmem>>, vector<16xf32>,
          %mul3A_131 = arith.mulf %get3A_130, %gather3A : vector<16xf32>
          %swap3A_132 = arith.index_cast %scan3A_111 : i32 to index
          %swap3A_133 = arith.constant 32 : index
          %swap3A_134 = tpu.vector_load %arg12[%swap3A_132, %swap3A_133] {strides = array<i32>} : memref<128x128xf32, #tpu.memory_space<vmem>>, vector<16xf32>,
          tpu.vector_store %arg12[%swap3A_132, %swap3A_133], %mul3A_131 {strides = array<i32>} : memref<128x128xf32, #tpu.memory_space<vmem>>, vector<16xf32>,
          %get3A_135 = arith.index_cast %scan3A_111 : i32 to index
          %get3A_136 = arith.constant 48 : index
          %get3A_137 = tpu.vector_load %arg12[%get3A_135, %get3A_136] {strides = array<i32>} : memref<128x128xf32, #tpu.memory_space<vmem>>, vector<16xf32>,
          %mul3A_138 = arith.mulf %get3A_137, %gather3A : vector<16xf32>
          %swap3A_139 = arith.index_cast %scan3A_111 : i32 to index
          %swap3A_140 = arith.constant 48 : index
          %swap3A_141 = tpu.vector_load %arg12[%swap3A_139, %swap3A_140] {strides = array<i32>} : memref<128x128xf32, #tpu.memory_space<vmem>>, vector<16xf32>,
          tpu.vector_store %arg12[%swap3A_139, %swap3A_140], %mul3A_138 {strides = array<i32>} : memref<128x128xf32, #tpu.memory_space<vmem>>, vector<16xf32>,
          %get3A_142 = arith.index_cast %scan3A_111 : i32 to index
          %get3A_143 = arith.constant 64 : index
          %get3A_144 = tpu.vector_load %arg12[%get3A_142, %get3A_143] {strides = array<i32>} : memref<128x128xf32, #tpu.memory_space<vmem>>, vector<16xf32>,
          %mul3A_145 = arith.mulf %get3A_144, %gather3A : vector<16xf32>
          %swap3A_146 = arith.index_cast %scan3A_111 : i32 to index
          %swap3A_147 = arith.constant 64 : index
          %swap3A_148 = tpu.vector_load %arg12[%swap3A_146, %swap3A_147] {strides = array<i32>} : memref<128x128xf32, #tpu.memory_space<vmem>>, vector<16xf32>,
          tpu.vector_store %arg12[%swap3A_146, %swap3A_147], %mul3A_145 {strides = array<i32>} : memref<128x128xf32, #tpu.memory_space<vmem>>, vector<16xf32>,
          %get3A_149 = arith.index_cast %scan3A_111 : i32 to index
          %get3A_150 = arith.constant 80 : index
          %get3A_151 = tpu.vector_load %arg12[%get3A_149, %get3A_150] {strides = array<i32>} : memref<128x128xf32, #tpu.memory_space<vmem>>, vector<16xf32>,
          %mul3A_152 = arith.mulf %get3A_151, %gather3A : vector<16xf32>
          %swap3A_153 = arith.index_cast %scan3A_111 : i32 to index
          %swap3A_154 = arith.constant 80 : index
          %swap3A_155 = tpu.vector_load %arg12[%swap3A_153, %swap3A_154] {strides = array<i32>} : memref<128x128xf32, #tpu.memory_space<vmem>>, vector<16xf32>,
          tpu.vector_store %arg12[%swap3A_153, %swap3A_154], %mul3A_152 {strides = array<i32>} : memref<128x128xf32, #tpu.memory_space<vmem>>, vector<16xf32>,
          %get3A_156 = arith.index_cast %scan3A_111 : i32 to index
          %get3A_157 = arith.constant 96 : index
          %get3A_158 = tpu.vector_load %arg12[%get3A_156, %get3A_157] {strides = array<i32>} : memref<128x128xf32, #tpu.memory_space<vmem>>, vector<16xf32>,
          %mul3A_159 = arith.mulf %get3A_158, %gather3A : vector<16xf32>
          %swap3A_160 = arith.index_cast %scan3A_111 : i32 to index
          %swap3A_161 = arith.constant 96 : index
          %swap3A_162 = tpu.vector_load %arg12[%swap3A_160, %swap3A_161] {strides = array<i32>} : memref<128x128xf32, #tpu.memory_space<vmem>>, vector<16xf32>,
          tpu.vector_store %arg12[%swap3A_160, %swap3A_161], %mul3A_159 {strides = array<i32>} : memref<128x128xf32, #tpu.memory_space<vmem>>, vector<16xf32>,
          %get3A_163 = arith.index_cast %scan3A_111 : i32 to index
          %get3A_164 = arith.constant 112 : index
          %get3A_165 = tpu.vector_load %arg12[%get3A_163, %get3A_164] {strides = array<i32>} : memref<128x128xf32, #tpu.memory_space<vmem>>, vector<16xf32>,
          %mul3A_166 = arith.mulf %get3A_165, %gather3A : vector<16xf32>
          %swap3A_167 = arith.index_cast %scan3A_111 : i32 to index
          %swap3A_168 = arith.constant 112 : index
          %swap3A_169 = tpu.vector_load %arg12[%swap3A_167, %swap3A_168] {strides = array<i32>} : memref<128x128xf32, #tpu.memory_space<vmem>>, vector<16xf32>,
          tpu.vector_store %arg12[%swap3A_167, %swap3A_168], %mul3A_166 {strides = array<i32>} : memref<128x128xf32, #tpu.memory_space<vmem>>, vector<16xf32>,
          %scan3A_170 = arith.constant 0 : i32
          %scan3A_171 = arith.constant 1 : i32
          %scan3A_172 = arith.addi %scan3A_111, %scan3A_171 : i32
          %mul3A_173 = arith.constant 128 : i32
          %mul3A_174 = arith.muli %add3A_80, %mul3A_173 : i32
          %add3A_175 = arith.addi %mul3A_174, %scan3A_172 : i32
          %broadcast_in_dim3A_176 = vector.broadcast %add3A_175 : i32 to vector<16xi32>
          %gather3A_177 = tpu.vector_load_idx %arg10[%broadcast_in_dim3A_176] : memref<2048xf32, #tpu.memory_space<vmem>>[vector<16xi32>], vector<16xf32>,
          %get3A_178 = arith.index_cast %scan3A_172 : i32 to index
          %get3A_179 = arith.constant 0 : index
          %get3A_180 = tpu.vector_load %arg12[%get3A_178, %get3A_179] {strides = array<i32>} : memref<128x128xf32, #tpu.memory_space<vmem>>, vector<16xf32>,
          %mul3A_181 = arith.mulf %get3A_180, %gather3A_177 : vector<16xf32>
          %swap3A_182 = arith.index_cast %scan3A_172 : i32 to index
          %swap3A_183 = arith.constant 0 : index
          %swap3A_184 = tpu.vector_load %arg12[%swap3A_182, %swap3A_183] {strides = array<i32>} : memref<128x128xf32, #tpu.memory_space<vmem>>, vector<16xf32>,
          tpu.vector_store %arg12[%swap3A_182, %swap3A_183], %mul3A_181 {strides = array<i32>} : memref<128x128xf32, #tpu.memory_space<vmem>>, vector<16xf32>,
          %get3A_185 = arith.index_cast %scan3A_172 : i32 to index
          %get3A_186 = arith.constant 16 : index
          %get3A_187 = tpu.vector_load %arg12[%get3A_185, %get3A_186] {strides = array<i32>} : memref<128x128xf32, #tpu.memory_space<vmem>>, vector<16xf32>,
          %mul3A_188 = arith.mulf %get3A_187, %gather3A_177 : vector<16xf32>
          %swap3A_189 = arith.index_cast %scan3A_172 : i32 to index
          %swap3A_190 = arith.constant 16 : index
          %swap3A_191 = tpu.vector_load %arg12[%swap3A_189, %swap3A_190] {strides = array<i32>} : memref<128x128xf32, #tpu.memory_space<vmem>>, vector<16xf32>,
          tpu.vector_store %arg12[%swap3A_189, %swap3A_190], %mul3A_188 {strides = array<i32>} : memref<128x128xf32, #tpu.memory_space<vmem>>, vector<16xf32>,
          %get3A_192 = arith.index_cast %scan3A_172 : i32 to index
          %get3A_193 = arith.constant 32 : index
          %get3A_194 = tpu.vector_load %arg12[%get3A_192, %get3A_193] {strides = array<i32>} : memref<128x128xf32, #tpu.memory_space<vmem>>, vector<16xf32>,
          %mul3A_195 = arith.mulf %get3A_194, %gather3A_177 : vector<16xf32>
          %swap3A_196 = arith.index_cast %scan3A_172 : i32 to index
          %swap3A_197 = arith.constant 32 : index
          %swap3A_198 = tpu.vector_load %arg12[%swap3A_196, %swap3A_197] {strides = array<i32>} : memref<128x128xf32, #tpu.memory_space<vmem>>, vector<16xf32>,
          tpu.vector_store %arg12[%swap3A_196, %swap3A_197], %mul3A_195 {strides = array<i32>} : memref<128x128xf32, #tpu.memory_space<vmem>>, vector<16xf32>,
          %get3A_199 = arith.index_cast %scan3A_172 : i32 to index
          %get3A_200 = arith.constant 48 : index
          %get3A_201 = tpu.vector_load %arg12[%get3A_199, %get3A_200] {strides = array<i32>} : memref<128x128xf32, #tpu.memory_space<vmem>>, vector<16xf32>,
          %mul3A_202 = arith.mulf %get3A_201, %gather3A_177 : vector<16xf32>
          %swap3A_203 = arith.index_cast %scan3A_172 : i32 to index
          %swap3A_204 = arith.constant 48 : index
          %swap3A_205 = tpu.vector_load %arg12[%swap3A_203, %swap3A_204] {strides = array<i32>} : memref<128x128xf32, #tpu.memory_space<vmem>>, vector<16xf32>,
          tpu.vector_store %arg12[%swap3A_203, %swap3A_204], %mul3A_202 {strides = array<i32>} : memref<128x128xf32, #tpu.memory_space<vmem>>, vector<16xf32>,
          %get3A_206 = arith.index_cast %scan3A_172 : i32 to index
          %get3A_207 = arith.constant 64 : index
          %get3A_208 = tpu.vector_load %arg12[%get3A_206, %get3A_207] {strides = array<i32>} : memref<128x128xf32, #tpu.memory_space<vmem>>, vector<16xf32>,
          %mul3A_209 = arith.mulf %get3A_208, %gather3A_177 : vector<16xf32>
          %swap3A_210 = arith.index_cast %scan3A_172 : i32 to index
          %swap3A_211 = arith.constant 64 : index
          %swap3A_212 = tpu.vector_load %arg12[%swap3A_210, %swap3A_211] {strides = array<i32>} : memref<128x128xf32, #tpu.memory_space<vmem>>, vector<16xf32>,
          tpu.vector_store %arg12[%swap3A_210, %swap3A_211], %mul3A_209 {strides = array<i32>} : memref<128x128xf32, #tpu.memory_space<vmem>>, vector<16xf32>,
          %get3A_213 = arith.index_cast %scan3A_172 : i32 to index
          %get3A_214 = arith.constant 80 : index
          %get3A_215 = tpu.vector_load %arg12[%get3A_213, %get3A_214] {strides = array<i32>} : memref<128x128xf32, #tpu.memory_space<vmem>>, vector<16xf32>,
          %mul3A_216 = arith.mulf %get3A_215, %gather3A_177 : vector<16xf32>
          %swap3A_217 = arith.index_cast %scan3A_172 : i32 to index
          %swap3A_218 = arith.constant 80 : index
          %swap3A_219 = tpu.vector_load %arg12[%swap3A_217, %swap3A_218] {strides = array<i32>} : memref<128x128xf32, #tpu.memory_space<vmem>>, vector<16xf32>,
          tpu.vector_store %arg12[%swap3A_217, %swap3A_218], %mul3A_216 {strides = array<i32>} : memref<128x128xf32, #tpu.memory_space<vmem>>, vector<16xf32>,
          %get3A_220 = arith.index_cast %scan3A_172 : i32 to index
          %get3A_221 = arith.constant 96 : index
          %get3A_222 = tpu.vector_load %arg12[%get3A_220, %get3A_221] {strides = array<i32>} : memref<128x128xf32, #tpu.memory_space<vmem>>, vector<16xf32>,
          %mul3A_223 = arith.mulf %get3A_222, %gather3A_177 : vector<16xf32>
          %swap3A_224 = arith.index_cast %scan3A_172 : i32 to index
          %swap3A_225 = arith.constant 96 : index
          %swap3A_226 = tpu.vector_load %arg12[%swap3A_224, %swap3A_225] {strides = array<i32>} : memref<128x128xf32, #tpu.memory_space<vmem>>, vector<16xf32>,
          tpu.vector_store %arg12[%swap3A_224, %swap3A_225], %mul3A_223 {strides = array<i32>} : memref<128x128xf32, #tpu.memory_space<vmem>>, vector<16xf32>,
          %get3A_227 = arith.index_cast %scan3A_172 : i32 to index
          %get3A_228 = arith.constant 112 : index
          %get3A_229 = tpu.vector_load %arg12[%get3A_227, %get3A_228] {strides = array<i32>} : memref<128x128xf32, #tpu.memory_space<vmem>>, vector<16xf32>,
          %mul3A_230 = arith.mulf %get3A_229, %gather3A_177 : vector<16xf32>
          %swap3A_231 = arith.index_cast %scan3A_172 : i32 to index
          %swap3A_232 = arith.constant 112 : index
          %swap3A_233 = tpu.vector_load %arg12[%swap3A_231, %swap3A_232] {strides = array<i32>} : memref<128x128xf32, #tpu.memory_space<vmem>>, vector<16xf32>,
          tpu.vector_store %arg12[%swap3A_231, %swap3A_232], %mul3A_230 {strides = array<i32>} : memref<128x128xf32, #tpu.memory_space<vmem>>, vector<16xf32>,
          %scan3A_234 = arith.constant 0 : i32
          scf.yield %scan3A_234 : i32
        }
        %scan3A_103 = arith.constant 128 : i32
        %dma_start3A_104 = arith.constant 0 : i32
        %dma_start3A_105 = tpu.memref_slice %arg9[%add3A_80, %dma_start3A_104] : memref<16x128xi32, #tpu.memory_space<vmem>> -> memref<1x128xi32, #tpu.memory_space<vmem>>
        %dma_start3A_106 = tpu.memref_squeeze %dma_start3A_105 : memref<1x128xi32, #tpu.memory_space<vmem>> -> memref<128xi32, #tpu.memory_space<vmem>>
        %dma_start3A_107 = arith.constant 0 : i32
        %dma_start3A_108 = arith.constant 0 : i32
        %dma_start3A_109 = tpu.memref_slice %arg15[%dma_start3A_107, %dma_start3A_108] : memref<10240x128xf32, #tpu.memory_space<vmem_shared>> -> memref<10240x128xf32, #tpu.memory_space<vmem_shared>>
        tpu.enqueue_indirect_dma source(%arg12 : memref<128x128xf32, #tpu.memory_space<vmem>>) target(%dma_start3A_109 : memref<10240x128xf32, #tpu.memory_space<vmem_shared>>) offsets(%dma_start3A_106 : memref<128xi32, #tpu.memory_space<vmem>>) semaphore(%arg14 : memref<!tpu.dma_semaphore, #tpu.memory_space<semaphore_mem>>) {add = true}
        %scan3A_110 = arith.constant 0 : i32
        scf.yield %scan3A_110 : i32
      }
      %scan3A_38 = arith.constant 8 : i32
      %dma_wait3A = arith.constant 15 : i32
      %dma_wait3A_39 = arith.constant 0 : i32
      %dma_wait3A_40 = tpu.memref_slice %arg9[%dma_wait3A, %dma_wait3A_39] : memref<16x128xi32, #tpu.memory_space<vmem>> -> memref<1x128xi32, #tpu.memory_space<vmem>>
      %dma_wait3A_41 = tpu.memref_squeeze %dma_wait3A_40 : memref<1x128xi32, #tpu.memory_space<vmem>> -> memref<128xi32, #tpu.memory_space<vmem>>
      %dma_wait3A_42 = arith.constant 0 : i32
      %dma_wait3A_43 = arith.constant 0 : i32
      %dma_wait3A_44 = tpu.memref_slice %arg15[%dma_wait3A_42, %dma_wait3A_43] : memref<10240x128xf32, #tpu.memory_space<vmem_shared>> -> memref<10240x128xf32, #tpu.memory_space<vmem_shared>>
      tpu.wait_indirect_dma semaphore(%arg14 : memref<!tpu.dma_semaphore, #tpu.memory_space<semaphore_mem>>) src(%arg12 : memref<128x128xf32, #tpu.memory_space<vmem>>) dst(%dma_wait3A_44 : memref<10240x128xf32, #tpu.memory_space<vmem_shared>>)
      %while3A_45 = arith.constant 0 : i32
      scf.yield %while3A_45 : i32
    }
    %barrier3A_22 = arith.constant 0 : index
    tpu.barrier barrier_id(%barrier3A_22)
    "tpu.region"() ({
      %run_scoped3A = tpu.sem_alloc : memref<!tpu.dma_semaphore, #tpu.memory_space<semaphore_mem>>
      %dma_start3A = arith.constant 0 : i32
      %dma_start3A_23 = tpu.memref_slice %arg7[%arg0, %mul3A_10, %dma_start3A] : memref<2x10240x128xf32, #tpu.memory_space<hbm>> -> memref<1x640x128xf32, #tpu.memory_space<hbm>>
      %dma_start3A_24 = tpu.memref_squeeze %dma_start3A_23 : memref<1x640x128xf32, #tpu.memory_space<hbm>> -> memref<640x128xf32, #tpu.memory_space<hbm>>
      %dma_start3A_25 = arith.constant 0 : i32
      %dma_start3A_26 = tpu.memref_slice %arg15[%mul3A_10, %dma_start3A_25] : memref<10240x128xf32, #tpu.memory_space<vmem_shared>> -> memref<640x128xf32, #tpu.memory_space<vmem_shared>>
      tpu.enqueue_dma source(%dma_start3A_26 : memref<640x128xf32, #tpu.memory_space<vmem_shared>>) target(%dma_start3A_24 : memref<640x128xf32, #tpu.memory_space<hbm>>) target_semaphore(%run_scoped3A : memref<!tpu.dma_semaphore, #tpu.memory_space<semaphore_mem>>)
      %dma_wait3A = arith.constant 0 : i32
      %dma_wait3A_27 = tpu.memref_slice %arg7[%arg0, %mul3A_10, %dma_wait3A] : memref<2x10240x128xf32, #tpu.memory_space<hbm>> -> memref<1x640x128xf32, #tpu.memory_space<hbm>>
      %dma_wait3A_28 = tpu.memref_squeeze %dma_wait3A_27 : memref<1x640x128xf32, #tpu.memory_space<hbm>> -> memref<640x128xf32, #tpu.memory_space<hbm>>
      %dma_wait3A_29 = arith.constant 0 : i32
      %dma_wait3A_30 = tpu.memref_slice %arg15[%mul3A_10, %dma_wait3A_29] : memref<10240x128xf32, #tpu.memory_space<vmem_shared>> -> memref<640x128xf32, #tpu.memory_space<vmem_shared>>
      tpu.wait_dma2 semaphore(%run_scoped3A : memref<!tpu.dma_semaphore, #tpu.memory_space<semaphore_mem>>) src(%dma_wait3A_30 : memref<640x128xf32, #tpu.memory_space<vmem_shared>>) dst(%dma_wait3A_28 : memref<640x128xf32, #tpu.memory_space<hbm>>)
      tpu.yield
    }) : () -> ()
    return
  }
}

#map = affine_map<(d0, d1) -> (0)>
#map1 = affine_map<(d0, d1) -> (0, 0, 0)>
module attributes {stable_mosaic.version = 14 : i64} {
  func.func @_edge_body(%arg0: i32, %arg1: i32, %arg2: memref<327680xi32, #tpu.memory_space<hbm>>, %arg3: memref<327680xi32, #tpu.memory_space<hbm>>, %arg4: memref<327680xf32, #tpu.memory_space<hbm>>, %arg5: memref<16xf32, #tpu.memory_space<hbm>>, %arg6: memref<327680xf32, #tpu.memory_space<hbm>>, %arg7: memref<2x1x10240xf32, #tpu.memory_space<hbm>>, %arg8: memref<2048xi32, #tpu.memory_space<vmem>>, %arg9: memref<2048xi32, #tpu.memory_space<vmem>>, %arg10: memref<2048xf32, #tpu.memory_space<vmem>>, %arg11: memref<2048xf32, #tpu.memory_space<vmem>>, %arg12: memref<16xf32, #tpu.memory_space<vmem>>, %arg13: memref<10240xf32, #tpu.memory_space<vmem>>, %arg14: memref<640xf32, #tpu.memory_space<vmem>>, %arg15: memref<640xf32, #tpu.memory_space<vmem>>, %arg16: memref<16x1x10240xf32, #tpu.memory_space<vmem_shared>>) attributes {dimension_semantics = [#tpu.dimension_semantics<core_parallel>, #tpu.dimension_semantics<subcore_parallel>], iteration_bounds = array<i64: 2, 16>, scalar_prefetch = 0 : i64, scratch_operands = 9 : i64, tpu.core_type = #tpu.core_type<sc_vector_subcore>, window_params = [{transform_indices = #map}, {transform_indices = #map}, {transform_indices = #map}, {transform_indices = #map}, {transform_indices = #map}, {transform_indices = #map1}]} {
    %eq3A = arith.constant 0 : i32
    %eq3A_0 = arith.cmpi eq, %arg0, %eq3A : i32
    %mul3A = arith.constant 5 : i32
    %mul3A_1 = arith.muli %arg1, %mul3A : i32
    %mul3A_2 = arith.constant 5 : i32
    %mul3A_3 = arith.muli %arg1, %mul3A_2 : i32
    %add3A = arith.constant 80 : i32
    %add3A_4 = arith.addi %add3A, %mul3A_3 : i32
    %select_n3A = arith.select %eq3A_0, %mul3A_1, %add3A_4 : i32
    %eq3A_5 = arith.constant 0 : i32
    %eq3A_6 = arith.cmpi eq, %arg0, %eq3A_5 : i32
    %jit3A = arith.constant 5 : i32
    %jit3A_7 = arith.constant 5 : i32
    %select_n3A_8 = arith.select %eq3A_6, %jit3A, %jit3A_7 : i32
    %broadcast_in_dim3A = arith.constant 0.000000e+00 : f32
    %broadcast_in_dim3A_9 = vector.broadcast %broadcast_in_dim3A : f32 to vector<16xf32>
    %scan3A = arith.constant 0 : i32
    %scan3A_10 = arith.constant 0 : i32
    %scan3A_11 = arith.constant 640 : i32
    %scan3A_12 = arith.addi %scan3A_10, %scan3A_11 : i32
    %scan3A_13 = arith.constant 1 : i32
    %scan3A_14 = scf.for %scan3A_192 = %scan3A_10 to %scan3A_12 step %scan3A_13 iter_args(%scan3A_193 = %scan3A) -> (i32)  : i32 {
      %mul3A_194 = arith.constant 16 : i32
      %mul3A_195 = arith.muli %scan3A_192, %mul3A_194 : i32
      %swap3A = arith.index_cast %mul3A_195 : i32 to index
      %swap3A_196 = tpu.vector_load %arg13[%swap3A] {strides = array<i32>} : memref<10240xf32, #tpu.memory_space<vmem>>, vector<16xf32>,
      tpu.vector_store %arg13[%swap3A], %broadcast_in_dim3A_9 {strides = array<i32>} : memref<10240xf32, #tpu.memory_space<vmem>>, vector<16xf32>,
      %scan3A_197 = arith.constant 0 : i32
      scf.yield %scan3A_197 : i32
    }
    %scan3A_15 = arith.constant 640 : i32
    "tpu.region"() ({
      %run_scoped3A_192 = tpu.sem_alloc : memref<!tpu.dma_semaphore, #tpu.memory_space<semaphore_mem>>
      tpu.enqueue_dma source(%arg5 : memref<16xf32, #tpu.memory_space<hbm>>) target(%arg12 : memref<16xf32, #tpu.memory_space<vmem>>) target_semaphore(%run_scoped3A_192 : memref<!tpu.dma_semaphore, #tpu.memory_space<semaphore_mem>>)
      tpu.wait_dma2 semaphore(%run_scoped3A_192 : memref<!tpu.dma_semaphore, #tpu.memory_space<semaphore_mem>>) src(%arg5 : memref<16xf32, #tpu.memory_space<hbm>>) dst(%arg12 : memref<16xf32, #tpu.memory_space<vmem>>)
      tpu.yield
    }) : () -> ()
    %get3A = arith.constant 0 : index
    %get3A_16 = tpu.vector_load %arg12[%get3A] {strides = array<i32>} : memref<16xf32, #tpu.memory_space<vmem>>, vector<16xf32>,
    %slice3A = vector.extract_strided_slice %get3A_16 {offsets = [0], sizes = [1], strides = [1]} : vector<16xf32> to vector<1xf32>
    %squeeze3A = vector.extract %slice3A[0] : f32 from vector<1xf32>
    %slice3A_17 = vector.extract_strided_slice %get3A_16 {offsets = [1], sizes = [1], strides = [1]} : vector<16xf32> to vector<1xf32>
    %squeeze3A_18 = vector.extract %slice3A_17[0] : f32 from vector<1xf32>
    %slice3A_19 = vector.extract_strided_slice %get3A_16 {offsets = [2], sizes = [1], strides = [1]} : vector<16xf32> to vector<1xf32>
    %squeeze3A_20 = vector.extract %slice3A_19[0] : f32 from vector<1xf32>
    %slice3A_21 = vector.extract_strided_slice %get3A_16 {offsets = [3], sizes = [1], strides = [1]} : vector<16xf32> to vector<1xf32>
    %squeeze3A_22 = vector.extract %slice3A_21[0] : f32 from vector<1xf32>
    %slice3A_23 = vector.extract_strided_slice %get3A_16 {offsets = [4], sizes = [1], strides = [1]} : vector<16xf32> to vector<1xf32>
    %squeeze3A_24 = vector.extract %slice3A_23[0] : f32 from vector<1xf32>
    %slice3A_25 = vector.extract_strided_slice %get3A_16 {offsets = [5], sizes = [1], strides = [1]} : vector<16xf32> to vector<1xf32>
    %squeeze3A_26 = vector.extract %slice3A_25[0] : f32 from vector<1xf32>
    %while3A = arith.constant 0 : i32
    %while3A_27 = arith.constant 0 : i32
    %while3A_28 = arith.subi %select_n3A_8, %while3A : i32
    %while3A_29 = arith.addi %while3A, %while3A_28 : i32
    %while3A_30 = arith.constant 1 : i32
    %while3A_31 = arith.divsi %while3A_28, %while3A_30 : i32
    %while3A_32 = arith.muli %while3A_31, %while3A_30 : i32
    %while3A_33 = arith.addi %while3A, %while3A_32 : i32
    %while3A_34 = arith.constant 1 : i32
    %while3A_35 = scf.for %while3A_192 = %while3A to %while3A_33 step %while3A_34 iter_args(%while3A_193 = %while3A_27) -> (i32)  : i32 {
      %add3A_194 = arith.addi %select_n3A, %while3A_192 : i32
      %mul3A_195 = arith.constant 2048 : i32
      %mul3A_196 = arith.muli %add3A_194, %mul3A_195 : i32
      "tpu.region"() ({
        %run_scoped3A_205 = tpu.sem_alloc : memref<!tpu.dma_semaphore, #tpu.memory_space<semaphore_mem>>
        %dma_start3A = tpu.memref_slice %arg2[%mul3A_196] : memref<327680xi32, #tpu.memory_space<hbm>> -> memref<2048xi32, #tpu.memory_space<hbm>>
        %dma_start3A_206 = tpu.memref_slice %arg2[%mul3A_196] : memref<327680xi32, #tpu.memory_space<hbm>> -> memref<2048xi32, #tpu.memory_space<hbm>>
        tpu.enqueue_dma source(%dma_start3A_206 : memref<2048xi32, #tpu.memory_space<hbm>>) target(%arg8 : memref<2048xi32, #tpu.memory_space<vmem>>) target_semaphore(%run_scoped3A_205 : memref<!tpu.dma_semaphore, #tpu.memory_space<semaphore_mem>>)
        %dma_wait3A = tpu.memref_slice %arg2[%mul3A_196] : memref<327680xi32, #tpu.memory_space<hbm>> -> memref<2048xi32, #tpu.memory_space<hbm>>
        %dma_wait3A_207 = tpu.memref_slice %arg2[%mul3A_196] : memref<327680xi32, #tpu.memory_space<hbm>> -> memref<2048xi32, #tpu.memory_space<hbm>>
        tpu.wait_dma2 semaphore(%run_scoped3A_205 : memref<!tpu.dma_semaphore, #tpu.memory_space<semaphore_mem>>) src(%dma_wait3A_207 : memref<2048xi32, #tpu.memory_space<hbm>>) dst(%arg8 : memref<2048xi32, #tpu.memory_space<vmem>>)
        tpu.yield
      }) : () -> ()
      "tpu.region"() ({
        %run_scoped3A_205 = tpu.sem_alloc : memref<!tpu.dma_semaphore, #tpu.memory_space<semaphore_mem>>
        %dma_start3A = tpu.memref_slice %arg3[%mul3A_196] : memref<327680xi32, #tpu.memory_space<hbm>> -> memref<2048xi32, #tpu.memory_space<hbm>>
        %dma_start3A_206 = tpu.memref_slice %arg3[%mul3A_196] : memref<327680xi32, #tpu.memory_space<hbm>> -> memref<2048xi32, #tpu.memory_space<hbm>>
        tpu.enqueue_dma source(%dma_start3A_206 : memref<2048xi32, #tpu.memory_space<hbm>>) target(%arg9 : memref<2048xi32, #tpu.memory_space<vmem>>) target_semaphore(%run_scoped3A_205 : memref<!tpu.dma_semaphore, #tpu.memory_space<semaphore_mem>>)
        %dma_wait3A = tpu.memref_slice %arg3[%mul3A_196] : memref<327680xi32, #tpu.memory_space<hbm>> -> memref<2048xi32, #tpu.memory_space<hbm>>
        %dma_wait3A_207 = tpu.memref_slice %arg3[%mul3A_196] : memref<327680xi32, #tpu.memory_space<hbm>> -> memref<2048xi32, #tpu.memory_space<hbm>>
        tpu.wait_dma2 semaphore(%run_scoped3A_205 : memref<!tpu.dma_semaphore, #tpu.memory_space<semaphore_mem>>) src(%dma_wait3A_207 : memref<2048xi32, #tpu.memory_space<hbm>>) dst(%arg9 : memref<2048xi32, #tpu.memory_space<vmem>>)
        tpu.yield
      }) : () -> ()
      "tpu.region"() ({
        %run_scoped3A_205 = tpu.sem_alloc : memref<!tpu.dma_semaphore, #tpu.memory_space<semaphore_mem>>
        %dma_start3A = tpu.memref_slice %arg4[%mul3A_196] : memref<327680xf32, #tpu.memory_space<hbm>> -> memref<2048xf32, #tpu.memory_space<hbm>>
        %dma_start3A_206 = tpu.memref_slice %arg4[%mul3A_196] : memref<327680xf32, #tpu.memory_space<hbm>> -> memref<2048xf32, #tpu.memory_space<hbm>>
        tpu.enqueue_dma source(%dma_start3A_206 : memref<2048xf32, #tpu.memory_space<hbm>>) target(%arg10 : memref<2048xf32, #tpu.memory_space<vmem>>) target_semaphore(%run_scoped3A_205 : memref<!tpu.dma_semaphore, #tpu.memory_space<semaphore_mem>>)
        %dma_wait3A = tpu.memref_slice %arg4[%mul3A_196] : memref<327680xf32, #tpu.memory_space<hbm>> -> memref<2048xf32, #tpu.memory_space<hbm>>
        %dma_wait3A_207 = tpu.memref_slice %arg4[%mul3A_196] : memref<327680xf32, #tpu.memory_space<hbm>> -> memref<2048xf32, #tpu.memory_space<hbm>>
        tpu.wait_dma2 semaphore(%run_scoped3A_205 : memref<!tpu.dma_semaphore, #tpu.memory_space<semaphore_mem>>) src(%dma_wait3A_207 : memref<2048xf32, #tpu.memory_space<hbm>>) dst(%arg10 : memref<2048xf32, #tpu.memory_space<vmem>>)
        tpu.yield
      }) : () -> ()
      %scan3A_197 = arith.constant 0 : i32
      %scan3A_198 = arith.constant 0 : i32
      %scan3A_199 = arith.constant 128 : i32
      %scan3A_200 = arith.addi %scan3A_198, %scan3A_199 : i32
      %scan3A_201 = arith.constant 1 : i32
      %scan3A_202 = scf.for %scan3A_205 = %scan3A_198 to %scan3A_200 step %scan3A_201 iter_args(%scan3A_206 = %scan3A_197) -> (i32)  : i32 {
        %mul3A_207 = arith.constant 16 : i32
        %mul3A_208 = arith.muli %scan3A_205, %mul3A_207 : i32
        %get3A_209 = arith.index_cast %mul3A_208 : i32 to index
        %get3A_210 = tpu.vector_load %arg9[%get3A_209] {strides = array<i32>} : memref<2048xi32, #tpu.memory_space<vmem>>, vector<16xi32>,
        %get3A_211 = arith.index_cast %mul3A_208 : i32 to index
        %get3A_212 = tpu.vector_load %arg8[%get3A_211] {strides = array<i32>} : memref<2048xi32, #tpu.memory_space<vmem>>, vector<16xi32>,
        %convert_element_type3A = arith.sitofp %get3A_212 : vector<16xi32> to vector<16xf32>
        %convert_element_type3A_213 = arith.sitofp %get3A_210 : vector<16xi32> to vector<16xf32>
        %get3A_214 = arith.index_cast %mul3A_208 : i32 to index
        %get3A_215 = tpu.vector_load %arg10[%get3A_214] {strides = array<i32>} : memref<2048xf32, #tpu.memory_space<vmem>>, vector<16xf32>,
        %mul3A_216 = vector.broadcast %squeeze3A : f32 to vector<16xf32>
        %mul3A_217 = arith.mulf %convert_element_type3A, %mul3A_216 : vector<16xf32>
        %mul3A_218 = vector.broadcast %squeeze3A_18 : f32 to vector<16xf32>
        %mul3A_219 = arith.mulf %convert_element_type3A_213, %mul3A_218 : vector<16xf32>
        %add3A_220 = arith.addf %mul3A_217, %mul3A_219 : vector<16xf32>
        %mul3A_221 = vector.broadcast %squeeze3A_20 : f32 to vector<16xf32>
        %mul3A_222 = arith.mulf %get3A_215, %mul3A_221 : vector<16xf32>
        %add3A_223 = arith.addf %add3A_220, %mul3A_222 : vector<16xf32>
        %add3A_224 = vector.broadcast %squeeze3A_22 : f32 to vector<16xf32>
        %add3A_225 = arith.addf %add3A_223, %add3A_224 : vector<16xf32>
        %max3A = arith.constant 0.000000e+00 : f32
        %max3A_226 = vector.broadcast %max3A : f32 to vector<16xf32>
        %max3A_227 = arith.maximumf %add3A_225, %max3A_226 : vector<16xf32>
        %mul3A_228 = vector.broadcast %squeeze3A_24 : f32 to vector<16xf32>
        %mul3A_229 = arith.mulf %max3A_227, %mul3A_228 : vector<16xf32>
        %add3A_230 = vector.broadcast %squeeze3A_26 : f32 to vector<16xf32>
        %add3A_231 = arith.addf %mul3A_229, %add3A_230 : vector<16xf32>
        %neg3A = arith.constant 0.000000e+00 : f32
        %neg3A_232 = vector.broadcast %neg3A : f32 to vector<16xf32>
        %neg3A_233 = arith.subf %neg3A_232, %add3A_231 : vector<16xf32>
        %exp3A = math.exp %neg3A_233 : vector<16xf32>
        %add3A_234 = arith.constant 1.000000e+00 : f32
        %add3A_235 = vector.broadcast %add3A_234 : f32 to vector<16xf32>
        %add3A_236 = arith.addf %add3A_235, %exp3A : vector<16xf32>
        %div3A = arith.constant 1.000000e+00 : f32
        %div3A_237 = vector.broadcast %div3A : f32 to vector<16xf32>
        %div3A_238 = arith.divf %div3A_237, %add3A_236 : vector<16xf32>
        %swap3A = arith.index_cast %mul3A_208 : i32 to index
        %swap3A_239 = tpu.vector_load %arg11[%swap3A] {strides = array<i32>} : memref<2048xf32, #tpu.memory_space<vmem>>, vector<16xf32>,
        tpu.vector_store %arg11[%swap3A], %div3A_238 {strides = array<i32>} : memref<2048xf32, #tpu.memory_space<vmem>>, vector<16xf32>,
        tpu.vector_store_idx %arg13[%get3A_210], %div3A_238 {add = true} : memref<10240xf32, #tpu.memory_space<vmem>>[vector<16xi32>], vector<16xf32>,
        %scan3A_240 = arith.constant 0 : i32
        scf.yield %scan3A_240 : i32
      }
      %scan3A_203 = arith.constant 128 : i32
      "tpu.region"() ({
        %run_scoped3A_205 = tpu.sem_alloc : memref<!tpu.dma_semaphore, #tpu.memory_space<semaphore_mem>>
        %dma_start3A = tpu.memref_slice %arg6[%mul3A_196] : memref<327680xf32, #tpu.memory_space<hbm>> -> memref<2048xf32, #tpu.memory_space<hbm>>
        %dma_start3A_206 = tpu.memref_slice %arg6[%mul3A_196] : memref<327680xf32, #tpu.memory_space<hbm>> -> memref<2048xf32, #tpu.memory_space<hbm>>
        tpu.enqueue_dma source(%arg11 : memref<2048xf32, #tpu.memory_space<vmem>>) target(%dma_start3A_206 : memref<2048xf32, #tpu.memory_space<hbm>>) target_semaphore(%run_scoped3A_205 : memref<!tpu.dma_semaphore, #tpu.memory_space<semaphore_mem>>)
        %dma_wait3A = tpu.memref_slice %arg6[%mul3A_196] : memref<327680xf32, #tpu.memory_space<hbm>> -> memref<2048xf32, #tpu.memory_space<hbm>>
        %dma_wait3A_207 = tpu.memref_slice %arg6[%mul3A_196] : memref<327680xf32, #tpu.memory_space<hbm>> -> memref<2048xf32, #tpu.memory_space<hbm>>
        tpu.wait_dma2 semaphore(%run_scoped3A_205 : memref<!tpu.dma_semaphore, #tpu.memory_space<semaphore_mem>>) src(%arg11 : memref<2048xf32, #tpu.memory_space<vmem>>) dst(%dma_wait3A_207 : memref<2048xf32, #tpu.memory_space<hbm>>)
        tpu.yield
      }) : () -> ()
      %while3A_204 = arith.constant 0 : i32
      scf.yield %while3A_204 : i32
    }
    %while3A_36 = arith.constant 1 : i32
    %while3A_37 = scf.for %while3A_192 = %while3A_33 to %while3A_29 step %while3A_36 iter_args(%while3A_193 = %while3A_35) -> (i32)  : i32 {
      %add3A_194 = arith.addi %select_n3A, %while3A_192 : i32
      %mul3A_195 = arith.constant 2048 : i32
      %mul3A_196 = arith.muli %add3A_194, %mul3A_195 : i32
      "tpu.region"() ({
        %run_scoped3A_205 = tpu.sem_alloc : memref<!tpu.dma_semaphore, #tpu.memory_space<semaphore_mem>>
        %dma_start3A = tpu.memref_slice %arg2[%mul3A_196] : memref<327680xi32, #tpu.memory_space<hbm>> -> memref<2048xi32, #tpu.memory_space<hbm>>
        %dma_start3A_206 = tpu.memref_slice %arg2[%mul3A_196] : memref<327680xi32, #tpu.memory_space<hbm>> -> memref<2048xi32, #tpu.memory_space<hbm>>
        tpu.enqueue_dma source(%dma_start3A_206 : memref<2048xi32, #tpu.memory_space<hbm>>) target(%arg8 : memref<2048xi32, #tpu.memory_space<vmem>>) target_semaphore(%run_scoped3A_205 : memref<!tpu.dma_semaphore, #tpu.memory_space<semaphore_mem>>)
        %dma_wait3A = tpu.memref_slice %arg2[%mul3A_196] : memref<327680xi32, #tpu.memory_space<hbm>> -> memref<2048xi32, #tpu.memory_space<hbm>>
        %dma_wait3A_207 = tpu.memref_slice %arg2[%mul3A_196] : memref<327680xi32, #tpu.memory_space<hbm>> -> memref<2048xi32, #tpu.memory_space<hbm>>
        tpu.wait_dma2 semaphore(%run_scoped3A_205 : memref<!tpu.dma_semaphore, #tpu.memory_space<semaphore_mem>>) src(%dma_wait3A_207 : memref<2048xi32, #tpu.memory_space<hbm>>) dst(%arg8 : memref<2048xi32, #tpu.memory_space<vmem>>)
        tpu.yield
      }) : () -> ()
      "tpu.region"() ({
        %run_scoped3A_205 = tpu.sem_alloc : memref<!tpu.dma_semaphore, #tpu.memory_space<semaphore_mem>>
        %dma_start3A = tpu.memref_slice %arg3[%mul3A_196] : memref<327680xi32, #tpu.memory_space<hbm>> -> memref<2048xi32, #tpu.memory_space<hbm>>
        %dma_start3A_206 = tpu.memref_slice %arg3[%mul3A_196] : memref<327680xi32, #tpu.memory_space<hbm>> -> memref<2048xi32, #tpu.memory_space<hbm>>
        tpu.enqueue_dma source(%dma_start3A_206 : memref<2048xi32, #tpu.memory_space<hbm>>) target(%arg9 : memref<2048xi32, #tpu.memory_space<vmem>>) target_semaphore(%run_scoped3A_205 : memref<!tpu.dma_semaphore, #tpu.memory_space<semaphore_mem>>)
        %dma_wait3A = tpu.memref_slice %arg3[%mul3A_196] : memref<327680xi32, #tpu.memory_space<hbm>> -> memref<2048xi32, #tpu.memory_space<hbm>>
        %dma_wait3A_207 = tpu.memref_slice %arg3[%mul3A_196] : memref<327680xi32, #tpu.memory_space<hbm>> -> memref<2048xi32, #tpu.memory_space<hbm>>
        tpu.wait_dma2 semaphore(%run_scoped3A_205 : memref<!tpu.dma_semaphore, #tpu.memory_space<semaphore_mem>>) src(%dma_wait3A_207 : memref<2048xi32, #tpu.memory_space<hbm>>) dst(%arg9 : memref<2048xi32, #tpu.memory_space<vmem>>)
        tpu.yield
      }) : () -> ()
      "tpu.region"() ({
        %run_scoped3A_205 = tpu.sem_alloc : memref<!tpu.dma_semaphore, #tpu.memory_space<semaphore_mem>>
        %dma_start3A = tpu.memref_slice %arg4[%mul3A_196] : memref<327680xf32, #tpu.memory_space<hbm>> -> memref<2048xf32, #tpu.memory_space<hbm>>
        %dma_start3A_206 = tpu.memref_slice %arg4[%mul3A_196] : memref<327680xf32, #tpu.memory_space<hbm>> -> memref<2048xf32, #tpu.memory_space<hbm>>
        tpu.enqueue_dma source(%dma_start3A_206 : memref<2048xf32, #tpu.memory_space<hbm>>) target(%arg10 : memref<2048xf32, #tpu.memory_space<vmem>>) target_semaphore(%run_scoped3A_205 : memref<!tpu.dma_semaphore, #tpu.memory_space<semaphore_mem>>)
        %dma_wait3A = tpu.memref_slice %arg4[%mul3A_196] : memref<327680xf32, #tpu.memory_space<hbm>> -> memref<2048xf32, #tpu.memory_space<hbm>>
        %dma_wait3A_207 = tpu.memref_slice %arg4[%mul3A_196] : memref<327680xf32, #tpu.memory_space<hbm>> -> memref<2048xf32, #tpu.memory_space<hbm>>
        tpu.wait_dma2 semaphore(%run_scoped3A_205 : memref<!tpu.dma_semaphore, #tpu.memory_space<semaphore_mem>>) src(%dma_wait3A_207 : memref<2048xf32, #tpu.memory_space<hbm>>) dst(%arg10 : memref<2048xf32, #tpu.memory_space<vmem>>)
        tpu.yield
      }) : () -> ()
      %scan3A_197 = arith.constant 0 : i32
      %scan3A_198 = arith.constant 0 : i32
      %scan3A_199 = arith.constant 128 : i32
      %scan3A_200 = arith.addi %scan3A_198, %scan3A_199 : i32
      %scan3A_201 = arith.constant 1 : i32
      %scan3A_202 = scf.for %scan3A_205 = %scan3A_198 to %scan3A_200 step %scan3A_201 iter_args(%scan3A_206 = %scan3A_197) -> (i32)  : i32 {
        %mul3A_207 = arith.constant 16 : i32
        %mul3A_208 = arith.muli %scan3A_205, %mul3A_207 : i32
        %get3A_209 = arith.index_cast %mul3A_208 : i32 to index
        %get3A_210 = tpu.vector_load %arg9[%get3A_209] {strides = array<i32>} : memref<2048xi32, #tpu.memory_space<vmem>>, vector<16xi32>,
        %get3A_211 = arith.index_cast %mul3A_208 : i32 to index
        %get3A_212 = tpu.vector_load %arg8[%get3A_211] {strides = array<i32>} : memref<2048xi32, #tpu.memory_space<vmem>>, vector<16xi32>,
        %convert_element_type3A = arith.sitofp %get3A_212 : vector<16xi32> to vector<16xf32>
        %convert_element_type3A_213 = arith.sitofp %get3A_210 : vector<16xi32> to vector<16xf32>
        %get3A_214 = arith.index_cast %mul3A_208 : i32 to index
        %get3A_215 = tpu.vector_load %arg10[%get3A_214] {strides = array<i32>} : memref<2048xf32, #tpu.memory_space<vmem>>, vector<16xf32>,
        %mul3A_216 = vector.broadcast %squeeze3A : f32 to vector<16xf32>
        %mul3A_217 = arith.mulf %convert_element_type3A, %mul3A_216 : vector<16xf32>
        %mul3A_218 = vector.broadcast %squeeze3A_18 : f32 to vector<16xf32>
        %mul3A_219 = arith.mulf %convert_element_type3A_213, %mul3A_218 : vector<16xf32>
        %add3A_220 = arith.addf %mul3A_217, %mul3A_219 : vector<16xf32>
        %mul3A_221 = vector.broadcast %squeeze3A_20 : f32 to vector<16xf32>
        %mul3A_222 = arith.mulf %get3A_215, %mul3A_221 : vector<16xf32>
        %add3A_223 = arith.addf %add3A_220, %mul3A_222 : vector<16xf32>
        %add3A_224 = vector.broadcast %squeeze3A_22 : f32 to vector<16xf32>
        %add3A_225 = arith.addf %add3A_223, %add3A_224 : vector<16xf32>
        %max3A = arith.constant 0.000000e+00 : f32
        %max3A_226 = vector.broadcast %max3A : f32 to vector<16xf32>
        %max3A_227 = arith.maximumf %add3A_225, %max3A_226 : vector<16xf32>
        %mul3A_228 = vector.broadcast %squeeze3A_24 : f32 to vector<16xf32>
        %mul3A_229 = arith.mulf %max3A_227, %mul3A_228 : vector<16xf32>
        %add3A_230 = vector.broadcast %squeeze3A_26 : f32 to vector<16xf32>
        %add3A_231 = arith.addf %mul3A_229, %add3A_230 : vector<16xf32>
        %neg3A = arith.constant 0.000000e+00 : f32
        %neg3A_232 = vector.broadcast %neg3A : f32 to vector<16xf32>
        %neg3A_233 = arith.subf %neg3A_232, %add3A_231 : vector<16xf32>
        %exp3A = math.exp %neg3A_233 : vector<16xf32>
        %add3A_234 = arith.constant 1.000000e+00 : f32
        %add3A_235 = vector.broadcast %add3A_234 : f32 to vector<16xf32>
        %add3A_236 = arith.addf %add3A_235, %exp3A : vector<16xf32>
        %div3A = arith.constant 1.000000e+00 : f32
        %div3A_237 = vector.broadcast %div3A : f32 to vector<16xf32>
        %div3A_238 = arith.divf %div3A_237, %add3A_236 : vector<16xf32>
        %swap3A = arith.index_cast %mul3A_208 : i32 to index
        %swap3A_239 = tpu.vector_load %arg11[%swap3A] {strides = array<i32>} : memref<2048xf32, #tpu.memory_space<vmem>>, vector<16xf32>,
        tpu.vector_store %arg11[%swap3A], %div3A_238 {strides = array<i32>} : memref<2048xf32, #tpu.memory_space<vmem>>, vector<16xf32>,
        tpu.vector_store_idx %arg13[%get3A_210], %div3A_238 {add = true} : memref<10240xf32, #tpu.memory_space<vmem>>[vector<16xi32>], vector<16xf32>,
        %scan3A_240 = arith.constant 0 : i32
        scf.yield %scan3A_240 : i32
      }
      %scan3A_203 = arith.constant 128 : i32
      "tpu.region"() ({
        %run_scoped3A_205 = tpu.sem_alloc : memref<!tpu.dma_semaphore, #tpu.memory_space<semaphore_mem>>
        %dma_start3A = tpu.memref_slice %arg6[%mul3A_196] : memref<327680xf32, #tpu.memory_space<hbm>> -> memref<2048xf32, #tpu.memory_space<hbm>>
        %dma_start3A_206 = tpu.memref_slice %arg6[%mul3A_196] : memref<327680xf32, #tpu.memory_space<hbm>> -> memref<2048xf32, #tpu.memory_space<hbm>>
        tpu.enqueue_dma source(%arg11 : memref<2048xf32, #tpu.memory_space<vmem>>) target(%dma_start3A_206 : memref<2048xf32, #tpu.memory_space<hbm>>) target_semaphore(%run_scoped3A_205 : memref<!tpu.dma_semaphore, #tpu.memory_space<semaphore_mem>>)
        %dma_wait3A = tpu.memref_slice %arg6[%mul3A_196] : memref<327680xf32, #tpu.memory_space<hbm>> -> memref<2048xf32, #tpu.memory_space<hbm>>
        %dma_wait3A_207 = tpu.memref_slice %arg6[%mul3A_196] : memref<327680xf32, #tpu.memory_space<hbm>> -> memref<2048xf32, #tpu.memory_space<hbm>>
        tpu.wait_dma2 semaphore(%run_scoped3A_205 : memref<!tpu.dma_semaphore, #tpu.memory_space<semaphore_mem>>) src(%arg11 : memref<2048xf32, #tpu.memory_space<vmem>>) dst(%dma_wait3A_207 : memref<2048xf32, #tpu.memory_space<hbm>>)
        tpu.yield
      }) : () -> ()
      %while3A_204 = arith.constant 0 : i32
      scf.yield %while3A_204 : i32
    }
    %run_scoped3A = arith.constant 0 : i32
    "tpu.region"() ({
      %run_scoped3A_192 = tpu.sem_alloc : memref<!tpu.dma_semaphore, #tpu.memory_space<semaphore_mem>>
      %dma_start3A = arith.constant 0 : i32
      %dma_start3A_193 = tpu.memref_slice %arg16[%arg1, %run_scoped3A, %dma_start3A] : memref<16x1x10240xf32, #tpu.memory_space<vmem_shared>> -> memref<1x1x10240xf32, #tpu.memory_space<vmem_shared>>
      %dma_start3A_194 = tpu.memref_squeeze %dma_start3A_193 : memref<1x1x10240xf32, #tpu.memory_space<vmem_shared>> -> memref<10240xf32, #tpu.memory_space<vmem_shared>>
      %dma_start3A_195 = arith.constant 0 : i32
      %dma_start3A_196 = tpu.memref_slice %arg16[%arg1, %run_scoped3A, %dma_start3A_195] : memref<16x1x10240xf32, #tpu.memory_space<vmem_shared>> -> memref<1x1x10240xf32, #tpu.memory_space<vmem_shared>>
      %dma_start3A_197 = tpu.memref_squeeze %dma_start3A_196 : memref<1x1x10240xf32, #tpu.memory_space<vmem_shared>> -> memref<10240xf32, #tpu.memory_space<vmem_shared>>
      tpu.enqueue_dma source(%arg13 : memref<10240xf32, #tpu.memory_space<vmem>>) target(%dma_start3A_197 : memref<10240xf32, #tpu.memory_space<vmem_shared>>) target_semaphore(%run_scoped3A_192 : memref<!tpu.dma_semaphore, #tpu.memory_space<semaphore_mem>>)
      %dma_wait3A = arith.constant 0 : i32
      %dma_wait3A_198 = tpu.memref_slice %arg16[%arg1, %run_scoped3A, %dma_wait3A] : memref<16x1x10240xf32, #tpu.memory_space<vmem_shared>> -> memref<1x1x10240xf32, #tpu.memory_space<vmem_shared>>
      %dma_wait3A_199 = tpu.memref_squeeze %dma_wait3A_198 : memref<1x1x10240xf32, #tpu.memory_space<vmem_shared>> -> memref<10240xf32, #tpu.memory_space<vmem_shared>>
      %dma_wait3A_200 = arith.constant 0 : i32
      %dma_wait3A_201 = tpu.memref_slice %arg16[%arg1, %run_scoped3A, %dma_wait3A_200] : memref<16x1x10240xf32, #tpu.memory_space<vmem_shared>> -> memref<1x1x10240xf32, #tpu.memory_space<vmem_shared>>
      %dma_wait3A_202 = tpu.memref_squeeze %dma_wait3A_201 : memref<1x1x10240xf32, #tpu.memory_space<vmem_shared>> -> memref<10240xf32, #tpu.memory_space<vmem_shared>>
      tpu.wait_dma2 semaphore(%run_scoped3A_192 : memref<!tpu.dma_semaphore, #tpu.memory_space<semaphore_mem>>) src(%arg13 : memref<10240xf32, #tpu.memory_space<vmem>>) dst(%dma_wait3A_202 : memref<10240xf32, #tpu.memory_space<vmem_shared>>)
      tpu.yield
    }) : () -> ()
    %barrier3A = arith.constant 0 : index
    tpu.barrier barrier_id(%barrier3A)
    %mul3A_38 = arith.constant 640 : i32
    %mul3A_39 = arith.muli %arg1, %mul3A_38 : i32
    %scan3A_40 = arith.constant 0 : i32
    %scan3A_41 = arith.constant 0 : i32
    %scan3A_42 = arith.constant 40 : i32
    %scan3A_43 = arith.addi %scan3A_41, %scan3A_42 : i32
    %scan3A_44 = arith.constant 1 : i32
    %scan3A_45 = scf.for %scan3A_192 = %scan3A_41 to %scan3A_43 step %scan3A_44 iter_args(%scan3A_193 = %scan3A_40) -> (i32)  : i32 {
      %mul3A_194 = arith.constant 16 : i32
      %mul3A_195 = arith.muli %scan3A_192, %mul3A_194 : i32
      %swap3A = arith.index_cast %mul3A_195 : i32 to index
      %swap3A_196 = tpu.vector_load %arg15[%swap3A] {strides = array<i32>} : memref<640xf32, #tpu.memory_space<vmem>>, vector<16xf32>,
      tpu.vector_store %arg15[%swap3A], %broadcast_in_dim3A_9 {strides = array<i32>} : memref<640xf32, #tpu.memory_space<vmem>>, vector<16xf32>,
      %scan3A_197 = arith.constant 0 : i32
      scf.yield %scan3A_197 : i32
    }
    %scan3A_46 = arith.constant 40 : i32
    %run_scoped3A_47 = arith.constant 0 : i32
    %run_scoped3A_48 = arith.constant 0 : i32
    "tpu.region"() ({
      %run_scoped3A_192 = tpu.sem_alloc : memref<!tpu.dma_semaphore, #tpu.memory_space<semaphore_mem>>
      %dma_start3A = tpu.memref_slice %arg16[%run_scoped3A_47, %run_scoped3A_48, %mul3A_39] : memref<16x1x10240xf32, #tpu.memory_space<vmem_shared>> -> memref<1x1x640xf32, #tpu.memory_space<vmem_shared>>
      %dma_start3A_193 = tpu.memref_squeeze %dma_start3A : memref<1x1x640xf32, #tpu.memory_space<vmem_shared>> -> memref<640xf32, #tpu.memory_space<vmem_shared>>
      %dma_start3A_194 = tpu.memref_slice %arg16[%run_scoped3A_47, %run_scoped3A_48, %mul3A_39] : memref<16x1x10240xf32, #tpu.memory_space<vmem_shared>> -> memref<1x1x640xf32, #tpu.memory_space<vmem_shared>>
      %dma_start3A_195 = tpu.memref_squeeze %dma_start3A_194 : memref<1x1x640xf32, #tpu.memory_space<vmem_shared>> -> memref<640xf32, #tpu.memory_space<vmem_shared>>
      tpu.enqueue_dma source(%dma_start3A_195 : memref<640xf32, #tpu.memory_space<vmem_shared>>) target(%arg14 : memref<640xf32, #tpu.memory_space<vmem>>) target_semaphore(%run_scoped3A_192 : memref<!tpu.dma_semaphore, #tpu.memory_space<semaphore_mem>>)
      %dma_wait3A = tpu.memref_slice %arg16[%run_scoped3A_47, %run_scoped3A_48, %mul3A_39] : memref<16x1x10240xf32, #tpu.memory_space<vmem_shared>> -> memref<1x1x640xf32, #tpu.memory_space<vmem_shared>>
      %dma_wait3A_196 = tpu.memref_squeeze %dma_wait3A : memref<1x1x640xf32, #tpu.memory_space<vmem_shared>> -> memref<640xf32, #tpu.memory_space<vmem_shared>>
      %dma_wait3A_197 = tpu.memref_slice %arg16[%run_scoped3A_47, %run_scoped3A_48, %mul3A_39] : memref<16x1x10240xf32, #tpu.memory_space<vmem_shared>> -> memref<1x1x640xf32, #tpu.memory_space<vmem_shared>>
      %dma_wait3A_198 = tpu.memref_squeeze %dma_wait3A_197 : memref<1x1x640xf32, #tpu.memory_space<vmem_shared>> -> memref<640xf32, #tpu.memory_space<vmem_shared>>
      tpu.wait_dma2 semaphore(%run_scoped3A_192 : memref<!tpu.dma_semaphore, #tpu.memory_space<semaphore_mem>>) src(%dma_wait3A_198 : memref<640xf32, #tpu.memory_space<vmem_shared>>) dst(%arg14 : memref<640xf32, #tpu.memory_space<vmem>>)
      tpu.yield
    }) : () -> ()
    %scan3A_49 = arith.constant 0 : i32
    %scan3A_50 = arith.constant 0 : i32
    %scan3A_51 = arith.constant 40 : i32
    %scan3A_52 = arith.addi %scan3A_50, %scan3A_51 : i32
    %scan3A_53 = arith.constant 1 : i32
    %scan3A_54 = scf.for %scan3A_192 = %scan3A_50 to %scan3A_52 step %scan3A_53 iter_args(%scan3A_193 = %scan3A_49) -> (i32)  : i32 {
      %mul3A_194 = arith.constant 16 : i32
      %mul3A_195 = arith.muli %scan3A_192, %mul3A_194 : i32
      %get3A_196 = arith.index_cast %mul3A_195 : i32 to index
      %get3A_197 = tpu.vector_load %arg15[%get3A_196] {strides = array<i32>} : memref<640xf32, #tpu.memory_space<vmem>>, vector<16xf32>,
      %mul3A_198 = arith.constant 16 : i32
      %mul3A_199 = arith.muli %scan3A_192, %mul3A_198 : i32
      %get3A_200 = arith.index_cast %mul3A_199 : i32 to index
      %get3A_201 = tpu.vector_load %arg14[%get3A_200] {strides = array<i32>} : memref<640xf32, #tpu.memory_space<vmem>>, vector<16xf32>,
      %add3A_202 = arith.addf %get3A_197, %get3A_201 : vector<16xf32>
      %mul3A_203 = arith.constant 16 : i32
      %mul3A_204 = arith.muli %scan3A_192, %mul3A_203 : i32
      %swap3A = arith.index_cast %mul3A_204 : i32 to index
      %swap3A_205 = tpu.vector_load %arg15[%swap3A] {strides = array<i32>} : memref<640xf32, #tpu.memory_space<vmem>>, vector<16xf32>,
      tpu.vector_store %arg15[%swap3A], %add3A_202 {strides = array<i32>} : memref<640xf32, #tpu.memory_space<vmem>>, vector<16xf32>,
      %scan3A_206 = arith.constant 0 : i32
      scf.yield %scan3A_206 : i32
    }
    %scan3A_55 = arith.constant 40 : i32
    %run_scoped3A_56 = arith.constant 1 : i32
    %run_scoped3A_57 = arith.constant 0 : i32
    "tpu.region"() ({
      %run_scoped3A_192 = tpu.sem_alloc : memref<!tpu.dma_semaphore, #tpu.memory_space<semaphore_mem>>
      %dma_start3A = tpu.memref_slice %arg16[%run_scoped3A_56, %run_scoped3A_57, %mul3A_39] : memref<16x1x10240xf32, #tpu.memory_space<vmem_shared>> -> memref<1x1x640xf32, #tpu.memory_space<vmem_shared>>
      %dma_start3A_193 = tpu.memref_squeeze %dma_start3A : memref<1x1x640xf32, #tpu.memory_space<vmem_shared>> -> memref<640xf32, #tpu.memory_space<vmem_shared>>
      %dma_start3A_194 = tpu.memref_slice %arg16[%run_scoped3A_56, %run_scoped3A_57, %mul3A_39] : memref<16x1x10240xf32, #tpu.memory_space<vmem_shared>> -> memref<1x1x640xf32, #tpu.memory_space<vmem_shared>>
      %dma_start3A_195 = tpu.memref_squeeze %dma_start3A_194 : memref<1x1x640xf32, #tpu.memory_space<vmem_shared>> -> memref<640xf32, #tpu.memory_space<vmem_shared>>
      tpu.enqueue_dma source(%dma_start3A_195 : memref<640xf32, #tpu.memory_space<vmem_shared>>) target(%arg14 : memref<640xf32, #tpu.memory_space<vmem>>) target_semaphore(%run_scoped3A_192 : memref<!tpu.dma_semaphore, #tpu.memory_space<semaphore_mem>>)
      %dma_wait3A = tpu.memref_slice %arg16[%run_scoped3A_56, %run_scoped3A_57, %mul3A_39] : memref<16x1x10240xf32, #tpu.memory_space<vmem_shared>> -> memref<1x1x640xf32, #tpu.memory_space<vmem_shared>>
      %dma_wait3A_196 = tpu.memref_squeeze %dma_wait3A : memref<1x1x640xf32, #tpu.memory_space<vmem_shared>> -> memref<640xf32, #tpu.memory_space<vmem_shared>>
      %dma_wait3A_197 = tpu.memref_slice %arg16[%run_scoped3A_56, %run_scoped3A_57, %mul3A_39] : memref<16x1x10240xf32, #tpu.memory_space<vmem_shared>> -> memref<1x1x640xf32, #tpu.memory_space<vmem_shared>>
      %dma_wait3A_198 = tpu.memref_squeeze %dma_wait3A_197 : memref<1x1x640xf32, #tpu.memory_space<vmem_shared>> -> memref<640xf32, #tpu.memory_space<vmem_shared>>
      tpu.wait_dma2 semaphore(%run_scoped3A_192 : memref<!tpu.dma_semaphore, #tpu.memory_space<semaphore_mem>>) src(%dma_wait3A_198 : memref<640xf32, #tpu.memory_space<vmem_shared>>) dst(%arg14 : memref<640xf32, #tpu.memory_space<vmem>>)
      tpu.yield
    }) : () -> ()
    %scan3A_58 = arith.constant 0 : i32
    %scan3A_59 = arith.constant 0 : i32
    %scan3A_60 = arith.constant 40 : i32
    %scan3A_61 = arith.addi %scan3A_59, %scan3A_60 : i32
    %scan3A_62 = arith.constant 1 : i32
    %scan3A_63 = scf.for %scan3A_192 = %scan3A_59 to %scan3A_61 step %scan3A_62 iter_args(%scan3A_193 = %scan3A_58) -> (i32)  : i32 {
      %mul3A_194 = arith.constant 16 : i32
      %mul3A_195 = arith.muli %scan3A_192, %mul3A_194 : i32
      %get3A_196 = arith.index_cast %mul3A_195 : i32 to index
      %get3A_197 = tpu.vector_load %arg15[%get3A_196] {strides = array<i32>} : memref<640xf32, #tpu.memory_space<vmem>>, vector<16xf32>,
      %mul3A_198 = arith.constant 16 : i32
      %mul3A_199 = arith.muli %scan3A_192, %mul3A_198 : i32
      %get3A_200 = arith.index_cast %mul3A_199 : i32 to index
      %get3A_201 = tpu.vector_load %arg14[%get3A_200] {strides = array<i32>} : memref<640xf32, #tpu.memory_space<vmem>>, vector<16xf32>,
      %add3A_202 = arith.addf %get3A_197, %get3A_201 : vector<16xf32>
      %mul3A_203 = arith.constant 16 : i32
      %mul3A_204 = arith.muli %scan3A_192, %mul3A_203 : i32
      %swap3A = arith.index_cast %mul3A_204 : i32 to index
      %swap3A_205 = tpu.vector_load %arg15[%swap3A] {strides = array<i32>} : memref<640xf32, #tpu.memory_space<vmem>>, vector<16xf32>,
      tpu.vector_store %arg15[%swap3A], %add3A_202 {strides = array<i32>} : memref<640xf32, #tpu.memory_space<vmem>>, vector<16xf32>,
      %scan3A_206 = arith.constant 0 : i32
      scf.yield %scan3A_206 : i32
    }
    %scan3A_64 = arith.constant 40 : i32
    %run_scoped3A_65 = arith.constant 2 : i32
    %run_scoped3A_66 = arith.constant 0 : i32
    "tpu.region"() ({
      %run_scoped3A_192 = tpu.sem_alloc : memref<!tpu.dma_semaphore, #tpu.memory_space<semaphore_mem>>
      %dma_start3A = tpu.memref_slice %arg16[%run_scoped3A_65, %run_scoped3A_66, %mul3A_39] : memref<16x1x10240xf32, #tpu.memory_space<vmem_shared>> -> memref<1x1x640xf32, #tpu.memory_space<vmem_shared>>
      %dma_start3A_193 = tpu.memref_squeeze %dma_start3A : memref<1x1x640xf32, #tpu.memory_space<vmem_shared>> -> memref<640xf32, #tpu.memory_space<vmem_shared>>
      %dma_start3A_194 = tpu.memref_slice %arg16[%run_scoped3A_65, %run_scoped3A_66, %mul3A_39] : memref<16x1x10240xf32, #tpu.memory_space<vmem_shared>> -> memref<1x1x640xf32, #tpu.memory_space<vmem_shared>>
      %dma_start3A_195 = tpu.memref_squeeze %dma_start3A_194 : memref<1x1x640xf32, #tpu.memory_space<vmem_shared>> -> memref<640xf32, #tpu.memory_space<vmem_shared>>
      tpu.enqueue_dma source(%dma_start3A_195 : memref<640xf32, #tpu.memory_space<vmem_shared>>) target(%arg14 : memref<640xf32, #tpu.memory_space<vmem>>) target_semaphore(%run_scoped3A_192 : memref<!tpu.dma_semaphore, #tpu.memory_space<semaphore_mem>>)
      %dma_wait3A = tpu.memref_slice %arg16[%run_scoped3A_65, %run_scoped3A_66, %mul3A_39] : memref<16x1x10240xf32, #tpu.memory_space<vmem_shared>> -> memref<1x1x640xf32, #tpu.memory_space<vmem_shared>>
      %dma_wait3A_196 = tpu.memref_squeeze %dma_wait3A : memref<1x1x640xf32, #tpu.memory_space<vmem_shared>> -> memref<640xf32, #tpu.memory_space<vmem_shared>>
      %dma_wait3A_197 = tpu.memref_slice %arg16[%run_scoped3A_65, %run_scoped3A_66, %mul3A_39] : memref<16x1x10240xf32, #tpu.memory_space<vmem_shared>> -> memref<1x1x640xf32, #tpu.memory_space<vmem_shared>>
      %dma_wait3A_198 = tpu.memref_squeeze %dma_wait3A_197 : memref<1x1x640xf32, #tpu.memory_space<vmem_shared>> -> memref<640xf32, #tpu.memory_space<vmem_shared>>
      tpu.wait_dma2 semaphore(%run_scoped3A_192 : memref<!tpu.dma_semaphore, #tpu.memory_space<semaphore_mem>>) src(%dma_wait3A_198 : memref<640xf32, #tpu.memory_space<vmem_shared>>) dst(%arg14 : memref<640xf32, #tpu.memory_space<vmem>>)
      tpu.yield
    }) : () -> ()
    %scan3A_67 = arith.constant 0 : i32
    %scan3A_68 = arith.constant 0 : i32
    %scan3A_69 = arith.constant 40 : i32
    %scan3A_70 = arith.addi %scan3A_68, %scan3A_69 : i32
    %scan3A_71 = arith.constant 1 : i32
    %scan3A_72 = scf.for %scan3A_192 = %scan3A_68 to %scan3A_70 step %scan3A_71 iter_args(%scan3A_193 = %scan3A_67) -> (i32)  : i32 {
      %mul3A_194 = arith.constant 16 : i32
      %mul3A_195 = arith.muli %scan3A_192, %mul3A_194 : i32
      %get3A_196 = arith.index_cast %mul3A_195 : i32 to index
      %get3A_197 = tpu.vector_load %arg15[%get3A_196] {strides = array<i32>} : memref<640xf32, #tpu.memory_space<vmem>>, vector<16xf32>,
      %mul3A_198 = arith.constant 16 : i32
      %mul3A_199 = arith.muli %scan3A_192, %mul3A_198 : i32
      %get3A_200 = arith.index_cast %mul3A_199 : i32 to index
      %get3A_201 = tpu.vector_load %arg14[%get3A_200] {strides = array<i32>} : memref<640xf32, #tpu.memory_space<vmem>>, vector<16xf32>,
      %add3A_202 = arith.addf %get3A_197, %get3A_201 : vector<16xf32>
      %mul3A_203 = arith.constant 16 : i32
      %mul3A_204 = arith.muli %scan3A_192, %mul3A_203 : i32
      %swap3A = arith.index_cast %mul3A_204 : i32 to index
      %swap3A_205 = tpu.vector_load %arg15[%swap3A] {strides = array<i32>} : memref<640xf32, #tpu.memory_space<vmem>>, vector<16xf32>,
      tpu.vector_store %arg15[%swap3A], %add3A_202 {strides = array<i32>} : memref<640xf32, #tpu.memory_space<vmem>>, vector<16xf32>,
      %scan3A_206 = arith.constant 0 : i32
      scf.yield %scan3A_206 : i32
    }
    %scan3A_73 = arith.constant 40 : i32
    %run_scoped3A_74 = arith.constant 3 : i32
    %run_scoped3A_75 = arith.constant 0 : i32
    "tpu.region"() ({
      %run_scoped3A_192 = tpu.sem_alloc : memref<!tpu.dma_semaphore, #tpu.memory_space<semaphore_mem>>
      %dma_start3A = tpu.memref_slice %arg16[%run_scoped3A_74, %run_scoped3A_75, %mul3A_39] : memref<16x1x10240xf32, #tpu.memory_space<vmem_shared>> -> memref<1x1x640xf32, #tpu.memory_space<vmem_shared>>
      %dma_start3A_193 = tpu.memref_squeeze %dma_start3A : memref<1x1x640xf32, #tpu.memory_space<vmem_shared>> -> memref<640xf32, #tpu.memory_space<vmem_shared>>
      %dma_start3A_194 = tpu.memref_slice %arg16[%run_scoped3A_74, %run_scoped3A_75, %mul3A_39] : memref<16x1x10240xf32, #tpu.memory_space<vmem_shared>> -> memref<1x1x640xf32, #tpu.memory_space<vmem_shared>>
      %dma_start3A_195 = tpu.memref_squeeze %dma_start3A_194 : memref<1x1x640xf32, #tpu.memory_space<vmem_shared>> -> memref<640xf32, #tpu.memory_space<vmem_shared>>
      tpu.enqueue_dma source(%dma_start3A_195 : memref<640xf32, #tpu.memory_space<vmem_shared>>) target(%arg14 : memref<640xf32, #tpu.memory_space<vmem>>) target_semaphore(%run_scoped3A_192 : memref<!tpu.dma_semaphore, #tpu.memory_space<semaphore_mem>>)
      %dma_wait3A = tpu.memref_slice %arg16[%run_scoped3A_74, %run_scoped3A_75, %mul3A_39] : memref<16x1x10240xf32, #tpu.memory_space<vmem_shared>> -> memref<1x1x640xf32, #tpu.memory_space<vmem_shared>>
      %dma_wait3A_196 = tpu.memref_squeeze %dma_wait3A : memref<1x1x640xf32, #tpu.memory_space<vmem_shared>> -> memref<640xf32, #tpu.memory_space<vmem_shared>>
      %dma_wait3A_197 = tpu.memref_slice %arg16[%run_scoped3A_74, %run_scoped3A_75, %mul3A_39] : memref<16x1x10240xf32, #tpu.memory_space<vmem_shared>> -> memref<1x1x640xf32, #tpu.memory_space<vmem_shared>>
      %dma_wait3A_198 = tpu.memref_squeeze %dma_wait3A_197 : memref<1x1x640xf32, #tpu.memory_space<vmem_shared>> -> memref<640xf32, #tpu.memory_space<vmem_shared>>
      tpu.wait_dma2 semaphore(%run_scoped3A_192 : memref<!tpu.dma_semaphore, #tpu.memory_space<semaphore_mem>>) src(%dma_wait3A_198 : memref<640xf32, #tpu.memory_space<vmem_shared>>) dst(%arg14 : memref<640xf32, #tpu.memory_space<vmem>>)
      tpu.yield
    }) : () -> ()
    %scan3A_76 = arith.constant 0 : i32
    %scan3A_77 = arith.constant 0 : i32
    %scan3A_78 = arith.constant 40 : i32
    %scan3A_79 = arith.addi %scan3A_77, %scan3A_78 : i32
    %scan3A_80 = arith.constant 1 : i32
    %scan3A_81 = scf.for %scan3A_192 = %scan3A_77 to %scan3A_79 step %scan3A_80 iter_args(%scan3A_193 = %scan3A_76) -> (i32)  : i32 {
      %mul3A_194 = arith.constant 16 : i32
      %mul3A_195 = arith.muli %scan3A_192, %mul3A_194 : i32
      %get3A_196 = arith.index_cast %mul3A_195 : i32 to index
      %get3A_197 = tpu.vector_load %arg15[%get3A_196] {strides = array<i32>} : memref<640xf32, #tpu.memory_space<vmem>>, vector<16xf32>,
      %mul3A_198 = arith.constant 16 : i32
      %mul3A_199 = arith.muli %scan3A_192, %mul3A_198 : i32
      %get3A_200 = arith.index_cast %mul3A_199 : i32 to index
      %get3A_201 = tpu.vector_load %arg14[%get3A_200] {strides = array<i32>} : memref<640xf32, #tpu.memory_space<vmem>>, vector<16xf32>,
      %add3A_202 = arith.addf %get3A_197, %get3A_201 : vector<16xf32>
      %mul3A_203 = arith.constant 16 : i32
      %mul3A_204 = arith.muli %scan3A_192, %mul3A_203 : i32
      %swap3A = arith.index_cast %mul3A_204 : i32 to index
      %swap3A_205 = tpu.vector_load %arg15[%swap3A] {strides = array<i32>} : memref<640xf32, #tpu.memory_space<vmem>>, vector<16xf32>,
      tpu.vector_store %arg15[%swap3A], %add3A_202 {strides = array<i32>} : memref<640xf32, #tpu.memory_space<vmem>>, vector<16xf32>,
      %scan3A_206 = arith.constant 0 : i32
      scf.yield %scan3A_206 : i32
    }
    %scan3A_82 = arith.constant 40 : i32
    %run_scoped3A_83 = arith.constant 4 : i32
    %run_scoped3A_84 = arith.constant 0 : i32
    "tpu.region"() ({
      %run_scoped3A_192 = tpu.sem_alloc : memref<!tpu.dma_semaphore, #tpu.memory_space<semaphore_mem>>
      %dma_start3A = tpu.memref_slice %arg16[%run_scoped3A_83, %run_scoped3A_84, %mul3A_39] : memref<16x1x10240xf32, #tpu.memory_space<vmem_shared>> -> memref<1x1x640xf32, #tpu.memory_space<vmem_shared>>
      %dma_start3A_193 = tpu.memref_squeeze %dma_start3A : memref<1x1x640xf32, #tpu.memory_space<vmem_shared>> -> memref<640xf32, #tpu.memory_space<vmem_shared>>
      %dma_start3A_194 = tpu.memref_slice %arg16[%run_scoped3A_83, %run_scoped3A_84, %mul3A_39] : memref<16x1x10240xf32, #tpu.memory_space<vmem_shared>> -> memref<1x1x640xf32, #tpu.memory_space<vmem_shared>>
      %dma_start3A_195 = tpu.memref_squeeze %dma_start3A_194 : memref<1x1x640xf32, #tpu.memory_space<vmem_shared>> -> memref<640xf32, #tpu.memory_space<vmem_shared>>
      tpu.enqueue_dma source(%dma_start3A_195 : memref<640xf32, #tpu.memory_space<vmem_shared>>) target(%arg14 : memref<640xf32, #tpu.memory_space<vmem>>) target_semaphore(%run_scoped3A_192 : memref<!tpu.dma_semaphore, #tpu.memory_space<semaphore_mem>>)
      %dma_wait3A = tpu.memref_slice %arg16[%run_scoped3A_83, %run_scoped3A_84, %mul3A_39] : memref<16x1x10240xf32, #tpu.memory_space<vmem_shared>> -> memref<1x1x640xf32, #tpu.memory_space<vmem_shared>>
      %dma_wait3A_196 = tpu.memref_squeeze %dma_wait3A : memref<1x1x640xf32, #tpu.memory_space<vmem_shared>> -> memref<640xf32, #tpu.memory_space<vmem_shared>>
      %dma_wait3A_197 = tpu.memref_slice %arg16[%run_scoped3A_83, %run_scoped3A_84, %mul3A_39] : memref<16x1x10240xf32, #tpu.memory_space<vmem_shared>> -> memref<1x1x640xf32, #tpu.memory_space<vmem_shared>>
      %dma_wait3A_198 = tpu.memref_squeeze %dma_wait3A_197 : memref<1x1x640xf32, #tpu.memory_space<vmem_shared>> -> memref<640xf32, #tpu.memory_space<vmem_shared>>
      tpu.wait_dma2 semaphore(%run_scoped3A_192 : memref<!tpu.dma_semaphore, #tpu.memory_space<semaphore_mem>>) src(%dma_wait3A_198 : memref<640xf32, #tpu.memory_space<vmem_shared>>) dst(%arg14 : memref<640xf32, #tpu.memory_space<vmem>>)
      tpu.yield
    }) : () -> ()
    %scan3A_85 = arith.constant 0 : i32
    %scan3A_86 = arith.constant 0 : i32
    %scan3A_87 = arith.constant 40 : i32
    %scan3A_88 = arith.addi %scan3A_86, %scan3A_87 : i32
    %scan3A_89 = arith.constant 1 : i32
    %scan3A_90 = scf.for %scan3A_192 = %scan3A_86 to %scan3A_88 step %scan3A_89 iter_args(%scan3A_193 = %scan3A_85) -> (i32)  : i32 {
      %mul3A_194 = arith.constant 16 : i32
      %mul3A_195 = arith.muli %scan3A_192, %mul3A_194 : i32
      %get3A_196 = arith.index_cast %mul3A_195 : i32 to index
      %get3A_197 = tpu.vector_load %arg15[%get3A_196] {strides = array<i32>} : memref<640xf32, #tpu.memory_space<vmem>>, vector<16xf32>,
      %mul3A_198 = arith.constant 16 : i32
      %mul3A_199 = arith.muli %scan3A_192, %mul3A_198 : i32
      %get3A_200 = arith.index_cast %mul3A_199 : i32 to index
      %get3A_201 = tpu.vector_load %arg14[%get3A_200] {strides = array<i32>} : memref<640xf32, #tpu.memory_space<vmem>>, vector<16xf32>,
      %add3A_202 = arith.addf %get3A_197, %get3A_201 : vector<16xf32>
      %mul3A_203 = arith.constant 16 : i32
      %mul3A_204 = arith.muli %scan3A_192, %mul3A_203 : i32
      %swap3A = arith.index_cast %mul3A_204 : i32 to index
      %swap3A_205 = tpu.vector_load %arg15[%swap3A] {strides = array<i32>} : memref<640xf32, #tpu.memory_space<vmem>>, vector<16xf32>,
      tpu.vector_store %arg15[%swap3A], %add3A_202 {strides = array<i32>} : memref<640xf32, #tpu.memory_space<vmem>>, vector<16xf32>,
      %scan3A_206 = arith.constant 0 : i32
      scf.yield %scan3A_206 : i32
    }
    %scan3A_91 = arith.constant 40 : i32
    %run_scoped3A_92 = arith.constant 5 : i32
    %run_scoped3A_93 = arith.constant 0 : i32
    "tpu.region"() ({
      %run_scoped3A_192 = tpu.sem_alloc : memref<!tpu.dma_semaphore, #tpu.memory_space<semaphore_mem>>
      %dma_start3A = tpu.memref_slice %arg16[%run_scoped3A_92, %run_scoped3A_93, %mul3A_39] : memref<16x1x10240xf32, #tpu.memory_space<vmem_shared>> -> memref<1x1x640xf32, #tpu.memory_space<vmem_shared>>
      %dma_start3A_193 = tpu.memref_squeeze %dma_start3A : memref<1x1x640xf32, #tpu.memory_space<vmem_shared>> -> memref<640xf32, #tpu.memory_space<vmem_shared>>
      %dma_start3A_194 = tpu.memref_slice %arg16[%run_scoped3A_92, %run_scoped3A_93, %mul3A_39] : memref<16x1x10240xf32, #tpu.memory_space<vmem_shared>> -> memref<1x1x640xf32, #tpu.memory_space<vmem_shared>>
      %dma_start3A_195 = tpu.memref_squeeze %dma_start3A_194 : memref<1x1x640xf32, #tpu.memory_space<vmem_shared>> -> memref<640xf32, #tpu.memory_space<vmem_shared>>
      tpu.enqueue_dma source(%dma_start3A_195 : memref<640xf32, #tpu.memory_space<vmem_shared>>) target(%arg14 : memref<640xf32, #tpu.memory_space<vmem>>) target_semaphore(%run_scoped3A_192 : memref<!tpu.dma_semaphore, #tpu.memory_space<semaphore_mem>>)
      %dma_wait3A = tpu.memref_slice %arg16[%run_scoped3A_92, %run_scoped3A_93, %mul3A_39] : memref<16x1x10240xf32, #tpu.memory_space<vmem_shared>> -> memref<1x1x640xf32, #tpu.memory_space<vmem_shared>>
      %dma_wait3A_196 = tpu.memref_squeeze %dma_wait3A : memref<1x1x640xf32, #tpu.memory_space<vmem_shared>> -> memref<640xf32, #tpu.memory_space<vmem_shared>>
      %dma_wait3A_197 = tpu.memref_slice %arg16[%run_scoped3A_92, %run_scoped3A_93, %mul3A_39] : memref<16x1x10240xf32, #tpu.memory_space<vmem_shared>> -> memref<1x1x640xf32, #tpu.memory_space<vmem_shared>>
      %dma_wait3A_198 = tpu.memref_squeeze %dma_wait3A_197 : memref<1x1x640xf32, #tpu.memory_space<vmem_shared>> -> memref<640xf32, #tpu.memory_space<vmem_shared>>
      tpu.wait_dma2 semaphore(%run_scoped3A_192 : memref<!tpu.dma_semaphore, #tpu.memory_space<semaphore_mem>>) src(%dma_wait3A_198 : memref<640xf32, #tpu.memory_space<vmem_shared>>) dst(%arg14 : memref<640xf32, #tpu.memory_space<vmem>>)
      tpu.yield
    }) : () -> ()
    %scan3A_94 = arith.constant 0 : i32
    %scan3A_95 = arith.constant 0 : i32
    %scan3A_96 = arith.constant 40 : i32
    %scan3A_97 = arith.addi %scan3A_95, %scan3A_96 : i32
    %scan3A_98 = arith.constant 1 : i32
    %scan3A_99 = scf.for %scan3A_192 = %scan3A_95 to %scan3A_97 step %scan3A_98 iter_args(%scan3A_193 = %scan3A_94) -> (i32)  : i32 {
      %mul3A_194 = arith.constant 16 : i32
      %mul3A_195 = arith.muli %scan3A_192, %mul3A_194 : i32
      %get3A_196 = arith.index_cast %mul3A_195 : i32 to index
      %get3A_197 = tpu.vector_load %arg15[%get3A_196] {strides = array<i32>} : memref<640xf32, #tpu.memory_space<vmem>>, vector<16xf32>,
      %mul3A_198 = arith.constant 16 : i32
      %mul3A_199 = arith.muli %scan3A_192, %mul3A_198 : i32
      %get3A_200 = arith.index_cast %mul3A_199 : i32 to index
      %get3A_201 = tpu.vector_load %arg14[%get3A_200] {strides = array<i32>} : memref<640xf32, #tpu.memory_space<vmem>>, vector<16xf32>,
      %add3A_202 = arith.addf %get3A_197, %get3A_201 : vector<16xf32>
      %mul3A_203 = arith.constant 16 : i32
      %mul3A_204 = arith.muli %scan3A_192, %mul3A_203 : i32
      %swap3A = arith.index_cast %mul3A_204 : i32 to index
      %swap3A_205 = tpu.vector_load %arg15[%swap3A] {strides = array<i32>} : memref<640xf32, #tpu.memory_space<vmem>>, vector<16xf32>,
      tpu.vector_store %arg15[%swap3A], %add3A_202 {strides = array<i32>} : memref<640xf32, #tpu.memory_space<vmem>>, vector<16xf32>,
      %scan3A_206 = arith.constant 0 : i32
      scf.yield %scan3A_206 : i32
    }
    %scan3A_100 = arith.constant 40 : i32
    %run_scoped3A_101 = arith.constant 6 : i32
    %run_scoped3A_102 = arith.constant 0 : i32
    "tpu.region"() ({
      %run_scoped3A_192 = tpu.sem_alloc : memref<!tpu.dma_semaphore, #tpu.memory_space<semaphore_mem>>
      %dma_start3A = tpu.memref_slice %arg16[%run_scoped3A_101, %run_scoped3A_102, %mul3A_39] : memref<16x1x10240xf32, #tpu.memory_space<vmem_shared>> -> memref<1x1x640xf32, #tpu.memory_space<vmem_shared>>
      %dma_start3A_193 = tpu.memref_squeeze %dma_start3A : memref<1x1x640xf32, #tpu.memory_space<vmem_shared>> -> memref<640xf32, #tpu.memory_space<vmem_shared>>
      %dma_start3A_194 = tpu.memref_slice %arg16[%run_scoped3A_101, %run_scoped3A_102, %mul3A_39] : memref<16x1x10240xf32, #tpu.memory_space<vmem_shared>> -> memref<1x1x640xf32, #tpu.memory_space<vmem_shared>>
      %dma_start3A_195 = tpu.memref_squeeze %dma_start3A_194 : memref<1x1x640xf32, #tpu.memory_space<vmem_shared>> -> memref<640xf32, #tpu.memory_space<vmem_shared>>
      tpu.enqueue_dma source(%dma_start3A_195 : memref<640xf32, #tpu.memory_space<vmem_shared>>) target(%arg14 : memref<640xf32, #tpu.memory_space<vmem>>) target_semaphore(%run_scoped3A_192 : memref<!tpu.dma_semaphore, #tpu.memory_space<semaphore_mem>>)
      %dma_wait3A = tpu.memref_slice %arg16[%run_scoped3A_101, %run_scoped3A_102, %mul3A_39] : memref<16x1x10240xf32, #tpu.memory_space<vmem_shared>> -> memref<1x1x640xf32, #tpu.memory_space<vmem_shared>>
      %dma_wait3A_196 = tpu.memref_squeeze %dma_wait3A : memref<1x1x640xf32, #tpu.memory_space<vmem_shared>> -> memref<640xf32, #tpu.memory_space<vmem_shared>>
      %dma_wait3A_197 = tpu.memref_slice %arg16[%run_scoped3A_101, %run_scoped3A_102, %mul3A_39] : memref<16x1x10240xf32, #tpu.memory_space<vmem_shared>> -> memref<1x1x640xf32, #tpu.memory_space<vmem_shared>>
      %dma_wait3A_198 = tpu.memref_squeeze %dma_wait3A_197 : memref<1x1x640xf32, #tpu.memory_space<vmem_shared>> -> memref<640xf32, #tpu.memory_space<vmem_shared>>
      tpu.wait_dma2 semaphore(%run_scoped3A_192 : memref<!tpu.dma_semaphore, #tpu.memory_space<semaphore_mem>>) src(%dma_wait3A_198 : memref<640xf32, #tpu.memory_space<vmem_shared>>) dst(%arg14 : memref<640xf32, #tpu.memory_space<vmem>>)
      tpu.yield
    }) : () -> ()
    %scan3A_103 = arith.constant 0 : i32
    %scan3A_104 = arith.constant 0 : i32
    %scan3A_105 = arith.constant 40 : i32
    %scan3A_106 = arith.addi %scan3A_104, %scan3A_105 : i32
    %scan3A_107 = arith.constant 1 : i32
    %scan3A_108 = scf.for %scan3A_192 = %scan3A_104 to %scan3A_106 step %scan3A_107 iter_args(%scan3A_193 = %scan3A_103) -> (i32)  : i32 {
      %mul3A_194 = arith.constant 16 : i32
      %mul3A_195 = arith.muli %scan3A_192, %mul3A_194 : i32
      %get3A_196 = arith.index_cast %mul3A_195 : i32 to index
      %get3A_197 = tpu.vector_load %arg15[%get3A_196] {strides = array<i32>} : memref<640xf32, #tpu.memory_space<vmem>>, vector<16xf32>,
      %mul3A_198 = arith.constant 16 : i32
      %mul3A_199 = arith.muli %scan3A_192, %mul3A_198 : i32
      %get3A_200 = arith.index_cast %mul3A_199 : i32 to index
      %get3A_201 = tpu.vector_load %arg14[%get3A_200] {strides = array<i32>} : memref<640xf32, #tpu.memory_space<vmem>>, vector<16xf32>,
      %add3A_202 = arith.addf %get3A_197, %get3A_201 : vector<16xf32>
      %mul3A_203 = arith.constant 16 : i32
      %mul3A_204 = arith.muli %scan3A_192, %mul3A_203 : i32
      %swap3A = arith.index_cast %mul3A_204 : i32 to index
      %swap3A_205 = tpu.vector_load %arg15[%swap3A] {strides = array<i32>} : memref<640xf32, #tpu.memory_space<vmem>>, vector<16xf32>,
      tpu.vector_store %arg15[%swap3A], %add3A_202 {strides = array<i32>} : memref<640xf32, #tpu.memory_space<vmem>>, vector<16xf32>,
      %scan3A_206 = arith.constant 0 : i32
      scf.yield %scan3A_206 : i32
    }
    %scan3A_109 = arith.constant 40 : i32
    %run_scoped3A_110 = arith.constant 7 : i32
    %run_scoped3A_111 = arith.constant 0 : i32
    "tpu.region"() ({
      %run_scoped3A_192 = tpu.sem_alloc : memref<!tpu.dma_semaphore, #tpu.memory_space<semaphore_mem>>
      %dma_start3A = tpu.memref_slice %arg16[%run_scoped3A_110, %run_scoped3A_111, %mul3A_39] : memref<16x1x10240xf32, #tpu.memory_space<vmem_shared>> -> memref<1x1x640xf32, #tpu.memory_space<vmem_shared>>
      %dma_start3A_193 = tpu.memref_squeeze %dma_start3A : memref<1x1x640xf32, #tpu.memory_space<vmem_shared>> -> memref<640xf32, #tpu.memory_space<vmem_shared>>
      %dma_start3A_194 = tpu.memref_slice %arg16[%run_scoped3A_110, %run_scoped3A_111, %mul3A_39] : memref<16x1x10240xf32, #tpu.memory_space<vmem_shared>> -> memref<1x1x640xf32, #tpu.memory_space<vmem_shared>>
      %dma_start3A_195 = tpu.memref_squeeze %dma_start3A_194 : memref<1x1x640xf32, #tpu.memory_space<vmem_shared>> -> memref<640xf32, #tpu.memory_space<vmem_shared>>
      tpu.enqueue_dma source(%dma_start3A_195 : memref<640xf32, #tpu.memory_space<vmem_shared>>) target(%arg14 : memref<640xf32, #tpu.memory_space<vmem>>) target_semaphore(%run_scoped3A_192 : memref<!tpu.dma_semaphore, #tpu.memory_space<semaphore_mem>>)
      %dma_wait3A = tpu.memref_slice %arg16[%run_scoped3A_110, %run_scoped3A_111, %mul3A_39] : memref<16x1x10240xf32, #tpu.memory_space<vmem_shared>> -> memref<1x1x640xf32, #tpu.memory_space<vmem_shared>>
      %dma_wait3A_196 = tpu.memref_squeeze %dma_wait3A : memref<1x1x640xf32, #tpu.memory_space<vmem_shared>> -> memref<640xf32, #tpu.memory_space<vmem_shared>>
      %dma_wait3A_197 = tpu.memref_slice %arg16[%run_scoped3A_110, %run_scoped3A_111, %mul3A_39] : memref<16x1x10240xf32, #tpu.memory_space<vmem_shared>> -> memref<1x1x640xf32, #tpu.memory_space<vmem_shared>>
      %dma_wait3A_198 = tpu.memref_squeeze %dma_wait3A_197 : memref<1x1x640xf32, #tpu.memory_space<vmem_shared>> -> memref<640xf32, #tpu.memory_space<vmem_shared>>
      tpu.wait_dma2 semaphore(%run_scoped3A_192 : memref<!tpu.dma_semaphore, #tpu.memory_space<semaphore_mem>>) src(%dma_wait3A_198 : memref<640xf32, #tpu.memory_space<vmem_shared>>) dst(%arg14 : memref<640xf32, #tpu.memory_space<vmem>>)
      tpu.yield
    }) : () -> ()
    %scan3A_112 = arith.constant 0 : i32
    %scan3A_113 = arith.constant 0 : i32
    %scan3A_114 = arith.constant 40 : i32
    %scan3A_115 = arith.addi %scan3A_113, %scan3A_114 : i32
    %scan3A_116 = arith.constant 1 : i32
    %scan3A_117 = scf.for %scan3A_192 = %scan3A_113 to %scan3A_115 step %scan3A_116 iter_args(%scan3A_193 = %scan3A_112) -> (i32)  : i32 {
      %mul3A_194 = arith.constant 16 : i32
      %mul3A_195 = arith.muli %scan3A_192, %mul3A_194 : i32
      %get3A_196 = arith.index_cast %mul3A_195 : i32 to index
      %get3A_197 = tpu.vector_load %arg15[%get3A_196] {strides = array<i32>} : memref<640xf32, #tpu.memory_space<vmem>>, vector<16xf32>,
      %mul3A_198 = arith.constant 16 : i32
      %mul3A_199 = arith.muli %scan3A_192, %mul3A_198 : i32
      %get3A_200 = arith.index_cast %mul3A_199 : i32 to index
      %get3A_201 = tpu.vector_load %arg14[%get3A_200] {strides = array<i32>} : memref<640xf32, #tpu.memory_space<vmem>>, vector<16xf32>,
      %add3A_202 = arith.addf %get3A_197, %get3A_201 : vector<16xf32>
      %mul3A_203 = arith.constant 16 : i32
      %mul3A_204 = arith.muli %scan3A_192, %mul3A_203 : i32
      %swap3A = arith.index_cast %mul3A_204 : i32 to index
      %swap3A_205 = tpu.vector_load %arg15[%swap3A] {strides = array<i32>} : memref<640xf32, #tpu.memory_space<vmem>>, vector<16xf32>,
      tpu.vector_store %arg15[%swap3A], %add3A_202 {strides = array<i32>} : memref<640xf32, #tpu.memory_space<vmem>>, vector<16xf32>,
      %scan3A_206 = arith.constant 0 : i32
      scf.yield %scan3A_206 : i32
    }
    %scan3A_118 = arith.constant 40 : i32
    %run_scoped3A_119 = arith.constant 8 : i32
    %run_scoped3A_120 = arith.constant 0 : i32
    "tpu.region"() ({
      %run_scoped3A_192 = tpu.sem_alloc : memref<!tpu.dma_semaphore, #tpu.memory_space<semaphore_mem>>
      %dma_start3A = tpu.memref_slice %arg16[%run_scoped3A_119, %run_scoped3A_120, %mul3A_39] : memref<16x1x10240xf32, #tpu.memory_space<vmem_shared>> -> memref<1x1x640xf32, #tpu.memory_space<vmem_shared>>
      %dma_start3A_193 = tpu.memref_squeeze %dma_start3A : memref<1x1x640xf32, #tpu.memory_space<vmem_shared>> -> memref<640xf32, #tpu.memory_space<vmem_shared>>
      %dma_start3A_194 = tpu.memref_slice %arg16[%run_scoped3A_119, %run_scoped3A_120, %mul3A_39] : memref<16x1x10240xf32, #tpu.memory_space<vmem_shared>> -> memref<1x1x640xf32, #tpu.memory_space<vmem_shared>>
      %dma_start3A_195 = tpu.memref_squeeze %dma_start3A_194 : memref<1x1x640xf32, #tpu.memory_space<vmem_shared>> -> memref<640xf32, #tpu.memory_space<vmem_shared>>
      tpu.enqueue_dma source(%dma_start3A_195 : memref<640xf32, #tpu.memory_space<vmem_shared>>) target(%arg14 : memref<640xf32, #tpu.memory_space<vmem>>) target_semaphore(%run_scoped3A_192 : memref<!tpu.dma_semaphore, #tpu.memory_space<semaphore_mem>>)
      %dma_wait3A = tpu.memref_slice %arg16[%run_scoped3A_119, %run_scoped3A_120, %mul3A_39] : memref<16x1x10240xf32, #tpu.memory_space<vmem_shared>> -> memref<1x1x640xf32, #tpu.memory_space<vmem_shared>>
      %dma_wait3A_196 = tpu.memref_squeeze %dma_wait3A : memref<1x1x640xf32, #tpu.memory_space<vmem_shared>> -> memref<640xf32, #tpu.memory_space<vmem_shared>>
      %dma_wait3A_197 = tpu.memref_slice %arg16[%run_scoped3A_119, %run_scoped3A_120, %mul3A_39] : memref<16x1x10240xf32, #tpu.memory_space<vmem_shared>> -> memref<1x1x640xf32, #tpu.memory_space<vmem_shared>>
      %dma_wait3A_198 = tpu.memref_squeeze %dma_wait3A_197 : memref<1x1x640xf32, #tpu.memory_space<vmem_shared>> -> memref<640xf32, #tpu.memory_space<vmem_shared>>
      tpu.wait_dma2 semaphore(%run_scoped3A_192 : memref<!tpu.dma_semaphore, #tpu.memory_space<semaphore_mem>>) src(%dma_wait3A_198 : memref<640xf32, #tpu.memory_space<vmem_shared>>) dst(%arg14 : memref<640xf32, #tpu.memory_space<vmem>>)
      tpu.yield
    }) : () -> ()
    %scan3A_121 = arith.constant 0 : i32
    %scan3A_122 = arith.constant 0 : i32
    %scan3A_123 = arith.constant 40 : i32
    %scan3A_124 = arith.addi %scan3A_122, %scan3A_123 : i32
    %scan3A_125 = arith.constant 1 : i32
    %scan3A_126 = scf.for %scan3A_192 = %scan3A_122 to %scan3A_124 step %scan3A_125 iter_args(%scan3A_193 = %scan3A_121) -> (i32)  : i32 {
      %mul3A_194 = arith.constant 16 : i32
      %mul3A_195 = arith.muli %scan3A_192, %mul3A_194 : i32
      %get3A_196 = arith.index_cast %mul3A_195 : i32 to index
      %get3A_197 = tpu.vector_load %arg15[%get3A_196] {strides = array<i32>} : memref<640xf32, #tpu.memory_space<vmem>>, vector<16xf32>,
      %mul3A_198 = arith.constant 16 : i32
      %mul3A_199 = arith.muli %scan3A_192, %mul3A_198 : i32
      %get3A_200 = arith.index_cast %mul3A_199 : i32 to index
      %get3A_201 = tpu.vector_load %arg14[%get3A_200] {strides = array<i32>} : memref<640xf32, #tpu.memory_space<vmem>>, vector<16xf32>,
      %add3A_202 = arith.addf %get3A_197, %get3A_201 : vector<16xf32>
      %mul3A_203 = arith.constant 16 : i32
      %mul3A_204 = arith.muli %scan3A_192, %mul3A_203 : i32
      %swap3A = arith.index_cast %mul3A_204 : i32 to index
      %swap3A_205 = tpu.vector_load %arg15[%swap3A] {strides = array<i32>} : memref<640xf32, #tpu.memory_space<vmem>>, vector<16xf32>,
      tpu.vector_store %arg15[%swap3A], %add3A_202 {strides = array<i32>} : memref<640xf32, #tpu.memory_space<vmem>>, vector<16xf32>,
      %scan3A_206 = arith.constant 0 : i32
      scf.yield %scan3A_206 : i32
    }
    %scan3A_127 = arith.constant 40 : i32
    %run_scoped3A_128 = arith.constant 9 : i32
    %run_scoped3A_129 = arith.constant 0 : i32
    "tpu.region"() ({
      %run_scoped3A_192 = tpu.sem_alloc : memref<!tpu.dma_semaphore, #tpu.memory_space<semaphore_mem>>
      %dma_start3A = tpu.memref_slice %arg16[%run_scoped3A_128, %run_scoped3A_129, %mul3A_39] : memref<16x1x10240xf32, #tpu.memory_space<vmem_shared>> -> memref<1x1x640xf32, #tpu.memory_space<vmem_shared>>
      %dma_start3A_193 = tpu.memref_squeeze %dma_start3A : memref<1x1x640xf32, #tpu.memory_space<vmem_shared>> -> memref<640xf32, #tpu.memory_space<vmem_shared>>
      %dma_start3A_194 = tpu.memref_slice %arg16[%run_scoped3A_128, %run_scoped3A_129, %mul3A_39] : memref<16x1x10240xf32, #tpu.memory_space<vmem_shared>> -> memref<1x1x640xf32, #tpu.memory_space<vmem_shared>>
      %dma_start3A_195 = tpu.memref_squeeze %dma_start3A_194 : memref<1x1x640xf32, #tpu.memory_space<vmem_shared>> -> memref<640xf32, #tpu.memory_space<vmem_shared>>
      tpu.enqueue_dma source(%dma_start3A_195 : memref<640xf32, #tpu.memory_space<vmem_shared>>) target(%arg14 : memref<640xf32, #tpu.memory_space<vmem>>) target_semaphore(%run_scoped3A_192 : memref<!tpu.dma_semaphore, #tpu.memory_space<semaphore_mem>>)
      %dma_wait3A = tpu.memref_slice %arg16[%run_scoped3A_128, %run_scoped3A_129, %mul3A_39] : memref<16x1x10240xf32, #tpu.memory_space<vmem_shared>> -> memref<1x1x640xf32, #tpu.memory_space<vmem_shared>>
      %dma_wait3A_196 = tpu.memref_squeeze %dma_wait3A : memref<1x1x640xf32, #tpu.memory_space<vmem_shared>> -> memref<640xf32, #tpu.memory_space<vmem_shared>>
      %dma_wait3A_197 = tpu.memref_slice %arg16[%run_scoped3A_128, %run_scoped3A_129, %mul3A_39] : memref<16x1x10240xf32, #tpu.memory_space<vmem_shared>> -> memref<1x1x640xf32, #tpu.memory_space<vmem_shared>>
      %dma_wait3A_198 = tpu.memref_squeeze %dma_wait3A_197 : memref<1x1x640xf32, #tpu.memory_space<vmem_shared>> -> memref<640xf32, #tpu.memory_space<vmem_shared>>
      tpu.wait_dma2 semaphore(%run_scoped3A_192 : memref<!tpu.dma_semaphore, #tpu.memory_space<semaphore_mem>>) src(%dma_wait3A_198 : memref<640xf32, #tpu.memory_space<vmem_shared>>) dst(%arg14 : memref<640xf32, #tpu.memory_space<vmem>>)
      tpu.yield
    }) : () -> ()
    %scan3A_130 = arith.constant 0 : i32
    %scan3A_131 = arith.constant 0 : i32
    %scan3A_132 = arith.constant 40 : i32
    %scan3A_133 = arith.addi %scan3A_131, %scan3A_132 : i32
    %scan3A_134 = arith.constant 1 : i32
    %scan3A_135 = scf.for %scan3A_192 = %scan3A_131 to %scan3A_133 step %scan3A_134 iter_args(%scan3A_193 = %scan3A_130) -> (i32)  : i32 {
      %mul3A_194 = arith.constant 16 : i32
      %mul3A_195 = arith.muli %scan3A_192, %mul3A_194 : i32
      %get3A_196 = arith.index_cast %mul3A_195 : i32 to index
      %get3A_197 = tpu.vector_load %arg15[%get3A_196] {strides = array<i32>} : memref<640xf32, #tpu.memory_space<vmem>>, vector<16xf32>,
      %mul3A_198 = arith.constant 16 : i32
      %mul3A_199 = arith.muli %scan3A_192, %mul3A_198 : i32
      %get3A_200 = arith.index_cast %mul3A_199 : i32 to index
      %get3A_201 = tpu.vector_load %arg14[%get3A_200] {strides = array<i32>} : memref<640xf32, #tpu.memory_space<vmem>>, vector<16xf32>,
      %add3A_202 = arith.addf %get3A_197, %get3A_201 : vector<16xf32>
      %mul3A_203 = arith.constant 16 : i32
      %mul3A_204 = arith.muli %scan3A_192, %mul3A_203 : i32
      %swap3A = arith.index_cast %mul3A_204 : i32 to index
      %swap3A_205 = tpu.vector_load %arg15[%swap3A] {strides = array<i32>} : memref<640xf32, #tpu.memory_space<vmem>>, vector<16xf32>,
      tpu.vector_store %arg15[%swap3A], %add3A_202 {strides = array<i32>} : memref<640xf32, #tpu.memory_space<vmem>>, vector<16xf32>,
      %scan3A_206 = arith.constant 0 : i32
      scf.yield %scan3A_206 : i32
    }
    %scan3A_136 = arith.constant 40 : i32
    %run_scoped3A_137 = arith.constant 10 : i32
    %run_scoped3A_138 = arith.constant 0 : i32
    "tpu.region"() ({
      %run_scoped3A_192 = tpu.sem_alloc : memref<!tpu.dma_semaphore, #tpu.memory_space<semaphore_mem>>
      %dma_start3A = tpu.memref_slice %arg16[%run_scoped3A_137, %run_scoped3A_138, %mul3A_39] : memref<16x1x10240xf32, #tpu.memory_space<vmem_shared>> -> memref<1x1x640xf32, #tpu.memory_space<vmem_shared>>
      %dma_start3A_193 = tpu.memref_squeeze %dma_start3A : memref<1x1x640xf32, #tpu.memory_space<vmem_shared>> -> memref<640xf32, #tpu.memory_space<vmem_shared>>
      %dma_start3A_194 = tpu.memref_slice %arg16[%run_scoped3A_137, %run_scoped3A_138, %mul3A_39] : memref<16x1x10240xf32, #tpu.memory_space<vmem_shared>> -> memref<1x1x640xf32, #tpu.memory_space<vmem_shared>>
      %dma_start3A_195 = tpu.memref_squeeze %dma_start3A_194 : memref<1x1x640xf32, #tpu.memory_space<vmem_shared>> -> memref<640xf32, #tpu.memory_space<vmem_shared>>
      tpu.enqueue_dma source(%dma_start3A_195 : memref<640xf32, #tpu.memory_space<vmem_shared>>) target(%arg14 : memref<640xf32, #tpu.memory_space<vmem>>) target_semaphore(%run_scoped3A_192 : memref<!tpu.dma_semaphore, #tpu.memory_space<semaphore_mem>>)
      %dma_wait3A = tpu.memref_slice %arg16[%run_scoped3A_137, %run_scoped3A_138, %mul3A_39] : memref<16x1x10240xf32, #tpu.memory_space<vmem_shared>> -> memref<1x1x640xf32, #tpu.memory_space<vmem_shared>>
      %dma_wait3A_196 = tpu.memref_squeeze %dma_wait3A : memref<1x1x640xf32, #tpu.memory_space<vmem_shared>> -> memref<640xf32, #tpu.memory_space<vmem_shared>>
      %dma_wait3A_197 = tpu.memref_slice %arg16[%run_scoped3A_137, %run_scoped3A_138, %mul3A_39] : memref<16x1x10240xf32, #tpu.memory_space<vmem_shared>> -> memref<1x1x640xf32, #tpu.memory_space<vmem_shared>>
      %dma_wait3A_198 = tpu.memref_squeeze %dma_wait3A_197 : memref<1x1x640xf32, #tpu.memory_space<vmem_shared>> -> memref<640xf32, #tpu.memory_space<vmem_shared>>
      tpu.wait_dma2 semaphore(%run_scoped3A_192 : memref<!tpu.dma_semaphore, #tpu.memory_space<semaphore_mem>>) src(%dma_wait3A_198 : memref<640xf32, #tpu.memory_space<vmem_shared>>) dst(%arg14 : memref<640xf32, #tpu.memory_space<vmem>>)
      tpu.yield
    }) : () -> ()
    %scan3A_139 = arith.constant 0 : i32
    %scan3A_140 = arith.constant 0 : i32
    %scan3A_141 = arith.constant 40 : i32
    %scan3A_142 = arith.addi %scan3A_140, %scan3A_141 : i32
    %scan3A_143 = arith.constant 1 : i32
    %scan3A_144 = scf.for %scan3A_192 = %scan3A_140 to %scan3A_142 step %scan3A_143 iter_args(%scan3A_193 = %scan3A_139) -> (i32)  : i32 {
      %mul3A_194 = arith.constant 16 : i32
      %mul3A_195 = arith.muli %scan3A_192, %mul3A_194 : i32
      %get3A_196 = arith.index_cast %mul3A_195 : i32 to index
      %get3A_197 = tpu.vector_load %arg15[%get3A_196] {strides = array<i32>} : memref<640xf32, #tpu.memory_space<vmem>>, vector<16xf32>,
      %mul3A_198 = arith.constant 16 : i32
      %mul3A_199 = arith.muli %scan3A_192, %mul3A_198 : i32
      %get3A_200 = arith.index_cast %mul3A_199 : i32 to index
      %get3A_201 = tpu.vector_load %arg14[%get3A_200] {strides = array<i32>} : memref<640xf32, #tpu.memory_space<vmem>>, vector<16xf32>,
      %add3A_202 = arith.addf %get3A_197, %get3A_201 : vector<16xf32>
      %mul3A_203 = arith.constant 16 : i32
      %mul3A_204 = arith.muli %scan3A_192, %mul3A_203 : i32
      %swap3A = arith.index_cast %mul3A_204 : i32 to index
      %swap3A_205 = tpu.vector_load %arg15[%swap3A] {strides = array<i32>} : memref<640xf32, #tpu.memory_space<vmem>>, vector<16xf32>,
      tpu.vector_store %arg15[%swap3A], %add3A_202 {strides = array<i32>} : memref<640xf32, #tpu.memory_space<vmem>>, vector<16xf32>,
      %scan3A_206 = arith.constant 0 : i32
      scf.yield %scan3A_206 : i32
    }
    %scan3A_145 = arith.constant 40 : i32
    %run_scoped3A_146 = arith.constant 11 : i32
    %run_scoped3A_147 = arith.constant 0 : i32
    "tpu.region"() ({
      %run_scoped3A_192 = tpu.sem_alloc : memref<!tpu.dma_semaphore, #tpu.memory_space<semaphore_mem>>
      %dma_start3A = tpu.memref_slice %arg16[%run_scoped3A_146, %run_scoped3A_147, %mul3A_39] : memref<16x1x10240xf32, #tpu.memory_space<vmem_shared>> -> memref<1x1x640xf32, #tpu.memory_space<vmem_shared>>
      %dma_start3A_193 = tpu.memref_squeeze %dma_start3A : memref<1x1x640xf32, #tpu.memory_space<vmem_shared>> -> memref<640xf32, #tpu.memory_space<vmem_shared>>
      %dma_start3A_194 = tpu.memref_slice %arg16[%run_scoped3A_146, %run_scoped3A_147, %mul3A_39] : memref<16x1x10240xf32, #tpu.memory_space<vmem_shared>> -> memref<1x1x640xf32, #tpu.memory_space<vmem_shared>>
      %dma_start3A_195 = tpu.memref_squeeze %dma_start3A_194 : memref<1x1x640xf32, #tpu.memory_space<vmem_shared>> -> memref<640xf32, #tpu.memory_space<vmem_shared>>
      tpu.enqueue_dma source(%dma_start3A_195 : memref<640xf32, #tpu.memory_space<vmem_shared>>) target(%arg14 : memref<640xf32, #tpu.memory_space<vmem>>) target_semaphore(%run_scoped3A_192 : memref<!tpu.dma_semaphore, #tpu.memory_space<semaphore_mem>>)
      %dma_wait3A = tpu.memref_slice %arg16[%run_scoped3A_146, %run_scoped3A_147, %mul3A_39] : memref<16x1x10240xf32, #tpu.memory_space<vmem_shared>> -> memref<1x1x640xf32, #tpu.memory_space<vmem_shared>>
      %dma_wait3A_196 = tpu.memref_squeeze %dma_wait3A : memref<1x1x640xf32, #tpu.memory_space<vmem_shared>> -> memref<640xf32, #tpu.memory_space<vmem_shared>>
      %dma_wait3A_197 = tpu.memref_slice %arg16[%run_scoped3A_146, %run_scoped3A_147, %mul3A_39] : memref<16x1x10240xf32, #tpu.memory_space<vmem_shared>> -> memref<1x1x640xf32, #tpu.memory_space<vmem_shared>>
      %dma_wait3A_198 = tpu.memref_squeeze %dma_wait3A_197 : memref<1x1x640xf32, #tpu.memory_space<vmem_shared>> -> memref<640xf32, #tpu.memory_space<vmem_shared>>
      tpu.wait_dma2 semaphore(%run_scoped3A_192 : memref<!tpu.dma_semaphore, #tpu.memory_space<semaphore_mem>>) src(%dma_wait3A_198 : memref<640xf32, #tpu.memory_space<vmem_shared>>) dst(%arg14 : memref<640xf32, #tpu.memory_space<vmem>>)
      tpu.yield
    }) : () -> ()
    %scan3A_148 = arith.constant 0 : i32
    %scan3A_149 = arith.constant 0 : i32
    %scan3A_150 = arith.constant 40 : i32
    %scan3A_151 = arith.addi %scan3A_149, %scan3A_150 : i32
    %scan3A_152 = arith.constant 1 : i32
    %scan3A_153 = scf.for %scan3A_192 = %scan3A_149 to %scan3A_151 step %scan3A_152 iter_args(%scan3A_193 = %scan3A_148) -> (i32)  : i32 {
      %mul3A_194 = arith.constant 16 : i32
      %mul3A_195 = arith.muli %scan3A_192, %mul3A_194 : i32
      %get3A_196 = arith.index_cast %mul3A_195 : i32 to index
      %get3A_197 = tpu.vector_load %arg15[%get3A_196] {strides = array<i32>} : memref<640xf32, #tpu.memory_space<vmem>>, vector<16xf32>,
      %mul3A_198 = arith.constant 16 : i32
      %mul3A_199 = arith.muli %scan3A_192, %mul3A_198 : i32
      %get3A_200 = arith.index_cast %mul3A_199 : i32 to index
      %get3A_201 = tpu.vector_load %arg14[%get3A_200] {strides = array<i32>} : memref<640xf32, #tpu.memory_space<vmem>>, vector<16xf32>,
      %add3A_202 = arith.addf %get3A_197, %get3A_201 : vector<16xf32>
      %mul3A_203 = arith.constant 16 : i32
      %mul3A_204 = arith.muli %scan3A_192, %mul3A_203 : i32
      %swap3A = arith.index_cast %mul3A_204 : i32 to index
      %swap3A_205 = tpu.vector_load %arg15[%swap3A] {strides = array<i32>} : memref<640xf32, #tpu.memory_space<vmem>>, vector<16xf32>,
      tpu.vector_store %arg15[%swap3A], %add3A_202 {strides = array<i32>} : memref<640xf32, #tpu.memory_space<vmem>>, vector<16xf32>,
      %scan3A_206 = arith.constant 0 : i32
      scf.yield %scan3A_206 : i32
    }
    %scan3A_154 = arith.constant 40 : i32
    %run_scoped3A_155 = arith.constant 12 : i32
    %run_scoped3A_156 = arith.constant 0 : i32
    "tpu.region"() ({
      %run_scoped3A_192 = tpu.sem_alloc : memref<!tpu.dma_semaphore, #tpu.memory_space<semaphore_mem>>
      %dma_start3A = tpu.memref_slice %arg16[%run_scoped3A_155, %run_scoped3A_156, %mul3A_39] : memref<16x1x10240xf32, #tpu.memory_space<vmem_shared>> -> memref<1x1x640xf32, #tpu.memory_space<vmem_shared>>
      %dma_start3A_193 = tpu.memref_squeeze %dma_start3A : memref<1x1x640xf32, #tpu.memory_space<vmem_shared>> -> memref<640xf32, #tpu.memory_space<vmem_shared>>
      %dma_start3A_194 = tpu.memref_slice %arg16[%run_scoped3A_155, %run_scoped3A_156, %mul3A_39] : memref<16x1x10240xf32, #tpu.memory_space<vmem_shared>> -> memref<1x1x640xf32, #tpu.memory_space<vmem_shared>>
      %dma_start3A_195 = tpu.memref_squeeze %dma_start3A_194 : memref<1x1x640xf32, #tpu.memory_space<vmem_shared>> -> memref<640xf32, #tpu.memory_space<vmem_shared>>
      tpu.enqueue_dma source(%dma_start3A_195 : memref<640xf32, #tpu.memory_space<vmem_shared>>) target(%arg14 : memref<640xf32, #tpu.memory_space<vmem>>) target_semaphore(%run_scoped3A_192 : memref<!tpu.dma_semaphore, #tpu.memory_space<semaphore_mem>>)
      %dma_wait3A = tpu.memref_slice %arg16[%run_scoped3A_155, %run_scoped3A_156, %mul3A_39] : memref<16x1x10240xf32, #tpu.memory_space<vmem_shared>> -> memref<1x1x640xf32, #tpu.memory_space<vmem_shared>>
      %dma_wait3A_196 = tpu.memref_squeeze %dma_wait3A : memref<1x1x640xf32, #tpu.memory_space<vmem_shared>> -> memref<640xf32, #tpu.memory_space<vmem_shared>>
      %dma_wait3A_197 = tpu.memref_slice %arg16[%run_scoped3A_155, %run_scoped3A_156, %mul3A_39] : memref<16x1x10240xf32, #tpu.memory_space<vmem_shared>> -> memref<1x1x640xf32, #tpu.memory_space<vmem_shared>>
      %dma_wait3A_198 = tpu.memref_squeeze %dma_wait3A_197 : memref<1x1x640xf32, #tpu.memory_space<vmem_shared>> -> memref<640xf32, #tpu.memory_space<vmem_shared>>
      tpu.wait_dma2 semaphore(%run_scoped3A_192 : memref<!tpu.dma_semaphore, #tpu.memory_space<semaphore_mem>>) src(%dma_wait3A_198 : memref<640xf32, #tpu.memory_space<vmem_shared>>) dst(%arg14 : memref<640xf32, #tpu.memory_space<vmem>>)
      tpu.yield
    }) : () -> ()
    %scan3A_157 = arith.constant 0 : i32
    %scan3A_158 = arith.constant 0 : i32
    %scan3A_159 = arith.constant 40 : i32
    %scan3A_160 = arith.addi %scan3A_158, %scan3A_159 : i32
    %scan3A_161 = arith.constant 1 : i32
    %scan3A_162 = scf.for %scan3A_192 = %scan3A_158 to %scan3A_160 step %scan3A_161 iter_args(%scan3A_193 = %scan3A_157) -> (i32)  : i32 {
      %mul3A_194 = arith.constant 16 : i32
      %mul3A_195 = arith.muli %scan3A_192, %mul3A_194 : i32
      %get3A_196 = arith.index_cast %mul3A_195 : i32 to index
      %get3A_197 = tpu.vector_load %arg15[%get3A_196] {strides = array<i32>} : memref<640xf32, #tpu.memory_space<vmem>>, vector<16xf32>,
      %mul3A_198 = arith.constant 16 : i32
      %mul3A_199 = arith.muli %scan3A_192, %mul3A_198 : i32
      %get3A_200 = arith.index_cast %mul3A_199 : i32 to index
      %get3A_201 = tpu.vector_load %arg14[%get3A_200] {strides = array<i32>} : memref<640xf32, #tpu.memory_space<vmem>>, vector<16xf32>,
      %add3A_202 = arith.addf %get3A_197, %get3A_201 : vector<16xf32>
      %mul3A_203 = arith.constant 16 : i32
      %mul3A_204 = arith.muli %scan3A_192, %mul3A_203 : i32
      %swap3A = arith.index_cast %mul3A_204 : i32 to index
      %swap3A_205 = tpu.vector_load %arg15[%swap3A] {strides = array<i32>} : memref<640xf32, #tpu.memory_space<vmem>>, vector<16xf32>,
      tpu.vector_store %arg15[%swap3A], %add3A_202 {strides = array<i32>} : memref<640xf32, #tpu.memory_space<vmem>>, vector<16xf32>,
      %scan3A_206 = arith.constant 0 : i32
      scf.yield %scan3A_206 : i32
    }
    %scan3A_163 = arith.constant 40 : i32
    %run_scoped3A_164 = arith.constant 13 : i32
    %run_scoped3A_165 = arith.constant 0 : i32
    "tpu.region"() ({
      %run_scoped3A_192 = tpu.sem_alloc : memref<!tpu.dma_semaphore, #tpu.memory_space<semaphore_mem>>
      %dma_start3A = tpu.memref_slice %arg16[%run_scoped3A_164, %run_scoped3A_165, %mul3A_39] : memref<16x1x10240xf32, #tpu.memory_space<vmem_shared>> -> memref<1x1x640xf32, #tpu.memory_space<vmem_shared>>
      %dma_start3A_193 = tpu.memref_squeeze %dma_start3A : memref<1x1x640xf32, #tpu.memory_space<vmem_shared>> -> memref<640xf32, #tpu.memory_space<vmem_shared>>
      %dma_start3A_194 = tpu.memref_slice %arg16[%run_scoped3A_164, %run_scoped3A_165, %mul3A_39] : memref<16x1x10240xf32, #tpu.memory_space<vmem_shared>> -> memref<1x1x640xf32, #tpu.memory_space<vmem_shared>>
      %dma_start3A_195 = tpu.memref_squeeze %dma_start3A_194 : memref<1x1x640xf32, #tpu.memory_space<vmem_shared>> -> memref<640xf32, #tpu.memory_space<vmem_shared>>
      tpu.enqueue_dma source(%dma_start3A_195 : memref<640xf32, #tpu.memory_space<vmem_shared>>) target(%arg14 : memref<640xf32, #tpu.memory_space<vmem>>) target_semaphore(%run_scoped3A_192 : memref<!tpu.dma_semaphore, #tpu.memory_space<semaphore_mem>>)
      %dma_wait3A = tpu.memref_slice %arg16[%run_scoped3A_164, %run_scoped3A_165, %mul3A_39] : memref<16x1x10240xf32, #tpu.memory_space<vmem_shared>> -> memref<1x1x640xf32, #tpu.memory_space<vmem_shared>>
      %dma_wait3A_196 = tpu.memref_squeeze %dma_wait3A : memref<1x1x640xf32, #tpu.memory_space<vmem_shared>> -> memref<640xf32, #tpu.memory_space<vmem_shared>>
      %dma_wait3A_197 = tpu.memref_slice %arg16[%run_scoped3A_164, %run_scoped3A_165, %mul3A_39] : memref<16x1x10240xf32, #tpu.memory_space<vmem_shared>> -> memref<1x1x640xf32, #tpu.memory_space<vmem_shared>>
      %dma_wait3A_198 = tpu.memref_squeeze %dma_wait3A_197 : memref<1x1x640xf32, #tpu.memory_space<vmem_shared>> -> memref<640xf32, #tpu.memory_space<vmem_shared>>
      tpu.wait_dma2 semaphore(%run_scoped3A_192 : memref<!tpu.dma_semaphore, #tpu.memory_space<semaphore_mem>>) src(%dma_wait3A_198 : memref<640xf32, #tpu.memory_space<vmem_shared>>) dst(%arg14 : memref<640xf32, #tpu.memory_space<vmem>>)
      tpu.yield
    }) : () -> ()
    %scan3A_166 = arith.constant 0 : i32
    %scan3A_167 = arith.constant 0 : i32
    %scan3A_168 = arith.constant 40 : i32
    %scan3A_169 = arith.addi %scan3A_167, %scan3A_168 : i32
    %scan3A_170 = arith.constant 1 : i32
    %scan3A_171 = scf.for %scan3A_192 = %scan3A_167 to %scan3A_169 step %scan3A_170 iter_args(%scan3A_193 = %scan3A_166) -> (i32)  : i32 {
      %mul3A_194 = arith.constant 16 : i32
      %mul3A_195 = arith.muli %scan3A_192, %mul3A_194 : i32
      %get3A_196 = arith.index_cast %mul3A_195 : i32 to index
      %get3A_197 = tpu.vector_load %arg15[%get3A_196] {strides = array<i32>} : memref<640xf32, #tpu.memory_space<vmem>>, vector<16xf32>,
      %mul3A_198 = arith.constant 16 : i32
      %mul3A_199 = arith.muli %scan3A_192, %mul3A_198 : i32
      %get3A_200 = arith.index_cast %mul3A_199 : i32 to index
      %get3A_201 = tpu.vector_load %arg14[%get3A_200] {strides = array<i32>} : memref<640xf32, #tpu.memory_space<vmem>>, vector<16xf32>,
      %add3A_202 = arith.addf %get3A_197, %get3A_201 : vector<16xf32>
      %mul3A_203 = arith.constant 16 : i32
      %mul3A_204 = arith.muli %scan3A_192, %mul3A_203 : i32
      %swap3A = arith.index_cast %mul3A_204 : i32 to index
      %swap3A_205 = tpu.vector_load %arg15[%swap3A] {strides = array<i32>} : memref<640xf32, #tpu.memory_space<vmem>>, vector<16xf32>,
      tpu.vector_store %arg15[%swap3A], %add3A_202 {strides = array<i32>} : memref<640xf32, #tpu.memory_space<vmem>>, vector<16xf32>,
      %scan3A_206 = arith.constant 0 : i32
      scf.yield %scan3A_206 : i32
    }
    %scan3A_172 = arith.constant 40 : i32
    %run_scoped3A_173 = arith.constant 14 : i32
    %run_scoped3A_174 = arith.constant 0 : i32
    "tpu.region"() ({
      %run_scoped3A_192 = tpu.sem_alloc : memref<!tpu.dma_semaphore, #tpu.memory_space<semaphore_mem>>
      %dma_start3A = tpu.memref_slice %arg16[%run_scoped3A_173, %run_scoped3A_174, %mul3A_39] : memref<16x1x10240xf32, #tpu.memory_space<vmem_shared>> -> memref<1x1x640xf32, #tpu.memory_space<vmem_shared>>
      %dma_start3A_193 = tpu.memref_squeeze %dma_start3A : memref<1x1x640xf32, #tpu.memory_space<vmem_shared>> -> memref<640xf32, #tpu.memory_space<vmem_shared>>
      %dma_start3A_194 = tpu.memref_slice %arg16[%run_scoped3A_173, %run_scoped3A_174, %mul3A_39] : memref<16x1x10240xf32, #tpu.memory_space<vmem_shared>> -> memref<1x1x640xf32, #tpu.memory_space<vmem_shared>>
      %dma_start3A_195 = tpu.memref_squeeze %dma_start3A_194 : memref<1x1x640xf32, #tpu.memory_space<vmem_shared>> -> memref<640xf32, #tpu.memory_space<vmem_shared>>
      tpu.enqueue_dma source(%dma_start3A_195 : memref<640xf32, #tpu.memory_space<vmem_shared>>) target(%arg14 : memref<640xf32, #tpu.memory_space<vmem>>) target_semaphore(%run_scoped3A_192 : memref<!tpu.dma_semaphore, #tpu.memory_space<semaphore_mem>>)
      %dma_wait3A = tpu.memref_slice %arg16[%run_scoped3A_173, %run_scoped3A_174, %mul3A_39] : memref<16x1x10240xf32, #tpu.memory_space<vmem_shared>> -> memref<1x1x640xf32, #tpu.memory_space<vmem_shared>>
      %dma_wait3A_196 = tpu.memref_squeeze %dma_wait3A : memref<1x1x640xf32, #tpu.memory_space<vmem_shared>> -> memref<640xf32, #tpu.memory_space<vmem_shared>>
      %dma_wait3A_197 = tpu.memref_slice %arg16[%run_scoped3A_173, %run_scoped3A_174, %mul3A_39] : memref<16x1x10240xf32, #tpu.memory_space<vmem_shared>> -> memref<1x1x640xf32, #tpu.memory_space<vmem_shared>>
      %dma_wait3A_198 = tpu.memref_squeeze %dma_wait3A_197 : memref<1x1x640xf32, #tpu.memory_space<vmem_shared>> -> memref<640xf32, #tpu.memory_space<vmem_shared>>
      tpu.wait_dma2 semaphore(%run_scoped3A_192 : memref<!tpu.dma_semaphore, #tpu.memory_space<semaphore_mem>>) src(%dma_wait3A_198 : memref<640xf32, #tpu.memory_space<vmem_shared>>) dst(%arg14 : memref<640xf32, #tpu.memory_space<vmem>>)
      tpu.yield
    }) : () -> ()
    %scan3A_175 = arith.constant 0 : i32
    %scan3A_176 = arith.constant 0 : i32
    %scan3A_177 = arith.constant 40 : i32
    %scan3A_178 = arith.addi %scan3A_176, %scan3A_177 : i32
    %scan3A_179 = arith.constant 1 : i32
    %scan3A_180 = scf.for %scan3A_192 = %scan3A_176 to %scan3A_178 step %scan3A_179 iter_args(%scan3A_193 = %scan3A_175) -> (i32)  : i32 {
      %mul3A_194 = arith.constant 16 : i32
      %mul3A_195 = arith.muli %scan3A_192, %mul3A_194 : i32
      %get3A_196 = arith.index_cast %mul3A_195 : i32 to index
      %get3A_197 = tpu.vector_load %arg15[%get3A_196] {strides = array<i32>} : memref<640xf32, #tpu.memory_space<vmem>>, vector<16xf32>,
      %mul3A_198 = arith.constant 16 : i32
      %mul3A_199 = arith.muli %scan3A_192, %mul3A_198 : i32
      %get3A_200 = arith.index_cast %mul3A_199 : i32 to index
      %get3A_201 = tpu.vector_load %arg14[%get3A_200] {strides = array<i32>} : memref<640xf32, #tpu.memory_space<vmem>>, vector<16xf32>,
      %add3A_202 = arith.addf %get3A_197, %get3A_201 : vector<16xf32>
      %mul3A_203 = arith.constant 16 : i32
      %mul3A_204 = arith.muli %scan3A_192, %mul3A_203 : i32
      %swap3A = arith.index_cast %mul3A_204 : i32 to index
      %swap3A_205 = tpu.vector_load %arg15[%swap3A] {strides = array<i32>} : memref<640xf32, #tpu.memory_space<vmem>>, vector<16xf32>,
      tpu.vector_store %arg15[%swap3A], %add3A_202 {strides = array<i32>} : memref<640xf32, #tpu.memory_space<vmem>>, vector<16xf32>,
      %scan3A_206 = arith.constant 0 : i32
      scf.yield %scan3A_206 : i32
    }
    %scan3A_181 = arith.constant 40 : i32
    %run_scoped3A_182 = arith.constant 15 : i32
    %run_scoped3A_183 = arith.constant 0 : i32
    "tpu.region"() ({
      %run_scoped3A_192 = tpu.sem_alloc : memref<!tpu.dma_semaphore, #tpu.memory_space<semaphore_mem>>
      %dma_start3A = tpu.memref_slice %arg16[%run_scoped3A_182, %run_scoped3A_183, %mul3A_39] : memref<16x1x10240xf32, #tpu.memory_space<vmem_shared>> -> memref<1x1x640xf32, #tpu.memory_space<vmem_shared>>
      %dma_start3A_193 = tpu.memref_squeeze %dma_start3A : memref<1x1x640xf32, #tpu.memory_space<vmem_shared>> -> memref<640xf32, #tpu.memory_space<vmem_shared>>
      %dma_start3A_194 = tpu.memref_slice %arg16[%run_scoped3A_182, %run_scoped3A_183, %mul3A_39] : memref<16x1x10240xf32, #tpu.memory_space<vmem_shared>> -> memref<1x1x640xf32, #tpu.memory_space<vmem_shared>>
      %dma_start3A_195 = tpu.memref_squeeze %dma_start3A_194 : memref<1x1x640xf32, #tpu.memory_space<vmem_shared>> -> memref<640xf32, #tpu.memory_space<vmem_shared>>
      tpu.enqueue_dma source(%dma_start3A_195 : memref<640xf32, #tpu.memory_space<vmem_shared>>) target(%arg14 : memref<640xf32, #tpu.memory_space<vmem>>) target_semaphore(%run_scoped3A_192 : memref<!tpu.dma_semaphore, #tpu.memory_space<semaphore_mem>>)
      %dma_wait3A = tpu.memref_slice %arg16[%run_scoped3A_182, %run_scoped3A_183, %mul3A_39] : memref<16x1x10240xf32, #tpu.memory_space<vmem_shared>> -> memref<1x1x640xf32, #tpu.memory_space<vmem_shared>>
      %dma_wait3A_196 = tpu.memref_squeeze %dma_wait3A : memref<1x1x640xf32, #tpu.memory_space<vmem_shared>> -> memref<640xf32, #tpu.memory_space<vmem_shared>>
      %dma_wait3A_197 = tpu.memref_slice %arg16[%run_scoped3A_182, %run_scoped3A_183, %mul3A_39] : memref<16x1x10240xf32, #tpu.memory_space<vmem_shared>> -> memref<1x1x640xf32, #tpu.memory_space<vmem_shared>>
      %dma_wait3A_198 = tpu.memref_squeeze %dma_wait3A_197 : memref<1x1x640xf32, #tpu.memory_space<vmem_shared>> -> memref<640xf32, #tpu.memory_space<vmem_shared>>
      tpu.wait_dma2 semaphore(%run_scoped3A_192 : memref<!tpu.dma_semaphore, #tpu.memory_space<semaphore_mem>>) src(%dma_wait3A_198 : memref<640xf32, #tpu.memory_space<vmem_shared>>) dst(%arg14 : memref<640xf32, #tpu.memory_space<vmem>>)
      tpu.yield
    }) : () -> ()
    %scan3A_184 = arith.constant 0 : i32
    %scan3A_185 = arith.constant 0 : i32
    %scan3A_186 = arith.constant 40 : i32
    %scan3A_187 = arith.addi %scan3A_185, %scan3A_186 : i32
    %scan3A_188 = arith.constant 1 : i32
    %scan3A_189 = scf.for %scan3A_192 = %scan3A_185 to %scan3A_187 step %scan3A_188 iter_args(%scan3A_193 = %scan3A_184) -> (i32)  : i32 {
      %mul3A_194 = arith.constant 16 : i32
      %mul3A_195 = arith.muli %scan3A_192, %mul3A_194 : i32
      %get3A_196 = arith.index_cast %mul3A_195 : i32 to index
      %get3A_197 = tpu.vector_load %arg15[%get3A_196] {strides = array<i32>} : memref<640xf32, #tpu.memory_space<vmem>>, vector<16xf32>,
      %mul3A_198 = arith.constant 16 : i32
      %mul3A_199 = arith.muli %scan3A_192, %mul3A_198 : i32
      %get3A_200 = arith.index_cast %mul3A_199 : i32 to index
      %get3A_201 = tpu.vector_load %arg14[%get3A_200] {strides = array<i32>} : memref<640xf32, #tpu.memory_space<vmem>>, vector<16xf32>,
      %add3A_202 = arith.addf %get3A_197, %get3A_201 : vector<16xf32>
      %mul3A_203 = arith.constant 16 : i32
      %mul3A_204 = arith.muli %scan3A_192, %mul3A_203 : i32
      %swap3A = arith.index_cast %mul3A_204 : i32 to index
      %swap3A_205 = tpu.vector_load %arg15[%swap3A] {strides = array<i32>} : memref<640xf32, #tpu.memory_space<vmem>>, vector<16xf32>,
      tpu.vector_store %arg15[%swap3A], %add3A_202 {strides = array<i32>} : memref<640xf32, #tpu.memory_space<vmem>>, vector<16xf32>,
      %scan3A_206 = arith.constant 0 : i32
      scf.yield %scan3A_206 : i32
    }
    %scan3A_190 = arith.constant 40 : i32
    %run_scoped3A_191 = arith.constant 0 : i32
    "tpu.region"() ({
      %run_scoped3A_192 = tpu.sem_alloc : memref<!tpu.dma_semaphore, #tpu.memory_space<semaphore_mem>>
      %dma_start3A = tpu.memref_slice %arg7[%arg0, %run_scoped3A_191, %mul3A_39] : memref<2x1x10240xf32, #tpu.memory_space<hbm>> -> memref<1x1x640xf32, #tpu.memory_space<hbm>>
      %dma_start3A_193 = tpu.memref_squeeze %dma_start3A : memref<1x1x640xf32, #tpu.memory_space<hbm>> -> memref<640xf32, #tpu.memory_space<hbm>>
      %dma_start3A_194 = tpu.memref_slice %arg7[%arg0, %run_scoped3A_191, %mul3A_39] : memref<2x1x10240xf32, #tpu.memory_space<hbm>> -> memref<1x1x640xf32, #tpu.memory_space<hbm>>
      %dma_start3A_195 = tpu.memref_squeeze %dma_start3A_194 : memref<1x1x640xf32, #tpu.memory_space<hbm>> -> memref<640xf32, #tpu.memory_space<hbm>>
      tpu.enqueue_dma source(%arg15 : memref<640xf32, #tpu.memory_space<vmem>>) target(%dma_start3A_195 : memref<640xf32, #tpu.memory_space<hbm>>) target_semaphore(%run_scoped3A_192 : memref<!tpu.dma_semaphore, #tpu.memory_space<semaphore_mem>>)
      %dma_wait3A = tpu.memref_slice %arg7[%arg0, %run_scoped3A_191, %mul3A_39] : memref<2x1x10240xf32, #tpu.memory_space<hbm>> -> memref<1x1x640xf32, #tpu.memory_space<hbm>>
      %dma_wait3A_196 = tpu.memref_squeeze %dma_wait3A : memref<1x1x640xf32, #tpu.memory_space<hbm>> -> memref<640xf32, #tpu.memory_space<hbm>>
      %dma_wait3A_197 = tpu.memref_slice %arg7[%arg0, %run_scoped3A_191, %mul3A_39] : memref<2x1x10240xf32, #tpu.memory_space<hbm>> -> memref<1x1x640xf32, #tpu.memory_space<hbm>>
      %dma_wait3A_198 = tpu.memref_squeeze %dma_wait3A_197 : memref<1x1x640xf32, #tpu.memory_space<hbm>> -> memref<640xf32, #tpu.memory_space<hbm>>
      tpu.wait_dma2 semaphore(%run_scoped3A_192 : memref<!tpu.dma_semaphore, #tpu.memory_space<semaphore_mem>>) src(%arg15 : memref<640xf32, #tpu.memory_space<vmem>>) dst(%dma_wait3A_198 : memref<640xf32, #tpu.memory_space<hbm>>)
      tpu.yield
    }) : () -> ()
    return
  }
}

#map = affine_map<(d0, d1) -> (0)>
#map1 = affine_map<(d0, d1) -> (0, 0, 0)>
#map2 = affine_map<(d0, d1) -> (0, 0)>
module attributes {stable_mosaic.version = 14 : i64} {
  func.func @_msg_body(%arg0: i32, %arg1: i32, %arg2: memref<327680xi32, #tpu.memory_space<hbm>>, %arg3: memref<160x16x128xi32, #tpu.memory_space<hbm>>, %arg4: memref<327680xf32, #tpu.memory_space<hbm>>, %arg5: memref<10000x128xf32, #tpu.memory_space<hbm>>, %arg6: memref<10240x128xf32, #tpu.memory_space<hbm>>, %arg7: memref<2x10240x128xf32, #tpu.memory_space<hbm>>, %arg8: memref<2048xi32, #tpu.memory_space<vmem>>, %arg9: memref<16x128xi32, #tpu.memory_space<vmem>>, %arg10: memref<2048xf32, #tpu.memory_space<vmem>>, %arg11: memref<128x128xf32, #tpu.memory_space<vmem>>, %arg12: memref<128x128xf32, #tpu.memory_space<vmem>>, %arg13: memref<!tpu.dma_semaphore, #tpu.memory_space<semaphore_mem>>, %arg14: memref<!tpu.dma_semaphore, #tpu.memory_space<semaphore_mem>>, %arg15: memref<10240x128xf32, #tpu.memory_space<vmem_shared>>) attributes {dimension_semantics = [#tpu.dimension_semantics<core_parallel>, #tpu.dimension_semantics<subcore_parallel>], iteration_bounds = array<i64: 2, 16>, scalar_prefetch = 0 : i64, scratch_operands = 8 : i64, tpu.core_type = #tpu.core_type<sc_vector_subcore>, window_params = [{transform_indices = #map}, {transform_indices = #map1}, {transform_indices = #map}, {transform_indices = #map2}, {transform_indices = #map2}, {transform_indices = #map1}]} {
    %eq3A = arith.constant 0 : i32
    %eq3A_0 = arith.cmpi eq, %arg0, %eq3A : i32
    %mul3A = arith.constant 9 : i32
    %mul3A_1 = arith.muli %arg1, %mul3A : i32
    %mul3A_2 = arith.constant 1 : i32
    %mul3A_3 = arith.muli %arg1, %mul3A_2 : i32
    %add3A = arith.constant 144 : i32
    %add3A_4 = arith.addi %add3A, %mul3A_3 : i32
    %select_n3A = arith.select %eq3A_0, %mul3A_1, %add3A_4 : i32
    %eq3A_5 = arith.constant 0 : i32
    %eq3A_6 = arith.cmpi eq, %arg0, %eq3A_5 : i32
    %jit3A = arith.constant 9 : i32
    %jit3A_7 = arith.constant 1 : i32
    %select_n3A_8 = arith.select %eq3A_6, %jit3A, %jit3A_7 : i32
    %mul3A_9 = arith.constant 640 : i32
    %mul3A_10 = arith.muli %arg1, %mul3A_9 : i32
    "tpu.region"() ({
      %run_scoped3A = tpu.sem_alloc : memref<!tpu.dma_semaphore, #tpu.memory_space<semaphore_mem>>
      %dma_start3A = arith.constant 0 : i32
      %dma_start3A_23 = tpu.memref_slice %arg15[%mul3A_10, %dma_start3A] : memref<10240x128xf32, #tpu.memory_space<vmem_shared>> -> memref<640x128xf32, #tpu.memory_space<vmem_shared>>
      %dma_start3A_24 = arith.constant 0 : i32
      %dma_start3A_25 = tpu.memref_slice %arg6[%mul3A_10, %dma_start3A_24] : memref<10240x128xf32, #tpu.memory_space<hbm>> -> memref<640x128xf32, #tpu.memory_space<hbm>>
      tpu.enqueue_dma source(%dma_start3A_25 : memref<640x128xf32, #tpu.memory_space<hbm>>) target(%dma_start3A_23 : memref<640x128xf32, #tpu.memory_space<vmem_shared>>) target_semaphore(%run_scoped3A : memref<!tpu.dma_semaphore, #tpu.memory_space<semaphore_mem>>)
      %dma_wait3A = arith.constant 0 : i32
      %dma_wait3A_26 = tpu.memref_slice %arg15[%mul3A_10, %dma_wait3A] : memref<10240x128xf32, #tpu.memory_space<vmem_shared>> -> memref<640x128xf32, #tpu.memory_space<vmem_shared>>
      %dma_wait3A_27 = arith.constant 0 : i32
      %dma_wait3A_28 = tpu.memref_slice %arg6[%mul3A_10, %dma_wait3A_27] : memref<10240x128xf32, #tpu.memory_space<hbm>> -> memref<640x128xf32, #tpu.memory_space<hbm>>
      tpu.wait_dma2 semaphore(%run_scoped3A : memref<!tpu.dma_semaphore, #tpu.memory_space<semaphore_mem>>) src(%dma_wait3A_28 : memref<640x128xf32, #tpu.memory_space<hbm>>) dst(%dma_wait3A_26 : memref<640x128xf32, #tpu.memory_space<vmem_shared>>)
      tpu.yield
    }) : () -> ()
    %barrier3A = arith.constant 0 : index
    tpu.barrier barrier_id(%barrier3A)
    %while3A = arith.constant 0 : i32
    %while3A_11 = arith.constant 0 : i32
    %while3A_12 = arith.subi %select_n3A_8, %while3A : i32
    %while3A_13 = arith.addi %while3A, %while3A_12 : i32
    %while3A_14 = arith.constant 1 : i32
    %while3A_15 = arith.divsi %while3A_12, %while3A_14 : i32
    %while3A_16 = arith.muli %while3A_15, %while3A_14 : i32
    %while3A_17 = arith.addi %while3A, %while3A_16 : i32
    %while3A_18 = arith.constant 1 : i32
    %while3A_19 = scf.for %while3A_23 = %while3A to %while3A_17 step %while3A_18 iter_args(%while3A_24 = %while3A_11) -> (i32)  : i32 {
      %add3A_25 = arith.addi %select_n3A, %while3A_23 : i32
      %mul3A_26 = arith.constant 2048 : i32
      %mul3A_27 = arith.muli %add3A_25, %mul3A_26 : i32
      "tpu.region"() ({
        %run_scoped3A = tpu.sem_alloc : memref<!tpu.dma_semaphore, #tpu.memory_space<semaphore_mem>>
        %dma_start3A_46 = tpu.memref_slice %arg2[%mul3A_27] : memref<327680xi32, #tpu.memory_space<hbm>> -> memref<2048xi32, #tpu.memory_space<hbm>>
        %dma_start3A_47 = tpu.memref_slice %arg2[%mul3A_27] : memref<327680xi32, #tpu.memory_space<hbm>> -> memref<2048xi32, #tpu.memory_space<hbm>>
        tpu.enqueue_dma source(%dma_start3A_47 : memref<2048xi32, #tpu.memory_space<hbm>>) target(%arg8 : memref<2048xi32, #tpu.memory_space<vmem>>) target_semaphore(%run_scoped3A : memref<!tpu.dma_semaphore, #tpu.memory_space<semaphore_mem>>)
        %dma_wait3A_48 = tpu.memref_slice %arg2[%mul3A_27] : memref<327680xi32, #tpu.memory_space<hbm>> -> memref<2048xi32, #tpu.memory_space<hbm>>
        %dma_wait3A_49 = tpu.memref_slice %arg2[%mul3A_27] : memref<327680xi32, #tpu.memory_space<hbm>> -> memref<2048xi32, #tpu.memory_space<hbm>>
        tpu.wait_dma2 semaphore(%run_scoped3A : memref<!tpu.dma_semaphore, #tpu.memory_space<semaphore_mem>>) src(%dma_wait3A_49 : memref<2048xi32, #tpu.memory_space<hbm>>) dst(%arg8 : memref<2048xi32, #tpu.memory_space<vmem>>)
        tpu.yield
      }) : () -> ()
      %add3A_28 = arith.addi %select_n3A, %while3A_23 : i32
      "tpu.region"() ({
        %run_scoped3A = tpu.sem_alloc : memref<!tpu.dma_semaphore, #tpu.memory_space<semaphore_mem>>
        %dma_start3A_46 = arith.constant 0 : i32
        %dma_start3A_47 = arith.constant 0 : i32
        %dma_start3A_48 = tpu.memref_slice %arg3[%add3A_28, %dma_start3A_46, %dma_start3A_47] : memref<160x16x128xi32, #tpu.memory_space<hbm>> -> memref<1x16x128xi32, #tpu.memory_space<hbm>>
        %dma_start3A_49 = tpu.memref_squeeze %dma_start3A_48 : memref<1x16x128xi32, #tpu.memory_space<hbm>> -> memref<16x128xi32, #tpu.memory_space<hbm>>
        %dma_start3A_50 = arith.constant 0 : i32
        %dma_start3A_51 = arith.constant 0 : i32
        %dma_start3A_52 = tpu.memref_slice %arg3[%add3A_28, %dma_start3A_50, %dma_start3A_51] : memref<160x16x128xi32, #tpu.memory_space<hbm>> -> memref<1x16x128xi32, #tpu.memory_space<hbm>>
        %dma_start3A_53 = tpu.memref_squeeze %dma_start3A_52 : memref<1x16x128xi32, #tpu.memory_space<hbm>> -> memref<16x128xi32, #tpu.memory_space<hbm>>
        tpu.enqueue_dma source(%dma_start3A_53 : memref<16x128xi32, #tpu.memory_space<hbm>>) target(%arg9 : memref<16x128xi32, #tpu.memory_space<vmem>>) target_semaphore(%run_scoped3A : memref<!tpu.dma_semaphore, #tpu.memory_space<semaphore_mem>>)
        %dma_wait3A_54 = arith.constant 0 : i32
        %dma_wait3A_55 = arith.constant 0 : i32
        %dma_wait3A_56 = tpu.memref_slice %arg3[%add3A_28, %dma_wait3A_54, %dma_wait3A_55] : memref<160x16x128xi32, #tpu.memory_space<hbm>> -> memref<1x16x128xi32, #tpu.memory_space<hbm>>
        %dma_wait3A_57 = tpu.memref_squeeze %dma_wait3A_56 : memref<1x16x128xi32, #tpu.memory_space<hbm>> -> memref<16x128xi32, #tpu.memory_space<hbm>>
        %dma_wait3A_58 = arith.constant 0 : i32
        %dma_wait3A_59 = arith.constant 0 : i32
        %dma_wait3A_60 = tpu.memref_slice %arg3[%add3A_28, %dma_wait3A_58, %dma_wait3A_59] : memref<160x16x128xi32, #tpu.memory_space<hbm>> -> memref<1x16x128xi32, #tpu.memory_space<hbm>>
        %dma_wait3A_61 = tpu.memref_squeeze %dma_wait3A_60 : memref<1x16x128xi32, #tpu.memory_space<hbm>> -> memref<16x128xi32, #tpu.memory_space<hbm>>
        tpu.wait_dma2 semaphore(%run_scoped3A : memref<!tpu.dma_semaphore, #tpu.memory_space<semaphore_mem>>) src(%dma_wait3A_61 : memref<16x128xi32, #tpu.memory_space<hbm>>) dst(%arg9 : memref<16x128xi32, #tpu.memory_space<vmem>>)
        tpu.yield
      }) : () -> ()
      "tpu.region"() ({
        %run_scoped3A = tpu.sem_alloc : memref<!tpu.dma_semaphore, #tpu.memory_space<semaphore_mem>>
        %dma_start3A_46 = tpu.memref_slice %arg4[%mul3A_27] : memref<327680xf32, #tpu.memory_space<hbm>> -> memref<2048xf32, #tpu.memory_space<hbm>>
        %dma_start3A_47 = tpu.memref_slice %arg4[%mul3A_27] : memref<327680xf32, #tpu.memory_space<hbm>> -> memref<2048xf32, #tpu.memory_space<hbm>>
        tpu.enqueue_dma source(%dma_start3A_47 : memref<2048xf32, #tpu.memory_space<hbm>>) target(%arg10 : memref<2048xf32, #tpu.memory_space<vmem>>) target_semaphore(%run_scoped3A : memref<!tpu.dma_semaphore, #tpu.memory_space<semaphore_mem>>)
        %dma_wait3A_48 = tpu.memref_slice %arg4[%mul3A_27] : memref<327680xf32, #tpu.memory_space<hbm>> -> memref<2048xf32, #tpu.memory_space<hbm>>
        %dma_wait3A_49 = tpu.memref_slice %arg4[%mul3A_27] : memref<327680xf32, #tpu.memory_space<hbm>> -> memref<2048xf32, #tpu.memory_space<hbm>>
        tpu.wait_dma2 semaphore(%run_scoped3A : memref<!tpu.dma_semaphore, #tpu.memory_space<semaphore_mem>>) src(%dma_wait3A_49 : memref<2048xf32, #tpu.memory_space<hbm>>) dst(%arg10 : memref<2048xf32, #tpu.memory_space<vmem>>)
        tpu.yield
      }) : () -> ()
      %dma_start3A = arith.constant 0 : i32
      %dma_start3A_29 = tpu.memref_slice %arg8[%dma_start3A] : memref<2048xi32, #tpu.memory_space<vmem>> -> memref<128xi32, #tpu.memory_space<vmem>>
      %dma_start3A_30 = arith.constant 0 : i32
      %dma_start3A_31 = arith.constant 0 : i32
      %dma_start3A_32 = tpu.memref_slice %arg5[%dma_start3A_30, %dma_start3A_31] : memref<10000x128xf32, #tpu.memory_space<hbm>> -> memref<10000x128xf32, #tpu.memory_space<hbm>>
      tpu.enqueue_indirect_dma source(%dma_start3A_32 : memref<10000x128xf32, #tpu.memory_space<hbm>>) target(%arg11 : memref<128x128xf32, #tpu.memory_space<vmem>>) offsets(%dma_start3A_29 : memref<128xi32, #tpu.memory_space<vmem>>) semaphore(%arg13 : memref<!tpu.dma_semaphore, #tpu.memory_space<semaphore_mem>>)
      %scan3A = arith.constant 0 : i32
      %scan3A_33 = arith.constant 0 : i32
      %scan3A_34 = arith.constant 8 : i32
      %scan3A_35 = arith.addi %scan3A_33, %scan3A_34 : i32
      %scan3A_36 = arith.constant 1 : i32
      %scan3A_37 = scf.for %scan3A_46 = %scan3A_33 to %scan3A_35 step %scan3A_36 iter_args(%scan3A_47 = %scan3A) -> (i32)  : i32 {
        %mul3A_48 = arith.constant 2 : i32
        %mul3A_49 = arith.muli %mul3A_48, %scan3A_46 : i32
        %add3A_50 = arith.constant 0 : i32
        %add3A_51 = arith.addi %mul3A_49, %add3A_50 : i32
        %ge3A = arith.constant 1 : i32
        %ge3A_52 = arith.cmpi sge, %add3A_51, %ge3A : i32
        %convert_element_type3A = arith.extui %ge3A_52 : i1 to i32
        %cond3A = arith.constant 0 : i32
        %cond3A_53 = arith.cmpi ne, %convert_element_type3A, %cond3A : i32
        scf.if %cond3A_53 {
          %sub3A = arith.constant 1 : i32
          %sub3A_111 = arith.subi %add3A_51, %sub3A : i32
          %dma_wait3A_112 = arith.constant 0 : i32
          %dma_wait3A_113 = tpu.memref_slice %arg9[%sub3A_111, %dma_wait3A_112] : memref<16x128xi32, #tpu.memory_space<vmem>> -> memref<1x128xi32, #tpu.memory_space<vmem>>
          %dma_wait3A_114 = tpu.memref_squeeze %dma_wait3A_113 : memref<1x128xi32, #tpu.memory_space<vmem>> -> memref<128xi32, #tpu.memory_space<vmem>>
          %dma_wait3A_115 = arith.constant 0 : i32
          %dma_wait3A_116 = arith.constant 0 : i32
          %dma_wait3A_117 = tpu.memref_slice %arg15[%dma_wait3A_115, %dma_wait3A_116] : memref<10240x128xf32, #tpu.memory_space<vmem_shared>> -> memref<10240x128xf32, #tpu.memory_space<vmem_shared>>
          tpu.wait_indirect_dma semaphore(%arg14 : memref<!tpu.dma_semaphore, #tpu.memory_space<semaphore_mem>>) src(%arg12 : memref<128x128xf32, #tpu.memory_space<vmem>>) dst(%dma_wait3A_117 : memref<10240x128xf32, #tpu.memory_space<vmem_shared>>)
        } else {
        }
        %lt3A = arith.constant 15 : i32
        %lt3A_54 = arith.cmpi slt, %add3A_51, %lt3A : i32
        %convert_element_type3A_55 = arith.extui %lt3A_54 : i1 to i32
        %cond3A_56 = arith.constant 0 : i32
        %cond3A_57 = arith.cmpi ne, %convert_element_type3A_55, %cond3A_56 : i32
        scf.if %cond3A_57 {
          %add3A_111 = arith.constant 1 : i32
          %add3A_112 = arith.addi %add3A_51, %add3A_111 : i32
          %mul3A_113 = arith.constant 128 : i32
          %mul3A_114 = arith.muli %add3A_112, %mul3A_113 : i32
          %dma_start3A_115 = tpu.memref_slice %arg8[%mul3A_114] : memref<2048xi32, #tpu.memory_space<vmem>> -> memref<128xi32, #tpu.memory_space<vmem>>
          %dma_start3A_116 = arith.constant 0 : i32
          %dma_start3A_117 = arith.constant 0 : i32
          %dma_start3A_118 = tpu.memref_slice %arg5[%dma_start3A_116, %dma_start3A_117] : memref<10000x128xf32, #tpu.memory_space<hbm>> -> memref<10000x128xf32, #tpu.memory_space<hbm>>
          tpu.enqueue_indirect_dma source(%dma_start3A_118 : memref<10000x128xf32, #tpu.memory_space<hbm>>) target(%arg12 : memref<128x128xf32, #tpu.memory_space<vmem>>) offsets(%dma_start3A_115 : memref<128xi32, #tpu.memory_space<vmem>>) semaphore(%arg13 : memref<!tpu.dma_semaphore, #tpu.memory_space<semaphore_mem>>)
        } else {
        }
        %dma_wait3A_58 = arith.constant 0 : i32
        %dma_wait3A_59 = arith.constant 0 : i32
        %dma_wait3A_60 = tpu.memref_slice %arg5[%dma_wait3A_58, %dma_wait3A_59] : memref<10000x128xf32, #tpu.memory_space<hbm>> -> memref<128x128xf32, #tpu.memory_space<hbm>>
        %dma_wait3A_61 = arith.constant 0 : i32
        %dma_wait3A_62 = arith.constant 0 : i32
        %dma_wait3A_63 = tpu.memref_slice %arg5[%dma_wait3A_61, %dma_wait3A_62] : memref<10000x128xf32, #tpu.memory_space<hbm>> -> memref<128x128xf32, #tpu.memory_space<hbm>>
        tpu.wait_dma2 semaphore(%arg13 : memref<!tpu.dma_semaphore, #tpu.memory_space<semaphore_mem>>) src(%dma_wait3A_63 : memref<128x128xf32, #tpu.memory_space<hbm>>) dst(%arg11 : memref<128x128xf32, #tpu.memory_space<vmem>>)
        %scan3A_64 = arith.constant 0 : i32
        %scan3A_65 = arith.constant 0 : i32
        %scan3A_66 = arith.constant 128 : i32
        %scan3A_67 = arith.addi %scan3A_65, %scan3A_66 : i32
        %scan3A_68 = arith.constant 2 : i32
        %scan3A_69 = scf.for %scan3A_111 = %scan3A_65 to %scan3A_67 step %scan3A_68 iter_args(%scan3A_112 = %scan3A_64) -> (i32)  : i32 {
          %mul3A_113 = arith.constant 128 : i32
          %mul3A_114 = arith.muli %add3A_51, %mul3A_113 : i32
          %add3A_115 = arith.addi %mul3A_114, %scan3A_111 : i32
          %broadcast_in_dim3A = vector.broadcast %add3A_115 : i32 to vector<16xi32>
          %gather3A = tpu.vector_load_idx %arg10[%broadcast_in_dim3A] : memref<2048xf32, #tpu.memory_space<vmem>>[vector<16xi32>], vector<16xf32>,
          %get3A = arith.index_cast %scan3A_111 : i32 to index
          %get3A_116 = arith.constant 0 : index
          %get3A_117 = tpu.vector_load %arg11[%get3A, %get3A_116] {strides = array<i32>} : memref<128x128xf32, #tpu.memory_space<vmem>>, vector<16xf32>,
          %mul3A_118 = arith.mulf %get3A_117, %gather3A : vector<16xf32>
          %swap3A = arith.index_cast %scan3A_111 : i32 to index
          %swap3A_119 = arith.constant 0 : index
          %swap3A_120 = tpu.vector_load %arg11[%swap3A, %swap3A_119] {strides = array<i32>} : memref<128x128xf32, #tpu.memory_space<vmem>>, vector<16xf32>,
          tpu.vector_store %arg11[%swap3A, %swap3A_119], %mul3A_118 {strides = array<i32>} : memref<128x128xf32, #tpu.memory_space<vmem>>, vector<16xf32>,
          %get3A_121 = arith.index_cast %scan3A_111 : i32 to index
          %get3A_122 = arith.constant 16 : index
          %get3A_123 = tpu.vector_load %arg11[%get3A_121, %get3A_122] {strides = array<i32>} : memref<128x128xf32, #tpu.memory_space<vmem>>, vector<16xf32>,
          %mul3A_124 = arith.mulf %get3A_123, %gather3A : vector<16xf32>
          %swap3A_125 = arith.index_cast %scan3A_111 : i32 to index
          %swap3A_126 = arith.constant 16 : index
          %swap3A_127 = tpu.vector_load %arg11[%swap3A_125, %swap3A_126] {strides = array<i32>} : memref<128x128xf32, #tpu.memory_space<vmem>>, vector<16xf32>,
          tpu.vector_store %arg11[%swap3A_125, %swap3A_126], %mul3A_124 {strides = array<i32>} : memref<128x128xf32, #tpu.memory_space<vmem>>, vector<16xf32>,
          %get3A_128 = arith.index_cast %scan3A_111 : i32 to index
          %get3A_129 = arith.constant 32 : index
          %get3A_130 = tpu.vector_load %arg11[%get3A_128, %get3A_129] {strides = array<i32>} : memref<128x128xf32, #tpu.memory_space<vmem>>, vector<16xf32>,
          %mul3A_131 = arith.mulf %get3A_130, %gather3A : vector<16xf32>
          %swap3A_132 = arith.index_cast %scan3A_111 : i32 to index
          %swap3A_133 = arith.constant 32 : index
          %swap3A_134 = tpu.vector_load %arg11[%swap3A_132, %swap3A_133] {strides = array<i32>} : memref<128x128xf32, #tpu.memory_space<vmem>>, vector<16xf32>,
          tpu.vector_store %arg11[%swap3A_132, %swap3A_133], %mul3A_131 {strides = array<i32>} : memref<128x128xf32, #tpu.memory_space<vmem>>, vector<16xf32>,
          %get3A_135 = arith.index_cast %scan3A_111 : i32 to index
          %get3A_136 = arith.constant 48 : index
          %get3A_137 = tpu.vector_load %arg11[%get3A_135, %get3A_136] {strides = array<i32>} : memref<128x128xf32, #tpu.memory_space<vmem>>, vector<16xf32>,
          %mul3A_138 = arith.mulf %get3A_137, %gather3A : vector<16xf32>
          %swap3A_139 = arith.index_cast %scan3A_111 : i32 to index
          %swap3A_140 = arith.constant 48 : index
          %swap3A_141 = tpu.vector_load %arg11[%swap3A_139, %swap3A_140] {strides = array<i32>} : memref<128x128xf32, #tpu.memory_space<vmem>>, vector<16xf32>,
          tpu.vector_store %arg11[%swap3A_139, %swap3A_140], %mul3A_138 {strides = array<i32>} : memref<128x128xf32, #tpu.memory_space<vmem>>, vector<16xf32>,
          %get3A_142 = arith.index_cast %scan3A_111 : i32 to index
          %get3A_143 = arith.constant 64 : index
          %get3A_144 = tpu.vector_load %arg11[%get3A_142, %get3A_143] {strides = array<i32>} : memref<128x128xf32, #tpu.memory_space<vmem>>, vector<16xf32>,
          %mul3A_145 = arith.mulf %get3A_144, %gather3A : vector<16xf32>
          %swap3A_146 = arith.index_cast %scan3A_111 : i32 to index
          %swap3A_147 = arith.constant 64 : index
          %swap3A_148 = tpu.vector_load %arg11[%swap3A_146, %swap3A_147] {strides = array<i32>} : memref<128x128xf32, #tpu.memory_space<vmem>>, vector<16xf32>,
          tpu.vector_store %arg11[%swap3A_146, %swap3A_147], %mul3A_145 {strides = array<i32>} : memref<128x128xf32, #tpu.memory_space<vmem>>, vector<16xf32>,
          %get3A_149 = arith.index_cast %scan3A_111 : i32 to index
          %get3A_150 = arith.constant 80 : index
          %get3A_151 = tpu.vector_load %arg11[%get3A_149, %get3A_150] {strides = array<i32>} : memref<128x128xf32, #tpu.memory_space<vmem>>, vector<16xf32>,
          %mul3A_152 = arith.mulf %get3A_151, %gather3A : vector<16xf32>
          %swap3A_153 = arith.index_cast %scan3A_111 : i32 to index
          %swap3A_154 = arith.constant 80 : index
          %swap3A_155 = tpu.vector_load %arg11[%swap3A_153, %swap3A_154] {strides = array<i32>} : memref<128x128xf32, #tpu.memory_space<vmem>>, vector<16xf32>,
          tpu.vector_store %arg11[%swap3A_153, %swap3A_154], %mul3A_152 {strides = array<i32>} : memref<128x128xf32, #tpu.memory_space<vmem>>, vector<16xf32>,
          %get3A_156 = arith.index_cast %scan3A_111 : i32 to index
          %get3A_157 = arith.constant 96 : index
          %get3A_158 = tpu.vector_load %arg11[%get3A_156, %get3A_157] {strides = array<i32>} : memref<128x128xf32, #tpu.memory_space<vmem>>, vector<16xf32>,
          %mul3A_159 = arith.mulf %get3A_158, %gather3A : vector<16xf32>
          %swap3A_160 = arith.index_cast %scan3A_111 : i32 to index
          %swap3A_161 = arith.constant 96 : index
          %swap3A_162 = tpu.vector_load %arg11[%swap3A_160, %swap3A_161] {strides = array<i32>} : memref<128x128xf32, #tpu.memory_space<vmem>>, vector<16xf32>,
          tpu.vector_store %arg11[%swap3A_160, %swap3A_161], %mul3A_159 {strides = array<i32>} : memref<128x128xf32, #tpu.memory_space<vmem>>, vector<16xf32>,
          %get3A_163 = arith.index_cast %scan3A_111 : i32 to index
          %get3A_164 = arith.constant 112 : index
          %get3A_165 = tpu.vector_load %arg11[%get3A_163, %get3A_164] {strides = array<i32>} : memref<128x128xf32, #tpu.memory_space<vmem>>, vector<16xf32>,
          %mul3A_166 = arith.mulf %get3A_165, %gather3A : vector<16xf32>
          %swap3A_167 = arith.index_cast %scan3A_111 : i32 to index
          %swap3A_168 = arith.constant 112 : index
          %swap3A_169 = tpu.vector_load %arg11[%swap3A_167, %swap3A_168] {strides = array<i32>} : memref<128x128xf32, #tpu.memory_space<vmem>>, vector<16xf32>,
          tpu.vector_store %arg11[%swap3A_167, %swap3A_168], %mul3A_166 {strides = array<i32>} : memref<128x128xf32, #tpu.memory_space<vmem>>, vector<16xf32>,
          %scan3A_170 = arith.constant 0 : i32
          %scan3A_171 = arith.constant 1 : i32
          %scan3A_172 = arith.addi %scan3A_111, %scan3A_171 : i32
          %mul3A_173 = arith.constant 128 : i32
          %mul3A_174 = arith.muli %add3A_51, %mul3A_173 : i32
          %add3A_175 = arith.addi %mul3A_174, %scan3A_172 : i32
          %broadcast_in_dim3A_176 = vector.broadcast %add3A_175 : i32 to vector<16xi32>
          %gather3A_177 = tpu.vector_load_idx %arg10[%broadcast_in_dim3A_176] : memref<2048xf32, #tpu.memory_space<vmem>>[vector<16xi32>], vector<16xf32>,
          %get3A_178 = arith.index_cast %scan3A_172 : i32 to index
          %get3A_179 = arith.constant 0 : index
          %get3A_180 = tpu.vector_load %arg11[%get3A_178, %get3A_179] {strides = array<i32>} : memref<128x128xf32, #tpu.memory_space<vmem>>, vector<16xf32>,
          %mul3A_181 = arith.mulf %get3A_180, %gather3A_177 : vector<16xf32>
          %swap3A_182 = arith.index_cast %scan3A_172 : i32 to index
          %swap3A_183 = arith.constant 0 : index
          %swap3A_184 = tpu.vector_load %arg11[%swap3A_182, %swap3A_183] {strides = array<i32>} : memref<128x128xf32, #tpu.memory_space<vmem>>, vector<16xf32>,
          tpu.vector_store %arg11[%swap3A_182, %swap3A_183], %mul3A_181 {strides = array<i32>} : memref<128x128xf32, #tpu.memory_space<vmem>>, vector<16xf32>,
          %get3A_185 = arith.index_cast %scan3A_172 : i32 to index
          %get3A_186 = arith.constant 16 : index
          %get3A_187 = tpu.vector_load %arg11[%get3A_185, %get3A_186] {strides = array<i32>} : memref<128x128xf32, #tpu.memory_space<vmem>>, vector<16xf32>,
          %mul3A_188 = arith.mulf %get3A_187, %gather3A_177 : vector<16xf32>
          %swap3A_189 = arith.index_cast %scan3A_172 : i32 to index
          %swap3A_190 = arith.constant 16 : index
          %swap3A_191 = tpu.vector_load %arg11[%swap3A_189, %swap3A_190] {strides = array<i32>} : memref<128x128xf32, #tpu.memory_space<vmem>>, vector<16xf32>,
          tpu.vector_store %arg11[%swap3A_189, %swap3A_190], %mul3A_188 {strides = array<i32>} : memref<128x128xf32, #tpu.memory_space<vmem>>, vector<16xf32>,
          %get3A_192 = arith.index_cast %scan3A_172 : i32 to index
          %get3A_193 = arith.constant 32 : index
          %get3A_194 = tpu.vector_load %arg11[%get3A_192, %get3A_193] {strides = array<i32>} : memref<128x128xf32, #tpu.memory_space<vmem>>, vector<16xf32>,
          %mul3A_195 = arith.mulf %get3A_194, %gather3A_177 : vector<16xf32>
          %swap3A_196 = arith.index_cast %scan3A_172 : i32 to index
          %swap3A_197 = arith.constant 32 : index
          %swap3A_198 = tpu.vector_load %arg11[%swap3A_196, %swap3A_197] {strides = array<i32>} : memref<128x128xf32, #tpu.memory_space<vmem>>, vector<16xf32>,
          tpu.vector_store %arg11[%swap3A_196, %swap3A_197], %mul3A_195 {strides = array<i32>} : memref<128x128xf32, #tpu.memory_space<vmem>>, vector<16xf32>,
          %get3A_199 = arith.index_cast %scan3A_172 : i32 to index
          %get3A_200 = arith.constant 48 : index
          %get3A_201 = tpu.vector_load %arg11[%get3A_199, %get3A_200] {strides = array<i32>} : memref<128x128xf32, #tpu.memory_space<vmem>>, vector<16xf32>,
          %mul3A_202 = arith.mulf %get3A_201, %gather3A_177 : vector<16xf32>
          %swap3A_203 = arith.index_cast %scan3A_172 : i32 to index
          %swap3A_204 = arith.constant 48 : index
          %swap3A_205 = tpu.vector_load %arg11[%swap3A_203, %swap3A_204] {strides = array<i32>} : memref<128x128xf32, #tpu.memory_space<vmem>>, vector<16xf32>,
          tpu.vector_store %arg11[%swap3A_203, %swap3A_204], %mul3A_202 {strides = array<i32>} : memref<128x128xf32, #tpu.memory_space<vmem>>, vector<16xf32>,
          %get3A_206 = arith.index_cast %scan3A_172 : i32 to index
          %get3A_207 = arith.constant 64 : index
          %get3A_208 = tpu.vector_load %arg11[%get3A_206, %get3A_207] {strides = array<i32>} : memref<128x128xf32, #tpu.memory_space<vmem>>, vector<16xf32>,
          %mul3A_209 = arith.mulf %get3A_208, %gather3A_177 : vector<16xf32>
          %swap3A_210 = arith.index_cast %scan3A_172 : i32 to index
          %swap3A_211 = arith.constant 64 : index
          %swap3A_212 = tpu.vector_load %arg11[%swap3A_210, %swap3A_211] {strides = array<i32>} : memref<128x128xf32, #tpu.memory_space<vmem>>, vector<16xf32>,
          tpu.vector_store %arg11[%swap3A_210, %swap3A_211], %mul3A_209 {strides = array<i32>} : memref<128x128xf32, #tpu.memory_space<vmem>>, vector<16xf32>,
          %get3A_213 = arith.index_cast %scan3A_172 : i32 to index
          %get3A_214 = arith.constant 80 : index
          %get3A_215 = tpu.vector_load %arg11[%get3A_213, %get3A_214] {strides = array<i32>} : memref<128x128xf32, #tpu.memory_space<vmem>>, vector<16xf32>,
          %mul3A_216 = arith.mulf %get3A_215, %gather3A_177 : vector<16xf32>
          %swap3A_217 = arith.index_cast %scan3A_172 : i32 to index
          %swap3A_218 = arith.constant 80 : index
          %swap3A_219 = tpu.vector_load %arg11[%swap3A_217, %swap3A_218] {strides = array<i32>} : memref<128x128xf32, #tpu.memory_space<vmem>>, vector<16xf32>,
          tpu.vector_store %arg11[%swap3A_217, %swap3A_218], %mul3A_216 {strides = array<i32>} : memref<128x128xf32, #tpu.memory_space<vmem>>, vector<16xf32>,
          %get3A_220 = arith.index_cast %scan3A_172 : i32 to index
          %get3A_221 = arith.constant 96 : index
          %get3A_222 = tpu.vector_load %arg11[%get3A_220, %get3A_221] {strides = array<i32>} : memref<128x128xf32, #tpu.memory_space<vmem>>, vector<16xf32>,
          %mul3A_223 = arith.mulf %get3A_222, %gather3A_177 : vector<16xf32>
          %swap3A_224 = arith.index_cast %scan3A_172 : i32 to index
          %swap3A_225 = arith.constant 96 : index
          %swap3A_226 = tpu.vector_load %arg11[%swap3A_224, %swap3A_225] {strides = array<i32>} : memref<128x128xf32, #tpu.memory_space<vmem>>, vector<16xf32>,
          tpu.vector_store %arg11[%swap3A_224, %swap3A_225], %mul3A_223 {strides = array<i32>} : memref<128x128xf32, #tpu.memory_space<vmem>>, vector<16xf32>,
          %get3A_227 = arith.index_cast %scan3A_172 : i32 to index
          %get3A_228 = arith.constant 112 : index
          %get3A_229 = tpu.vector_load %arg11[%get3A_227, %get3A_228] {strides = array<i32>} : memref<128x128xf32, #tpu.memory_space<vmem>>, vector<16xf32>,
          %mul3A_230 = arith.mulf %get3A_229, %gather3A_177 : vector<16xf32>
          %swap3A_231 = arith.index_cast %scan3A_172 : i32 to index
          %swap3A_232 = arith.constant 112 : index
          %swap3A_233 = tpu.vector_load %arg11[%swap3A_231, %swap3A_232] {strides = array<i32>} : memref<128x128xf32, #tpu.memory_space<vmem>>, vector<16xf32>,
          tpu.vector_store %arg11[%swap3A_231, %swap3A_232], %mul3A_230 {strides = array<i32>} : memref<128x128xf32, #tpu.memory_space<vmem>>, vector<16xf32>,
          %scan3A_234 = arith.constant 0 : i32
          scf.yield %scan3A_234 : i32
        }
        %scan3A_70 = arith.constant 128 : i32
        %dma_start3A_71 = arith.constant 0 : i32
        %dma_start3A_72 = tpu.memref_slice %arg9[%add3A_51, %dma_start3A_71] : memref<16x128xi32, #tpu.memory_space<vmem>> -> memref<1x128xi32, #tpu.memory_space<vmem>>
        %dma_start3A_73 = tpu.memref_squeeze %dma_start3A_72 : memref<1x128xi32, #tpu.memory_space<vmem>> -> memref<128xi32, #tpu.memory_space<vmem>>
        %dma_start3A_74 = arith.constant 0 : i32
        %dma_start3A_75 = arith.constant 0 : i32
        %dma_start3A_76 = tpu.memref_slice %arg15[%dma_start3A_74, %dma_start3A_75] : memref<10240x128xf32, #tpu.memory_space<vmem_shared>> -> memref<10240x128xf32, #tpu.memory_space<vmem_shared>>
        tpu.enqueue_indirect_dma source(%arg11 : memref<128x128xf32, #tpu.memory_space<vmem>>) target(%dma_start3A_76 : memref<10240x128xf32, #tpu.memory_space<vmem_shared>>) offsets(%dma_start3A_73 : memref<128xi32, #tpu.memory_space<vmem>>) semaphore(%arg14 : memref<!tpu.dma_semaphore, #tpu.memory_space<semaphore_mem>>) {add = true}
        %mul3A_77 = arith.constant 2 : i32
        %mul3A_78 = arith.muli %mul3A_77, %scan3A_46 : i32
        %add3A_79 = arith.constant 1 : i32
        %add3A_80 = arith.addi %mul3A_78, %add3A_79 : i32
        %ge3A_81 = arith.constant 1 : i32
        %ge3A_82 = arith.cmpi sge, %add3A_80, %ge3A_81 : i32
        %convert_element_type3A_83 = arith.extui %ge3A_82 : i1 to i32
        %cond3A_84 = arith.constant 0 : i32
        %cond3A_85 = arith.cmpi ne, %convert_element_type3A_83, %cond3A_84 : i32
        scf.if %cond3A_85 {
          %sub3A = arith.constant 1 : i32
          %sub3A_111 = arith.subi %add3A_80, %sub3A : i32
          %dma_wait3A_112 = arith.constant 0 : i32
          %dma_wait3A_113 = tpu.memref_slice %arg9[%sub3A_111, %dma_wait3A_112] : memref<16x128xi32, #tpu.memory_space<vmem>> -> memref<1x128xi32, #tpu.memory_space<vmem>>
          %dma_wait3A_114 = tpu.memref_squeeze %dma_wait3A_113 : memref<1x128xi32, #tpu.memory_space<vmem>> -> memref<128xi32, #tpu.memory_space<vmem>>
          %dma_wait3A_115 = arith.constant 0 : i32
          %dma_wait3A_116 = arith.constant 0 : i32
          %dma_wait3A_117 = tpu.memref_slice %arg15[%dma_wait3A_115, %dma_wait3A_116] : memref<10240x128xf32, #tpu.memory_space<vmem_shared>> -> memref<10240x128xf32, #tpu.memory_space<vmem_shared>>
          tpu.wait_indirect_dma semaphore(%arg14 : memref<!tpu.dma_semaphore, #tpu.memory_space<semaphore_mem>>) src(%arg11 : memref<128x128xf32, #tpu.memory_space<vmem>>) dst(%dma_wait3A_117 : memref<10240x128xf32, #tpu.memory_space<vmem_shared>>)
        } else {
        }
        %lt3A_86 = arith.constant 15 : i32
        %lt3A_87 = arith.cmpi slt, %add3A_80, %lt3A_86 : i32
        %convert_element_type3A_88 = arith.extui %lt3A_87 : i1 to i32
        %cond3A_89 = arith.constant 0 : i32
        %cond3A_90 = arith.cmpi ne, %convert_element_type3A_88, %cond3A_89 : i32
        scf.if %cond3A_90 {
          %add3A_111 = arith.constant 1 : i32
          %add3A_112 = arith.addi %add3A_80, %add3A_111 : i32
          %mul3A_113 = arith.constant 128 : i32
          %mul3A_114 = arith.muli %add3A_112, %mul3A_113 : i32
          %dma_start3A_115 = tpu.memref_slice %arg8[%mul3A_114] : memref<2048xi32, #tpu.memory_space<vmem>> -> memref<128xi32, #tpu.memory_space<vmem>>
          %dma_start3A_116 = arith.constant 0 : i32
          %dma_start3A_117 = arith.constant 0 : i32
          %dma_start3A_118 = tpu.memref_slice %arg5[%dma_start3A_116, %dma_start3A_117] : memref<10000x128xf32, #tpu.memory_space<hbm>> -> memref<10000x128xf32, #tpu.memory_space<hbm>>
          tpu.enqueue_indirect_dma source(%dma_start3A_118 : memref<10000x128xf32, #tpu.memory_space<hbm>>) target(%arg11 : memref<128x128xf32, #tpu.memory_space<vmem>>) offsets(%dma_start3A_115 : memref<128xi32, #tpu.memory_space<vmem>>) semaphore(%arg13 : memref<!tpu.dma_semaphore, #tpu.memory_space<semaphore_mem>>)
        } else {
        }
        %dma_wait3A_91 = arith.constant 0 : i32
        %dma_wait3A_92 = arith.constant 0 : i32
        %dma_wait3A_93 = tpu.memref_slice %arg5[%dma_wait3A_91, %dma_wait3A_92] : memref<10000x128xf32, #tpu.memory_space<hbm>> -> memref<128x128xf32, #tpu.memory_space<hbm>>
        %dma_wait3A_94 = arith.constant 0 : i32
        %dma_wait3A_95 = arith.constant 0 : i32
        %dma_wait3A_96 = tpu.memref_slice %arg5[%dma_wait3A_94, %dma_wait3A_95] : memref<10000x128xf32, #tpu.memory_space<hbm>> -> memref<128x128xf32, #tpu.memory_space<hbm>>
        tpu.wait_dma2 semaphore(%arg13 : memref<!tpu.dma_semaphore, #tpu.memory_space<semaphore_mem>>) src(%dma_wait3A_96 : memref<128x128xf32, #tpu.memory_space<hbm>>) dst(%arg12 : memref<128x128xf32, #tpu.memory_space<vmem>>)
        %scan3A_97 = arith.constant 0 : i32
        %scan3A_98 = arith.constant 0 : i32
        %scan3A_99 = arith.constant 128 : i32
        %scan3A_100 = arith.addi %scan3A_98, %scan3A_99 : i32
        %scan3A_101 = arith.constant 2 : i32
        %scan3A_102 = scf.for %scan3A_111 = %scan3A_98 to %scan3A_100 step %scan3A_101 iter_args(%scan3A_112 = %scan3A_97) -> (i32)  : i32 {
          %mul3A_113 = arith.constant 128 : i32
          %mul3A_114 = arith.muli %add3A_80, %mul3A_113 : i32
          %add3A_115 = arith.addi %mul3A_114, %scan3A_111 : i32
          %broadcast_in_dim3A = vector.broadcast %add3A_115 : i32 to vector<16xi32>
          %gather3A = tpu.vector_load_idx %arg10[%broadcast_in_dim3A] : memref<2048xf32, #tpu.memory_space<vmem>>[vector<16xi32>], vector<16xf32>,
          %get3A = arith.index_cast %scan3A_111 : i32 to index
          %get3A_116 = arith.constant 0 : index
          %get3A_117 = tpu.vector_load %arg12[%get3A, %get3A_116] {strides = array<i32>} : memref<128x128xf32, #tpu.memory_space<vmem>>, vector<16xf32>,
          %mul3A_118 = arith.mulf %get3A_117, %gather3A : vector<16xf32>
          %swap3A = arith.index_cast %scan3A_111 : i32 to index
          %swap3A_119 = arith.constant 0 : index
          %swap3A_120 = tpu.vector_load %arg12[%swap3A, %swap3A_119] {strides = array<i32>} : memref<128x128xf32, #tpu.memory_space<vmem>>, vector<16xf32>,
          tpu.vector_store %arg12[%swap3A, %swap3A_119], %mul3A_118 {strides = array<i32>} : memref<128x128xf32, #tpu.memory_space<vmem>>, vector<16xf32>,
          %get3A_121 = arith.index_cast %scan3A_111 : i32 to index
          %get3A_122 = arith.constant 16 : index
          %get3A_123 = tpu.vector_load %arg12[%get3A_121, %get3A_122] {strides = array<i32>} : memref<128x128xf32, #tpu.memory_space<vmem>>, vector<16xf32>,
          %mul3A_124 = arith.mulf %get3A_123, %gather3A : vector<16xf32>
          %swap3A_125 = arith.index_cast %scan3A_111 : i32 to index
          %swap3A_126 = arith.constant 16 : index
          %swap3A_127 = tpu.vector_load %arg12[%swap3A_125, %swap3A_126] {strides = array<i32>} : memref<128x128xf32, #tpu.memory_space<vmem>>, vector<16xf32>,
          tpu.vector_store %arg12[%swap3A_125, %swap3A_126], %mul3A_124 {strides = array<i32>} : memref<128x128xf32, #tpu.memory_space<vmem>>, vector<16xf32>,
          %get3A_128 = arith.index_cast %scan3A_111 : i32 to index
          %get3A_129 = arith.constant 32 : index
          %get3A_130 = tpu.vector_load %arg12[%get3A_128, %get3A_129] {strides = array<i32>} : memref<128x128xf32, #tpu.memory_space<vmem>>, vector<16xf32>,
          %mul3A_131 = arith.mulf %get3A_130, %gather3A : vector<16xf32>
          %swap3A_132 = arith.index_cast %scan3A_111 : i32 to index
          %swap3A_133 = arith.constant 32 : index
          %swap3A_134 = tpu.vector_load %arg12[%swap3A_132, %swap3A_133] {strides = array<i32>} : memref<128x128xf32, #tpu.memory_space<vmem>>, vector<16xf32>,
          tpu.vector_store %arg12[%swap3A_132, %swap3A_133], %mul3A_131 {strides = array<i32>} : memref<128x128xf32, #tpu.memory_space<vmem>>, vector<16xf32>,
          %get3A_135 = arith.index_cast %scan3A_111 : i32 to index
          %get3A_136 = arith.constant 48 : index
          %get3A_137 = tpu.vector_load %arg12[%get3A_135, %get3A_136] {strides = array<i32>} : memref<128x128xf32, #tpu.memory_space<vmem>>, vector<16xf32>,
          %mul3A_138 = arith.mulf %get3A_137, %gather3A : vector<16xf32>
          %swap3A_139 = arith.index_cast %scan3A_111 : i32 to index
          %swap3A_140 = arith.constant 48 : index
          %swap3A_141 = tpu.vector_load %arg12[%swap3A_139, %swap3A_140] {strides = array<i32>} : memref<128x128xf32, #tpu.memory_space<vmem>>, vector<16xf32>,
          tpu.vector_store %arg12[%swap3A_139, %swap3A_140], %mul3A_138 {strides = array<i32>} : memref<128x128xf32, #tpu.memory_space<vmem>>, vector<16xf32>,
          %get3A_142 = arith.index_cast %scan3A_111 : i32 to index
          %get3A_143 = arith.constant 64 : index
          %get3A_144 = tpu.vector_load %arg12[%get3A_142, %get3A_143] {strides = array<i32>} : memref<128x128xf32, #tpu.memory_space<vmem>>, vector<16xf32>,
          %mul3A_145 = arith.mulf %get3A_144, %gather3A : vector<16xf32>
          %swap3A_146 = arith.index_cast %scan3A_111 : i32 to index
          %swap3A_147 = arith.constant 64 : index
          %swap3A_148 = tpu.vector_load %arg12[%swap3A_146, %swap3A_147] {strides = array<i32>} : memref<128x128xf32, #tpu.memory_space<vmem>>, vector<16xf32>,
          tpu.vector_store %arg12[%swap3A_146, %swap3A_147], %mul3A_145 {strides = array<i32>} : memref<128x128xf32, #tpu.memory_space<vmem>>, vector<16xf32>,
          %get3A_149 = arith.index_cast %scan3A_111 : i32 to index
          %get3A_150 = arith.constant 80 : index
          %get3A_151 = tpu.vector_load %arg12[%get3A_149, %get3A_150] {strides = array<i32>} : memref<128x128xf32, #tpu.memory_space<vmem>>, vector<16xf32>,
          %mul3A_152 = arith.mulf %get3A_151, %gather3A : vector<16xf32>
          %swap3A_153 = arith.index_cast %scan3A_111 : i32 to index
          %swap3A_154 = arith.constant 80 : index
          %swap3A_155 = tpu.vector_load %arg12[%swap3A_153, %swap3A_154] {strides = array<i32>} : memref<128x128xf32, #tpu.memory_space<vmem>>, vector<16xf32>,
          tpu.vector_store %arg12[%swap3A_153, %swap3A_154], %mul3A_152 {strides = array<i32>} : memref<128x128xf32, #tpu.memory_space<vmem>>, vector<16xf32>,
          %get3A_156 = arith.index_cast %scan3A_111 : i32 to index
          %get3A_157 = arith.constant 96 : index
          %get3A_158 = tpu.vector_load %arg12[%get3A_156, %get3A_157] {strides = array<i32>} : memref<128x128xf32, #tpu.memory_space<vmem>>, vector<16xf32>,
          %mul3A_159 = arith.mulf %get3A_158, %gather3A : vector<16xf32>
          %swap3A_160 = arith.index_cast %scan3A_111 : i32 to index
          %swap3A_161 = arith.constant 96 : index
          %swap3A_162 = tpu.vector_load %arg12[%swap3A_160, %swap3A_161] {strides = array<i32>} : memref<128x128xf32, #tpu.memory_space<vmem>>, vector<16xf32>,
          tpu.vector_store %arg12[%swap3A_160, %swap3A_161], %mul3A_159 {strides = array<i32>} : memref<128x128xf32, #tpu.memory_space<vmem>>, vector<16xf32>,
          %get3A_163 = arith.index_cast %scan3A_111 : i32 to index
          %get3A_164 = arith.constant 112 : index
          %get3A_165 = tpu.vector_load %arg12[%get3A_163, %get3A_164] {strides = array<i32>} : memref<128x128xf32, #tpu.memory_space<vmem>>, vector<16xf32>,
          %mul3A_166 = arith.mulf %get3A_165, %gather3A : vector<16xf32>
          %swap3A_167 = arith.index_cast %scan3A_111 : i32 to index
          %swap3A_168 = arith.constant 112 : index
          %swap3A_169 = tpu.vector_load %arg12[%swap3A_167, %swap3A_168] {strides = array<i32>} : memref<128x128xf32, #tpu.memory_space<vmem>>, vector<16xf32>,
          tpu.vector_store %arg12[%swap3A_167, %swap3A_168], %mul3A_166 {strides = array<i32>} : memref<128x128xf32, #tpu.memory_space<vmem>>, vector<16xf32>,
          %scan3A_170 = arith.constant 0 : i32
          %scan3A_171 = arith.constant 1 : i32
          %scan3A_172 = arith.addi %scan3A_111, %scan3A_171 : i32
          %mul3A_173 = arith.constant 128 : i32
          %mul3A_174 = arith.muli %add3A_80, %mul3A_173 : i32
          %add3A_175 = arith.addi %mul3A_174, %scan3A_172 : i32
          %broadcast_in_dim3A_176 = vector.broadcast %add3A_175 : i32 to vector<16xi32>
          %gather3A_177 = tpu.vector_load_idx %arg10[%broadcast_in_dim3A_176] : memref<2048xf32, #tpu.memory_space<vmem>>[vector<16xi32>], vector<16xf32>,
          %get3A_178 = arith.index_cast %scan3A_172 : i32 to index
          %get3A_179 = arith.constant 0 : index
          %get3A_180 = tpu.vector_load %arg12[%get3A_178, %get3A_179] {strides = array<i32>} : memref<128x128xf32, #tpu.memory_space<vmem>>, vector<16xf32>,
          %mul3A_181 = arith.mulf %get3A_180, %gather3A_177 : vector<16xf32>
          %swap3A_182 = arith.index_cast %scan3A_172 : i32 to index
          %swap3A_183 = arith.constant 0 : index
          %swap3A_184 = tpu.vector_load %arg12[%swap3A_182, %swap3A_183] {strides = array<i32>} : memref<128x128xf32, #tpu.memory_space<vmem>>, vector<16xf32>,
          tpu.vector_store %arg12[%swap3A_182, %swap3A_183], %mul3A_181 {strides = array<i32>} : memref<128x128xf32, #tpu.memory_space<vmem>>, vector<16xf32>,
          %get3A_185 = arith.index_cast %scan3A_172 : i32 to index
          %get3A_186 = arith.constant 16 : index
          %get3A_187 = tpu.vector_load %arg12[%get3A_185, %get3A_186] {strides = array<i32>} : memref<128x128xf32, #tpu.memory_space<vmem>>, vector<16xf32>,
          %mul3A_188 = arith.mulf %get3A_187, %gather3A_177 : vector<16xf32>
          %swap3A_189 = arith.index_cast %scan3A_172 : i32 to index
          %swap3A_190 = arith.constant 16 : index
          %swap3A_191 = tpu.vector_load %arg12[%swap3A_189, %swap3A_190] {strides = array<i32>} : memref<128x128xf32, #tpu.memory_space<vmem>>, vector<16xf32>,
          tpu.vector_store %arg12[%swap3A_189, %swap3A_190], %mul3A_188 {strides = array<i32>} : memref<128x128xf32, #tpu.memory_space<vmem>>, vector<16xf32>,
          %get3A_192 = arith.index_cast %scan3A_172 : i32 to index
          %get3A_193 = arith.constant 32 : index
          %get3A_194 = tpu.vector_load %arg12[%get3A_192, %get3A_193] {strides = array<i32>} : memref<128x128xf32, #tpu.memory_space<vmem>>, vector<16xf32>,
          %mul3A_195 = arith.mulf %get3A_194, %gather3A_177 : vector<16xf32>
          %swap3A_196 = arith.index_cast %scan3A_172 : i32 to index
          %swap3A_197 = arith.constant 32 : index
          %swap3A_198 = tpu.vector_load %arg12[%swap3A_196, %swap3A_197] {strides = array<i32>} : memref<128x128xf32, #tpu.memory_space<vmem>>, vector<16xf32>,
          tpu.vector_store %arg12[%swap3A_196, %swap3A_197], %mul3A_195 {strides = array<i32>} : memref<128x128xf32, #tpu.memory_space<vmem>>, vector<16xf32>,
          %get3A_199 = arith.index_cast %scan3A_172 : i32 to index
          %get3A_200 = arith.constant 48 : index
          %get3A_201 = tpu.vector_load %arg12[%get3A_199, %get3A_200] {strides = array<i32>} : memref<128x128xf32, #tpu.memory_space<vmem>>, vector<16xf32>,
          %mul3A_202 = arith.mulf %get3A_201, %gather3A_177 : vector<16xf32>
          %swap3A_203 = arith.index_cast %scan3A_172 : i32 to index
          %swap3A_204 = arith.constant 48 : index
          %swap3A_205 = tpu.vector_load %arg12[%swap3A_203, %swap3A_204] {strides = array<i32>} : memref<128x128xf32, #tpu.memory_space<vmem>>, vector<16xf32>,
          tpu.vector_store %arg12[%swap3A_203, %swap3A_204], %mul3A_202 {strides = array<i32>} : memref<128x128xf32, #tpu.memory_space<vmem>>, vector<16xf32>,
          %get3A_206 = arith.index_cast %scan3A_172 : i32 to index
          %get3A_207 = arith.constant 64 : index
          %get3A_208 = tpu.vector_load %arg12[%get3A_206, %get3A_207] {strides = array<i32>} : memref<128x128xf32, #tpu.memory_space<vmem>>, vector<16xf32>,
          %mul3A_209 = arith.mulf %get3A_208, %gather3A_177 : vector<16xf32>
          %swap3A_210 = arith.index_cast %scan3A_172 : i32 to index
          %swap3A_211 = arith.constant 64 : index
          %swap3A_212 = tpu.vector_load %arg12[%swap3A_210, %swap3A_211] {strides = array<i32>} : memref<128x128xf32, #tpu.memory_space<vmem>>, vector<16xf32>,
          tpu.vector_store %arg12[%swap3A_210, %swap3A_211], %mul3A_209 {strides = array<i32>} : memref<128x128xf32, #tpu.memory_space<vmem>>, vector<16xf32>,
          %get3A_213 = arith.index_cast %scan3A_172 : i32 to index
          %get3A_214 = arith.constant 80 : index
          %get3A_215 = tpu.vector_load %arg12[%get3A_213, %get3A_214] {strides = array<i32>} : memref<128x128xf32, #tpu.memory_space<vmem>>, vector<16xf32>,
          %mul3A_216 = arith.mulf %get3A_215, %gather3A_177 : vector<16xf32>
          %swap3A_217 = arith.index_cast %scan3A_172 : i32 to index
          %swap3A_218 = arith.constant 80 : index
          %swap3A_219 = tpu.vector_load %arg12[%swap3A_217, %swap3A_218] {strides = array<i32>} : memref<128x128xf32, #tpu.memory_space<vmem>>, vector<16xf32>,
          tpu.vector_store %arg12[%swap3A_217, %swap3A_218], %mul3A_216 {strides = array<i32>} : memref<128x128xf32, #tpu.memory_space<vmem>>, vector<16xf32>,
          %get3A_220 = arith.index_cast %scan3A_172 : i32 to index
          %get3A_221 = arith.constant 96 : index
          %get3A_222 = tpu.vector_load %arg12[%get3A_220, %get3A_221] {strides = array<i32>} : memref<128x128xf32, #tpu.memory_space<vmem>>, vector<16xf32>,
          %mul3A_223 = arith.mulf %get3A_222, %gather3A_177 : vector<16xf32>
          %swap3A_224 = arith.index_cast %scan3A_172 : i32 to index
          %swap3A_225 = arith.constant 96 : index
          %swap3A_226 = tpu.vector_load %arg12[%swap3A_224, %swap3A_225] {strides = array<i32>} : memref<128x128xf32, #tpu.memory_space<vmem>>, vector<16xf32>,
          tpu.vector_store %arg12[%swap3A_224, %swap3A_225], %mul3A_223 {strides = array<i32>} : memref<128x128xf32, #tpu.memory_space<vmem>>, vector<16xf32>,
          %get3A_227 = arith.index_cast %scan3A_172 : i32 to index
          %get3A_228 = arith.constant 112 : index
          %get3A_229 = tpu.vector_load %arg12[%get3A_227, %get3A_228] {strides = array<i32>} : memref<128x128xf32, #tpu.memory_space<vmem>>, vector<16xf32>,
          %mul3A_230 = arith.mulf %get3A_229, %gather3A_177 : vector<16xf32>
          %swap3A_231 = arith.index_cast %scan3A_172 : i32 to index
          %swap3A_232 = arith.constant 112 : index
          %swap3A_233 = tpu.vector_load %arg12[%swap3A_231, %swap3A_232] {strides = array<i32>} : memref<128x128xf32, #tpu.memory_space<vmem>>, vector<16xf32>,
          tpu.vector_store %arg12[%swap3A_231, %swap3A_232], %mul3A_230 {strides = array<i32>} : memref<128x128xf32, #tpu.memory_space<vmem>>, vector<16xf32>,
          %scan3A_234 = arith.constant 0 : i32
          scf.yield %scan3A_234 : i32
        }
        %scan3A_103 = arith.constant 128 : i32
        %dma_start3A_104 = arith.constant 0 : i32
        %dma_start3A_105 = tpu.memref_slice %arg9[%add3A_80, %dma_start3A_104] : memref<16x128xi32, #tpu.memory_space<vmem>> -> memref<1x128xi32, #tpu.memory_space<vmem>>
        %dma_start3A_106 = tpu.memref_squeeze %dma_start3A_105 : memref<1x128xi32, #tpu.memory_space<vmem>> -> memref<128xi32, #tpu.memory_space<vmem>>
        %dma_start3A_107 = arith.constant 0 : i32
        %dma_start3A_108 = arith.constant 0 : i32
        %dma_start3A_109 = tpu.memref_slice %arg15[%dma_start3A_107, %dma_start3A_108] : memref<10240x128xf32, #tpu.memory_space<vmem_shared>> -> memref<10240x128xf32, #tpu.memory_space<vmem_shared>>
        tpu.enqueue_indirect_dma source(%arg12 : memref<128x128xf32, #tpu.memory_space<vmem>>) target(%dma_start3A_109 : memref<10240x128xf32, #tpu.memory_space<vmem_shared>>) offsets(%dma_start3A_106 : memref<128xi32, #tpu.memory_space<vmem>>) semaphore(%arg14 : memref<!tpu.dma_semaphore, #tpu.memory_space<semaphore_mem>>) {add = true}
        %scan3A_110 = arith.constant 0 : i32
        scf.yield %scan3A_110 : i32
      }
      %scan3A_38 = arith.constant 8 : i32
      %dma_wait3A = arith.constant 15 : i32
      %dma_wait3A_39 = arith.constant 0 : i32
      %dma_wait3A_40 = tpu.memref_slice %arg9[%dma_wait3A, %dma_wait3A_39] : memref<16x128xi32, #tpu.memory_space<vmem>> -> memref<1x128xi32, #tpu.memory_space<vmem>>
      %dma_wait3A_41 = tpu.memref_squeeze %dma_wait3A_40 : memref<1x128xi32, #tpu.memory_space<vmem>> -> memref<128xi32, #tpu.memory_space<vmem>>
      %dma_wait3A_42 = arith.constant 0 : i32
      %dma_wait3A_43 = arith.constant 0 : i32
      %dma_wait3A_44 = tpu.memref_slice %arg15[%dma_wait3A_42, %dma_wait3A_43] : memref<10240x128xf32, #tpu.memory_space<vmem_shared>> -> memref<10240x128xf32, #tpu.memory_space<vmem_shared>>
      tpu.wait_indirect_dma semaphore(%arg14 : memref<!tpu.dma_semaphore, #tpu.memory_space<semaphore_mem>>) src(%arg12 : memref<128x128xf32, #tpu.memory_space<vmem>>) dst(%dma_wait3A_44 : memref<10240x128xf32, #tpu.memory_space<vmem_shared>>)
      %while3A_45 = arith.constant 0 : i32
      scf.yield %while3A_45 : i32
    }
    %while3A_20 = arith.constant 1 : i32
    %while3A_21 = scf.for %while3A_23 = %while3A_17 to %while3A_13 step %while3A_20 iter_args(%while3A_24 = %while3A_19) -> (i32)  : i32 {
      %add3A_25 = arith.addi %select_n3A, %while3A_23 : i32
      %mul3A_26 = arith.constant 2048 : i32
      %mul3A_27 = arith.muli %add3A_25, %mul3A_26 : i32
      "tpu.region"() ({
        %run_scoped3A = tpu.sem_alloc : memref<!tpu.dma_semaphore, #tpu.memory_space<semaphore_mem>>
        %dma_start3A_46 = tpu.memref_slice %arg2[%mul3A_27] : memref<327680xi32, #tpu.memory_space<hbm>> -> memref<2048xi32, #tpu.memory_space<hbm>>
        %dma_start3A_47 = tpu.memref_slice %arg2[%mul3A_27] : memref<327680xi32, #tpu.memory_space<hbm>> -> memref<2048xi32, #tpu.memory_space<hbm>>
        tpu.enqueue_dma source(%dma_start3A_47 : memref<2048xi32, #tpu.memory_space<hbm>>) target(%arg8 : memref<2048xi32, #tpu.memory_space<vmem>>) target_semaphore(%run_scoped3A : memref<!tpu.dma_semaphore, #tpu.memory_space<semaphore_mem>>)
        %dma_wait3A_48 = tpu.memref_slice %arg2[%mul3A_27] : memref<327680xi32, #tpu.memory_space<hbm>> -> memref<2048xi32, #tpu.memory_space<hbm>>
        %dma_wait3A_49 = tpu.memref_slice %arg2[%mul3A_27] : memref<327680xi32, #tpu.memory_space<hbm>> -> memref<2048xi32, #tpu.memory_space<hbm>>
        tpu.wait_dma2 semaphore(%run_scoped3A : memref<!tpu.dma_semaphore, #tpu.memory_space<semaphore_mem>>) src(%dma_wait3A_49 : memref<2048xi32, #tpu.memory_space<hbm>>) dst(%arg8 : memref<2048xi32, #tpu.memory_space<vmem>>)
        tpu.yield
      }) : () -> ()
      %add3A_28 = arith.addi %select_n3A, %while3A_23 : i32
      "tpu.region"() ({
        %run_scoped3A = tpu.sem_alloc : memref<!tpu.dma_semaphore, #tpu.memory_space<semaphore_mem>>
        %dma_start3A_46 = arith.constant 0 : i32
        %dma_start3A_47 = arith.constant 0 : i32
        %dma_start3A_48 = tpu.memref_slice %arg3[%add3A_28, %dma_start3A_46, %dma_start3A_47] : memref<160x16x128xi32, #tpu.memory_space<hbm>> -> memref<1x16x128xi32, #tpu.memory_space<hbm>>
        %dma_start3A_49 = tpu.memref_squeeze %dma_start3A_48 : memref<1x16x128xi32, #tpu.memory_space<hbm>> -> memref<16x128xi32, #tpu.memory_space<hbm>>
        %dma_start3A_50 = arith.constant 0 : i32
        %dma_start3A_51 = arith.constant 0 : i32
        %dma_start3A_52 = tpu.memref_slice %arg3[%add3A_28, %dma_start3A_50, %dma_start3A_51] : memref<160x16x128xi32, #tpu.memory_space<hbm>> -> memref<1x16x128xi32, #tpu.memory_space<hbm>>
        %dma_start3A_53 = tpu.memref_squeeze %dma_start3A_52 : memref<1x16x128xi32, #tpu.memory_space<hbm>> -> memref<16x128xi32, #tpu.memory_space<hbm>>
        tpu.enqueue_dma source(%dma_start3A_53 : memref<16x128xi32, #tpu.memory_space<hbm>>) target(%arg9 : memref<16x128xi32, #tpu.memory_space<vmem>>) target_semaphore(%run_scoped3A : memref<!tpu.dma_semaphore, #tpu.memory_space<semaphore_mem>>)
        %dma_wait3A_54 = arith.constant 0 : i32
        %dma_wait3A_55 = arith.constant 0 : i32
        %dma_wait3A_56 = tpu.memref_slice %arg3[%add3A_28, %dma_wait3A_54, %dma_wait3A_55] : memref<160x16x128xi32, #tpu.memory_space<hbm>> -> memref<1x16x128xi32, #tpu.memory_space<hbm>>
        %dma_wait3A_57 = tpu.memref_squeeze %dma_wait3A_56 : memref<1x16x128xi32, #tpu.memory_space<hbm>> -> memref<16x128xi32, #tpu.memory_space<hbm>>
        %dma_wait3A_58 = arith.constant 0 : i32
        %dma_wait3A_59 = arith.constant 0 : i32
        %dma_wait3A_60 = tpu.memref_slice %arg3[%add3A_28, %dma_wait3A_58, %dma_wait3A_59] : memref<160x16x128xi32, #tpu.memory_space<hbm>> -> memref<1x16x128xi32, #tpu.memory_space<hbm>>
        %dma_wait3A_61 = tpu.memref_squeeze %dma_wait3A_60 : memref<1x16x128xi32, #tpu.memory_space<hbm>> -> memref<16x128xi32, #tpu.memory_space<hbm>>
        tpu.wait_dma2 semaphore(%run_scoped3A : memref<!tpu.dma_semaphore, #tpu.memory_space<semaphore_mem>>) src(%dma_wait3A_61 : memref<16x128xi32, #tpu.memory_space<hbm>>) dst(%arg9 : memref<16x128xi32, #tpu.memory_space<vmem>>)
        tpu.yield
      }) : () -> ()
      "tpu.region"() ({
        %run_scoped3A = tpu.sem_alloc : memref<!tpu.dma_semaphore, #tpu.memory_space<semaphore_mem>>
        %dma_start3A_46 = tpu.memref_slice %arg4[%mul3A_27] : memref<327680xf32, #tpu.memory_space<hbm>> -> memref<2048xf32, #tpu.memory_space<hbm>>
        %dma_start3A_47 = tpu.memref_slice %arg4[%mul3A_27] : memref<327680xf32, #tpu.memory_space<hbm>> -> memref<2048xf32, #tpu.memory_space<hbm>>
        tpu.enqueue_dma source(%dma_start3A_47 : memref<2048xf32, #tpu.memory_space<hbm>>) target(%arg10 : memref<2048xf32, #tpu.memory_space<vmem>>) target_semaphore(%run_scoped3A : memref<!tpu.dma_semaphore, #tpu.memory_space<semaphore_mem>>)
        %dma_wait3A_48 = tpu.memref_slice %arg4[%mul3A_27] : memref<327680xf32, #tpu.memory_space<hbm>> -> memref<2048xf32, #tpu.memory_space<hbm>>
        %dma_wait3A_49 = tpu.memref_slice %arg4[%mul3A_27] : memref<327680xf32, #tpu.memory_space<hbm>> -> memref<2048xf32, #tpu.memory_space<hbm>>
        tpu.wait_dma2 semaphore(%run_scoped3A : memref<!tpu.dma_semaphore, #tpu.memory_space<semaphore_mem>>) src(%dma_wait3A_49 : memref<2048xf32, #tpu.memory_space<hbm>>) dst(%arg10 : memref<2048xf32, #tpu.memory_space<vmem>>)
        tpu.yield
      }) : () -> ()
      %dma_start3A = arith.constant 0 : i32
      %dma_start3A_29 = tpu.memref_slice %arg8[%dma_start3A] : memref<2048xi32, #tpu.memory_space<vmem>> -> memref<128xi32, #tpu.memory_space<vmem>>
      %dma_start3A_30 = arith.constant 0 : i32
      %dma_start3A_31 = arith.constant 0 : i32
      %dma_start3A_32 = tpu.memref_slice %arg5[%dma_start3A_30, %dma_start3A_31] : memref<10000x128xf32, #tpu.memory_space<hbm>> -> memref<10000x128xf32, #tpu.memory_space<hbm>>
      tpu.enqueue_indirect_dma source(%dma_start3A_32 : memref<10000x128xf32, #tpu.memory_space<hbm>>) target(%arg11 : memref<128x128xf32, #tpu.memory_space<vmem>>) offsets(%dma_start3A_29 : memref<128xi32, #tpu.memory_space<vmem>>) semaphore(%arg13 : memref<!tpu.dma_semaphore, #tpu.memory_space<semaphore_mem>>)
      %scan3A = arith.constant 0 : i32
      %scan3A_33 = arith.constant 0 : i32
      %scan3A_34 = arith.constant 8 : i32
      %scan3A_35 = arith.addi %scan3A_33, %scan3A_34 : i32
      %scan3A_36 = arith.constant 1 : i32
      %scan3A_37 = scf.for %scan3A_46 = %scan3A_33 to %scan3A_35 step %scan3A_36 iter_args(%scan3A_47 = %scan3A) -> (i32)  : i32 {
        %mul3A_48 = arith.constant 2 : i32
        %mul3A_49 = arith.muli %mul3A_48, %scan3A_46 : i32
        %add3A_50 = arith.constant 0 : i32
        %add3A_51 = arith.addi %mul3A_49, %add3A_50 : i32
        %ge3A = arith.constant 1 : i32
        %ge3A_52 = arith.cmpi sge, %add3A_51, %ge3A : i32
        %convert_element_type3A = arith.extui %ge3A_52 : i1 to i32
        %cond3A = arith.constant 0 : i32
        %cond3A_53 = arith.cmpi ne, %convert_element_type3A, %cond3A : i32
        scf.if %cond3A_53 {
          %sub3A = arith.constant 1 : i32
          %sub3A_111 = arith.subi %add3A_51, %sub3A : i32
          %dma_wait3A_112 = arith.constant 0 : i32
          %dma_wait3A_113 = tpu.memref_slice %arg9[%sub3A_111, %dma_wait3A_112] : memref<16x128xi32, #tpu.memory_space<vmem>> -> memref<1x128xi32, #tpu.memory_space<vmem>>
          %dma_wait3A_114 = tpu.memref_squeeze %dma_wait3A_113 : memref<1x128xi32, #tpu.memory_space<vmem>> -> memref<128xi32, #tpu.memory_space<vmem>>
          %dma_wait3A_115 = arith.constant 0 : i32
          %dma_wait3A_116 = arith.constant 0 : i32
          %dma_wait3A_117 = tpu.memref_slice %arg15[%dma_wait3A_115, %dma_wait3A_116] : memref<10240x128xf32, #tpu.memory_space<vmem_shared>> -> memref<10240x128xf32, #tpu.memory_space<vmem_shared>>
          tpu.wait_indirect_dma semaphore(%arg14 : memref<!tpu.dma_semaphore, #tpu.memory_space<semaphore_mem>>) src(%arg12 : memref<128x128xf32, #tpu.memory_space<vmem>>) dst(%dma_wait3A_117 : memref<10240x128xf32, #tpu.memory_space<vmem_shared>>)
        } else {
        }
        %lt3A = arith.constant 15 : i32
        %lt3A_54 = arith.cmpi slt, %add3A_51, %lt3A : i32
        %convert_element_type3A_55 = arith.extui %lt3A_54 : i1 to i32
        %cond3A_56 = arith.constant 0 : i32
        %cond3A_57 = arith.cmpi ne, %convert_element_type3A_55, %cond3A_56 : i32
        scf.if %cond3A_57 {
          %add3A_111 = arith.constant 1 : i32
          %add3A_112 = arith.addi %add3A_51, %add3A_111 : i32
          %mul3A_113 = arith.constant 128 : i32
          %mul3A_114 = arith.muli %add3A_112, %mul3A_113 : i32
          %dma_start3A_115 = tpu.memref_slice %arg8[%mul3A_114] : memref<2048xi32, #tpu.memory_space<vmem>> -> memref<128xi32, #tpu.memory_space<vmem>>
          %dma_start3A_116 = arith.constant 0 : i32
          %dma_start3A_117 = arith.constant 0 : i32
          %dma_start3A_118 = tpu.memref_slice %arg5[%dma_start3A_116, %dma_start3A_117] : memref<10000x128xf32, #tpu.memory_space<hbm>> -> memref<10000x128xf32, #tpu.memory_space<hbm>>
          tpu.enqueue_indirect_dma source(%dma_start3A_118 : memref<10000x128xf32, #tpu.memory_space<hbm>>) target(%arg12 : memref<128x128xf32, #tpu.memory_space<vmem>>) offsets(%dma_start3A_115 : memref<128xi32, #tpu.memory_space<vmem>>) semaphore(%arg13 : memref<!tpu.dma_semaphore, #tpu.memory_space<semaphore_mem>>)
        } else {
        }
        %dma_wait3A_58 = arith.constant 0 : i32
        %dma_wait3A_59 = arith.constant 0 : i32
        %dma_wait3A_60 = tpu.memref_slice %arg5[%dma_wait3A_58, %dma_wait3A_59] : memref<10000x128xf32, #tpu.memory_space<hbm>> -> memref<128x128xf32, #tpu.memory_space<hbm>>
        %dma_wait3A_61 = arith.constant 0 : i32
        %dma_wait3A_62 = arith.constant 0 : i32
        %dma_wait3A_63 = tpu.memref_slice %arg5[%dma_wait3A_61, %dma_wait3A_62] : memref<10000x128xf32, #tpu.memory_space<hbm>> -> memref<128x128xf32, #tpu.memory_space<hbm>>
        tpu.wait_dma2 semaphore(%arg13 : memref<!tpu.dma_semaphore, #tpu.memory_space<semaphore_mem>>) src(%dma_wait3A_63 : memref<128x128xf32, #tpu.memory_space<hbm>>) dst(%arg11 : memref<128x128xf32, #tpu.memory_space<vmem>>)
        %scan3A_64 = arith.constant 0 : i32
        %scan3A_65 = arith.constant 0 : i32
        %scan3A_66 = arith.constant 128 : i32
        %scan3A_67 = arith.addi %scan3A_65, %scan3A_66 : i32
        %scan3A_68 = arith.constant 2 : i32
        %scan3A_69 = scf.for %scan3A_111 = %scan3A_65 to %scan3A_67 step %scan3A_68 iter_args(%scan3A_112 = %scan3A_64) -> (i32)  : i32 {
          %mul3A_113 = arith.constant 128 : i32
          %mul3A_114 = arith.muli %add3A_51, %mul3A_113 : i32
          %add3A_115 = arith.addi %mul3A_114, %scan3A_111 : i32
          %broadcast_in_dim3A = vector.broadcast %add3A_115 : i32 to vector<16xi32>
          %gather3A = tpu.vector_load_idx %arg10[%broadcast_in_dim3A] : memref<2048xf32, #tpu.memory_space<vmem>>[vector<16xi32>], vector<16xf32>,
          %get3A = arith.index_cast %scan3A_111 : i32 to index
          %get3A_116 = arith.constant 0 : index
          %get3A_117 = tpu.vector_load %arg11[%get3A, %get3A_116] {strides = array<i32>} : memref<128x128xf32, #tpu.memory_space<vmem>>, vector<16xf32>,
          %mul3A_118 = arith.mulf %get3A_117, %gather3A : vector<16xf32>
          %swap3A = arith.index_cast %scan3A_111 : i32 to index
          %swap3A_119 = arith.constant 0 : index
          %swap3A_120 = tpu.vector_load %arg11[%swap3A, %swap3A_119] {strides = array<i32>} : memref<128x128xf32, #tpu.memory_space<vmem>>, vector<16xf32>,
          tpu.vector_store %arg11[%swap3A, %swap3A_119], %mul3A_118 {strides = array<i32>} : memref<128x128xf32, #tpu.memory_space<vmem>>, vector<16xf32>,
          %get3A_121 = arith.index_cast %scan3A_111 : i32 to index
          %get3A_122 = arith.constant 16 : index
          %get3A_123 = tpu.vector_load %arg11[%get3A_121, %get3A_122] {strides = array<i32>} : memref<128x128xf32, #tpu.memory_space<vmem>>, vector<16xf32>,
          %mul3A_124 = arith.mulf %get3A_123, %gather3A : vector<16xf32>
          %swap3A_125 = arith.index_cast %scan3A_111 : i32 to index
          %swap3A_126 = arith.constant 16 : index
          %swap3A_127 = tpu.vector_load %arg11[%swap3A_125, %swap3A_126] {strides = array<i32>} : memref<128x128xf32, #tpu.memory_space<vmem>>, vector<16xf32>,
          tpu.vector_store %arg11[%swap3A_125, %swap3A_126], %mul3A_124 {strides = array<i32>} : memref<128x128xf32, #tpu.memory_space<vmem>>, vector<16xf32>,
          %get3A_128 = arith.index_cast %scan3A_111 : i32 to index
          %get3A_129 = arith.constant 32 : index
          %get3A_130 = tpu.vector_load %arg11[%get3A_128, %get3A_129] {strides = array<i32>} : memref<128x128xf32, #tpu.memory_space<vmem>>, vector<16xf32>,
          %mul3A_131 = arith.mulf %get3A_130, %gather3A : vector<16xf32>
          %swap3A_132 = arith.index_cast %scan3A_111 : i32 to index
          %swap3A_133 = arith.constant 32 : index
          %swap3A_134 = tpu.vector_load %arg11[%swap3A_132, %swap3A_133] {strides = array<i32>} : memref<128x128xf32, #tpu.memory_space<vmem>>, vector<16xf32>,
          tpu.vector_store %arg11[%swap3A_132, %swap3A_133], %mul3A_131 {strides = array<i32>} : memref<128x128xf32, #tpu.memory_space<vmem>>, vector<16xf32>,
          %get3A_135 = arith.index_cast %scan3A_111 : i32 to index
          %get3A_136 = arith.constant 48 : index
          %get3A_137 = tpu.vector_load %arg11[%get3A_135, %get3A_136] {strides = array<i32>} : memref<128x128xf32, #tpu.memory_space<vmem>>, vector<16xf32>,
          %mul3A_138 = arith.mulf %get3A_137, %gather3A : vector<16xf32>
          %swap3A_139 = arith.index_cast %scan3A_111 : i32 to index
          %swap3A_140 = arith.constant 48 : index
          %swap3A_141 = tpu.vector_load %arg11[%swap3A_139, %swap3A_140] {strides = array<i32>} : memref<128x128xf32, #tpu.memory_space<vmem>>, vector<16xf32>,
          tpu.vector_store %arg11[%swap3A_139, %swap3A_140], %mul3A_138 {strides = array<i32>} : memref<128x128xf32, #tpu.memory_space<vmem>>, vector<16xf32>,
          %get3A_142 = arith.index_cast %scan3A_111 : i32 to index
          %get3A_143 = arith.constant 64 : index
          %get3A_144 = tpu.vector_load %arg11[%get3A_142, %get3A_143] {strides = array<i32>} : memref<128x128xf32, #tpu.memory_space<vmem>>, vector<16xf32>,
          %mul3A_145 = arith.mulf %get3A_144, %gather3A : vector<16xf32>
          %swap3A_146 = arith.index_cast %scan3A_111 : i32 to index
          %swap3A_147 = arith.constant 64 : index
          %swap3A_148 = tpu.vector_load %arg11[%swap3A_146, %swap3A_147] {strides = array<i32>} : memref<128x128xf32, #tpu.memory_space<vmem>>, vector<16xf32>,
          tpu.vector_store %arg11[%swap3A_146, %swap3A_147], %mul3A_145 {strides = array<i32>} : memref<128x128xf32, #tpu.memory_space<vmem>>, vector<16xf32>,
          %get3A_149 = arith.index_cast %scan3A_111 : i32 to index
          %get3A_150 = arith.constant 80 : index
          %get3A_151 = tpu.vector_load %arg11[%get3A_149, %get3A_150] {strides = array<i32>} : memref<128x128xf32, #tpu.memory_space<vmem>>, vector<16xf32>,
          %mul3A_152 = arith.mulf %get3A_151, %gather3A : vector<16xf32>
          %swap3A_153 = arith.index_cast %scan3A_111 : i32 to index
          %swap3A_154 = arith.constant 80 : index
          %swap3A_155 = tpu.vector_load %arg11[%swap3A_153, %swap3A_154] {strides = array<i32>} : memref<128x128xf32, #tpu.memory_space<vmem>>, vector<16xf32>,
          tpu.vector_store %arg11[%swap3A_153, %swap3A_154], %mul3A_152 {strides = array<i32>} : memref<128x128xf32, #tpu.memory_space<vmem>>, vector<16xf32>,
          %get3A_156 = arith.index_cast %scan3A_111 : i32 to index
          %get3A_157 = arith.constant 96 : index
          %get3A_158 = tpu.vector_load %arg11[%get3A_156, %get3A_157] {strides = array<i32>} : memref<128x128xf32, #tpu.memory_space<vmem>>, vector<16xf32>,
          %mul3A_159 = arith.mulf %get3A_158, %gather3A : vector<16xf32>
          %swap3A_160 = arith.index_cast %scan3A_111 : i32 to index
          %swap3A_161 = arith.constant 96 : index
          %swap3A_162 = tpu.vector_load %arg11[%swap3A_160, %swap3A_161] {strides = array<i32>} : memref<128x128xf32, #tpu.memory_space<vmem>>, vector<16xf32>,
          tpu.vector_store %arg11[%swap3A_160, %swap3A_161], %mul3A_159 {strides = array<i32>} : memref<128x128xf32, #tpu.memory_space<vmem>>, vector<16xf32>,
          %get3A_163 = arith.index_cast %scan3A_111 : i32 to index
          %get3A_164 = arith.constant 112 : index
          %get3A_165 = tpu.vector_load %arg11[%get3A_163, %get3A_164] {strides = array<i32>} : memref<128x128xf32, #tpu.memory_space<vmem>>, vector<16xf32>,
          %mul3A_166 = arith.mulf %get3A_165, %gather3A : vector<16xf32>
          %swap3A_167 = arith.index_cast %scan3A_111 : i32 to index
          %swap3A_168 = arith.constant 112 : index
          %swap3A_169 = tpu.vector_load %arg11[%swap3A_167, %swap3A_168] {strides = array<i32>} : memref<128x128xf32, #tpu.memory_space<vmem>>, vector<16xf32>,
          tpu.vector_store %arg11[%swap3A_167, %swap3A_168], %mul3A_166 {strides = array<i32>} : memref<128x128xf32, #tpu.memory_space<vmem>>, vector<16xf32>,
          %scan3A_170 = arith.constant 0 : i32
          %scan3A_171 = arith.constant 1 : i32
          %scan3A_172 = arith.addi %scan3A_111, %scan3A_171 : i32
          %mul3A_173 = arith.constant 128 : i32
          %mul3A_174 = arith.muli %add3A_51, %mul3A_173 : i32
          %add3A_175 = arith.addi %mul3A_174, %scan3A_172 : i32
          %broadcast_in_dim3A_176 = vector.broadcast %add3A_175 : i32 to vector<16xi32>
          %gather3A_177 = tpu.vector_load_idx %arg10[%broadcast_in_dim3A_176] : memref<2048xf32, #tpu.memory_space<vmem>>[vector<16xi32>], vector<16xf32>,
          %get3A_178 = arith.index_cast %scan3A_172 : i32 to index
          %get3A_179 = arith.constant 0 : index
          %get3A_180 = tpu.vector_load %arg11[%get3A_178, %get3A_179] {strides = array<i32>} : memref<128x128xf32, #tpu.memory_space<vmem>>, vector<16xf32>,
          %mul3A_181 = arith.mulf %get3A_180, %gather3A_177 : vector<16xf32>
          %swap3A_182 = arith.index_cast %scan3A_172 : i32 to index
          %swap3A_183 = arith.constant 0 : index
          %swap3A_184 = tpu.vector_load %arg11[%swap3A_182, %swap3A_183] {strides = array<i32>} : memref<128x128xf32, #tpu.memory_space<vmem>>, vector<16xf32>,
          tpu.vector_store %arg11[%swap3A_182, %swap3A_183], %mul3A_181 {strides = array<i32>} : memref<128x128xf32, #tpu.memory_space<vmem>>, vector<16xf32>,
          %get3A_185 = arith.index_cast %scan3A_172 : i32 to index
          %get3A_186 = arith.constant 16 : index
          %get3A_187 = tpu.vector_load %arg11[%get3A_185, %get3A_186] {strides = array<i32>} : memref<128x128xf32, #tpu.memory_space<vmem>>, vector<16xf32>,
          %mul3A_188 = arith.mulf %get3A_187, %gather3A_177 : vector<16xf32>
          %swap3A_189 = arith.index_cast %scan3A_172 : i32 to index
          %swap3A_190 = arith.constant 16 : index
          %swap3A_191 = tpu.vector_load %arg11[%swap3A_189, %swap3A_190] {strides = array<i32>} : memref<128x128xf32, #tpu.memory_space<vmem>>, vector<16xf32>,
          tpu.vector_store %arg11[%swap3A_189, %swap3A_190], %mul3A_188 {strides = array<i32>} : memref<128x128xf32, #tpu.memory_space<vmem>>, vector<16xf32>,
          %get3A_192 = arith.index_cast %scan3A_172 : i32 to index
          %get3A_193 = arith.constant 32 : index
          %get3A_194 = tpu.vector_load %arg11[%get3A_192, %get3A_193] {strides = array<i32>} : memref<128x128xf32, #tpu.memory_space<vmem>>, vector<16xf32>,
          %mul3A_195 = arith.mulf %get3A_194, %gather3A_177 : vector<16xf32>
          %swap3A_196 = arith.index_cast %scan3A_172 : i32 to index
          %swap3A_197 = arith.constant 32 : index
          %swap3A_198 = tpu.vector_load %arg11[%swap3A_196, %swap3A_197] {strides = array<i32>} : memref<128x128xf32, #tpu.memory_space<vmem>>, vector<16xf32>,
          tpu.vector_store %arg11[%swap3A_196, %swap3A_197], %mul3A_195 {strides = array<i32>} : memref<128x128xf32, #tpu.memory_space<vmem>>, vector<16xf32>,
          %get3A_199 = arith.index_cast %scan3A_172 : i32 to index
          %get3A_200 = arith.constant 48 : index
          %get3A_201 = tpu.vector_load %arg11[%get3A_199, %get3A_200] {strides = array<i32>} : memref<128x128xf32, #tpu.memory_space<vmem>>, vector<16xf32>,
          %mul3A_202 = arith.mulf %get3A_201, %gather3A_177 : vector<16xf32>
          %swap3A_203 = arith.index_cast %scan3A_172 : i32 to index
          %swap3A_204 = arith.constant 48 : index
          %swap3A_205 = tpu.vector_load %arg11[%swap3A_203, %swap3A_204] {strides = array<i32>} : memref<128x128xf32, #tpu.memory_space<vmem>>, vector<16xf32>,
          tpu.vector_store %arg11[%swap3A_203, %swap3A_204], %mul3A_202 {strides = array<i32>} : memref<128x128xf32, #tpu.memory_space<vmem>>, vector<16xf32>,
          %get3A_206 = arith.index_cast %scan3A_172 : i32 to index
          %get3A_207 = arith.constant 64 : index
          %get3A_208 = tpu.vector_load %arg11[%get3A_206, %get3A_207] {strides = array<i32>} : memref<128x128xf32, #tpu.memory_space<vmem>>, vector<16xf32>,
          %mul3A_209 = arith.mulf %get3A_208, %gather3A_177 : vector<16xf32>
          %swap3A_210 = arith.index_cast %scan3A_172 : i32 to index
          %swap3A_211 = arith.constant 64 : index
          %swap3A_212 = tpu.vector_load %arg11[%swap3A_210, %swap3A_211] {strides = array<i32>} : memref<128x128xf32, #tpu.memory_space<vmem>>, vector<16xf32>,
          tpu.vector_store %arg11[%swap3A_210, %swap3A_211], %mul3A_209 {strides = array<i32>} : memref<128x128xf32, #tpu.memory_space<vmem>>, vector<16xf32>,
          %get3A_213 = arith.index_cast %scan3A_172 : i32 to index
          %get3A_214 = arith.constant 80 : index
          %get3A_215 = tpu.vector_load %arg11[%get3A_213, %get3A_214] {strides = array<i32>} : memref<128x128xf32, #tpu.memory_space<vmem>>, vector<16xf32>,
          %mul3A_216 = arith.mulf %get3A_215, %gather3A_177 : vector<16xf32>
          %swap3A_217 = arith.index_cast %scan3A_172 : i32 to index
          %swap3A_218 = arith.constant 80 : index
          %swap3A_219 = tpu.vector_load %arg11[%swap3A_217, %swap3A_218] {strides = array<i32>} : memref<128x128xf32, #tpu.memory_space<vmem>>, vector<16xf32>,
          tpu.vector_store %arg11[%swap3A_217, %swap3A_218], %mul3A_216 {strides = array<i32>} : memref<128x128xf32, #tpu.memory_space<vmem>>, vector<16xf32>,
          %get3A_220 = arith.index_cast %scan3A_172 : i32 to index
          %get3A_221 = arith.constant 96 : index
          %get3A_222 = tpu.vector_load %arg11[%get3A_220, %get3A_221] {strides = array<i32>} : memref<128x128xf32, #tpu.memory_space<vmem>>, vector<16xf32>,
          %mul3A_223 = arith.mulf %get3A_222, %gather3A_177 : vector<16xf32>
          %swap3A_224 = arith.index_cast %scan3A_172 : i32 to index
          %swap3A_225 = arith.constant 96 : index
          %swap3A_226 = tpu.vector_load %arg11[%swap3A_224, %swap3A_225] {strides = array<i32>} : memref<128x128xf32, #tpu.memory_space<vmem>>, vector<16xf32>,
          tpu.vector_store %arg11[%swap3A_224, %swap3A_225], %mul3A_223 {strides = array<i32>} : memref<128x128xf32, #tpu.memory_space<vmem>>, vector<16xf32>,
          %get3A_227 = arith.index_cast %scan3A_172 : i32 to index
          %get3A_228 = arith.constant 112 : index
          %get3A_229 = tpu.vector_load %arg11[%get3A_227, %get3A_228] {strides = array<i32>} : memref<128x128xf32, #tpu.memory_space<vmem>>, vector<16xf32>,
          %mul3A_230 = arith.mulf %get3A_229, %gather3A_177 : vector<16xf32>
          %swap3A_231 = arith.index_cast %scan3A_172 : i32 to index
          %swap3A_232 = arith.constant 112 : index
          %swap3A_233 = tpu.vector_load %arg11[%swap3A_231, %swap3A_232] {strides = array<i32>} : memref<128x128xf32, #tpu.memory_space<vmem>>, vector<16xf32>,
          tpu.vector_store %arg11[%swap3A_231, %swap3A_232], %mul3A_230 {strides = array<i32>} : memref<128x128xf32, #tpu.memory_space<vmem>>, vector<16xf32>,
          %scan3A_234 = arith.constant 0 : i32
          scf.yield %scan3A_234 : i32
        }
        %scan3A_70 = arith.constant 128 : i32
        %dma_start3A_71 = arith.constant 0 : i32
        %dma_start3A_72 = tpu.memref_slice %arg9[%add3A_51, %dma_start3A_71] : memref<16x128xi32, #tpu.memory_space<vmem>> -> memref<1x128xi32, #tpu.memory_space<vmem>>
        %dma_start3A_73 = tpu.memref_squeeze %dma_start3A_72 : memref<1x128xi32, #tpu.memory_space<vmem>> -> memref<128xi32, #tpu.memory_space<vmem>>
        %dma_start3A_74 = arith.constant 0 : i32
        %dma_start3A_75 = arith.constant 0 : i32
        %dma_start3A_76 = tpu.memref_slice %arg15[%dma_start3A_74, %dma_start3A_75] : memref<10240x128xf32, #tpu.memory_space<vmem_shared>> -> memref<10240x128xf32, #tpu.memory_space<vmem_shared>>
        tpu.enqueue_indirect_dma source(%arg11 : memref<128x128xf32, #tpu.memory_space<vmem>>) target(%dma_start3A_76 : memref<10240x128xf32, #tpu.memory_space<vmem_shared>>) offsets(%dma_start3A_73 : memref<128xi32, #tpu.memory_space<vmem>>) semaphore(%arg14 : memref<!tpu.dma_semaphore, #tpu.memory_space<semaphore_mem>>) {add = true}
        %mul3A_77 = arith.constant 2 : i32
        %mul3A_78 = arith.muli %mul3A_77, %scan3A_46 : i32
        %add3A_79 = arith.constant 1 : i32
        %add3A_80 = arith.addi %mul3A_78, %add3A_79 : i32
        %ge3A_81 = arith.constant 1 : i32
        %ge3A_82 = arith.cmpi sge, %add3A_80, %ge3A_81 : i32
        %convert_element_type3A_83 = arith.extui %ge3A_82 : i1 to i32
        %cond3A_84 = arith.constant 0 : i32
        %cond3A_85 = arith.cmpi ne, %convert_element_type3A_83, %cond3A_84 : i32
        scf.if %cond3A_85 {
          %sub3A = arith.constant 1 : i32
          %sub3A_111 = arith.subi %add3A_80, %sub3A : i32
          %dma_wait3A_112 = arith.constant 0 : i32
          %dma_wait3A_113 = tpu.memref_slice %arg9[%sub3A_111, %dma_wait3A_112] : memref<16x128xi32, #tpu.memory_space<vmem>> -> memref<1x128xi32, #tpu.memory_space<vmem>>
          %dma_wait3A_114 = tpu.memref_squeeze %dma_wait3A_113 : memref<1x128xi32, #tpu.memory_space<vmem>> -> memref<128xi32, #tpu.memory_space<vmem>>
          %dma_wait3A_115 = arith.constant 0 : i32
          %dma_wait3A_116 = arith.constant 0 : i32
          %dma_wait3A_117 = tpu.memref_slice %arg15[%dma_wait3A_115, %dma_wait3A_116] : memref<10240x128xf32, #tpu.memory_space<vmem_shared>> -> memref<10240x128xf32, #tpu.memory_space<vmem_shared>>
          tpu.wait_indirect_dma semaphore(%arg14 : memref<!tpu.dma_semaphore, #tpu.memory_space<semaphore_mem>>) src(%arg11 : memref<128x128xf32, #tpu.memory_space<vmem>>) dst(%dma_wait3A_117 : memref<10240x128xf32, #tpu.memory_space<vmem_shared>>)
        } else {
        }
        %lt3A_86 = arith.constant 15 : i32
        %lt3A_87 = arith.cmpi slt, %add3A_80, %lt3A_86 : i32
        %convert_element_type3A_88 = arith.extui %lt3A_87 : i1 to i32
        %cond3A_89 = arith.constant 0 : i32
        %cond3A_90 = arith.cmpi ne, %convert_element_type3A_88, %cond3A_89 : i32
        scf.if %cond3A_90 {
          %add3A_111 = arith.constant 1 : i32
          %add3A_112 = arith.addi %add3A_80, %add3A_111 : i32
          %mul3A_113 = arith.constant 128 : i32
          %mul3A_114 = arith.muli %add3A_112, %mul3A_113 : i32
          %dma_start3A_115 = tpu.memref_slice %arg8[%mul3A_114] : memref<2048xi32, #tpu.memory_space<vmem>> -> memref<128xi32, #tpu.memory_space<vmem>>
          %dma_start3A_116 = arith.constant 0 : i32
          %dma_start3A_117 = arith.constant 0 : i32
          %dma_start3A_118 = tpu.memref_slice %arg5[%dma_start3A_116, %dma_start3A_117] : memref<10000x128xf32, #tpu.memory_space<hbm>> -> memref<10000x128xf32, #tpu.memory_space<hbm>>
          tpu.enqueue_indirect_dma source(%dma_start3A_118 : memref<10000x128xf32, #tpu.memory_space<hbm>>) target(%arg11 : memref<128x128xf32, #tpu.memory_space<vmem>>) offsets(%dma_start3A_115 : memref<128xi32, #tpu.memory_space<vmem>>) semaphore(%arg13 : memref<!tpu.dma_semaphore, #tpu.memory_space<semaphore_mem>>)
        } else {
        }
        %dma_wait3A_91 = arith.constant 0 : i32
        %dma_wait3A_92 = arith.constant 0 : i32
        %dma_wait3A_93 = tpu.memref_slice %arg5[%dma_wait3A_91, %dma_wait3A_92] : memref<10000x128xf32, #tpu.memory_space<hbm>> -> memref<128x128xf32, #tpu.memory_space<hbm>>
        %dma_wait3A_94 = arith.constant 0 : i32
        %dma_wait3A_95 = arith.constant 0 : i32
        %dma_wait3A_96 = tpu.memref_slice %arg5[%dma_wait3A_94, %dma_wait3A_95] : memref<10000x128xf32, #tpu.memory_space<hbm>> -> memref<128x128xf32, #tpu.memory_space<hbm>>
        tpu.wait_dma2 semaphore(%arg13 : memref<!tpu.dma_semaphore, #tpu.memory_space<semaphore_mem>>) src(%dma_wait3A_96 : memref<128x128xf32, #tpu.memory_space<hbm>>) dst(%arg12 : memref<128x128xf32, #tpu.memory_space<vmem>>)
        %scan3A_97 = arith.constant 0 : i32
        %scan3A_98 = arith.constant 0 : i32
        %scan3A_99 = arith.constant 128 : i32
        %scan3A_100 = arith.addi %scan3A_98, %scan3A_99 : i32
        %scan3A_101 = arith.constant 2 : i32
        %scan3A_102 = scf.for %scan3A_111 = %scan3A_98 to %scan3A_100 step %scan3A_101 iter_args(%scan3A_112 = %scan3A_97) -> (i32)  : i32 {
          %mul3A_113 = arith.constant 128 : i32
          %mul3A_114 = arith.muli %add3A_80, %mul3A_113 : i32
          %add3A_115 = arith.addi %mul3A_114, %scan3A_111 : i32
          %broadcast_in_dim3A = vector.broadcast %add3A_115 : i32 to vector<16xi32>
          %gather3A = tpu.vector_load_idx %arg10[%broadcast_in_dim3A] : memref<2048xf32, #tpu.memory_space<vmem>>[vector<16xi32>], vector<16xf32>,
          %get3A = arith.index_cast %scan3A_111 : i32 to index
          %get3A_116 = arith.constant 0 : index
          %get3A_117 = tpu.vector_load %arg12[%get3A, %get3A_116] {strides = array<i32>} : memref<128x128xf32, #tpu.memory_space<vmem>>, vector<16xf32>,
          %mul3A_118 = arith.mulf %get3A_117, %gather3A : vector<16xf32>
          %swap3A = arith.index_cast %scan3A_111 : i32 to index
          %swap3A_119 = arith.constant 0 : index
          %swap3A_120 = tpu.vector_load %arg12[%swap3A, %swap3A_119] {strides = array<i32>} : memref<128x128xf32, #tpu.memory_space<vmem>>, vector<16xf32>,
          tpu.vector_store %arg12[%swap3A, %swap3A_119], %mul3A_118 {strides = array<i32>} : memref<128x128xf32, #tpu.memory_space<vmem>>, vector<16xf32>,
          %get3A_121 = arith.index_cast %scan3A_111 : i32 to index
          %get3A_122 = arith.constant 16 : index
          %get3A_123 = tpu.vector_load %arg12[%get3A_121, %get3A_122] {strides = array<i32>} : memref<128x128xf32, #tpu.memory_space<vmem>>, vector<16xf32>,
          %mul3A_124 = arith.mulf %get3A_123, %gather3A : vector<16xf32>
          %swap3A_125 = arith.index_cast %scan3A_111 : i32 to index
          %swap3A_126 = arith.constant 16 : index
          %swap3A_127 = tpu.vector_load %arg12[%swap3A_125, %swap3A_126] {strides = array<i32>} : memref<128x128xf32, #tpu.memory_space<vmem>>, vector<16xf32>,
          tpu.vector_store %arg12[%swap3A_125, %swap3A_126], %mul3A_124 {strides = array<i32>} : memref<128x128xf32, #tpu.memory_space<vmem>>, vector<16xf32>,
          %get3A_128 = arith.index_cast %scan3A_111 : i32 to index
          %get3A_129 = arith.constant 32 : index
          %get3A_130 = tpu.vector_load %arg12[%get3A_128, %get3A_129] {strides = array<i32>} : memref<128x128xf32, #tpu.memory_space<vmem>>, vector<16xf32>,
          %mul3A_131 = arith.mulf %get3A_130, %gather3A : vector<16xf32>
          %swap3A_132 = arith.index_cast %scan3A_111 : i32 to index
          %swap3A_133 = arith.constant 32 : index
          %swap3A_134 = tpu.vector_load %arg12[%swap3A_132, %swap3A_133] {strides = array<i32>} : memref<128x128xf32, #tpu.memory_space<vmem>>, vector<16xf32>,
          tpu.vector_store %arg12[%swap3A_132, %swap3A_133], %mul3A_131 {strides = array<i32>} : memref<128x128xf32, #tpu.memory_space<vmem>>, vector<16xf32>,
          %get3A_135 = arith.index_cast %scan3A_111 : i32 to index
          %get3A_136 = arith.constant 48 : index
          %get3A_137 = tpu.vector_load %arg12[%get3A_135, %get3A_136] {strides = array<i32>} : memref<128x128xf32, #tpu.memory_space<vmem>>, vector<16xf32>,
          %mul3A_138 = arith.mulf %get3A_137, %gather3A : vector<16xf32>
          %swap3A_139 = arith.index_cast %scan3A_111 : i32 to index
          %swap3A_140 = arith.constant 48 : index
          %swap3A_141 = tpu.vector_load %arg12[%swap3A_139, %swap3A_140] {strides = array<i32>} : memref<128x128xf32, #tpu.memory_space<vmem>>, vector<16xf32>,
          tpu.vector_store %arg12[%swap3A_139, %swap3A_140], %mul3A_138 {strides = array<i32>} : memref<128x128xf32, #tpu.memory_space<vmem>>, vector<16xf32>,
          %get3A_142 = arith.index_cast %scan3A_111 : i32 to index
          %get3A_143 = arith.constant 64 : index
          %get3A_144 = tpu.vector_load %arg12[%get3A_142, %get3A_143] {strides = array<i32>} : memref<128x128xf32, #tpu.memory_space<vmem>>, vector<16xf32>,
          %mul3A_145 = arith.mulf %get3A_144, %gather3A : vector<16xf32>
          %swap3A_146 = arith.index_cast %scan3A_111 : i32 to index
          %swap3A_147 = arith.constant 64 : index
          %swap3A_148 = tpu.vector_load %arg12[%swap3A_146, %swap3A_147] {strides = array<i32>} : memref<128x128xf32, #tpu.memory_space<vmem>>, vector<16xf32>,
          tpu.vector_store %arg12[%swap3A_146, %swap3A_147], %mul3A_145 {strides = array<i32>} : memref<128x128xf32, #tpu.memory_space<vmem>>, vector<16xf32>,
          %get3A_149 = arith.index_cast %scan3A_111 : i32 to index
          %get3A_150 = arith.constant 80 : index
          %get3A_151 = tpu.vector_load %arg12[%get3A_149, %get3A_150] {strides = array<i32>} : memref<128x128xf32, #tpu.memory_space<vmem>>, vector<16xf32>,
          %mul3A_152 = arith.mulf %get3A_151, %gather3A : vector<16xf32>
          %swap3A_153 = arith.index_cast %scan3A_111 : i32 to index
          %swap3A_154 = arith.constant 80 : index
          %swap3A_155 = tpu.vector_load %arg12[%swap3A_153, %swap3A_154] {strides = array<i32>} : memref<128x128xf32, #tpu.memory_space<vmem>>, vector<16xf32>,
          tpu.vector_store %arg12[%swap3A_153, %swap3A_154], %mul3A_152 {strides = array<i32>} : memref<128x128xf32, #tpu.memory_space<vmem>>, vector<16xf32>,
          %get3A_156 = arith.index_cast %scan3A_111 : i32 to index
          %get3A_157 = arith.constant 96 : index
          %get3A_158 = tpu.vector_load %arg12[%get3A_156, %get3A_157] {strides = array<i32>} : memref<128x128xf32, #tpu.memory_space<vmem>>, vector<16xf32>,
          %mul3A_159 = arith.mulf %get3A_158, %gather3A : vector<16xf32>
          %swap3A_160 = arith.index_cast %scan3A_111 : i32 to index
          %swap3A_161 = arith.constant 96 : index
          %swap3A_162 = tpu.vector_load %arg12[%swap3A_160, %swap3A_161] {strides = array<i32>} : memref<128x128xf32, #tpu.memory_space<vmem>>, vector<16xf32>,
          tpu.vector_store %arg12[%swap3A_160, %swap3A_161], %mul3A_159 {strides = array<i32>} : memref<128x128xf32, #tpu.memory_space<vmem>>, vector<16xf32>,
          %get3A_163 = arith.index_cast %scan3A_111 : i32 to index
          %get3A_164 = arith.constant 112 : index
          %get3A_165 = tpu.vector_load %arg12[%get3A_163, %get3A_164] {strides = array<i32>} : memref<128x128xf32, #tpu.memory_space<vmem>>, vector<16xf32>,
          %mul3A_166 = arith.mulf %get3A_165, %gather3A : vector<16xf32>
          %swap3A_167 = arith.index_cast %scan3A_111 : i32 to index
          %swap3A_168 = arith.constant 112 : index
          %swap3A_169 = tpu.vector_load %arg12[%swap3A_167, %swap3A_168] {strides = array<i32>} : memref<128x128xf32, #tpu.memory_space<vmem>>, vector<16xf32>,
          tpu.vector_store %arg12[%swap3A_167, %swap3A_168], %mul3A_166 {strides = array<i32>} : memref<128x128xf32, #tpu.memory_space<vmem>>, vector<16xf32>,
          %scan3A_170 = arith.constant 0 : i32
          %scan3A_171 = arith.constant 1 : i32
          %scan3A_172 = arith.addi %scan3A_111, %scan3A_171 : i32
          %mul3A_173 = arith.constant 128 : i32
          %mul3A_174 = arith.muli %add3A_80, %mul3A_173 : i32
          %add3A_175 = arith.addi %mul3A_174, %scan3A_172 : i32
          %broadcast_in_dim3A_176 = vector.broadcast %add3A_175 : i32 to vector<16xi32>
          %gather3A_177 = tpu.vector_load_idx %arg10[%broadcast_in_dim3A_176] : memref<2048xf32, #tpu.memory_space<vmem>>[vector<16xi32>], vector<16xf32>,
          %get3A_178 = arith.index_cast %scan3A_172 : i32 to index
          %get3A_179 = arith.constant 0 : index
          %get3A_180 = tpu.vector_load %arg12[%get3A_178, %get3A_179] {strides = array<i32>} : memref<128x128xf32, #tpu.memory_space<vmem>>, vector<16xf32>,
          %mul3A_181 = arith.mulf %get3A_180, %gather3A_177 : vector<16xf32>
          %swap3A_182 = arith.index_cast %scan3A_172 : i32 to index
          %swap3A_183 = arith.constant 0 : index
          %swap3A_184 = tpu.vector_load %arg12[%swap3A_182, %swap3A_183] {strides = array<i32>} : memref<128x128xf32, #tpu.memory_space<vmem>>, vector<16xf32>,
          tpu.vector_store %arg12[%swap3A_182, %swap3A_183], %mul3A_181 {strides = array<i32>} : memref<128x128xf32, #tpu.memory_space<vmem>>, vector<16xf32>,
          %get3A_185 = arith.index_cast %scan3A_172 : i32 to index
          %get3A_186 = arith.constant 16 : index
          %get3A_187 = tpu.vector_load %arg12[%get3A_185, %get3A_186] {strides = array<i32>} : memref<128x128xf32, #tpu.memory_space<vmem>>, vector<16xf32>,
          %mul3A_188 = arith.mulf %get3A_187, %gather3A_177 : vector<16xf32>
          %swap3A_189 = arith.index_cast %scan3A_172 : i32 to index
          %swap3A_190 = arith.constant 16 : index
          %swap3A_191 = tpu.vector_load %arg12[%swap3A_189, %swap3A_190] {strides = array<i32>} : memref<128x128xf32, #tpu.memory_space<vmem>>, vector<16xf32>,
          tpu.vector_store %arg12[%swap3A_189, %swap3A_190], %mul3A_188 {strides = array<i32>} : memref<128x128xf32, #tpu.memory_space<vmem>>, vector<16xf32>,
          %get3A_192 = arith.index_cast %scan3A_172 : i32 to index
          %get3A_193 = arith.constant 32 : index
          %get3A_194 = tpu.vector_load %arg12[%get3A_192, %get3A_193] {strides = array<i32>} : memref<128x128xf32, #tpu.memory_space<vmem>>, vector<16xf32>,
          %mul3A_195 = arith.mulf %get3A_194, %gather3A_177 : vector<16xf32>
          %swap3A_196 = arith.index_cast %scan3A_172 : i32 to index
          %swap3A_197 = arith.constant 32 : index
          %swap3A_198 = tpu.vector_load %arg12[%swap3A_196, %swap3A_197] {strides = array<i32>} : memref<128x128xf32, #tpu.memory_space<vmem>>, vector<16xf32>,
          tpu.vector_store %arg12[%swap3A_196, %swap3A_197], %mul3A_195 {strides = array<i32>} : memref<128x128xf32, #tpu.memory_space<vmem>>, vector<16xf32>,
          %get3A_199 = arith.index_cast %scan3A_172 : i32 to index
          %get3A_200 = arith.constant 48 : index
          %get3A_201 = tpu.vector_load %arg12[%get3A_199, %get3A_200] {strides = array<i32>} : memref<128x128xf32, #tpu.memory_space<vmem>>, vector<16xf32>,
          %mul3A_202 = arith.mulf %get3A_201, %gather3A_177 : vector<16xf32>
          %swap3A_203 = arith.index_cast %scan3A_172 : i32 to index
          %swap3A_204 = arith.constant 48 : index
          %swap3A_205 = tpu.vector_load %arg12[%swap3A_203, %swap3A_204] {strides = array<i32>} : memref<128x128xf32, #tpu.memory_space<vmem>>, vector<16xf32>,
          tpu.vector_store %arg12[%swap3A_203, %swap3A_204], %mul3A_202 {strides = array<i32>} : memref<128x128xf32, #tpu.memory_space<vmem>>, vector<16xf32>,
          %get3A_206 = arith.index_cast %scan3A_172 : i32 to index
          %get3A_207 = arith.constant 64 : index
          %get3A_208 = tpu.vector_load %arg12[%get3A_206, %get3A_207] {strides = array<i32>} : memref<128x128xf32, #tpu.memory_space<vmem>>, vector<16xf32>,
          %mul3A_209 = arith.mulf %get3A_208, %gather3A_177 : vector<16xf32>
          %swap3A_210 = arith.index_cast %scan3A_172 : i32 to index
          %swap3A_211 = arith.constant 64 : index
          %swap3A_212 = tpu.vector_load %arg12[%swap3A_210, %swap3A_211] {strides = array<i32>} : memref<128x128xf32, #tpu.memory_space<vmem>>, vector<16xf32>,
          tpu.vector_store %arg12[%swap3A_210, %swap3A_211], %mul3A_209 {strides = array<i32>} : memref<128x128xf32, #tpu.memory_space<vmem>>, vector<16xf32>,
          %get3A_213 = arith.index_cast %scan3A_172 : i32 to index
          %get3A_214 = arith.constant 80 : index
          %get3A_215 = tpu.vector_load %arg12[%get3A_213, %get3A_214] {strides = array<i32>} : memref<128x128xf32, #tpu.memory_space<vmem>>, vector<16xf32>,
          %mul3A_216 = arith.mulf %get3A_215, %gather3A_177 : vector<16xf32>
          %swap3A_217 = arith.index_cast %scan3A_172 : i32 to index
          %swap3A_218 = arith.constant 80 : index
          %swap3A_219 = tpu.vector_load %arg12[%swap3A_217, %swap3A_218] {strides = array<i32>} : memref<128x128xf32, #tpu.memory_space<vmem>>, vector<16xf32>,
          tpu.vector_store %arg12[%swap3A_217, %swap3A_218], %mul3A_216 {strides = array<i32>} : memref<128x128xf32, #tpu.memory_space<vmem>>, vector<16xf32>,
          %get3A_220 = arith.index_cast %scan3A_172 : i32 to index
          %get3A_221 = arith.constant 96 : index
          %get3A_222 = tpu.vector_load %arg12[%get3A_220, %get3A_221] {strides = array<i32>} : memref<128x128xf32, #tpu.memory_space<vmem>>, vector<16xf32>,
          %mul3A_223 = arith.mulf %get3A_222, %gather3A_177 : vector<16xf32>
          %swap3A_224 = arith.index_cast %scan3A_172 : i32 to index
          %swap3A_225 = arith.constant 96 : index
          %swap3A_226 = tpu.vector_load %arg12[%swap3A_224, %swap3A_225] {strides = array<i32>} : memref<128x128xf32, #tpu.memory_space<vmem>>, vector<16xf32>,
          tpu.vector_store %arg12[%swap3A_224, %swap3A_225], %mul3A_223 {strides = array<i32>} : memref<128x128xf32, #tpu.memory_space<vmem>>, vector<16xf32>,
          %get3A_227 = arith.index_cast %scan3A_172 : i32 to index
          %get3A_228 = arith.constant 112 : index
          %get3A_229 = tpu.vector_load %arg12[%get3A_227, %get3A_228] {strides = array<i32>} : memref<128x128xf32, #tpu.memory_space<vmem>>, vector<16xf32>,
          %mul3A_230 = arith.mulf %get3A_229, %gather3A_177 : vector<16xf32>
          %swap3A_231 = arith.index_cast %scan3A_172 : i32 to index
          %swap3A_232 = arith.constant 112 : index
          %swap3A_233 = tpu.vector_load %arg12[%swap3A_231, %swap3A_232] {strides = array<i32>} : memref<128x128xf32, #tpu.memory_space<vmem>>, vector<16xf32>,
          tpu.vector_store %arg12[%swap3A_231, %swap3A_232], %mul3A_230 {strides = array<i32>} : memref<128x128xf32, #tpu.memory_space<vmem>>, vector<16xf32>,
          %scan3A_234 = arith.constant 0 : i32
          scf.yield %scan3A_234 : i32
        }
        %scan3A_103 = arith.constant 128 : i32
        %dma_start3A_104 = arith.constant 0 : i32
        %dma_start3A_105 = tpu.memref_slice %arg9[%add3A_80, %dma_start3A_104] : memref<16x128xi32, #tpu.memory_space<vmem>> -> memref<1x128xi32, #tpu.memory_space<vmem>>
        %dma_start3A_106 = tpu.memref_squeeze %dma_start3A_105 : memref<1x128xi32, #tpu.memory_space<vmem>> -> memref<128xi32, #tpu.memory_space<vmem>>
        %dma_start3A_107 = arith.constant 0 : i32
        %dma_start3A_108 = arith.constant 0 : i32
        %dma_start3A_109 = tpu.memref_slice %arg15[%dma_start3A_107, %dma_start3A_108] : memref<10240x128xf32, #tpu.memory_space<vmem_shared>> -> memref<10240x128xf32, #tpu.memory_space<vmem_shared>>
        tpu.enqueue_indirect_dma source(%arg12 : memref<128x128xf32, #tpu.memory_space<vmem>>) target(%dma_start3A_109 : memref<10240x128xf32, #tpu.memory_space<vmem_shared>>) offsets(%dma_start3A_106 : memref<128xi32, #tpu.memory_space<vmem>>) semaphore(%arg14 : memref<!tpu.dma_semaphore, #tpu.memory_space<semaphore_mem>>) {add = true}
        %scan3A_110 = arith.constant 0 : i32
        scf.yield %scan3A_110 : i32
      }
      %scan3A_38 = arith.constant 8 : i32
      %dma_wait3A = arith.constant 15 : i32
      %dma_wait3A_39 = arith.constant 0 : i32
      %dma_wait3A_40 = tpu.memref_slice %arg9[%dma_wait3A, %dma_wait3A_39] : memref<16x128xi32, #tpu.memory_space<vmem>> -> memref<1x128xi32, #tpu.memory_space<vmem>>
      %dma_wait3A_41 = tpu.memref_squeeze %dma_wait3A_40 : memref<1x128xi32, #tpu.memory_space<vmem>> -> memref<128xi32, #tpu.memory_space<vmem>>
      %dma_wait3A_42 = arith.constant 0 : i32
      %dma_wait3A_43 = arith.constant 0 : i32
      %dma_wait3A_44 = tpu.memref_slice %arg15[%dma_wait3A_42, %dma_wait3A_43] : memref<10240x128xf32, #tpu.memory_space<vmem_shared>> -> memref<10240x128xf32, #tpu.memory_space<vmem_shared>>
      tpu.wait_indirect_dma semaphore(%arg14 : memref<!tpu.dma_semaphore, #tpu.memory_space<semaphore_mem>>) src(%arg12 : memref<128x128xf32, #tpu.memory_space<vmem>>) dst(%dma_wait3A_44 : memref<10240x128xf32, #tpu.memory_space<vmem_shared>>)
      %while3A_45 = arith.constant 0 : i32
      scf.yield %while3A_45 : i32
    }
    %barrier3A_22 = arith.constant 0 : index
    tpu.barrier barrier_id(%barrier3A_22)
    "tpu.region"() ({
      %run_scoped3A = tpu.sem_alloc : memref<!tpu.dma_semaphore, #tpu.memory_space<semaphore_mem>>
      %dma_start3A = arith.constant 0 : i32
      %dma_start3A_23 = tpu.memref_slice %arg7[%arg0, %mul3A_10, %dma_start3A] : memref<2x10240x128xf32, #tpu.memory_space<hbm>> -> memref<1x640x128xf32, #tpu.memory_space<hbm>>
      %dma_start3A_24 = tpu.memref_squeeze %dma_start3A_23 : memref<1x640x128xf32, #tpu.memory_space<hbm>> -> memref<640x128xf32, #tpu.memory_space<hbm>>
      %dma_start3A_25 = arith.constant 0 : i32
      %dma_start3A_26 = tpu.memref_slice %arg15[%mul3A_10, %dma_start3A_25] : memref<10240x128xf32, #tpu.memory_space<vmem_shared>> -> memref<640x128xf32, #tpu.memory_space<vmem_shared>>
      tpu.enqueue_dma source(%dma_start3A_26 : memref<640x128xf32, #tpu.memory_space<vmem_shared>>) target(%dma_start3A_24 : memref<640x128xf32, #tpu.memory_space<hbm>>) target_semaphore(%run_scoped3A : memref<!tpu.dma_semaphore, #tpu.memory_space<semaphore_mem>>)
      %dma_wait3A = arith.constant 0 : i32
      %dma_wait3A_27 = tpu.memref_slice %arg7[%arg0, %mul3A_10, %dma_wait3A] : memref<2x10240x128xf32, #tpu.memory_space<hbm>> -> memref<1x640x128xf32, #tpu.memory_space<hbm>>
      %dma_wait3A_28 = tpu.memref_squeeze %dma_wait3A_27 : memref<1x640x128xf32, #tpu.memory_space<hbm>> -> memref<640x128xf32, #tpu.memory_space<hbm>>
      %dma_wait3A_29 = arith.constant 0 : i32
      %dma_wait3A_30 = tpu.memref_slice %arg15[%mul3A_10, %dma_wait3A_29] : memref<10240x128xf32, #tpu.memory_space<vmem_shared>> -> memref<640x128xf32, #tpu.memory_space<vmem_shared>>
      tpu.wait_dma2 semaphore(%run_scoped3A : memref<!tpu.dma_semaphore, #tpu.memory_space<semaphore_mem>>) src(%dma_wait3A_30 : memref<640x128xf32, #tpu.memory_space<vmem_shared>>) dst(%dma_wait3A_28 : memref<640x128xf32, #tpu.memory_space<hbm>>)
      tpu.yield
    }) : () -> ()
    return
  }
}

module attributes {stable_mosaic.version = 14 : i64} {
  func.func @_k2_body(%arg0: i32, %arg1: memref<1000x1xf32, #tpu.memory_space<vmem>>, %arg2: memref<1000x1xf32, #tpu.memory_space<vmem>>, %arg3: memref<1000x128xf32, #tpu.memory_space<vmem>>, %arg4: memref<128x128xf32, #tpu.memory_space<vmem>>, %arg5: memref<1000x1xf32, #tpu.memory_space<vmem>>, %arg6: memref<1000x128xf32, #tpu.memory_space<vmem>>) attributes {dimension_semantics = [#tpu.dimension_semantics<arbitrary>], iteration_bounds = array<i64: 10>, scalar_prefetch = 0 : i64, scratch_operands = 0 : i64, tpu.core_type = #tpu.core_type<tc>, window_params = [{transform_indices = @transform_0, window_bounds = array<i64: 1000, 1>}, {transform_indices = @transform_1, window_bounds = array<i64: 1000, 1>}, {transform_indices = @transform_2, window_bounds = array<i64: 1000, 128>}, {pipeline_mode = #tpu.pipeline_mode<synchronous>, transform_indices = @transform_3, window_bounds = array<i64: 128, 128>}, {transform_indices = @transform_4, window_bounds = array<i64: 1000, 1>}, {transform_indices = @transform_5, window_bounds = array<i64: 1000, 128>}]} {
    %get3A = arith.constant 0 : index
    %get3A_0 = arith.constant 0 : index
    %get3A_1 = vector.load %arg1[%get3A, %get3A_0] : memref<1000x1xf32, #tpu.memory_space<vmem>>, vector<1000x1xf32>
    %get3A_2 = arith.constant 0 : index
    %get3A_3 = arith.constant 0 : index
    %get3A_4 = vector.load %arg2[%get3A_2, %get3A_3] : memref<1000x1xf32, #tpu.memory_space<vmem>>, vector<1000x1xf32>
    %add3A = arith.addf %get3A_1, %get3A_4 : vector<1000x1xf32>
    %add3A_5 = arith.constant 1.000000e+00 : f32
    %add3A_6 = vector.broadcast %add3A_5 : f32 to vector<1000x1xf32>
    %add3A_7 = arith.addf %add3A, %add3A_6 : vector<1000x1xf32>
    %max3A = arith.constant 9.99999996E-13 : f32
    %max3A_8 = vector.broadcast %max3A : f32 to vector<1000x1xf32>
    %max3A_9 = arith.maximumf %add3A_7, %max3A_8 : vector<1000x1xf32>
    %rsqrt3A = math.rsqrt %max3A_9 : vector<1000x1xf32>
    %swap3A = arith.constant 0 : index
    %swap3A_10 = arith.constant 0 : index
    %swap3A_11 = vector.load %arg5[%swap3A, %swap3A_10] : memref<1000x1xf32, #tpu.memory_space<vmem>>, vector<1000x1xf32>
    tpu.vector_store %arg5[%swap3A, %swap3A_10], %rsqrt3A {strides = array<i32>} : memref<1000x1xf32, #tpu.memory_space<vmem>>, vector<1000x1xf32>,
    %get3A_12 = arith.constant 0 : index
    %get3A_13 = arith.constant 0 : index
    %get3A_14 = vector.load %arg3[%get3A_12, %get3A_13] : memref<1000x128xf32, #tpu.memory_space<vmem>>, vector<1000x128xf32>
    %get3A_15 = arith.constant 0 : index
    %get3A_16 = arith.constant 0 : index
    %get3A_17 = vector.load %arg4[%get3A_15, %get3A_16] : memref<128x128xf32, #tpu.memory_space<vmem>>, vector<128x128xf32>
    %dot_general3A = arith.constant dense<0.000000e+00> : vector<1000x128xf32>
    %dot_general3A_18 = tpu.matmul %get3A_14, %get3A_17, %dot_general3A {dimension_numbers = #tpu.dot_dimension_numbers<[1], [0], [0], [1], [0, 0, 1, 1], [], []>, transpose_lhs_hint = false} : vector<1000x128xf32>, vector<128x128xf32>, vector<1000x128xf32> -> vector<1000x128xf32>
    %mul3A = vector.broadcast %rsqrt3A : vector<1000x1xf32> to vector<1000x128xf32>
    %mul3A_19 = arith.mulf %mul3A, %dot_general3A_18 : vector<1000x128xf32>
    %swap3A_20 = arith.constant 0 : index
    %swap3A_21 = arith.constant 0 : index
    %swap3A_22 = vector.load %arg6[%swap3A_20, %swap3A_21] : memref<1000x128xf32, #tpu.memory_space<vmem>>, vector<1000x128xf32>
    tpu.vector_store %arg6[%swap3A_20, %swap3A_21], %mul3A_19 {strides = array<i32>} : memref<1000x128xf32, #tpu.memory_space<vmem>>, vector<1000x128xf32>,
    return
  }
  func.func @transform_0(%arg0: i32) -> (i32, i32) {
    %c0_i32 = arith.constant 0 : i32
    %c0_i32_0 = arith.constant 0 : i32
    return %arg0, %c0_i32 : i32, i32
  }
  func.func @transform_1(%arg0: i32) -> (i32, i32) {
    %c0_i32 = arith.constant 0 : i32
    %c0_i32_0 = arith.constant 0 : i32
    return %arg0, %c0_i32 : i32, i32
  }
  func.func @transform_2(%arg0: i32) -> (i32, i32) {
    %c0_i32 = arith.constant 0 : i32
    %c0_i32_0 = arith.constant 0 : i32
    return %arg0, %c0_i32 : i32, i32
  }
  func.func @transform_3(%arg0: i32) -> (i32, i32) {
    %c0_i32 = arith.constant 0 : i32
    %c0_i32_0 = arith.constant 0 : i32
    %c0_i32_1 = arith.constant 0 : i32
    return %c0_i32, %c0_i32_0 : i32, i32
  }
  func.func @transform_4(%arg0: i32) -> (i32, i32) {
    %c0_i32 = arith.constant 0 : i32
    %c0_i32_0 = arith.constant 0 : i32
    return %arg0, %c0_i32 : i32, i32
  }
  func.func @transform_5(%arg0: i32) -> (i32, i32) {
    %c0_i32 = arith.constant 0 : i32
    %c0_i32_0 = arith.constant 0 : i32
    return %arg0, %c0_i32 : i32, i32
  }
}

module attributes {stable_mosaic.version = 14 : i64} {
  func.func @_k4_body(%arg0: i32, %arg1: memref<1000x1xf32, #tpu.memory_space<vmem>>, %arg2: memref<1000x128xf32, #tpu.memory_space<vmem>>, %arg3: memref<1000x128xf32, #tpu.memory_space<vmem>>, %arg4: memref<1000x128xf32, #tpu.memory_space<vmem>>, %arg5: memref<1x128xf32, #tpu.memory_space<vmem>>, %arg6: memref<128x128xf32, #tpu.memory_space<vmem>>, %arg7: memref<1000x128xf32, #tpu.memory_space<vmem>>) attributes {dimension_semantics = [#tpu.dimension_semantics<arbitrary>], iteration_bounds = array<i64: 10>, scalar_prefetch = 0 : i64, scratch_operands = 0 : i64, tpu.core_type = #tpu.core_type<tc>, window_params = [{transform_indices = @transform_0, window_bounds = array<i64: 1000, 1>}, {transform_indices = @transform_1, window_bounds = array<i64: 1000, 128>}, {transform_indices = @transform_2, window_bounds = array<i64: 1000, 128>}, {transform_indices = @transform_3, window_bounds = array<i64: 1000, 128>}, {pipeline_mode = #tpu.pipeline_mode<synchronous>, transform_indices = @transform_4, window_bounds = array<i64: 1, 128>}, {pipeline_mode = #tpu.pipeline_mode<synchronous>, transform_indices = @transform_5, window_bounds = array<i64: 128, 128>}, {transform_indices = @transform_6, window_bounds = array<i64: 1000, 128>}]} {
    %get3A = arith.constant 0 : index
    %get3A_0 = arith.constant 0 : index
    %get3A_1 = vector.load %arg1[%get3A, %get3A_0] : memref<1000x1xf32, #tpu.memory_space<vmem>>, vector<1000x1xf32>
    %get3A_2 = arith.constant 0 : index
    %get3A_3 = arith.constant 0 : index
    %get3A_4 = vector.load %arg2[%get3A_2, %get3A_3] : memref<1000x128xf32, #tpu.memory_space<vmem>>, vector<1000x128xf32>
    %get3A_5 = arith.constant 0 : index
    %get3A_6 = arith.constant 0 : index
    %get3A_7 = vector.load %arg3[%get3A_5, %get3A_6] : memref<1000x128xf32, #tpu.memory_space<vmem>>, vector<1000x128xf32>
    %add3A = arith.addf %get3A_4, %get3A_7 : vector<1000x128xf32>
    %get3A_8 = arith.constant 0 : index
    %get3A_9 = arith.constant 0 : index
    %get3A_10 = vector.load %arg4[%get3A_8, %get3A_9] : memref<1000x128xf32, #tpu.memory_space<vmem>>, vector<1000x128xf32>
    %add3A_11 = arith.addf %add3A, %get3A_10 : vector<1000x128xf32>
    %mul3A = vector.broadcast %get3A_1 : vector<1000x1xf32> to vector<1000x128xf32>
    %mul3A_12 = arith.mulf %mul3A, %add3A_11 : vector<1000x128xf32>
    %get3A_13 = arith.constant 0 : index
    %get3A_14 = arith.constant 0 : index
    %get3A_15 = vector.load %arg5[%get3A_13, %get3A_14] : memref<1x128xf32, #tpu.memory_space<vmem>>, vector<1x128xf32>
    %add3A_16 = vector.broadcast %get3A_15 : vector<1x128xf32> to vector<1000x128xf32>
    %add3A_17 = arith.addf %mul3A_12, %add3A_16 : vector<1000x128xf32>
    %max3A = arith.constant 0.000000e+00 : f32
    %max3A_18 = vector.broadcast %max3A : f32 to vector<1000x128xf32>
    %max3A_19 = arith.maximumf %add3A_17, %max3A_18 : vector<1000x128xf32>
    %get3A_20 = arith.constant 0 : index
    %get3A_21 = arith.constant 0 : index
    %get3A_22 = vector.load %arg1[%get3A_20, %get3A_21] : memref<1000x1xf32, #tpu.memory_space<vmem>>, vector<1000x1xf32>
    %get3A_23 = arith.constant 0 : index
    %get3A_24 = arith.constant 0 : index
    %get3A_25 = vector.load %arg6[%get3A_23, %get3A_24] : memref<128x128xf32, #tpu.memory_space<vmem>>, vector<128x128xf32>
    %dot_general3A = arith.constant dense<0.000000e+00> : vector<1000x128xf32>
    %dot_general3A_26 = tpu.matmul %max3A_19, %get3A_25, %dot_general3A {dimension_numbers = #tpu.dot_dimension_numbers<[1], [0], [0], [1], [0, 0, 1, 1], [], []>, transpose_lhs_hint = false} : vector<1000x128xf32>, vector<128x128xf32>, vector<1000x128xf32> -> vector<1000x128xf32>
    %mul3A_27 = vector.broadcast %get3A_22 : vector<1000x1xf32> to vector<1000x128xf32>
    %mul3A_28 = arith.mulf %mul3A_27, %dot_general3A_26 : vector<1000x128xf32>
    %swap3A = arith.constant 0 : index
    %swap3A_29 = arith.constant 0 : index
    %swap3A_30 = vector.load %arg7[%swap3A, %swap3A_29] : memref<1000x128xf32, #tpu.memory_space<vmem>>, vector<1000x128xf32>
    tpu.vector_store %arg7[%swap3A, %swap3A_29], %mul3A_28 {strides = array<i32>} : memref<1000x128xf32, #tpu.memory_space<vmem>>, vector<1000x128xf32>,
    return
  }
  func.func @transform_0(%arg0: i32) -> (i32, i32) {
    %c0_i32 = arith.constant 0 : i32
    %c0_i32_0 = arith.constant 0 : i32
    return %arg0, %c0_i32 : i32, i32
  }
  func.func @transform_1(%arg0: i32) -> (i32, i32) {
    %c0_i32 = arith.constant 0 : i32
    %c0_i32_0 = arith.constant 0 : i32
    return %arg0, %c0_i32 : i32, i32
  }
  func.func @transform_2(%arg0: i32) -> (i32, i32) {
    %c0_i32 = arith.constant 0 : i32
    %c0_i32_0 = arith.constant 0 : i32
    return %arg0, %c0_i32 : i32, i32
  }
  func.func @transform_3(%arg0: i32) -> (i32, i32) {
    %c0_i32 = arith.constant 0 : i32
    %c0_i32_0 = arith.constant 0 : i32
    return %arg0, %c0_i32 : i32, i32
  }
  func.func @transform_4(%arg0: i32) -> (i32, i32) {
    %c0_i32 = arith.constant 0 : i32
    %c0_i32_0 = arith.constant 0 : i32
    %c0_i32_1 = arith.constant 0 : i32
    return %c0_i32, %c0_i32_0 : i32, i32
  }
  func.func @transform_5(%arg0: i32) -> (i32, i32) {
    %c0_i32 = arith.constant 0 : i32
    %c0_i32_0 = arith.constant 0 : i32
    %c0_i32_1 = arith.constant 0 : i32
    return %c0_i32, %c0_i32_0 : i32, i32
  }
  func.func @transform_6(%arg0: i32) -> (i32, i32) {
    %c0_i32 = arith.constant 0 : i32
    %c0_i32_0 = arith.constant 0 : i32
    return %arg0, %c0_i32 : i32, i32
  }
}

module attributes {stable_mosaic.version = 14 : i64} {
  func.func @_k6_body(%arg0: i32, %arg1: memref<1000x1xf32, #tpu.memory_space<vmem>>, %arg2: memref<1000x128xf32, #tpu.memory_space<vmem>>, %arg3: memref<1000x128xf32, #tpu.memory_space<vmem>>, %arg4: memref<1000x128xf32, #tpu.memory_space<vmem>>, %arg5: memref<1x128xf32, #tpu.memory_space<vmem>>, %arg6: memref<1000x1xi32, #tpu.memory_space<vmem>>, %arg7: memref<128x64xf32, #tpu.memory_space<vmem>>, %arg8: memref<1x64xf32, #tpu.memory_space<vmem>>, %arg9: memref<16x64xf32, #tpu.memory_space<vmem>>, %arg10: memref<16x128xf32, #tpu.memory_space<vmem>>, %arg11: memref<16x1xf32, #tpu.memory_space<vmem>>) attributes {dimension_semantics = [#tpu.dimension_semantics<arbitrary>], iteration_bounds = array<i64: 10>, scalar_prefetch = 0 : i64, scratch_operands = 2 : i64, tpu.core_type = #tpu.core_type<tc>, window_params = [{transform_indices = @transform_0, window_bounds = array<i64: 1000, 1>}, {transform_indices = @transform_1, window_bounds = array<i64: 1000, 128>}, {transform_indices = @transform_2, window_bounds = array<i64: 1000, 128>}, {transform_indices = @transform_3, window_bounds = array<i64: 1000, 128>}, {pipeline_mode = #tpu.pipeline_mode<synchronous>, transform_indices = @transform_4, window_bounds = array<i64: 1, 128>}, {transform_indices = @transform_5, window_bounds = array<i64: 1000, 1>}, {pipeline_mode = #tpu.pipeline_mode<synchronous>, transform_indices = @transform_6, window_bounds = array<i64: 128, 64>}, {pipeline_mode = #tpu.pipeline_mode<synchronous>, transform_indices = @transform_7, window_bounds = array<i64: 1, 64>}, {pipeline_mode = #tpu.pipeline_mode<synchronous>, transform_indices = @transform_8, window_bounds = array<i64: 16, 64>}]} {
    %eq3A = arith.constant 0 : i32
    %eq3A_0 = arith.cmpi eq, %arg0, %eq3A : i32
    %convert_element_type3A = arith.extui %eq3A_0 : i1 to i32
    %cond3A = arith.constant 0 : i32
    %cond3A_1 = arith.cmpi ne, %convert_element_type3A, %cond3A : i32
    scf.if %cond3A_1 {
      %broadcast_in_dim3A_51 = arith.constant 0.000000e+00 : f32
      %broadcast_in_dim3A_52 = vector.broadcast %broadcast_in_dim3A_51 : f32 to vector<16x128xf32>
      %swap3A_53 = arith.constant 0 : index
      %swap3A_54 = arith.constant 0 : index
      %swap3A_55 = vector.load %arg10[%swap3A_53, %swap3A_54] : memref<16x128xf32, #tpu.memory_space<vmem>>, vector<16x128xf32>
      tpu.vector_store %arg10[%swap3A_53, %swap3A_54], %broadcast_in_dim3A_52 {strides = array<i32>} : memref<16x128xf32, #tpu.memory_space<vmem>>, vector<16x128xf32>,
      %broadcast_in_dim3A_56 = arith.constant 0.000000e+00 : f32
      %broadcast_in_dim3A_57 = vector.broadcast %broadcast_in_dim3A_56 : f32 to vector<16x1xf32>
      %swap3A_58 = arith.constant 0 : index
      %swap3A_59 = arith.constant 0 : index
      %swap3A_60 = vector.load %arg11[%swap3A_58, %swap3A_59] : memref<16x1xf32, #tpu.memory_space<vmem>>, vector<16x1xf32>
      tpu.vector_store %arg11[%swap3A_58, %swap3A_59], %broadcast_in_dim3A_57 {strides = array<i32>} : memref<16x1xf32, #tpu.memory_space<vmem>>, vector<16x1xf32>,
    } else {
    }
    %get3A = arith.constant 0 : index
    %get3A_2 = arith.constant 0 : index
    %get3A_3 = vector.load %arg1[%get3A, %get3A_2] : memref<1000x1xf32, #tpu.memory_space<vmem>>, vector<1000x1xf32>
    %get3A_4 = arith.constant 0 : index
    %get3A_5 = arith.constant 0 : index
    %get3A_6 = vector.load %arg2[%get3A_4, %get3A_5] : memref<1000x128xf32, #tpu.memory_space<vmem>>, vector<1000x128xf32>
    %get3A_7 = arith.constant 0 : index
    %get3A_8 = arith.constant 0 : index
    %get3A_9 = vector.load %arg3[%get3A_7, %get3A_8] : memref<1000x128xf32, #tpu.memory_space<vmem>>, vector<1000x128xf32>
    %add3A = arith.addf %get3A_6, %get3A_9 : vector<1000x128xf32>
    %get3A_10 = arith.constant 0 : index
    %get3A_11 = arith.constant 0 : index
    %get3A_12 = vector.load %arg4[%get3A_10, %get3A_11] : memref<1000x128xf32, #tpu.memory_space<vmem>>, vector<1000x128xf32>
    %add3A_13 = arith.addf %add3A, %get3A_12 : vector<1000x128xf32>
    %mul3A = vector.broadcast %get3A_3 : vector<1000x1xf32> to vector<1000x128xf32>
    %mul3A_14 = arith.mulf %mul3A, %add3A_13 : vector<1000x128xf32>
    %get3A_15 = arith.constant 0 : index
    %get3A_16 = arith.constant 0 : index
    %get3A_17 = vector.load %arg5[%get3A_15, %get3A_16] : memref<1x128xf32, #tpu.memory_space<vmem>>, vector<1x128xf32>
    %add3A_18 = vector.broadcast %get3A_17 : vector<1x128xf32> to vector<1000x128xf32>
    %add3A_19 = arith.addf %mul3A_14, %add3A_18 : vector<1000x128xf32>
    %max3A = arith.constant 0.000000e+00 : f32
    %max3A_20 = vector.broadcast %max3A : f32 to vector<1000x128xf32>
    %max3A_21 = arith.maximumf %add3A_19, %max3A_20 : vector<1000x128xf32>
    %iota3A = tpu.iota {dimensions = array<i32: 1>} : vector<1000x16xi32>
    %get3A_22 = arith.constant 0 : index
    %get3A_23 = arith.constant 0 : index
    %get3A_24 = vector.load %arg6[%get3A_22, %get3A_23] : memref<1000x1xi32, #tpu.memory_space<vmem>>, vector<1000x1xi32>
    %eq3A_25 = vector.broadcast %get3A_24 : vector<1000x1xi32> to vector<1000x16xi32>
    %eq3A_26 = arith.cmpi eq, %iota3A, %eq3A_25 : vector<1000x16xi32>
    %convert_element_type3A_27 = arith.extui %eq3A_26 : vector<1000x16xi1> to vector<1000x16xi32>
    %convert_element_type3A_28 = arith.sitofp %convert_element_type3A_27 : vector<1000x16xi32> to vector<1000x16xf32>
    %get3A_29 = arith.constant 0 : index
    %get3A_30 = arith.constant 0 : index
    %get3A_31 = vector.load %arg10[%get3A_29, %get3A_30] : memref<16x128xf32, #tpu.memory_space<vmem>>, vector<16x128xf32>
    %dot_general3A = arith.constant dense<0.000000e+00> : vector<16x128xf32>
    %dot_general3A_32 = tpu.matmul %convert_element_type3A_28, %max3A_21, %dot_general3A {dimension_numbers = #tpu.dot_dimension_numbers<[0], [0], [1], [1], [0, 1, 1, 1], [], []>, transpose_lhs_hint = false} : vector<1000x16xf32>, vector<1000x128xf32>, vector<16x128xf32> -> vector<16x128xf32>
    %add3A_33 = arith.addf %get3A_31, %dot_general3A_32 : vector<16x128xf32>
    %swap3A = arith.constant 0 : index
    %swap3A_34 = arith.constant 0 : index
    %swap3A_35 = vector.load %arg10[%swap3A, %swap3A_34] : memref<16x128xf32, #tpu.memory_space<vmem>>, vector<16x128xf32>
    tpu.vector_store %arg10[%swap3A, %swap3A_34], %add3A_33 {strides = array<i32>} : memref<16x128xf32, #tpu.memory_space<vmem>>, vector<16x128xf32>,
    %get3A_36 = arith.constant 0 : index
    %get3A_37 = arith.constant 0 : index
    %get3A_38 = vector.load %arg11[%get3A_36, %get3A_37] : memref<16x1xf32, #tpu.memory_space<vmem>>, vector<16x1xf32>
    %broadcast_in_dim3A = arith.constant 1.000000e+00 : f32
    %broadcast_in_dim3A_39 = vector.broadcast %broadcast_in_dim3A : f32 to vector<1000x1xf32>
    %dot_general3A_40 = arith.constant dense<0.000000e+00> : vector<16x1xf32>
    %dot_general3A_41 = tpu.matmul %convert_element_type3A_28, %broadcast_in_dim3A_39, %dot_general3A_40 {dimension_numbers = #tpu.dot_dimension_numbers<[0], [0], [1], [1], [0, 1, 1, 1], [], []>, transpose_lhs_hint = false} : vector<1000x16xf32>, vector<1000x1xf32>, vector<16x1xf32> -> vector<16x1xf32>
    %add3A_42 = arith.addf %get3A_38, %dot_general3A_41 : vector<16x1xf32>
    %swap3A_43 = arith.constant 0 : index
    %swap3A_44 = arith.constant 0 : index
    %swap3A_45 = vector.load %arg11[%swap3A_43, %swap3A_44] : memref<16x1xf32, #tpu.memory_space<vmem>>, vector<16x1xf32>
    tpu.vector_store %arg11[%swap3A_43, %swap3A_44], %add3A_42 {strides = array<i32>} : memref<16x1xf32, #tpu.memory_space<vmem>>, vector<16x1xf32>,
    %eq3A_46 = arith.constant 9 : i32
    %eq3A_47 = arith.cmpi eq, %arg0, %eq3A_46 : i32
    %convert_element_type3A_48 = arith.extui %eq3A_47 : i1 to i32
    %cond3A_49 = arith.constant 0 : i32
    %cond3A_50 = arith.cmpi ne, %convert_element_type3A_48, %cond3A_49 : i32
    scf.if %cond3A_50 {
      %get3A_51 = arith.constant 0 : index
      %get3A_52 = arith.constant 0 : index
      %get3A_53 = vector.load %arg10[%get3A_51, %get3A_52] : memref<16x128xf32, #tpu.memory_space<vmem>>, vector<16x128xf32>
      %get3A_54 = arith.constant 0 : index
      %get3A_55 = arith.constant 0 : index
      %get3A_56 = vector.load %arg11[%get3A_54, %get3A_55] : memref<16x1xf32, #tpu.memory_space<vmem>>, vector<16x1xf32>
      %max3A_57 = arith.constant 1.000000e+00 : f32
      %max3A_58 = vector.broadcast %max3A_57 : f32 to vector<16x1xf32>
      %max3A_59 = arith.maximumf %get3A_56, %max3A_58 : vector<16x1xf32>
      %div3A = vector.broadcast %max3A_59 : vector<16x1xf32> to vector<16x128xf32>
      %div3A_60 = arith.divf %get3A_53, %div3A : vector<16x128xf32>
      %get3A_61 = arith.constant 0 : index
      %get3A_62 = arith.constant 0 : index
      %get3A_63 = vector.load %arg7[%get3A_61, %get3A_62] : memref<128x64xf32, #tpu.memory_space<vmem>>, vector<128x64xf32>
      %dot_general3A_64 = arith.constant dense<0.000000e+00> : vector<16x64xf32>
      %dot_general3A_65 = tpu.matmul %div3A_60, %get3A_63, %dot_general3A_64 {dimension_numbers = #tpu.dot_dimension_numbers<[1], [0], [0], [1], [0, 0, 1, 1], [], []>, transpose_lhs_hint = false} : vector<16x128xf32>, vector<128x64xf32>, vector<16x64xf32> -> vector<16x64xf32>
      %get3A_66 = arith.constant 0 : index
      %get3A_67 = arith.constant 0 : index
      %get3A_68 = vector.load %arg8[%get3A_66, %get3A_67] : memref<1x64xf32, #tpu.memory_space<vmem>>, vector<1x64xf32>
      %add3A_69 = vector.broadcast %get3A_68 : vector<1x64xf32> to vector<16x64xf32>
      %add3A_70 = arith.addf %dot_general3A_65, %add3A_69 : vector<16x64xf32>
      %swap3A_71 = arith.constant 0 : index
      %swap3A_72 = arith.constant 0 : index
      %swap3A_73 = vector.load %arg9[%swap3A_71, %swap3A_72] : memref<16x64xf32, #tpu.memory_space<vmem>>, vector<16x64xf32>
      tpu.vector_store %arg9[%swap3A_71, %swap3A_72], %add3A_70 {strides = array<i32>} : memref<16x64xf32, #tpu.memory_space<vmem>>, vector<16x64xf32>,
    } else {
    }
    return
  }
  func.func @transform_0(%arg0: i32) -> (i32, i32) {
    %c0_i32 = arith.constant 0 : i32
    %c0_i32_0 = arith.constant 0 : i32
    return %arg0, %c0_i32 : i32, i32
  }
  func.func @transform_1(%arg0: i32) -> (i32, i32) {
    %c0_i32 = arith.constant 0 : i32
    %c0_i32_0 = arith.constant 0 : i32
    return %arg0, %c0_i32 : i32, i32
  }
  func.func @transform_2(%arg0: i32) -> (i32, i32) {
    %c0_i32 = arith.constant 0 : i32
    %c0_i32_0 = arith.constant 0 : i32
    return %arg0, %c0_i32 : i32, i32
  }
  func.func @transform_3(%arg0: i32) -> (i32, i32) {
    %c0_i32 = arith.constant 0 : i32
    %c0_i32_0 = arith.constant 0 : i32
    return %arg0, %c0_i32 : i32, i32
  }
  func.func @transform_4(%arg0: i32) -> (i32, i32) {
    %c0_i32 = arith.constant 0 : i32
    %c0_i32_0 = arith.constant 0 : i32
    %c0_i32_1 = arith.constant 0 : i32
    return %c0_i32, %c0_i32_0 : i32, i32
  }
  func.func @transform_5(%arg0: i32) -> (i32, i32) {
    %c0_i32 = arith.constant 0 : i32
    %c0_i32_0 = arith.constant 0 : i32
    return %arg0, %c0_i32 : i32, i32
  }
  func.func @transform_6(%arg0: i32) -> (i32, i32) {
    %c0_i32 = arith.constant 0 : i32
    %c0_i32_0 = arith.constant 0 : i32
    %c0_i32_1 = arith.constant 0 : i32
    return %c0_i32, %c0_i32_0 : i32, i32
  }
  func.func @transform_7(%arg0: i32) -> (i32, i32) {
    %c0_i32 = arith.constant 0 : i32
    %c0_i32_0 = arith.constant 0 : i32
    %c0_i32_1 = arith.constant 0 : i32
    return %c0_i32, %c0_i32_0 : i32, i32
  }
  func.func @transform_8(%arg0: i32) -> (i32, i32) {
    %c0_i32 = arith.constant 0 : i32
    %c0_i32_0 = arith.constant 0 : i32
    %c0_i32_1 = arith.constant 0 : i32
    return %c0_i32, %c0_i32_0 : i32, i32
  }
}

</mosaic_0001>

<sc_bundles>
// kernel: kernel.11.cloned.1.call-start
scs
__scs_entry_jumppad:
0x0: {  	(pc) =	sbr.rel $0x88, $3  }
0x1: {  	(tag) =	ssettag $0x0;
	lr =	simm.s32 $0x1  }
0x2: {  	[smem:$0x3F93] =	sst lr;
	_ =	strace $0xD0000000  }
0x3: {  	_ = 	snop  }
0x4: {  	_ = 	snop  }
0x5: {  	_ = 	snop  }
0x6: {  	_ = 	snop  }
0x7: {  	_ = 	snop  }
__scs_overlays_trampoline_lowered:
0x8: {  	[smem:$0x3FA2] =	sst s0  }
0x9: {  	[smem:$0x3FA3] =	sst s1  }
0xa: {  	[smem:$0x3FA4] =	sst s2  }
0xb: {  	[smem:$0x3FA5] =	sst s3  }
0xc: {  	[smem:$0x3FA6] =	sst s4  }
0xd: {  	[smem:$0x3FA7] =	sst s5  }
0xe: {  	[smem:$0x3FA8] =	sst s6  }
0xf: {  	[smem:$0x3FA9] =	sst s7  }
0x10: {  	[smem:$0x3FAA] =	sst s8  }
0x11: {  	[smem:$0x3FAB] =	sst s9;
	s0 =	simm.s32 @!p0 $0x0  }
0x12: {  	s1 =	sld [smem:$0x3F91];
	s0 =	simm.s32 @p0 $0x1  }
0x13: {  	[smem:$0x3FAC] =	sst s0;
	s0 =	simm.s32 @!p1 $0x0  }
0x14: {  	s2 =	sld [smem:$0x3F90];
	s0 =	simm.s32 @p1 $0x1  }
0x15: {  	[smem:$0x3FAD] =	sst s0;
	s0 =	simm.s32 @!p2 $0x0  }
0x16: {  	s3 =	sld [smem:$0x3FDB];
	s0 =	simm.s32 @p2 $0x1  }
0x17: {  	s4 =	simm.s32 $0x1BF5;
	[smem:$0x3FAF] =	sst s0  }
0x18: {  	s0 =	sld [smem:$0x3F92];
	_ =	swait.ge [sflag:s4], $0x0  }
0x19: {  	s7 =	sld [smem:$0x3F93]  }
0x1a: {  	s8 =	sadd.s32 $0xFFFFE003, lr  }
0x1b: {  	s9 =	sadd.s32 $0xFFFFFEF7, lr;
	s5 =	simm.s32 $0xFFFFFFFF;
	p2 =	slt.u32 s8, $0xFFFFF086  }
0x1c: {  	p1 =	slt.u32 s9, $0xF7A;
	s5 =	simm.s32 @!p2 $0x0  }
0x1d: {  	s5 =	simm.s32 @p1 $0x1;
	p0 =	seq.s32 s7, s2  }
0x1e: {  	s7 =	smul.u32 @!p0 $0xF7A, s2;
	p2 =	seq.s32 @!p0 s5, $0x0  }
0x1f: {  	s9 =	smul.u32 $0xF7A, s1;
	s8 =	simm.s32 @!p0 $0x1BF5;
	p2 =	por !p2, p0  }
0x20: {  	[sflag:s8] =	ssyncset.s32 @!p0 $0xFFFFF086;
	s6 =	sadd.s32 @!p0 s3, s7;
	s7 =	simm.s32 @!p0 $0x108  }
0x21: {  	s3 =	sadd.s32 s3, s9;
	s6 =	sadd.s32 @!p0 $0x88, s6;
	s7 =	simm.s32 @p2 $0x1082  }
0x22: {  	[simem:s7], [sflag:s8] =	dma.local @!p0 [hbm:s6], $0xF7A  }
0x23: {  	s9 =	sor.u32 $0xD0000000, s2;
	s6 =	simm.s32 $0x108;
	_ =	swait.ge @!p0 [sflag:s8], $0x0  }
0x24: {  	s3 =	sadd.s32 $0x88, s3;
	s6 =	simm.s32 @!p1 $0x1082;
	[sflag:s4] =	ssyncset.s32 $0xFFFFF086  }
0x25: {  	[simem:s6], [sflag:s4] =	dma.local [hbm:s3], $0xF7A  }
0x26: {  	[smem:$0x3F93] =	sst s1;
	(tag) =	ssettag s2;
	_ =	strace s9  }
0x27: {  	s1 =	sld [smem:$0x3FA3]  }
0x28: {  	s2 =	sld [smem:$0x3FA4]  }
0x29: {  	s4 =	sld [smem:$0x3FA6]  }
0x2a: {  	p0 =	seq.s32 s5, $0x0;
	s5 =	sld [smem:$0x3FA7]  }
0x2b: {  	s6 =	sld [smem:$0x3FA8]  }
0x2c: {  	s7 =	sld [smem:$0x3FA9]  }
0x2d: {  	s3 =	simm.s32 $0x108;
	s8 =	sld [smem:$0x3FAA]  }
0x2e: {  	s3 =	simm.s32 @!p0 $0x1082;
	s9 =	sld [smem:$0x3FAB]  }
0x2f: {  	lr =	sadd.s32 s0, s3;
	s0 =	sld [smem:$0x3FA2]  }
0x30: {  	s3 =	sld [smem:$0x3FA5]  }
0x31: {  	[smem:$0x3FAE] =	sst s10  }
0x32: {  	s10 =	sld [smem:$0x3FAC];
	_ =	sdelay $0x3  }
0x33: {  	p0 =	seq.s32 s10, $0x1;
	s10 =	sld [smem:$0x3FAE];
	_ =	sdelay $0x3  }
0x34: {  	[smem:$0x3FAE] =	sst s10  }
0x35: {  	s10 =	sld [smem:$0x3FAD];
	_ =	sdelay $0x3  }
0x36: {  	p1 =	seq.s32 s10, $0x1;
	s10 =	sld [smem:$0x3FAE];
	_ =	sdelay $0x3  }
0x37: {  	[smem:$0x3FAE] =	sst s10  }
0x38: {  	s10 =	sld [smem:$0x3FAF]  }
0x39: {  	_ = 	snop;
	(pc) =	sbr.ind lr, $3  }
0x3a: {  	_ = 	snop  }
0x3b: {  	_ = 	snop  }
0x3c: {  	p2 =	seq.s32 s10, $0x1;
	s10 =	sld [smem:$0x3FAE]  }
0x3d: {  	_ =	shalt  }
0x3e: {  	_ =	shalt  }
0x3f: {  	_ =	shalt  }
0x40: {  	_ =	shalt  }
0x41: {  	_ =	shalt  }
0x42: {  	_ =	shalt  }
0x43: {  	_ =	shalt  }
0x44: {  	_ =	shalt  }
0x45: {  	_ =	shalt  }
0x46: {  	_ =	shalt  }
0x47: {  	_ =	shalt  }
0x48: {  	_ =	shalt  }
0x49: {  	_ =	shalt  }
0x4a: {  	_ =	shalt  }
0x4b: {  	_ =	shalt  }
0x4c: {  	_ =	shalt  }
0x4d: {  	_ =	shalt  }
0x4e: {  	_ =	shalt  }
0x4f: {  	_ =	shalt  }
0x50: {  	_ =	shalt  }
0x51: {  	_ =	shalt  }
0x52: {  	_ =	shalt  }
0x53: {  	_ =	shalt  }
0x54: {  	_ =	shalt  }
0x55: {  	_ =	shalt  }
0x56: {  	_ =	shalt  }
0x57: {  	_ =	shalt  }
0x58: {  	_ =	shalt  }
0x59: {  	_ =	shalt  }
0x5a: {  	_ =	shalt  }
0x5b: {  	_ =	shalt  }
0x5c: {  	_ =	shalt  }
0x5d: {  	_ =	shalt  }
0x5e: {  	_ =	shalt  }
0x5f: {  	_ =	shalt  }
0x60: {  	_ =	shalt  }
0x61: {  	_ =	shalt  }
0x62: {  	_ =	shalt  }
0x63: {  	_ =	shalt  }
0x64: {  	_ =	shalt  }
0x65: {  	_ =	shalt  }
0x66: {  	_ =	shalt  }
0x67: {  	_ =	shalt  }
0x68: {  	_ =	shalt  }
0x69: {  	_ =	shalt  }
0x6a: {  	_ =	shalt  }
0x6b: {  	_ =	shalt  }
0x6c: {  	_ =	shalt  }
0x6d: {  	_ =	shalt  }
0x6e: {  	_ =	shalt  }
0x6f: {  	_ =	shalt  }
0x70: {  	_ =	shalt  }
0x71: {  	_ =	shalt  }
0x72: {  	_ =	shalt  }
0x73: {  	_ =	shalt  }
0x74: {  	_ =	shalt  }
0x75: {  	_ =	shalt  }
0x76: {  	_ =	shalt  }
0x77: {  	_ =	shalt  }
0x78: {  	_ =	shalt  }
0x79: {  	_ =	shalt  }
0x7a: {  	_ =	shalt  }
0x7b: {  	_ =	shalt  }
0x7c: {  	_ =	shalt  }
0x7d: {  	_ =	shalt  }
0x7e: {  	_ =	shalt  }
0x7f: {  	_ =	shalt  }
0x80: {  	_ =	shalt  }
0x81: {  	_ =	shalt  }
0x82: {  	_ =	shalt  }
0x83: {  	_ =	shalt  }
0x84: {  	_ =	shalt  }
0x85: {  	_ =	shalt  }
0x86: {  	_ =	shalt  }
0x87: {  	_ =	shalt  }
.Lfunc_end0:
.L_simem_size_0:
called_computation.1_lowered:
.L_overlay_start_0:
0x88: {  	s2 =	sld [smem:$0x3FD9]  }
0x89: {  	s3 =	sld [smem:$0x3FFE];
	_ =	sdelay $0x1  }
0x8a: {  	s1 =	srdreg.scid  }
0x8b: {  	s0 =	sand.u32 $0x1, s1  }
0x8c: {  	s16 =	sshll.u32 s0, $0xA;
	s2 =	sadd.s32 s3, s2  }
0x8d: {  	s2 =	sadd.s32 s2, s16  }
0x8e: {  	[smem:$0x3FBA] =	sst s2  }
0x8f: {  	_ = 	snop  }
0x90: {  	(tm) =	ssettm $0x1  }
0x91: {  	s17 =	sld [smem:$0x3FFB];
	_ =	sdelay $0x3  }
0x92: {  	_ =	strace s17  }
0x93: {  	s2 =	sld [smem:$0x3FFC];
	_ =	sdelay $0x3  }
0x94: {  	_ =	strace s2  }
0x95: {  	s2 =	sld [smem:$0x3FFD];
	_ =	sdelay $0x3  }
0x96: {  	_ =	strace s2  }
0x97: {  	_ =	strace $0x8FFFFFFF  }
0x98: {  	s18 =	sld [smem:$0x3FDB];
	_ =	sdelay $0x1  }
0x99: {  	s19 =	simm.s32 $_scs_section_size  }
0x9a: {  	s4 =	simm.s32 $_size__tile_overlayer_lowered;
	s5 =	simm.s32 $_tile_overlayer_lowered  }
0x9b: {  	s22 =	simm.s32 $0x1BFF;
	s21 =	sshll.u32 s5, $0x1;
	s2 =	sadd.s32 s19, s18  }
0x9c: {  	s6 =	simm.s32 $0x0;
	s20 =	sshll.u32 s4, $0x1;
	s4 =	sadd.s32 s21, s2  }
0x9d: {  	[timem:s6], [sflag:s22] =	dma.local [hbm:s4], s20  }
0x9e: {  	_ =	swait.ge [sflag:s22], s20  }
0x9f: {  	s3 =	ssub.s32 $0x0, s20;
	[sflag:s22] =	ssyncset.done $0x0  }
0xa0: {  	[sflag:s22] =	ssyncadd.s32 s3;
	_ =	sdelay $0x1  }
0xa1: {  	s23 =	simm.s32 $0x1B8B  }
0xa2: {  	_ =	swait.ge [sflag:s23], $0x1  }
0xa3: {  	[sflag:s23] =	ssyncset.done $0x0  }
0xa4: {  	s25 =	simm.s32 $0x1B8E;
	s24 =	sld [smem:$0x3FFE];
	[sflag:s23] =	ssyncadd.s32 $0xFFFFFFFF  }
0xa5: {  	s26 =	simm.s32 $execute0_lowered;
	[smem:$0x3FD2] =	sst s25  }
0xa6: {  	s4 =	sshll.u32 s26, $0x1;
	_ =	strace $0x80000049;
	[dreg:$0x1] =	wrdreg $0xFFFFFFFF  }
0xa7: {  	s28 =	simm.s32 $_size_execute0_lowered;
	s2 =	sadd.s32 s2, s4;
	[dreg:$0x0] =	wrdreg $0x0  }
0xa8: {  	s4 =	sshll.u32 s28, $0x1;
	[dreg:$0x2] =	wrdreg s2  }
0xa9: {  	[dreg:$0x3] =	wrdreg s4  }
0xaa: {  	[dreg:$0x4] =	wrdreg $0xC0  }
0xab: {  	_ =	task [dreg:s6], $0x5FFFF  }
0xac: {  	[dreg:$0x1] =	wrdreg $0xFFFFFFFF  }
0xad: {  	[dreg:$0x0] =	wrdreg $0x60  }
0xae: {  	[dreg:$0x2] =	wrdreg s24  }
0xaf: {  	[dreg:$0x3] =	wrdreg $0x98000  }
0xb0: {  	[dreg:$0x4] =	wrdreg $0x9  }
0xb1: {  	_ =	task.clear_ibuf [dreg:s6], $0x5FFFF;
	_ =	strace $0x90000049  }
0xb2: {  	s29 =	simm.s32 $0x9;
	_ =	strace $0x8000004B  }
0xb3: {  	_ =	swait.ge [sflag:s29], $0x1  }
0xb4: {  	[sflag:s29] =	ssyncadd.s32 $0xFFFFFFFF  }
0xb5: {  	_ =	strace $0x9000004B  }
0xb6: {  	_ =	sfence  }
0xb7: {  	s30 =	sld [smem:$0x0];
	_ =	sdelay $0x2  }
0xb8: {  	s31 =	sshll.u32 s1, $0xD;
	s1 =	sshrl.u32 s1, $0x2  }
0xb9: {  	s3 =	sand.u32 $0x4000, s31;
	s1 =	sadd.s32 s1, s30  }
0xba: {  	s0 =	sor.u32 s3, s0;
	s1 =	sshll.u32 s1, $0x11  }
0xbb: {  	s0 =	sor.u32 s1, s0  }
0xbc: {  	s0 =	sadd.s32 $0x8F2B, s0  }
0xbd: {  	[sflag:s0] =	ssyncadd.remote.s32 $0x1  }
0xbe: {  	_ =	sfence.sel $0xFFFF  }
0xbf: {  	[dreg:$0x0] =	wrdreg $0xFFFFFFFF;
	(pc) =	sbr.abs _section_cstart, $3  }
0xc0: {  	[dreg:$0x1] =	wrdreg $0xFFFFFFFF  }
0xc1: {  	_ =	task.clear_ibuf [dreg:s6], $0x2FFFF;
	_ =	strace $0x9FFFFFFF  }
0xc2: {  	(tm) =	ssettm $0x7FFFFFFF  }
0xc3: {  	_ =	shalt  }
tec
execute0_lowered:
.L_overlay_start_1:
0x0: {  	(tag) =	ssettag $0x1  }
0x1: {  	s8 =	rddreg [dreg:$0x0]  }
0x2: {  	s2 =	rddreg [dreg:$0x1]  }
0x3: {  	s3 =	simm.s32 $0x0;
	s1 =	stileid.u32;
	s4 =	srdreg.scid  }
0x4: {  	s16 =	simm.s32 $0x1000;
	s17 =	simm.s32 $0x80;
	s18 =	simm.s32 $0x1800  }
0x5: {  	s19 =	simm.s32 $0x5800;
	s20 =	simm.s32 $0x1;
	s21 =	simm.s32 $0x2  }
0x6: {  	[smem:$0x7FF] =	sst s3;
	s9 =	smul.u32 $0x14000, s1;
	s22 =	sand.u32 $0x1, s4  }
0x7: {  	s4 =	sadd.s32 $0x2800, s8;
	s5 =	sadd.s32 $0xC800, s8;
	s12 =	smul.u32 $0x9, s1  }
0x8: {  	s6 =	sadd.s32 $0x21400, s8;
	s7 =	sadd.s32 $0x2B400, s8;
	s30 =	smul.u32 $0x50000, s1  }
0x9: {  	s31 =	sshll.u32 s1, $0x6;
	_ =	strace $0x8000004A;
	s10 =	smul.u32 $0x140000, s22  }
0xa: {  	s28 =	ssub.s32 $0x2, s22;
	p0 =	seq.s32 s22, $0x0;
	s11 =	sshrl.u32 s9, $0x3  }
0xb: {  	s29 =	sshrl.u32 s28, $0x1;
	s11 =	sadd.s32 s11, s8;
	s9 =	sadd.s32 s9, s10  }
0xc: {  	s14 =	ssub.s32 s28, s29;
	s10 =	sor.u32 $0x1C03, s31;
	s9 =	sshrl.u32 s9, $0x3  }
0xd: {  	s13 =	sadd.s32 s9, s8;
	s8 =	sor.u32 $0x90, s1;
	s9 =	sshrl.u32 s30, $0x2  }
0xe: {  	s8 =	smov.u32 @p0 s12;
	s15 =	sadd.s32 s9, s2;
	s9 =	sadd.s32 $0x52600, s11  }
0xf: {  	s11 =	sadd.s32 $0x7A600, s13;
	s12 =	smax.u32 s14, $0x1;
	s14 =	simm.s32 $0x3  }
0x10: {  	p0 =	sne.s32 s22, $0x0;
	s13 =	sshrl.u32 s15, $0x3;
	s15 =	simm.s32 $0x800  }
.LBB2_1:
0x11: {  	[spmem:s13], [sflag:s10] =	dma.local [hbm:s9], $0x2800  }
0x12: {  	_ =	swait.ge [sflag:s14], $0x2800  }
0x13: {  	[sflag:s14] =	ssyncset.done $0x0  }
0x14: {  	[sflag:s14] =	ssyncadd.s32 $0xFFFFD800  }
0x15: {  	s22 =	simm.s32 $0x0;
	[bflag:$0x0] =	sbarrier.arrive $0xFFFF  }
.LBB2_2:
0x16: {  	s23 =	sadd.s32 s8, s22  }
0x17: {  	s24 =	sshll.u32 s23, $0x8  }
0x18: {  	s23 =	simm.s32 $0x0;
	s25 =	sadd.s32 s4, s24  }
0x19: {  	[tilespmem:s23], [sflag:$0x3] =	stream.linear.gather [hbm4b:s25+s23], $0x800, $0x38;
	[tilespmem:$0x1D800] =	vst v63  }
0x1a: {  	_ =	swait.ge [sflag:s14], $0x800  }
0x1b: {  	[sflag:s14] =	ssyncset.done $0x0  }
0x1c: {  	s31 =	sadd.s32 s5, s24;
	[sflag:s14] =	ssyncadd.s32 $0xFFFFF800  }
0x1d: {  	[tilespmem:s15], [sflag:$0x3] =	stream.linear.gather [hbm4b:s31+s23], $0x800, $0x38;
	[tilespmem:$0x1D800] =	vst v63  }
0x1e: {  	_ =	swait.ge [sflag:s14], $0x800  }
0x1f: {  	[sflag:s14] =	ssyncset.done $0x0  }
0x20: {  	s24 =	sadd.s32 s6, s24;
	[sflag:s14] =	ssyncadd.s32 $0xFFFFF800  }
0x21: {  	[tilespmem:s16], [sflag:$0x3] =	stream.linear.gather [hbm4b:s24+s23], $0x800, $0x38;
	[tilespmem:$0x1D800] =	vst v63  }
0x22: {  	_ =	swait.ge [sflag:s14], $0x800  }
0x23: {  	[sflag:s14] =	ssyncset.done $0x0  }
0x24: {  	s24 =	simm.s32 $0x0;
	[sflag:s14] =	ssyncadd.s32 $0xFFFFF800  }
0x25: {  	[tilespmem:s18], [sflag:$0x1] =	stream.indirect.gather [hbm4b:s7+s17], $0x80, s23, s17, $0xb8;
	[tilespmem:$0x1D800] =	vst v63  }
.LBB2_3:
0x26: {  	p1 =	seq.s32 s24, $0x0;
	s28 =	sadd.s32 $0xFFFFFFFE, s23  }
0x27: {  	s26 =	simm.s32 @!p1 $0x2;
	s29 =	sadd.s32 $0x2, s28  }
0x28: {  	s25 =	sshll.u32 s24, $0xA;
	_ =	swait.ge @!p1 [sflag:s26], $0x4000;
	v0 =	vmov s29  }
0x29: {  	s25 =	sshrl.u32 s25, $0x2;
	[sflag:s26] =	ssyncset.done @!p1 $0x0;
	v0 =	vand.u32 $0xFFFFFFFE, v0  }
0x2a: {  	s31 =	sor.u32 $0x80, s25;
	[sflag:s26] =	ssyncadd.s32 @!p1 $0xFFFFC000;
	v1 =	vbroadcast v0, $0x0  }
0x2b: {  	[tilespmem:s19], [sflag:$0x1] =	stream.indirect.gather [hbm4b:s7+s17], $0x80, s31, s17, $0xb8;
	[tilespmem:$0x1D800] =	vst v63  }
0x2c: {  	_ =	swait.ge [sflag:s20], $0x4000  }
0x2d: {  	[sflag:s20] =	ssyncset.done $0x0  }
0x2e: {  	s26 =	simm.s32 $0x1880;
	[sflag:s20] =	ssyncadd.s32 $0xFFFFC000  }
0x2f: {  	v4 =	vld [tilespmem:s26+$0xFFFFFFF0]  }
0x30: {  	v5 =	vld.idx.msk [tilespmem:v1+s16+$0x0], $0xffff  }
0x31: {  	v6 =	vld [tilespmem:s26+$0xFFFFFF80]  }
0x32: {  	v7 =	vld [tilespmem:s26+$0xFFFFFFA0]  }
0x33: {  	v3 =	vld [tilespmem:s26+$0xFFFFFFB0]  }
0x34: {  	v2 =	vld [tilespmem:s26+$0xFFFFFFD0]  }
0x35: {  	v9 =	vld [tilespmem:s26+$0xFFFFFF90];
	v4 =	vmul.f32 v4, v5  }
0x36: {  	v8 =	vld [tilespmem:s26+$0xFFFFFFE0];
	v6 =	vmul.f32 v6, v5  }
0x37: {  	v10 =	vld [tilespmem:s26+$0xFFFFFFC0];
	v7 =	vmul.f32 v7, v5;
	[tilespmem:s26+$0xFFFFFFF0] =	vst v4  }
0x38: {  	v3 =	vmul.f32 v3, v5;
	[tilespmem:s26+$0xFFFFFF80] =	vst v6  }
0x39: {  	s28 =	sadd.s32 $0x3, s28;
	v2 =	vmul.f32 v2, v5;
	[tilespmem:s26+$0xFFFFFFA0] =	vst v7  }
0x3a: {  	v4 =	vmul.f32 v9, v5;
	[tilespmem:s26+$0xFFFFFFB0] =	vst v3;
	v6 =	vmov s28  }
0x3b: {  	v0 =	vld [tilespmem:s26+$0x0];
	v3 =	vmul.f32 v8, v5;
	[tilespmem:s26+$0xFFFFFFD0] =	vst v2  }
0x3c: {  	v1 =	vld [tilespmem:s26+$0x10];
	v2 =	vmul.f32 v10, v5;
	[tilespmem:s26+$0xFFFFFF90] =	vst v4  }
0x3d: {  	[tilespmem:s26+$0xFFFFFFE0] =	vst v3;
	v4 =	vld [tilespmem:s26+$0x30]  }
0x3e: {  	[tilespmem:s26+$0xFFFFFFC0] =	vst v2;
	v3 =	vld [tilespmem:s26+$0x70]  }
0x3f: {  	s30 =	simm.s32 $0x1880;
	s29 =	simm.s32 $0x0;
	s28 =	sshll.u32 s24, $0x1;
	v2 =	vld.idx.msk [tilespmem:v6+s16+$0x0], $0xffff  }
.LBB2_4:
0x40: {  	v5 =	vld [tilespmem:s26+$0x20];
	s30 =	sadd.s32 $0x100, s30;
	s31 =	smov.u32 s29;
	s29 =	sadd.s32 $0x2, s29  }
0x41: {  	p1 =	slt.u32 s29, $0x7E;
	v6 =	vld [tilespmem:s26+$0x40]  }
0x42: {  	v7 =	vld [tilespmem:s26+$0x50]  }
0x43: {  	v8 =	vld [tilespmem:s26+$0x60];
	_ =	sdelay $0x1  }
0x44: {  	s31 =	sadd.s32 s31, s23;
	v0 =	vmul.f32 v0, v2;
	v1 =	vmul.f32 v1, v2  }
0x45: {  	s0 =	sadd.s32 $0x2, s31;
	s31 =	sadd.s32 $0x3, s31;
	v4 =	vmul.f32 v4, v2;
	v5 =	vmul.f32 v5, v2  }
0x46: {  	v9 =	vmov s0;
	v6 =	vmul.f32 v6, v2;
	[tilespmem:s26+$0x0] =	vst v0;
	v7 =	vmul.f32 v7, v2  }
0x47: {  	v9 =	vand.u32 $0xFFFFFFFE, v9;
	v0 =	vld [tilespmem:s30+$0x0];
	[tilespmem:s26+$0x30] =	vst v4;
	v4 =	vmul.f32 v8, v2;
	v2 =	vmul.f32 v3, v2  }
0x48: {  	v3 =	vbroadcast v9, $0x0;
	[tilespmem:s26+$0x10] =	vst v1  }
0x49: {  	[tilespmem:s26+$0x70] =	vst v2  }
0x4a: {  	v2 =	vld [tilespmem:s30+$0xFFFFFFD0];
	[tilespmem:s26+$0x20] =	vst v5  }
0x4b: {  	v5 =	vld [tilespmem:s30+$0xFFFFFFB0];
	[tilespmem:s26+$0x60] =	vst v4  }
0x4c: {  	v4 =	vld [tilespmem:s30+$0xFFFFFFE0];
	[tilespmem:s26+$0x40] =	vst v6  }
0x4d: {  	v6 =	vld [tilespmem:s30+$0xFFFFFFF0];
	[tilespmem:s26+$0x50] =	vst v7;
	s26 =	smov.u32 s30  }
0x4e: {  	v3 =	vld.idx.msk [tilespmem:v3+s16+$0x0], $0xffff  }
0x4f: {  	v7 =	vld [tilespmem:s30+$0xFFFFFF80]  }
0x50: {  	v8 =	vld [tilespmem:s30+$0xFFFFFFA0]  }
0x51: {  	v9 =	vld [tilespmem:s30+$0xFFFFFF90]  }
0x52: {  	v10 =	vld [tilespmem:s30+$0xFFFFFFC0]  }
0x53: {  	v1 =	vld [tilespmem:s30+$0x10]  }
0x54: {  	v6 =	vmul.f32 v6, v3;
	v7 =	vmul.f32 v7, v3  }
0x55: {  	v4 =	vmul.f32 v4, v3;
	v8 =	vmul.f32 v8, v3  }
0x56: {  	v5 =	vmul.f32 v5, v3;
	v9 =	vmul.f32 v9, v3;
	[tilespmem:s30+$0xFFFFFFF0] =	vst v6  }
0x57: {  	v2 =	vmul.f32 v2, v3;
	[tilespmem:s30+$0xFFFFFF80] =	vst v7;
	v6 =	vmul.f32 v10, v3  }
0x58: {  	[tilespmem:s30+$0xFFFFFFA0] =	vst v8  }
0x59: {  	[tilespmem:s30+$0xFFFFFFB0] =	vst v5;
	v5 =	vmov s31  }
.Ltmp0:
0x5a: {  	[tilespmem:s30+$0xFFFFFFD0] =	vst v2;
	(pc) =	sbr.rel @p1 .LBB2_4-.Ltmp0, $4  }
0x5b: {  	[tilespmem:s30+$0xFFFFFF90] =	vst v9  }
0x5c: {  	[tilespmem:s30+$0xFFFFFFE0] =	vst v4;
	v4 =	vld [tilespmem:s30+$0x30]  }
0x5d: {  	[tilespmem:s30+$0xFFFFFFC0] =	vst v6;
	v3 =	vld [tilespmem:s30+$0x70]  }
0x5e: {  	v2 =	vld.idx.msk [tilespmem:v5+s16+$0x0], $0xffff  }
0x5f: {  	_ =	sdelay $0x2  }
0x60: {  	v5 =	vld [tilespmem:s26+$0x20]  }
0x61: {  	v6 =	vld [tilespmem:s26+$0x60];
	v0 =	vmul.f32 v0, v2  }
0x62: {  	v7 =	vld [tilespmem:s26+$0x40];
	v4 =	vmul.f32 v4, v2  }
0x63: {  	v8 =	vld [tilespmem:s26+$0x50];
	v1 =	vmul.f32 v1, v2;
	[tilespmem:s26+$0x0] =	vst v0  }
0x64: {  	[tilespmem:s26+$0x30] =	vst v4;
	v0 =	vmul.f32 v3, v2  }
0x65: {  	v3 =	vmul.f32 v5, v2;
	[tilespmem:s26+$0x10] =	vst v1  }
0x66: {  	v1 =	vmul.f32 v6, v2;
	[tilespmem:s26+$0x70] =	vst v0  }
0x67: {  	v0 =	vmul.f32 v7, v2;
	[tilespmem:s26+$0x20] =	vst v3  }
0x68: {  	v2 =	vmul.f32 v8, v2;
	[tilespmem:s26+$0x60] =	vst v1  }
0x69: {  	[tilespmem:s26+$0x40] =	vst v0  }
0x6a: {  	s0 =	sadd.s32 $0x800, s25;
	[tilespmem:s26+$0x50] =	vst v2;
	s26 =	sor.u32 $0x1, s28;
	s28 =	sadd.s32 $0xFFFFFFFE, s23  }
0x6b: {  	[spmem:s2] =	stream.indirect.scatter.add.f32 [tilespmem:s18], [sflag:$0x2], $0x80, s0, s17, $0xb8;
	[tilespmem:$0x1D800] =	vst v63  }
0x6c: {  	s30 =	sadd.s32 $0x82, s28  }
0x6d: {  	p1 =	sgt.u32 s26, $0xE;
	_ =	swait.ge [sflag:s21], $0x4000;
	v0 =	vmov s30  }
0x6e: {  	s0 =	sadd.s32 @!p1 $0x100, s25;
	[sflag:s21] =	ssyncset.done $0x0;
	v0 =	vand.u32 $0xFFFFFFFE, v0  }
0x6f: {  	s25 =	simm.s32 @!p1 $0x80;
	s29 =	simm.s32 @!p1 $0x1800;
	[sflag:s21] =	ssyncadd.s32 $0xFFFFC000;
	v1 =	vbroadcast v0, $0x0  }
0x70: {  	[tilespmem:s29], [sflag:$0x1] =	stream.indirect.gather @!p1 [hbm4b:s7+s25], $0x80, s0, s25, $0xb8;
	[tilespmem:$0x1D800] =	vst v63  }
0x71: {  	_ =	swait.ge [sflag:s20], $0x4000  }
0x72: {  	[sflag:s20] =	ssyncset.done $0x0  }
0x73: {  	s25 =	simm.s32 $0x5880;
	[sflag:s20] =	ssyncadd.s32 $0xFFFFC000  }
0x74: {  	v4 =	vld [tilespmem:s25+$0xFFFFFFF0]  }
0x75: {  	v5 =	vld.idx.msk [tilespmem:v1+s16+$0x0], $0xffff  }
0x76: {  	v6 =	vld [tilespmem:s25+$0xFFFFFF80]  }
0x77: {  	v7 =	vld [tilespmem:s25+$0xFFFFFFA0]  }
0x78: {  	v3 =	vld [tilespmem:s25+$0xFFFFFFB0]  }
0x79: {  	v2 =	vld [tilespmem:s25+$0xFFFFFFD0]  }
0x7a: {  	v9 =	vld [tilespmem:s25+$0xFFFFFF90];
	v4 =	vmul.f32 v4, v5  }
0x7b: {  	v63 =	vld [tilespmem:s25+$0xFFFFFFE0];
	v6 =	vmul.f32 v6, v5  }
0x7c: {  	v10 =	vld [tilespmem:s25+$0xFFFFFFC0];
	v7 =	vmul.f32 v7, v5;
	[tilespmem:s25+$0xFFFFFFF0] =	vst v4  }
0x7d: {  	v3 =	vmul.f32 v3, v5;
	[tilespmem:s25+$0xFFFFFF80] =	vst v6  }
0x7e: {  	s31 =	sadd.s32 $0x83, s28;
	v2 =	vmul.f32 v2, v5;
	[tilespmem:s25+$0xFFFFFFA0] =	vst v7  }
0x7f: {  	v4 =	vmul.f32 v9, v5;
	[tilespmem:s25+$0xFFFFFFB0] =	vst v3;
	v6 =	vmov s31  }
0x80: {  	v0 =	vld [tilespmem:s25+$0x0];
	v3 =	vmul.f32 v63, v5;
	[tilespmem:s25+$0xFFFFFFD0] =	vst v2  }
0x81: {  	v1 =	vld [tilespmem:s25+$0x10];
	v2 =	vmul.f32 v10, v5;
	[tilespmem:s25+$0xFFFFFF90] =	vst v4  }
0x82: {  	[tilespmem:s25+$0xFFFFFFE0] =	vst v3;
	v4 =	vld [tilespmem:s25+$0x30]  }
0x83: {  	[tilespmem:s25+$0xFFFFFFC0] =	vst v2;
	v3 =	vld [tilespmem:s25+$0x70]  }
0x84: {  	s28 =	simm.s32 $0x0;
	s29 =	simm.s32 $0x5880;
	v2 =	vld.idx.msk [tilespmem:v6+s16+$0x0], $0xffff  }
.LBB2_6:
0x85: {  	v5 =	vld [tilespmem:s25+$0x20];
	s29 =	sadd.s32 $0x100, s29;
	s0 =	smov.u32 s28;
	s28 =	sadd.s32 $0x2, s28  }
0x86: {  	p1 =	slt.u32 s28, $0x7E;
	v6 =	vld [tilespmem:s25+$0x40]  }
0x87: {  	v7 =	vld [tilespmem:s25+$0x50]  }
0x88: {  	v8 =	vld [tilespmem:s25+$0x60];
	_ =	sdelay $0x1  }
0x89: {  	s0 =	sadd.s32 s0, s23;
	v0 =	vmul.f32 v0, v2;
	v1 =	vmul.f32 v1, v2  }
0x8a: {  	s30 =	sadd.s32 $0x82, s0;
	s0 =	sadd.s32 $0x83, s0;
	v4 =	vmul.f32 v4, v2;
	v5 =	vmul.f32 v5, v2  }
0x8b: {  	v9 =	vmov s30;
	v6 =	vmul.f32 v6, v2;
	[tilespmem:s25+$0x0] =	vst v0;
	v7 =	vmul.f32 v7, v2  }
0x8c: {  	v9 =	vand.u32 $0xFFFFFFFE, v9;
	v0 =	vld [tilespmem:s29+$0x0];
	[tilespmem:s25+$0x30] =	vst v4;
	v4 =	vmul.f32 v8, v2;
	v2 =	vmul.f32 v3, v2  }
0x8d: {  	v3 =	vbroadcast v9, $0x0;
	[tilespmem:s25+$0x10] =	vst v1  }
0x8e: {  	[tilespmem:s25+$0x70] =	vst v2  }
0x8f: {  	v2 =	vld [tilespmem:s29+$0xFFFFFFD0];
	[tilespmem:s25+$0x20] =	vst v5  }
0x90: {  	v5 =	vld [tilespmem:s29+$0xFFFFFFB0];
	[tilespmem:s25+$0x60] =	vst v4  }
0x91: {  	v4 =	vld [tilespmem:s29+$0xFFFFFFE0];
	[tilespmem:s25+$0x40] =	vst v6  }
0x92: {  	v6 =	vld [tilespmem:s29+$0xFFFFFFF0];
	[tilespmem:s25+$0x50] =	vst v7;
	s25 =	smov.u32 s29  }
0x93: {  	v3 =	vld.idx.msk [tilespmem:v3+s16+$0x0], $0xffff  }
0x94: {  	v7 =	vld [tilespmem:s29+$0xFFFFFF80]  }
0x95: {  	v8 =	vld [tilespmem:s29+$0xFFFFFFA0]  }
0x96: {  	v9 =	vld [tilespmem:s29+$0xFFFFFF90]  }
0x97: {  	v10 =	vld [tilespmem:s29+$0xFFFFFFC0]  }
0x98: {  	v1 =	vld [tilespmem:s29+$0x10]  }
0x99: {  	v6 =	vmul.f32 v6, v3;
	v7 =	vmul.f32 v7, v3  }
0x9a: {  	v4 =	vmul.f32 v4, v3;
	v8 =	vmul.f32 v8, v3  }
0x9b: {  	v5 =	vmul.f32 v5, v3;
	v9 =	vmul.f32 v9, v3;
	[tilespmem:s29+$0xFFFFFFF0] =	vst v6  }
0x9c: {  	v2 =	vmul.f32 v2, v3;
	[tilespmem:s29+$0xFFFFFF80] =	vst v7;
	v6 =	vmul.f32 v10, v3  }
0x9d: {  	[tilespmem:s29+$0xFFFFFFA0] =	vst v8  }
0x9e: {  	[tilespmem:s29+$0xFFFFFFB0] =	vst v5;
	v5 =	vmov s0  }
.Ltmp1:
0x9f: {  	[tilespmem:s29+$0xFFFFFFD0] =	vst v2;
	(pc) =	sbr.rel @p1 .LBB2_6-.Ltmp1, $4  }
0xa0: {  	[tilespmem:s29+$0xFFFFFF90] =	vst v9  }
0xa1: {  	[tilespmem:s29+$0xFFFFFFE0] =	vst v4;
	v4 =	vld [tilespmem:s29+$0x30]  }
0xa2: {  	[tilespmem:s29+$0xFFFFFFC0] =	vst v6;
	v3 =	vld [tilespmem:s29+$0x70]  }
0xa3: {  	v2 =	vld.idx.msk [tilespmem:v5+s16+$0x0], $0xffff  }
0xa4: {  	_ =	sdelay $0x2  }
0xa5: {  	v5 =	vld [tilespmem:s25+$0x20]  }
0xa6: {  	v6 =	vld [tilespmem:s25+$0x60];
	v0 =	vmul.f32 v0, v2  }
0xa7: {  	v7 =	vld [tilespmem:s25+$0x40];
	v4 =	vmul.f32 v4, v2  }
0xa8: {  	v8 =	vld [tilespmem:s25+$0x50];
	v1 =	vmul.f32 v1, v2;
	[tilespmem:s25+$0x0] =	vst v0  }
0xa9: {  	v59 =	vmul.f32 v3, v2;
	[tilespmem:s25+$0x30] =	vst v4  }
0xaa: {  	s24 =	sadd.s32 $0x1, s24;
	v60 =	vmul.f32 v5, v2;
	[tilespmem:s25+$0x10] =	vst v1  }
0xab: {  	p1 =	sne.s32 s24, $0x8;
	v61 =	vmul.f32 v6, v2;
	[tilespmem:s25+$0x70] =	vst v59  }
.Ltmp2:
0xac: {  	v62 =	vmul.f32 v7, v2;
	[tilespmem:s25+$0x20] =	vst v60;
	(pc) =	sbr.rel @p1 .LBB2_3-.Ltmp2, $4  }
0xad: {  	s0 =	sshll.u32 s26, $0x7;
	v63 =	vmul.f32 v8, v2;
	[tilespmem:s25+$0x60] =	vst v61  }
0xae: {  	s0 =	sand.u32 $0x3FFFFF80, s0;
	[tilespmem:s25+$0x40] =	vst v62  }
0xaf: {  	s23 =	sadd.s32 $0x100, s23;
	s0 =	sadd.s32 $0x800, s0;
	[tilespmem:s25+$0x50] =	vst v63  }
0xb0: {  	[spmem:s2] =	stream.indirect.scatter.add.f32 [tilespmem:s19], [sflag:$0x2], $0x80, s0, s17, $0xb8;
	[tilespmem:$0x1D800] =	vst v63  }
0xb1: {  	p1 =	slt.u32 @!p0 s22, $0x8  }
0xb2: {  	p1 =	por p0, !p1  }
.Ltmp3:
0xb3: {  	_ = 	snop;
	(pc) =	sbr.rel @!p1 .LBB2_2-.Ltmp3, $4  }
0xb4: {  	_ = 	snop  }
0xb5: {  	_ =	swait.ge [sflag:s21], $0x4000  }
0xb6: {  	[sflag:s21] =	ssyncset.done $0x0  }
0xb7: {  	s22 =	sadd.s32 $0x1, s22;
	[sflag:s21] =	ssyncadd.s32 $0xFFFFC000  }
0xb8: {  	s3 =	sadd.s32 $0x1, s3  }
0xb9: {  	p1 =	sne.s32 s3, s12  }
.Ltmp4:
0xba: {  	[bflag:$0x0] =	sbarrier.arrive $0xFFFF;
	(pc) =	sbr.rel @p1 .LBB2_1-.Ltmp4, $4  }
0xbb: {  	[hbm:s11], [sflag:s10] =	dma.local [spmem:s13], $0x2800  }
0xbc: {  	_ =	swait.ge [sflag:s14], $0x2800  }
0xbd: {  	[sflag:s14] =	ssyncset.done $0x0  }
0xbe: {  	[sflag:s14] =	ssyncadd.s32 $0xFFFFD800  }
0xbf: {  	_ =	sfence.sel $0x180000  }
0xc0: {  	[bflag:$0x0] =	sbarrier.arrive $0xFFFF  }
0xc1: {  	_ =	strace $0x9000004A  }
0xc2: {  	[bflag:$0x2] =	sbarrier.arrive $0xFFFF  }
0xc3: {  	p0 =	sne.s32 s1, $0x0;
	s0 =	rddreg [dreg:$0x2]  }
0xc4: {  	s0 =	sadd.s32 @!p0 $0x100000, s0  }
0xc5: {  	[sflag:s0] =	ssyncadd.tile.s32 @!p0 $0x1;
	_ =	shalt  }
.Lfunc_end2:
_tile_overlayer_lowered:
.L_overlay_start_2:
0xc6: {  	(tag) =	ssettag $0x2  }
0xc7: {  	s0 =	rddreg [dreg:$0x0];
	s2 =	stileid.u32  }
0xc8: {  	s1 =	rddreg [dreg:$0x1];
	p0 =	sne.s32 s2, $0x0  }
0xc9: {  	s3 =	rddreg [dreg:$0x2];
	[bflag:$0x3] =	sbarrier.arrive $0xFFFF;
	s2 =	simm.s32 @!p0 $0x1C03  }
0xca: {  	[timem:s3], [sflag:s2] =	dma.local @!p0 [hbm:s0], s1  }
0xcb: {  	s0 =	simm.s32 @!p0 $0x3  }
0xcc: {  	_ =	swait.ge @!p0 [sflag:s0], s1  }
0xcd: {  	s1 =	ssub.s32 @!p0 $0x0, s1;
	[sflag:s0] =	ssyncset.done @!p0 $0x0  }
0xce: {  	[sflag:s0] =	ssyncadd.s32 @!p0 s1  }
0xcf: {  	[bflag:$0x3] =	sbarrier.arrive $0xFFFF  }
0xd0: {  	_ =	shalt  }

// kernel: kernel.14.cloned.1.call-start
scs
__scs_entry_jumppad:
0x0: {  	(pc) =	sbr.rel $0x88, $3  }
0x1: {  	(tag) =	ssettag $0x0;
	lr =	simm.s32 $0x1  }
0x2: {  	[smem:$0x3F93] =	sst lr;
	_ =	strace $0xD0000000  }
0x3: {  	_ = 	snop  }
0x4: {  	_ = 	snop  }
0x5: {  	_ = 	snop  }
0x6: {  	_ = 	snop  }
0x7: {  	_ = 	snop  }
__scs_overlays_trampoline_lowered:
0x8: {  	[smem:$0x3FA2] =	sst s0  }
0x9: {  	[smem:$0x3FA3] =	sst s1  }
0xa: {  	[smem:$0x3FA4] =	sst s2  }
0xb: {  	[smem:$0x3FA5] =	sst s3  }
0xc: {  	[smem:$0x3FA6] =	sst s4  }
0xd: {  	[smem:$0x3FA7] =	sst s5  }
0xe: {  	[smem:$0x3FA8] =	sst s6  }
0xf: {  	[smem:$0x3FA9] =	sst s7  }
0x10: {  	[smem:$0x3FAA] =	sst s8  }
0x11: {  	[smem:$0x3FAB] =	sst s9;
	s0 =	simm.s32 @!p0 $0x0  }
0x12: {  	s1 =	sld [smem:$0x3F91];
	s0 =	simm.s32 @p0 $0x1  }
0x13: {  	[smem:$0x3FAC] =	sst s0;
	s0 =	simm.s32 @!p1 $0x0  }
0x14: {  	s2 =	sld [smem:$0x3F90];
	s0 =	simm.s32 @p1 $0x1  }
0x15: {  	[smem:$0x3FAD] =	sst s0;
	s0 =	simm.s32 @!p2 $0x0  }
0x16: {  	s3 =	sld [smem:$0x3FDB];
	s0 =	simm.s32 @p2 $0x1  }
0x17: {  	s4 =	simm.s32 $0x1BF5;
	[smem:$0x3FAF] =	sst s0  }
0x18: {  	s0 =	sld [smem:$0x3F92];
	_ =	swait.ge [sflag:s4], $0x0  }
0x19: {  	s7 =	sld [smem:$0x3F93]  }
0x1a: {  	s8 =	sadd.s32 $0xFFFFE003, lr  }
0x1b: {  	s9 =	sadd.s32 $0xFFFFFEF7, lr;
	s5 =	simm.s32 $0xFFFFFFFF;
	p2 =	slt.u32 s8, $0xFFFFF086  }
0x1c: {  	p1 =	slt.u32 s9, $0xF7A;
	s5 =	simm.s32 @!p2 $0x0  }
0x1d: {  	s5 =	simm.s32 @p1 $0x1;
	p0 =	seq.s32 s7, s2  }
0x1e: {  	s7 =	smul.u32 @!p0 $0xF7A, s2;
	p2 =	seq.s32 @!p0 s5, $0x0  }
0x1f: {  	s9 =	smul.u32 $0xF7A, s1;
	s8 =	simm.s32 @!p0 $0x1BF5;
	p2 =	por !p2, p0  }
0x20: {  	[sflag:s8] =	ssyncset.s32 @!p0 $0xFFFFF086;
	s6 =	sadd.s32 @!p0 s3, s7;
	s7 =	simm.s32 @!p0 $0x108  }
0x21: {  	s3 =	sadd.s32 s3, s9;
	s6 =	sadd.s32 @!p0 $0x88, s6;
	s7 =	simm.s32 @p2 $0x1082  }
0x22: {  	[simem:s7], [sflag:s8] =	dma.local @!p0 [hbm:s6], $0xF7A  }
0x23: {  	s9 =	sor.u32 $0xD0000000, s2;
	s6 =	simm.s32 $0x108;
	_ =	swait.ge @!p0 [sflag:s8], $0x0  }
0x24: {  	s3 =	sadd.s32 $0x88, s3;
	s6 =	simm.s32 @!p1 $0x1082;
	[sflag:s4] =	ssyncset.s32 $0xFFFFF086  }
0x25: {  	[simem:s6], [sflag:s4] =	dma.local [hbm:s3], $0xF7A  }
0x26: {  	[smem:$0x3F93] =	sst s1;
	(tag) =	ssettag s2;
	_ =	strace s9  }
0x27: {  	s1 =	sld [smem:$0x3FA3]  }
0x28: {  	s2 =	sld [smem:$0x3FA4]  }
0x29: {  	s4 =	sld [smem:$0x3FA6]  }
0x2a: {  	p0 =	seq.s32 s5, $0x0;
	s5 =	sld [smem:$0x3FA7]  }
0x2b: {  	s6 =	sld [smem:$0x3FA8]  }
0x2c: {  	s7 =	sld [smem:$0x3FA9]  }
0x2d: {  	s3 =	simm.s32 $0x108;
	s8 =	sld [smem:$0x3FAA]  }
0x2e: {  	s3 =	simm.s32 @!p0 $0x1082;
	s9 =	sld [smem:$0x3FAB]  }
0x2f: {  	lr =	sadd.s32 s0, s3;
	s0 =	sld [smem:$0x3FA2]  }
0x30: {  	s3 =	sld [smem:$0x3FA5]  }
0x31: {  	[smem:$0x3FAE] =	sst s10  }
0x32: {  	s10 =	sld [smem:$0x3FAC];
	_ =	sdelay $0x3  }
0x33: {  	p0 =	seq.s32 s10, $0x1;
	s10 =	sld [smem:$0x3FAE];
	_ =	sdelay $0x3  }
0x34: {  	[smem:$0x3FAE] =	sst s10  }
0x35: {  	s10 =	sld [smem:$0x3FAD];
	_ =	sdelay $0x3  }
0x36: {  	p1 =	seq.s32 s10, $0x1;
	s10 =	sld [smem:$0x3FAE];
	_ =	sdelay $0x3  }
0x37: {  	[smem:$0x3FAE] =	sst s10  }
0x38: {  	s10 =	sld [smem:$0x3FAF]  }
0x39: {  	_ = 	snop;
	(pc) =	sbr.ind lr, $3  }
0x3a: {  	_ = 	snop  }
0x3b: {  	_ = 	snop  }
0x3c: {  	p2 =	seq.s32 s10, $0x1;
	s10 =	sld [smem:$0x3FAE]  }
0x3d: {  	_ =	shalt  }
0x3e: {  	_ =	shalt  }
0x3f: {  	_ =	shalt  }
0x40: {  	_ =	shalt  }
0x41: {  	_ =	shalt  }
0x42: {  	_ =	shalt  }
0x43: {  	_ =	shalt  }
0x44: {  	_ =	shalt  }
0x45: {  	_ =	shalt  }
0x46: {  	_ =	shalt  }
0x47: {  	_ =	shalt  }
0x48: {  	_ =	shalt  }
0x49: {  	_ =	shalt  }
0x4a: {  	_ =	shalt  }
0x4b: {  	_ =	shalt  }
0x4c: {  	_ =	shalt  }
0x4d: {  	_ =	shalt  }
0x4e: {  	_ =	shalt  }
0x4f: {  	_ =	shalt  }
0x50: {  	_ =	shalt  }
0x51: {  	_ =	shalt  }
0x52: {  	_ =	shalt  }
0x53: {  	_ =	shalt  }
0x54: {  	_ =	shalt  }
0x55: {  	_ =	shalt  }
0x56: {  	_ =	shalt  }
0x57: {  	_ =	shalt  }
0x58: {  	_ =	shalt  }
0x59: {  	_ =	shalt  }
0x5a: {  	_ =	shalt  }
0x5b: {  	_ =	shalt  }
0x5c: {  	_ =	shalt  }
0x5d: {  	_ =	shalt  }
0x5e: {  	_ =	shalt  }
0x5f: {  	_ =	shalt  }
0x60: {  	_ =	shalt  }
0x61: {  	_ =	shalt  }
0x62: {  	_ =	shalt  }
0x63: {  	_ =	shalt  }
0x64: {  	_ =	shalt  }
0x65: {  	_ =	shalt  }
0x66: {  	_ =	shalt  }
0x67: {  	_ =	shalt  }
0x68: {  	_ =	shalt  }
0x69: {  	_ =	shalt  }
0x6a: {  	_ =	shalt  }
0x6b: {  	_ =	shalt  }
0x6c: {  	_ =	shalt  }
0x6d: {  	_ =	shalt  }
0x6e: {  	_ =	shalt  }
0x6f: {  	_ =	shalt  }
0x70: {  	_ =	shalt  }
0x71: {  	_ =	shalt  }
0x72: {  	_ =	shalt  }
0x73: {  	_ =	shalt  }
0x74: {  	_ =	shalt  }
0x75: {  	_ =	shalt  }
0x76: {  	_ =	shalt  }
0x77: {  	_ =	shalt  }
0x78: {  	_ =	shalt  }
0x79: {  	_ =	shalt  }
0x7a: {  	_ =	shalt  }
0x7b: {  	_ =	shalt  }
0x7c: {  	_ =	shalt  }
0x7d: {  	_ =	shalt  }
0x7e: {  	_ =	shalt  }
0x7f: {  	_ =	shalt  }
0x80: {  	_ =	shalt  }
0x81: {  	_ =	shalt  }
0x82: {  	_ =	shalt  }
0x83: {  	_ =	shalt  }
0x84: {  	_ =	shalt  }
0x85: {  	_ =	shalt  }
0x86: {  	_ =	shalt  }
0x87: {  	_ =	shalt  }
.Lfunc_end0:
.L_simem_size_0:
called_computation.2_lowered:
.L_overlay_start_0:
0x88: {  	s2 =	sld [smem:$0x3FD9]  }
0x89: {  	s3 =	sld [smem:$0x3FFE];
	_ =	sdelay $0x1  }
0x8a: {  	s1 =	srdreg.scid  }
0x8b: {  	s0 =	sand.u32 $0x1, s1  }
0x8c: {  	s16 =	sshll.u32 s0, $0xA;
	s2 =	sadd.s32 s3, s2  }
0x8d: {  	s2 =	sadd.s32 s2, s16  }
0x8e: {  	[smem:$0x3FBA] =	sst s2  }
0x8f: {  	_ = 	snop  }
0x90: {  	(tm) =	ssettm $0x1  }
0x91: {  	s17 =	sld [smem:$0x3FFB];
	_ =	sdelay $0x3  }
0x92: {  	_ =	strace s17  }
0x93: {  	s2 =	sld [smem:$0x3FFC];
	_ =	sdelay $0x3  }
0x94: {  	_ =	strace s2  }
0x95: {  	s2 =	sld [smem:$0x3FFD];
	_ =	sdelay $0x3  }
0x96: {  	_ =	strace s2  }
0x97: {  	_ =	strace $0x8FFFFFFF  }
0x98: {  	s18 =	sld [smem:$0x3FDB];
	_ =	sdelay $0x1  }
0x99: {  	s19 =	simm.s32 $_scs_section_size  }
0x9a: {  	s4 =	simm.s32 $_size__tile_overlayer_lowered;
	s5 =	simm.s32 $_tile_overlayer_lowered  }
0x9b: {  	s22 =	simm.s32 $0x1BFF;
	s21 =	sshll.u32 s5, $0x1;
	s2 =	sadd.s32 s19, s18  }
0x9c: {  	s6 =	simm.s32 $0x0;
	s20 =	sshll.u32 s4, $0x1;
	s4 =	sadd.s32 s21, s2  }
0x9d: {  	[timem:s6], [sflag:s22] =	dma.local [hbm:s4], s20  }
0x9e: {  	_ =	swait.ge [sflag:s22], s20  }
0x9f: {  	s3 =	ssub.s32 $0x0, s20;
	[sflag:s22] =	ssyncset.done $0x0  }
0xa0: {  	[sflag:s22] =	ssyncadd.s32 s3;
	_ =	sdelay $0x1  }
0xa1: {  	s23 =	simm.s32 $0x1B8B  }
0xa2: {  	_ =	swait.ge [sflag:s23], $0x1  }
0xa3: {  	[sflag:s23] =	ssyncset.done $0x0  }
0xa4: {  	s25 =	simm.s32 $0x1B8E;
	s24 =	sld [smem:$0x3FFE];
	[sflag:s23] =	ssyncadd.s32 $0xFFFFFFFF  }
0xa5: {  	s26 =	simm.s32 $execute0_lowered;
	[smem:$0x3FD2] =	sst s25  }
0xa6: {  	s4 =	sshll.u32 s26, $0x1;
	_ =	strace $0x8000004C;
	[dreg:$0x1] =	wrdreg $0xFFFFFFFF  }
0xa7: {  	s28 =	simm.s32 $_size_execute0_lowered;
	s2 =	sadd.s32 s2, s4;
	[dreg:$0x0] =	wrdreg $0x0  }
0xa8: {  	s4 =	sshll.u32 s28, $0x1;
	[dreg:$0x2] =	wrdreg s2  }
0xa9: {  	[dreg:$0x3] =	wrdreg s4  }
0xaa: {  	[dreg:$0x4] =	wrdreg $0xC0  }
0xab: {  	_ =	task [dreg:s6], $0x5FFFF  }
0xac: {  	[dreg:$0x1] =	wrdreg $0xFFFFFFFF  }
0xad: {  	[dreg:$0x0] =	wrdreg $0x60  }
0xae: {  	[dreg:$0x2] =	wrdreg s24  }
0xaf: {  	[dreg:$0x3] =	wrdreg $0x98000  }
0xb0: {  	[dreg:$0x4] =	wrdreg $0x9  }
0xb1: {  	_ =	task.clear_ibuf [dreg:s6], $0x5FFFF;
	_ =	strace $0x9000004C  }
0xb2: {  	s29 =	simm.s32 $0x9;
	_ =	strace $0x8000004E  }
0xb3: {  	_ =	swait.ge [sflag:s29], $0x1  }
0xb4: {  	[sflag:s29] =	ssyncadd.s32 $0xFFFFFFFF  }
0xb5: {  	_ =	strace $0x9000004E  }
0xb6: {  	_ =	sfence  }
0xb7: {  	s30 =	sld [smem:$0x0];
	_ =	sdelay $0x2  }
0xb8: {  	s31 =	sshll.u32 s1, $0xD;
	s1 =	sshrl.u32 s1, $0x2  }
0xb9: {  	s3 =	sand.u32 $0x4000, s31;
	s1 =	sadd.s32 s1, s30  }
0xba: {  	s0 =	sor.u32 s3, s0;
	s1 =	sshll.u32 s1, $0x11  }
0xbb: {  	s0 =	sor.u32 s1, s0  }
0xbc: {  	s0 =	sadd.s32 $0x8F2B, s0  }
0xbd: {  	[sflag:s0] =	ssyncadd.remote.s32 $0x1  }
0xbe: {  	_ =	sfence.sel $0xFFFF  }
0xbf: {  	[dreg:$0x0] =	wrdreg $0xFFFFFFFF;
	(pc) =	sbr.abs _section_cstart, $3  }
0xc0: {  	[dreg:$0x1] =	wrdreg $0xFFFFFFFF  }
0xc1: {  	_ =	task.clear_ibuf [dreg:s6], $0x2FFFF;
	_ =	strace $0x9FFFFFFF  }
0xc2: {  	(tm) =	ssettm $0x7FFFFFFF  }
0xc3: {  	_ =	shalt  }
tec
execute0_lowered:
.L_overlay_start_1:
0x0: {  	(tag) =	ssettag $0x1  }
0x1: {  	s8 =	rddreg [dreg:$0x0]  }
0x2: {  	s2 =	rddreg [dreg:$0x1]  }
0x3: {  	s3 =	simm.s32 $0x0;
	s1 =	stileid.u32;
	s4 =	srdreg.scid  }
0x4: {  	s16 =	simm.s32 $0x1000;
	s17 =	simm.s32 $0x80;
	s18 =	simm.s32 $0x1800  }
0x5: {  	s19 =	simm.s32 $0x5800;
	s20 =	simm.s32 $0x1;
	s21 =	simm.s32 $0x2  }
0x6: {  	[smem:$0x7FF] =	sst s3;
	s9 =	smul.u32 $0x14000, s1;
	s22 =	sand.u32 $0x1, s4  }
0x7: {  	s4 =	sadd.s32 $0x2800, s8;
	s5 =	sadd.s32 $0xC800, s8;
	s12 =	smul.u32 $0x9, s1  }
0x8: {  	s6 =	sadd.s32 $0x21400, s8;
	s7 =	sadd.s32 $0x2B400, s8;
	s30 =	smul.u32 $0x50000, s1  }
0x9: {  	s31 =	sshll.u32 s1, $0x6;
	_ =	strace $0x8000004D;
	s10 =	smul.u32 $0x140000, s22  }
0xa: {  	s28 =	ssub.s32 $0x2, s22;
	p0 =	seq.s32 s22, $0x0;
	s11 =	sshrl.u32 s9, $0x3  }
0xb: {  	s29 =	sshrl.u32 s28, $0x1;
	s11 =	sadd.s32 s11, s8;
	s9 =	sadd.s32 s9, s10  }
0xc: {  	s14 =	ssub.s32 s28, s29;
	s10 =	sor.u32 $0x1C03, s31;
	s9 =	sshrl.u32 s9, $0x3  }
0xd: {  	s13 =	sadd.s32 s9, s8;
	s8 =	sor.u32 $0x90, s1;
	s9 =	sshrl.u32 s30, $0x2  }
0xe: {  	s8 =	smov.u32 @p0 s12;
	s15 =	sadd.s32 s9, s2;
	s9 =	sadd.s32 $0x52600, s11  }
0xf: {  	s11 =	sadd.s32 $0x7A600, s13;
	s12 =	smax.u32 s14, $0x1;
	s14 =	simm.s32 $0x3  }
0x10: {  	p0 =	sne.s32 s22, $0x0;
	s13 =	sshrl.u32 s15, $0x3;
	s15 =	simm.s32 $0x800  }
.LBB2_1:
0x11: {  	[spmem:s13], [sflag:s10] =	dma.local [hbm:s9], $0x2800  }
0x12: {  	_ =	swait.ge [sflag:s14], $0x2800  }
0x13: {  	[sflag:s14] =	ssyncset.done $0x0  }
0x14: {  	[sflag:s14] =	ssyncadd.s32 $0xFFFFD800  }
0x15: {  	s22 =	simm.s32 $0x0;
	[bflag:$0x0] =	sbarrier.arrive $0xFFFF  }
.LBB2_2:
0x16: {  	s23 =	sadd.s32 s8, s22  }
0x17: {  	s24 =	sshll.u32 s23, $0x8  }
0x18: {  	s23 =	simm.s32 $0x0;
	s25 =	sadd.s32 s4, s24  }
0x19: {  	[tilespmem:s23], [sflag:$0x3] =	stream.linear.gather [hbm4b:s25+s23], $0x800, $0x38;
	[tilespmem:$0x1D800] =	vst v63  }
0x1a: {  	_ =	swait.ge [sflag:s14], $0x800  }
0x1b: {  	[sflag:s14] =	ssyncset.done $0x0  }
0x1c: {  	s31 =	sadd.s32 s5, s24;
	[sflag:s14] =	ssyncadd.s32 $0xFFFFF800  }
0x1d: {  	[tilespmem:s15], [sflag:$0x3] =	stream.linear.gather [hbm4b:s31+s23], $0x800, $0x38;
	[tilespmem:$0x1D800] =	vst v63  }
0x1e: {  	_ =	swait.ge [sflag:s14], $0x800  }
0x1f: {  	[sflag:s14] =	ssyncset.done $0x0  }
0x20: {  	s24 =	sadd.s32 s6, s24;
	[sflag:s14] =	ssyncadd.s32 $0xFFFFF800  }
0x21: {  	[tilespmem:s16], [sflag:$0x3] =	stream.linear.gather [hbm4b:s24+s23], $0x800, $0x38;
	[tilespmem:$0x1D800] =	vst v63  }
0x22: {  	_ =	swait.ge [sflag:s14], $0x800  }
0x23: {  	[sflag:s14] =	ssyncset.done $0x0  }
0x24: {  	s24 =	simm.s32 $0x0;
	[sflag:s14] =	ssyncadd.s32 $0xFFFFF800  }
0x25: {  	[tilespmem:s18], [sflag:$0x1] =	stream.indirect.gather [hbm4b:s7+s17], $0x80, s23, s17, $0xb8;
	[tilespmem:$0x1D800] =	vst v63  }
.LBB2_3:
0x26: {  	p1 =	seq.s32 s24, $0x0;
	s28 =	sadd.s32 $0xFFFFFFFE, s23  }
0x27: {  	s26 =	simm.s32 @!p1 $0x2;
	s29 =	sadd.s32 $0x2, s28  }
0x28: {  	s25 =	sshll.u32 s24, $0xA;
	_ =	swait.ge @!p1 [sflag:s26], $0x4000;
	v0 =	vmov s29  }
0x29: {  	s25 =	sshrl.u32 s25, $0x2;
	[sflag:s26] =	ssyncset.done @!p1 $0x0;
	v0 =	vand.u32 $0xFFFFFFFE, v0  }
0x2a: {  	s31 =	sor.u32 $0x80, s25;
	[sflag:s26] =	ssyncadd.s32 @!p1 $0xFFFFC000;
	v1 =	vbroadcast v0, $0x0  }
0x2b: {  	[tilespmem:s19], [sflag:$0x1] =	stream.indirect.gather [hbm4b:s7+s17], $0x80, s31, s17, $0xb8;
	[tilespmem:$0x1D800] =	vst v63  }
0x2c: {  	_ =	swait.ge [sflag:s20], $0x4000  }
0x2d: {  	[sflag:s20] =	ssyncset.done $0x0  }
0x2e: {  	s26 =	simm.s32 $0x1880;
	[sflag:s20] =	ssyncadd.s32 $0xFFFFC000  }
0x2f: {  	v4 =	vld [tilespmem:s26+$0xFFFFFFF0]  }
0x30: {  	v5 =	vld.idx.msk [tilespmem:v1+s16+$0x0], $0xffff  }
0x31: {  	v6 =	vld [tilespmem:s26+$0xFFFFFF80]  }
0x32: {  	v7 =	vld [tilespmem:s26+$0xFFFFFFA0]  }
0x33: {  	v3 =	vld [tilespmem:s26+$0xFFFFFFB0]  }
0x34: {  	v2 =	vld [tilespmem:s26+$0xFFFFFFD0]  }
0x35: {  	v9 =	vld [tilespmem:s26+$0xFFFFFF90];
	v4 =	vmul.f32 v4, v5  }
0x36: {  	v8 =	vld [tilespmem:s26+$0xFFFFFFE0];
	v6 =	vmul.f32 v6, v5  }
0x37: {  	v10 =	vld [tilespmem:s26+$0xFFFFFFC0];
	v7 =	vmul.f32 v7, v5;
	[tilespmem:s26+$0xFFFFFFF0] =	vst v4  }
0x38: {  	v3 =	vmul.f32 v3, v5;
	[tilespmem:s26+$0xFFFFFF80] =	vst v6  }
0x39: {  	s28 =	sadd.s32 $0x3, s28;
	v2 =	vmul.f32 v2, v5;
	[tilespmem:s26+$0xFFFFFFA0] =	vst v7  }
0x3a: {  	v4 =	vmul.f32 v9, v5;
	[tilespmem:s26+$0xFFFFFFB0] =	vst v3;
	v6 =	vmov s28  }
0x3b: {  	v0 =	vld [tilespmem:s26+$0x0];
	v3 =	vmul.f32 v8, v5;
	[tilespmem:s26+$0xFFFFFFD0] =	vst v2  }
0x3c: {  	v1 =	vld [tilespmem:s26+$0x10];
	v2 =	vmul.f32 v10, v5;
	[tilespmem:s26+$0xFFFFFF90] =	vst v4  }
0x3d: {  	[tilespmem:s26+$0xFFFFFFE0] =	vst v3;
	v4 =	vld [tilespmem:s26+$0x30]  }
0x3e: {  	[tilespmem:s26+$0xFFFFFFC0] =	vst v2;
	v3 =	vld [tilespmem:s26+$0x70]  }
0x3f: {  	s30 =	simm.s32 $0x1880;
	s29 =	simm.s32 $0x0;
	s28 =	sshll.u32 s24, $0x1;
	v2 =	vld.idx.msk [tilespmem:v6+s16+$0x0], $0xffff  }
.LBB2_4:
0x40: {  	v5 =	vld [tilespmem:s26+$0x20];
	s30 =	sadd.s32 $0x100, s30;
	s31 =	smov.u32 s29;
	s29 =	sadd.s32 $0x2, s29  }
0x41: {  	p1 =	slt.u32 s29, $0x7E;
	v6 =	vld [tilespmem:s26+$0x40]  }
0x42: {  	v7 =	vld [tilespmem:s26+$0x50]  }
0x43: {  	v8 =	vld [tilespmem:s26+$0x60];
	_ =	sdelay $0x1  }
0x44: {  	s31 =	sadd.s32 s31, s23;
	v0 =	vmul.f32 v0, v2;
	v1 =	vmul.f32 v1, v2  }
0x45: {  	s0 =	sadd.s32 $0x2, s31;
	s31 =	sadd.s32 $0x3, s31;
	v4 =	vmul.f32 v4, v2;
	v5 =	vmul.f32 v5, v2  }
0x46: {  	v9 =	vmov s0;
	v6 =	vmul.f32 v6, v2;
	[tilespmem:s26+$0x0] =	vst v0;
	v7 =	vmul.f32 v7, v2  }
0x47: {  	v9 =	vand.u32 $0xFFFFFFFE, v9;
	v0 =	vld [tilespmem:s30+$0x0];
	[tilespmem:s26+$0x30] =	vst v4;
	v4 =	vmul.f32 v8, v2;
	v2 =	vmul.f32 v3, v2  }
0x48: {  	v3 =	vbroadcast v9, $0x0;
	[tilespmem:s26+$0x10] =	vst v1  }
0x49: {  	[tilespmem:s26+$0x70] =	vst v2  }
0x4a: {  	v2 =	vld [tilespmem:s30+$0xFFFFFFD0];
	[tilespmem:s26+$0x20] =	vst v5  }
0x4b: {  	v5 =	vld [tilespmem:s30+$0xFFFFFFB0];
	[tilespmem:s26+$0x60] =	vst v4  }
0x4c: {  	v4 =	vld [tilespmem:s30+$0xFFFFFFE0];
	[tilespmem:s26+$0x40] =	vst v6  }
0x4d: {  	v6 =	vld [tilespmem:s30+$0xFFFFFFF0];
	[tilespmem:s26+$0x50] =	vst v7;
	s26 =	smov.u32 s30  }
0x4e: {  	v3 =	vld.idx.msk [tilespmem:v3+s16+$0x0], $0xffff  }
0x4f: {  	v7 =	vld [tilespmem:s30+$0xFFFFFF80]  }
0x50: {  	v8 =	vld [tilespmem:s30+$0xFFFFFFA0]  }
0x51: {  	v9 =	vld [tilespmem:s30+$0xFFFFFF90]  }
0x52: {  	v10 =	vld [tilespmem:s30+$0xFFFFFFC0]  }
0x53: {  	v1 =	vld [tilespmem:s30+$0x10]  }
0x54: {  	v6 =	vmul.f32 v6, v3;
	v7 =	vmul.f32 v7, v3  }
0x55: {  	v4 =	vmul.f32 v4, v3;
	v8 =	vmul.f32 v8, v3  }
0x56: {  	v5 =	vmul.f32 v5, v3;
	v9 =	vmul.f32 v9, v3;
	[tilespmem:s30+$0xFFFFFFF0] =	vst v6  }
0x57: {  	v2 =	vmul.f32 v2, v3;
	[tilespmem:s30+$0xFFFFFF80] =	vst v7;
	v6 =	vmul.f32 v10, v3  }
0x58: {  	[tilespmem:s30+$0xFFFFFFA0] =	vst v8  }
0x59: {  	[tilespmem:s30+$0xFFFFFFB0] =	vst v5;
	v5 =	vmov s31  }
.Ltmp0:
0x5a: {  	[tilespmem:s30+$0xFFFFFFD0] =	vst v2;
	(pc) =	sbr.rel @p1 .LBB2_4-.Ltmp0, $4  }
0x5b: {  	[tilespmem:s30+$0xFFFFFF90] =	vst v9  }
0x5c: {  	[tilespmem:s30+$0xFFFFFFE0] =	vst v4;
	v4 =	vld [tilespmem:s30+$0x30]  }
0x5d: {  	[tilespmem:s30+$0xFFFFFFC0] =	vst v6;
	v3 =	vld [tilespmem:s30+$0x70]  }
0x5e: {  	v2 =	vld.idx.msk [tilespmem:v5+s16+$0x0], $0xffff  }
0x5f: {  	_ =	sdelay $0x2  }
0x60: {  	v5 =	vld [tilespmem:s26+$0x20]  }
0x61: {  	v6 =	vld [tilespmem:s26+$0x60];
	v0 =	vmul.f32 v0, v2  }
0x62: {  	v7 =	vld [tilespmem:s26+$0x40];
	v4 =	vmul.f32 v4, v2  }
0x63: {  	v8 =	vld [tilespmem:s26+$0x50];
	v1 =	vmul.f32 v1, v2;
	[tilespmem:s26+$0x0] =	vst v0  }
0x64: {  	[tilespmem:s26+$0x30] =	vst v4;
	v0 =	vmul.f32 v3, v2  }
0x65: {  	v3 =	vmul.f32 v5, v2;
	[tilespmem:s26+$0x10] =	vst v1  }
0x66: {  	v1 =	vmul.f32 v6, v2;
	[tilespmem:s26+$0x70] =	vst v0  }
0x67: {  	v0 =	vmul.f32 v7, v2;
	[tilespmem:s26+$0x20] =	vst v3  }
0x68: {  	v2 =	vmul.f32 v8, v2;
	[tilespmem:s26+$0x60] =	vst v1  }
0x69: {  	[tilespmem:s26+$0x40] =	vst v0  }
0x6a: {  	s0 =	sadd.s32 $0x800, s25;
	[tilespmem:s26+$0x50] =	vst v2;
	s26 =	sor.u32 $0x1, s28;
	s28 =	sadd.s32 $0xFFFFFFFE, s23  }
0x6b: {  	[spmem:s2] =	stream.indirect.scatter.add.f32 [tilespmem:s18], [sflag:$0x2], $0x80, s0, s17, $0xb8;
	[tilespmem:$0x1D800] =	vst v63  }
0x6c: {  	s30 =	sadd.s32 $0x82, s28  }
0x6d: {  	p1 =	sgt.u32 s26, $0xE;
	_ =	swait.ge [sflag:s21], $0x4000;
	v0 =	vmov s30  }
0x6e: {  	s0 =	sadd.s32 @!p1 $0x100, s25;
	[sflag:s21] =	ssyncset.done $0x0;
	v0 =	vand.u32 $0xFFFFFFFE, v0  }
0x6f: {  	s25 =	simm.s32 @!p1 $0x80;
	s29 =	simm.s32 @!p1 $0x1800;
	[sflag:s21] =	ssyncadd.s32 $0xFFFFC000;
	v1 =	vbroadcast v0, $0x0  }
0x70: {  	[tilespmem:s29], [sflag:$0x1] =	stream.indirect.gather @!p1 [hbm4b:s7+s25], $0x80, s0, s25, $0xb8;
	[tilespmem:$0x1D800] =	vst v63  }
0x71: {  	_ =	swait.ge [sflag:s20], $0x4000  }
0x72: {  	[sflag:s20] =	ssyncset.done $0x0  }
0x73: {  	s25 =	simm.s32 $0x5880;
	[sflag:s20] =	ssyncadd.s32 $0xFFFFC000  }
0x74: {  	v4 =	vld [tilespmem:s25+$0xFFFFFFF0]  }
0x75: {  	v5 =	vld.idx.msk [tilespmem:v1+s16+$0x0], $0xffff  }
0x76: {  	v6 =	vld [tilespmem:s25+$0xFFFFFF80]  }
0x77: {  	v7 =	vld [tilespmem:s25+$0xFFFFFFA0]  }
0x78: {  	v3 =	vld [tilespmem:s25+$0xFFFFFFB0]  }
0x79: {  	v2 =	vld [tilespmem:s25+$0xFFFFFFD0]  }
0x7a: {  	v9 =	vld [tilespmem:s25+$0xFFFFFF90];
	v4 =	vmul.f32 v4, v5  }
0x7b: {  	v63 =	vld [tilespmem:s25+$0xFFFFFFE0];
	v6 =	vmul.f32 v6, v5  }
0x7c: {  	v10 =	vld [tilespmem:s25+$0xFFFFFFC0];
	v7 =	vmul.f32 v7, v5;
	[tilespmem:s25+$0xFFFFFFF0] =	vst v4  }
0x7d: {  	v3 =	vmul.f32 v3, v5;
	[tilespmem:s25+$0xFFFFFF80] =	vst v6  }
0x7e: {  	s31 =	sadd.s32 $0x83, s28;
	v2 =	vmul.f32 v2, v5;
	[tilespmem:s25+$0xFFFFFFA0] =	vst v7  }
0x7f: {  	v4 =	vmul.f32 v9, v5;
	[tilespmem:s25+$0xFFFFFFB0] =	vst v3;
	v6 =	vmov s31  }
0x80: {  	v0 =	vld [tilespmem:s25+$0x0];
	v3 =	vmul.f32 v63, v5;
	[tilespmem:s25+$0xFFFFFFD0] =	vst v2  }
0x81: {  	v1 =	vld [tilespmem:s25+$0x10];
	v2 =	vmul.f32 v10, v5;
	[tilespmem:s25+$0xFFFFFF90] =	vst v4  }
0x82: {  	[tilespmem:s25+$0xFFFFFFE0] =	vst v3;
	v4 =	vld [tilespmem:s25+$0x30]  }
0x83: {  	[tilespmem:s25+$0xFFFFFFC0] =	vst v2;
	v3 =	vld [tilespmem:s25+$0x70]  }
0x84: {  	s28 =	simm.s32 $0x0;
	s29 =	simm.s32 $0x5880;
	v2 =	vld.idx.msk [tilespmem:v6+s16+$0x0], $0xffff  }
.LBB2_6:
0x85: {  	v5 =	vld [tilespmem:s25+$0x20];
	s29 =	sadd.s32 $0x100, s29;
	s0 =	smov.u32 s28;
	s28 =	sadd.s32 $0x2, s28  }
0x86: {  	p1 =	slt.u32 s28, $0x7E;
	v6 =	vld [tilespmem:s25+$0x40]  }
0x87: {  	v7 =	vld [tilespmem:s25+$0x50]  }
0x88: {  	v8 =	vld [tilespmem:s25+$0x60];
	_ =	sdelay $0x1  }
0x89: {  	s0 =	sadd.s32 s0, s23;
	v0 =	vmul.f32 v0, v2;
	v1 =	vmul.f32 v1, v2  }
0x8a: {  	s30 =	sadd.s32 $0x82, s0;
	s0 =	sadd.s32 $0x83, s0;
	v4 =	vmul.f32 v4, v2;
	v5 =	vmul.f32 v5, v2  }
0x8b: {  	v9 =	vmov s30;
	v6 =	vmul.f32 v6, v2;
	[tilespmem:s25+$0x0] =	vst v0;
	v7 =	vmul.f32 v7, v2  }
0x8c: {  	v9 =	vand.u32 $0xFFFFFFFE, v9;
	v0 =	vld [tilespmem:s29+$0x0];
	[tilespmem:s25+$0x30] =	vst v4;
	v4 =	vmul.f32 v8, v2;
	v2 =	vmul.f32 v3, v2  }
0x8d: {  	v3 =	vbroadcast v9, $0x0;
	[tilespmem:s25+$0x10] =	vst v1  }
0x8e: {  	[tilespmem:s25+$0x70] =	vst v2  }
0x8f: {  	v2 =	vld [tilespmem:s29+$0xFFFFFFD0];
	[tilespmem:s25+$0x20] =	vst v5  }
0x90: {  	v5 =	vld [tilespmem:s29+$0xFFFFFFB0];
	[tilespmem:s25+$0x60] =	vst v4  }
0x91: {  	v4 =	vld [tilespmem:s29+$0xFFFFFFE0];
	[tilespmem:s25+$0x40] =	vst v6  }
0x92: {  	v6 =	vld [tilespmem:s29+$0xFFFFFFF0];
	[tilespmem:s25+$0x50] =	vst v7;
	s25 =	smov.u32 s29  }
0x93: {  	v3 =	vld.idx.msk [tilespmem:v3+s16+$0x0], $0xffff  }
0x94: {  	v7 =	vld [tilespmem:s29+$0xFFFFFF80]  }
0x95: {  	v8 =	vld [tilespmem:s29+$0xFFFFFFA0]  }
0x96: {  	v9 =	vld [tilespmem:s29+$0xFFFFFF90]  }
0x97: {  	v10 =	vld [tilespmem:s29+$0xFFFFFFC0]  }
0x98: {  	v1 =	vld [tilespmem:s29+$0x10]  }
0x99: {  	v6 =	vmul.f32 v6, v3;
	v7 =	vmul.f32 v7, v3  }
0x9a: {  	v4 =	vmul.f32 v4, v3;
	v8 =	vmul.f32 v8, v3  }
0x9b: {  	v5 =	vmul.f32 v5, v3;
	v9 =	vmul.f32 v9, v3;
	[tilespmem:s29+$0xFFFFFFF0] =	vst v6  }
0x9c: {  	v2 =	vmul.f32 v2, v3;
	[tilespmem:s29+$0xFFFFFF80] =	vst v7;
	v6 =	vmul.f32 v10, v3  }
0x9d: {  	[tilespmem:s29+$0xFFFFFFA0] =	vst v8  }
0x9e: {  	[tilespmem:s29+$0xFFFFFFB0] =	vst v5;
	v5 =	vmov s0  }
.Ltmp1:
0x9f: {  	[tilespmem:s29+$0xFFFFFFD0] =	vst v2;
	(pc) =	sbr.rel @p1 .LBB2_6-.Ltmp1, $4  }
0xa0: {  	[tilespmem:s29+$0xFFFFFF90] =	vst v9  }
0xa1: {  	[tilespmem:s29+$0xFFFFFFE0] =	vst v4;
	v4 =	vld [tilespmem:s29+$0x30]  }
0xa2: {  	[tilespmem:s29+$0xFFFFFFC0] =	vst v6;
	v3 =	vld [tilespmem:s29+$0x70]  }
0xa3: {  	v2 =	vld.idx.msk [tilespmem:v5+s16+$0x0], $0xffff  }
0xa4: {  	_ =	sdelay $0x2  }
0xa5: {  	v5 =	vld [tilespmem:s25+$0x20]  }
0xa6: {  	v6 =	vld [tilespmem:s25+$0x60];
	v0 =	vmul.f32 v0, v2  }
0xa7: {  	v7 =	vld [tilespmem:s25+$0x40];
	v4 =	vmul.f32 v4, v2  }
0xa8: {  	v8 =	vld [tilespmem:s25+$0x50];
	v1 =	vmul.f32 v1, v2;
	[tilespmem:s25+$0x0] =	vst v0  }
0xa9: {  	v59 =	vmul.f32 v3, v2;
	[tilespmem:s25+$0x30] =	vst v4  }
0xaa: {  	s24 =	sadd.s32 $0x1, s24;
	v60 =	vmul.f32 v5, v2;
	[tilespmem:s25+$0x10] =	vst v1  }
0xab: {  	p1 =	sne.s32 s24, $0x8;
	v61 =	vmul.f32 v6, v2;
	[tilespmem:s25+$0x70] =	vst v59  }
.Ltmp2:
0xac: {  	v62 =	vmul.f32 v7, v2;
	[tilespmem:s25+$0x20] =	vst v60;
	(pc) =	sbr.rel @p1 .LBB2_3-.Ltmp2, $4  }
0xad: {  	s0 =	sshll.u32 s26, $0x7;
	v63 =	vmul.f32 v8, v2;
	[tilespmem:s25+$0x60] =	vst v61  }
0xae: {  	s0 =	sand.u32 $0x3FFFFF80, s0;
	[tilespmem:s25+$0x40] =	vst v62  }
0xaf: {  	s23 =	sadd.s32 $0x100, s23;
	s0 =	sadd.s32 $0x800, s0;
	[tilespmem:s25+$0x50] =	vst v63  }
0xb0: {  	[spmem:s2] =	stream.indirect.scatter.add.f32 [tilespmem:s19], [sflag:$0x2], $0x80, s0, s17, $0xb8;
	[tilespmem:$0x1D800] =	vst v63  }
0xb1: {  	p1 =	slt.u32 @!p0 s22, $0x8  }
0xb2: {  	p1 =	por p0, !p1  }
.Ltmp3:
0xb3: {  	_ = 	snop;
	(pc) =	sbr.rel @!p1 .LBB2_2-.Ltmp3, $4  }
0xb4: {  	_ = 	snop  }
0xb5: {  	_ =	swait.ge [sflag:s21], $0x4000  }
0xb6: {  	[sflag:s21] =	ssyncset.done $0x0  }
0xb7: {  	s22 =	sadd.s32 $0x1, s22;
	[sflag:s21] =	ssyncadd.s32 $0xFFFFC000  }
0xb8: {  	s3 =	sadd.s32 $0x1, s3  }
0xb9: {  	p1 =	sne.s32 s3, s12  }
.Ltmp4:
0xba: {  	[bflag:$0x0] =	sbarrier.arrive $0xFFFF;
	(pc) =	sbr.rel @p1 .LBB2_1-.Ltmp4, $4  }
0xbb: {  	[hbm:s11], [sflag:s10] =	dma.local [spmem:s13], $0x2800  }
0xbc: {  	_ =	swait.ge [sflag:s14], $0x2800  }
0xbd: {  	[sflag:s14] =	ssyncset.done $0x0  }
0xbe: {  	[sflag:s14] =	ssyncadd.s32 $0xFFFFD800  }
0xbf: {  	_ =	sfence.sel $0x180000  }
0xc0: {  	[bflag:$0x0] =	sbarrier.arrive $0xFFFF  }
0xc1: {  	_ =	strace $0x9000004D  }
0xc2: {  	[bflag:$0x2] =	sbarrier.arrive $0xFFFF  }
0xc3: {  	p0 =	sne.s32 s1, $0x0;
	s0 =	rddreg [dreg:$0x2]  }
0xc4: {  	s0 =	sadd.s32 @!p0 $0x100000, s0  }
0xc5: {  	[sflag:s0] =	ssyncadd.tile.s32 @!p0 $0x1;
	_ =	shalt  }
.Lfunc_end2:
_tile_overlayer_lowered:
.L_overlay_start_2:
0xc6: {  	(tag) =	ssettag $0x2  }
0xc7: {  	s0 =	rddreg [dreg:$0x0];
	s2 =	stileid.u32  }
0xc8: {  	s1 =	rddreg [dreg:$0x1];
	p0 =	sne.s32 s2, $0x0  }
0xc9: {  	s3 =	rddreg [dreg:$0x2];
	[bflag:$0x3] =	sbarrier.arrive $0xFFFF;
	s2 =	simm.s32 @!p0 $0x1C03  }
0xca: {  	[timem:s3], [sflag:s2] =	dma.local @!p0 [hbm:s0], s1  }
0xcb: {  	s0 =	simm.s32 @!p0 $0x3  }
0xcc: {  	_ =	swait.ge @!p0 [sflag:s0], s1  }
0xcd: {  	s1 =	ssub.s32 @!p0 $0x0, s1;
	[sflag:s0] =	ssyncset.done @!p0 $0x0  }
0xce: {  	[sflag:s0] =	ssyncadd.s32 @!p0 s1  }
0xcf: {  	[bflag:$0x3] =	sbarrier.arrive $0xFFFF  }
0xd0: {  	_ =	shalt  }

// kernel: kernel.8.cloned.1.call-start
scs
__scs_entry_jumppad:
0x0: {  	(pc) =	sbr.rel $0x88, $3  }
0x1: {  	(tag) =	ssettag $0x0;
	lr =	simm.s32 $0x1  }
0x2: {  	[smem:$0x3F93] =	sst lr;
	_ =	strace $0xD0000000  }
0x3: {  	_ = 	snop  }
0x4: {  	_ = 	snop  }
0x5: {  	_ = 	snop  }
0x6: {  	_ = 	snop  }
0x7: {  	_ = 	snop  }
__scs_overlays_trampoline_lowered:
0x8: {  	[smem:$0x3FA2] =	sst s0  }
0x9: {  	[smem:$0x3FA3] =	sst s1  }
0xa: {  	[smem:$0x3FA4] =	sst s2  }
0xb: {  	[smem:$0x3FA5] =	sst s3  }
0xc: {  	[smem:$0x3FA6] =	sst s4  }
0xd: {  	[smem:$0x3FA7] =	sst s5  }
0xe: {  	[smem:$0x3FA8] =	sst s6  }
0xf: {  	[smem:$0x3FA9] =	sst s7  }
0x10: {  	[smem:$0x3FAA] =	sst s8  }
0x11: {  	[smem:$0x3FAB] =	sst s9;
	s0 =	simm.s32 @!p0 $0x0  }
0x12: {  	s1 =	sld [smem:$0x3F91];
	s0 =	simm.s32 @p0 $0x1  }
0x13: {  	[smem:$0x3FAC] =	sst s0;
	s0 =	simm.s32 @!p1 $0x0  }
0x14: {  	s2 =	sld [smem:$0x3F90];
	s0 =	simm.s32 @p1 $0x1  }
0x15: {  	[smem:$0x3FAD] =	sst s0;
	s0 =	simm.s32 @!p2 $0x0  }
0x16: {  	s3 =	sld [smem:$0x3FDB];
	s0 =	simm.s32 @p2 $0x1  }
0x17: {  	s4 =	simm.s32 $0x1BF5;
	[smem:$0x3FAF] =	sst s0  }
0x18: {  	s0 =	sld [smem:$0x3F92];
	_ =	swait.ge [sflag:s4], $0x0  }
0x19: {  	s7 =	sld [smem:$0x3F93]  }
0x1a: {  	s8 =	sadd.s32 $0xFFFFE003, lr  }
0x1b: {  	s9 =	sadd.s32 $0xFFFFFEF7, lr;
	s5 =	simm.s32 $0xFFFFFFFF;
	p2 =	slt.u32 s8, $0xFFFFF086  }
0x1c: {  	p1 =	slt.u32 s9, $0xF7A;
	s5 =	simm.s32 @!p2 $0x0  }
0x1d: {  	s5 =	simm.s32 @p1 $0x1;
	p0 =	seq.s32 s7, s2  }
0x1e: {  	s7 =	smul.u32 @!p0 $0xF7A, s2;
	p2 =	seq.s32 @!p0 s5, $0x0  }
0x1f: {  	s9 =	smul.u32 $0xF7A, s1;
	s8 =	simm.s32 @!p0 $0x1BF5;
	p2 =	por !p2, p0  }
0x20: {  	[sflag:s8] =	ssyncset.s32 @!p0 $0xFFFFF086;
	s6 =	sadd.s32 @!p0 s3, s7;
	s7 =	simm.s32 @!p0 $0x108  }
0x21: {  	s3 =	sadd.s32 s3, s9;
	s6 =	sadd.s32 @!p0 $0x88, s6;
	s7 =	simm.s32 @p2 $0x1082  }
0x22: {  	[simem:s7], [sflag:s8] =	dma.local @!p0 [hbm:s6], $0xF7A  }
0x23: {  	s9 =	sor.u32 $0xD0000000, s2;
	s6 =	simm.s32 $0x108;
	_ =	swait.ge @!p0 [sflag:s8], $0x0  }
0x24: {  	s3 =	sadd.s32 $0x88, s3;
	s6 =	simm.s32 @!p1 $0x1082;
	[sflag:s4] =	ssyncset.s32 $0xFFFFF086  }
0x25: {  	[simem:s6], [sflag:s4] =	dma.local [hbm:s3], $0xF7A  }
0x26: {  	[smem:$0x3F93] =	sst s1;
	(tag) =	ssettag s2;
	_ =	strace s9  }
0x27: {  	s1 =	sld [smem:$0x3FA3]  }
0x28: {  	s2 =	sld [smem:$0x3FA4]  }
0x29: {  	s4 =	sld [smem:$0x3FA6]  }
0x2a: {  	p0 =	seq.s32 s5, $0x0;
	s5 =	sld [smem:$0x3FA7]  }
0x2b: {  	s6 =	sld [smem:$0x3FA8]  }
0x2c: {  	s7 =	sld [smem:$0x3FA9]  }
0x2d: {  	s3 =	simm.s32 $0x108;
	s8 =	sld [smem:$0x3FAA]  }
0x2e: {  	s3 =	simm.s32 @!p0 $0x1082;
	s9 =	sld [smem:$0x3FAB]  }
0x2f: {  	lr =	sadd.s32 s0, s3;
	s0 =	sld [smem:$0x3FA2]  }
0x30: {  	s3 =	sld [smem:$0x3FA5]  }
0x31: {  	[smem:$0x3FAE] =	sst s10  }
0x32: {  	s10 =	sld [smem:$0x3FAC];
	_ =	sdelay $0x3  }
0x33: {  	p0 =	seq.s32 s10, $0x1;
	s10 =	sld [smem:$0x3FAE];
	_ =	sdelay $0x3  }
0x34: {  	[smem:$0x3FAE] =	sst s10  }
0x35: {  	s10 =	sld [smem:$0x3FAD];
	_ =	sdelay $0x3  }
0x36: {  	p1 =	seq.s32 s10, $0x1;
	s10 =	sld [smem:$0x3FAE];
	_ =	sdelay $0x3  }
0x37: {  	[smem:$0x3FAE] =	sst s10  }
0x38: {  	s10 =	sld [smem:$0x3FAF]  }
0x39: {  	_ = 	snop;
	(pc) =	sbr.ind lr, $3  }
0x3a: {  	_ = 	snop  }
0x3b: {  	_ = 	snop  }
0x3c: {  	p2 =	seq.s32 s10, $0x1;
	s10 =	sld [smem:$0x3FAE]  }
0x3d: {  	_ =	shalt  }
0x3e: {  	_ =	shalt  }
0x3f: {  	_ =	shalt  }
0x40: {  	_ =	shalt  }
0x41: {  	_ =	shalt  }
0x42: {  	_ =	shalt  }
0x43: {  	_ =	shalt  }
0x44: {  	_ =	shalt  }
0x45: {  	_ =	shalt  }
0x46: {  	_ =	shalt  }
0x47: {  	_ =	shalt  }
0x48: {  	_ =	shalt  }
0x49: {  	_ =	shalt  }
0x4a: {  	_ =	shalt  }
0x4b: {  	_ =	shalt  }
0x4c: {  	_ =	shalt  }
0x4d: {  	_ =	shalt  }
0x4e: {  	_ =	shalt  }
0x4f: {  	_ =	shalt  }
0x50: {  	_ =	shalt  }
0x51: {  	_ =	shalt  }
0x52: {  	_ =	shalt  }
0x53: {  	_ =	shalt  }
0x54: {  	_ =	shalt  }
0x55: {  	_ =	shalt  }
0x56: {  	_ =	shalt  }
0x57: {  	_ =	shalt  }
0x58: {  	_ =	shalt  }
0x59: {  	_ =	shalt  }
0x5a: {  	_ =	shalt  }
0x5b: {  	_ =	shalt  }
0x5c: {  	_ =	shalt  }
0x5d: {  	_ =	shalt  }
0x5e: {  	_ =	shalt  }
0x5f: {  	_ =	shalt  }
0x60: {  	_ =	shalt  }
0x61: {  	_ =	shalt  }
0x62: {  	_ =	shalt  }
0x63: {  	_ =	shalt  }
0x64: {  	_ =	shalt  }
0x65: {  	_ =	shalt  }
0x66: {  	_ =	shalt  }
0x67: {  	_ =	shalt  }
0x68: {  	_ =	shalt  }
0x69: {  	_ =	shalt  }
0x6a: {  	_ =	shalt  }
0x6b: {  	_ =	shalt  }
0x6c: {  	_ =	shalt  }
0x6d: {  	_ =	shalt  }
0x6e: {  	_ =	shalt  }
0x6f: {  	_ =	shalt  }
0x70: {  	_ =	shalt  }
0x71: {  	_ =	shalt  }
0x72: {  	_ =	shalt  }
0x73: {  	_ =	shalt  }
0x74: {  	_ =	shalt  }
0x75: {  	_ =	shalt  }
0x76: {  	_ =	shalt  }
0x77: {  	_ =	shalt  }
0x78: {  	_ =	shalt  }
0x79: {  	_ =	shalt  }
0x7a: {  	_ =	shalt  }
0x7b: {  	_ =	shalt  }
0x7c: {  	_ =	shalt  }
0x7d: {  	_ =	shalt  }
0x7e: {  	_ =	shalt  }
0x7f: {  	_ =	shalt  }
0x80: {  	_ =	shalt  }
0x81: {  	_ =	shalt  }
0x82: {  	_ =	shalt  }
0x83: {  	_ =	shalt  }
0x84: {  	_ =	shalt  }
0x85: {  	_ =	shalt  }
0x86: {  	_ =	shalt  }
0x87: {  	_ =	shalt  }
.Lfunc_end0:
.L_simem_size_0:
called_computation_lowered:
.L_overlay_start_0:
0x88: {  	s2 =	sld [smem:$0x3FD9]  }
0x89: {  	s3 =	sld [smem:$0x3FFE];
	_ =	sdelay $0x1  }
0x8a: {  	s1 =	srdreg.scid  }
0x8b: {  	s0 =	sand.u32 $0x1, s1  }
0x8c: {  	s16 =	sshll.u32 s0, $0xA;
	s2 =	sadd.s32 s3, s2  }
0x8d: {  	s2 =	sadd.s32 s2, s16  }
0x8e: {  	[smem:$0x3FBA] =	sst s2  }
0x8f: {  	_ = 	snop  }
0x90: {  	(tm) =	ssettm $0x1  }
0x91: {  	s17 =	sld [smem:$0x3FFB];
	_ =	sdelay $0x3  }
0x92: {  	_ =	strace s17  }
0x93: {  	s2 =	sld [smem:$0x3FFC];
	_ =	sdelay $0x3  }
0x94: {  	_ =	strace s2  }
0x95: {  	s2 =	sld [smem:$0x3FFD];
	_ =	sdelay $0x3  }
0x96: {  	_ =	strace s2  }
0x97: {  	_ =	strace $0x8FFFFFFF  }
0x98: {  	s18 =	sld [smem:$0x3FDB];
	_ =	sdelay $0x1  }
0x99: {  	s19 =	simm.s32 $_scs_section_size  }
0x9a: {  	s4 =	simm.s32 $_size__tile_overlayer_lowered;
	s5 =	simm.s32 $_tile_overlayer_lowered  }
0x9b: {  	s22 =	simm.s32 $0x1BFF;
	s21 =	sshll.u32 s5, $0x1;
	s2 =	sadd.s32 s19, s18  }
0x9c: {  	s6 =	simm.s32 $0x0;
	s20 =	sshll.u32 s4, $0x1;
	s4 =	sadd.s32 s21, s2  }
0x9d: {  	[timem:s6], [sflag:s22] =	dma.local [hbm:s4], s20  }
0x9e: {  	_ =	swait.ge [sflag:s22], s20  }
0x9f: {  	s3 =	ssub.s32 $0x0, s20;
	[sflag:s22] =	ssyncset.done $0x0  }
0xa0: {  	[sflag:s22] =	ssyncadd.s32 s3;
	_ =	sdelay $0x1  }
0xa1: {  	s23 =	simm.s32 $0x1B8B  }
0xa2: {  	_ =	swait.ge [sflag:s23], $0x1  }
0xa3: {  	[sflag:s23] =	ssyncset.done $0x0  }
0xa4: {  	s25 =	simm.s32 $0x1B8E;
	s24 =	sld [smem:$0x3FFE];
	[sflag:s23] =	ssyncadd.s32 $0xFFFFFFFF  }
0xa5: {  	s26 =	simm.s32 $execute0_lowered;
	[smem:$0x3FD2] =	sst s25  }
0xa6: {  	s4 =	sshll.u32 s26, $0x1;
	_ =	strace $0x80000046;
	[dreg:$0x1] =	wrdreg $0xFFFFFFFF  }
0xa7: {  	s28 =	simm.s32 $_size_execute0_lowered;
	s2 =	sadd.s32 s2, s4;
	[dreg:$0x0] =	wrdreg $0x0  }
0xa8: {  	s4 =	sshll.u32 s28, $0x1;
	[dreg:$0x2] =	wrdreg s2  }
0xa9: {  	[dreg:$0x3] =	wrdreg s4  }
0xaa: {  	[dreg:$0x4] =	wrdreg $0xC0  }
0xab: {  	_ =	task [dreg:s6], $0x5FFFF  }
0xac: {  	[dreg:$0x1] =	wrdreg $0xFFFFFFFF  }
0xad: {  	[dreg:$0x0] =	wrdreg $0x60  }
0xae: {  	[dreg:$0x2] =	wrdreg s24  }
0xaf: {  	[dreg:$0x3] =	wrdreg $0x4D800  }
0xb0: {  	[dreg:$0x4] =	wrdreg $0x9  }
0xb1: {  	_ =	task.clear_ibuf [dreg:s6], $0x5FFFF;
	_ =	strace $0x90000046  }
0xb2: {  	s29 =	simm.s32 $0x9;
	_ =	strace $0x80000048  }
0xb3: {  	_ =	swait.ge [sflag:s29], $0x1  }
0xb4: {  	[sflag:s29] =	ssyncadd.s32 $0xFFFFFFFF  }
0xb5: {  	_ =	strace $0x90000048  }
0xb6: {  	_ =	sfence  }
0xb7: {  	s30 =	sld [smem:$0x0];
	_ =	sdelay $0x2  }
0xb8: {  	s31 =	sshll.u32 s1, $0xD;
	s1 =	sshrl.u32 s1, $0x2  }
0xb9: {  	s3 =	sand.u32 $0x4000, s31;
	s1 =	sadd.s32 s1, s30  }
0xba: {  	s0 =	sor.u32 s3, s0;
	s1 =	sshll.u32 s1, $0x11  }
0xbb: {  	s0 =	sor.u32 s1, s0  }
0xbc: {  	s0 =	sadd.s32 $0x8F2B, s0  }
0xbd: {  	[sflag:s0] =	ssyncadd.remote.s32 $0x1  }
0xbe: {  	_ =	sfence.sel $0xFFFF  }
0xbf: {  	[dreg:$0x0] =	wrdreg $0xFFFFFFFF;
	(pc) =	sbr.abs _section_cstart, $3  }
0xc0: {  	[dreg:$0x1] =	wrdreg $0xFFFFFFFF  }
0xc1: {  	_ =	task.clear_ibuf [dreg:s6], $0x2FFFF;
	_ =	strace $0x9FFFFFFF  }
0xc2: {  	(tm) =	ssettm $0x7FFFFFFF  }
0xc3: {  	_ =	shalt  }
tec
execute0_lowered:
.L_overlay_start_1:
0x0: {  	(tag) =	ssettag $0x1  }
0x1: {  	s0 =	rddreg [dreg:$0x0]  }
0x2: {  	s1 =	rddreg [dreg:$0x1];
	s2 =	simm.s32 $0x0  }
0x3: {  	s3 =	srdreg.scid;
	s12 =	stileid.u32;
	s30 =	simm.s32 $0x1  }
0x4: {  	s31 =	simm.s32 $0x800;
	s29 =	simm.s32 $0x1800;
	[smem:$0x7FF] =	sst s2  }
0x5: {  	s6 =	sand.u32 $0x1, s3;
	s9 =	smul.u32 $0x280, s12;
	s3 =	sadd.s32 $0x2800, s0  }
0x6: {  	s4 =	sadd.s32 $0xC800, s0;
	s5 =	sadd.s32 $0x16800, s0;
	s11 =	smul.u32 $0x5, s12  }
0x7: {  	s7 =	sadd.s32 $0x20800, s0;
	s12 =	smul.u32 $0xA000, s12;
	_ =	strace $0x80000047  }
0x8: {  	s8 =	smul.u32 $0x2800, s6;
	[dreg:$0x3] =	wrdreg s7;
	s7 =	sadd.s32 $0x21400, s0  }
0x9: {  	s10 =	ssub.s32 $0x2, s6;
	p0 =	seq.s32 s6, $0x0;
	s6 =	simm.s32 $0x4880  }
0xa: {  	s20 =	sshrl.u32 s10, $0x1;
	s21 =	sshrl.u32 s12, $0x2;
	s8 =	sadd.s32 s9, s8  }
0xb: {  	s10 =	ssub.s32 s10, s20;
	s9 =	sadd.s32 s9, s1;
	s1 =	sadd.s32 s21, s1  }
0xc: {  	s8 =	sshrl.u32 s8, $0x3;
	[dreg:$0x4] =	wrdreg s1;
	s22 =	sadd.s32 $0x2800, s9  }
0xd: {  	s23 =	sadd.s32 $0x5000, s9;
	s24 =	sadd.s32 $0x7800, s9;
	s25 =	sadd.s32 $0xA000, s9  }
0xe: {  	s26 =	sadd.s32 $0xC800, s9;
	s16 =	sadd.s32 $0xF000, s9;
	s17 =	sadd.s32 $0x11800, s9  }
0xf: {  	s18 =	sadd.s32 $0x14000, s9;
	s19 =	sadd.s32 $0x16800, s9;
	[dreg:$0x5] =	wrdreg s22  }
0x10: {  	s20 =	sadd.s32 $0x19000, s9;
	s21 =	sadd.s32 $0x1B800, s9;
	[dreg:$0x6] =	wrdreg s23  }
0x11: {  	s28 =	sadd.s32 $0x25800, s9;
	s1 =	simm.s32 $0x2080;
	[dreg:$0x7] =	wrdreg s24  }
0x12: {  	s0 =	sadd.s32 s8, s0;
	s8 =	sadd.s32 $0x50, s11;
	[dreg:$0x8] =	wrdreg s25  }
0x13: {  	[dreg:$0x9] =	wrdreg s26;
	s22 =	sadd.s32 $0x1E000, s9;
	s23 =	sadd.s32 $0x20800, s9  }
0x14: {  	s25 =	smax.u32 s10, $0x1;
	s26 =	sadd.s32 $0x23000, s9;
	s10 =	simm.s32 $0x0  }
0x15: {  	v0 =	vimm.f32 $0.0e+00;
	s8 =	smov.u32 @p0 s11;
	s24 =	sadd.s32 $0x20A00, s0;
	s0 =	simm.s32 $0x1000  }
.LBB2_1:
0x16: {  	s11 =	simm.s32 $0x40;
	s12 =	simm.s32 $0x0  }
.LBB2_2:
0x17: {  	p0 =	sne.s32 s11, $0x9FC0;
	[tilespmem:s12+$0x2080] =	vst v0;
	s12 =	smov.u32 s11;
	s11 =	sadd.s32 $0x40, s11  }
.Ltmp0:
0x18: {  	(pc) =	sbr.rel @p0 .LBB2_2-.Ltmp0, $2  }
0x19: {  	_ =	sdelay $0x2  }
0x1a: {  	s12 =	sshra.s32 s12, $0x2  }
0x1b: {  	[tilespmem:s12+$0x2080] =	vst v0;
	s11 =	simm.s32 $0x0;
	s15 =	rddreg [dreg:$0x3];
	s13 =	simm.s32 $0x2000  }
0x1c: {  	[tilespmem:s13], [sflag:$0x1] =	stream.linear.gather [hbm4b:s15+s11], $0x80, $0x38;
	[tilespmem:$0x7580] =	vst v63  }
0x1d: {  	_ =	swait.ge [sflag:s30], $0x80  }
0x1e: {  	[sflag:s30] =	ssyncset.done $0x0  }
0x1f: {  	[sflag:s30] =	ssyncadd.s32 $0xFFFFFF80  }
0x20: {  	v6 =	vld [tilespmem:$0x2000];
	_ =	sdelay $0x4  }
0x21: {  	v1 =	vbroadcast v6, $0x0;
	v2 =	vbroadcast v6, $0x1  }
0x22: {  	v3 =	vbroadcast v6, $0x2;
	v4 =	vbroadcast v6, $0x3  }
0x23: {  	s12 =	simm.s32 $0x0;
	v5 =	vbroadcast v6, $0x4;
	v6 =	vbroadcast v6, $0x5  }
.LBB2_4:
0x24: {  	s13 =	sadd.s32 s8, s12  }
0x25: {  	s13 =	sshll.u32 s13, $0x8  }
0x26: {  	s14 =	sadd.s32 s3, s13  }
0x27: {  	[tilespmem:s11], [sflag:$0x1] =	stream.linear.gather [hbm4b:s14+s11], $0x800, $0x38;
	[tilespmem:$0x7580] =	vst v63  }
0x28: {  	_ =	swait.ge [sflag:s30], $0x800  }
0x29: {  	[sflag:s30] =	ssyncset.done $0x0  }
0x2a: {  	s15 =	sadd.s32 s4, s13;
	[sflag:s30] =	ssyncadd.s32 $0xFFFFF800  }
0x2b: {  	[tilespmem:s31], [sflag:$0x1] =	stream.linear.gather [hbm4b:s15+s11], $0x800, $0x38;
	[tilespmem:$0x7580] =	vst v63  }
0x2c: {  	_ =	swait.ge [sflag:s30], $0x800  }
0x2d: {  	[sflag:s30] =	ssyncset.done $0x0  }
0x2e: {  	s15 =	sadd.s32 s5, s13;
	[sflag:s30] =	ssyncadd.s32 $0xFFFFF800  }
0x2f: {  	[tilespmem:s0], [sflag:$0x1] =	stream.linear.gather [hbm4b:s15+s11], $0x800, $0x38;
	[tilespmem:$0x7580] =	vst v63  }
0x30: {  	_ =	swait.ge [sflag:s30], $0x800  }
0x31: {  	[sflag:s30] =	ssyncset.done $0x0  }
0x32: {  	s14 =	simm.s32 $0x0;
	[sflag:s30] =	ssyncadd.s32 $0xFFFFF800  }
0x33: {  	v8 =	vld [tilespmem:s14+$0x0]  }
0x34: {  	s15 =	simm.s32 $0x40;
	v7 =	vld [tilespmem:s14+$0x800]  }
.LBB2_5:
0x35: {  	p0 =	sne.s32 s15, $0x1FC0;
	_ =	sdelay $0x2  }
0x36: {  	v9 =	vld [tilespmem:s14+$0x1000]  }
0x37: {  	v8 =	vcvt.s32.f32 v8;
	v10 =	vcvt.s32.f32 v7;
	_ =	sdelay $0x1  }
0x38: {  	v8 =	vmul.f32 v8, v1;
	v10 =	vmul.f32 v10, v2;
	_ =	sdelay $0x1  }
0x39: {  	v8 =	vadd.f32 v8, v10;
	v9 =	vmul.f32 v9, v3;
	_ =	sdelay $0x1  }
0x3a: {  	v8 =	vadd.f32 v8, v9;
	_ =	sdelay $0x1  }
0x3b: {  	v8 =	vadd.f32 v8, v4;
	_ =	sdelay $0x1  }
0x3c: {  	v8 =	vmax.f32 v8, $0.0e+00  }
0x3d: {  	v8 =	vmul.f32 v8, v5;
	_ =	sdelay $0x1  }
0x3e: {  	v8 =	vadd.f32 v8, v6;
	_ =	sdelay $0x1  }
0x3f: {  	v8 =	vsub.f32 $0.0e+00, v8;
	_ =	sdelay $0x1  }
0x40: {  	v8 =	vmul.f32 $1.442695020e+00, v8;
	_ =	sdelay $0x1  }
0x41: {  	(erf) = vpow2.f32 v8;
	_ =	sdelay $0x8  }
0x42: {  	v8 =	vpop (erf)  }
0x43: {  	v8 =	vadd.f32 $1.000000000e+00, v8;
	_ =	sdelay $0x1  }
0x44: {  	(erf) = vrcp.f32 v8;
	_ =	sdelay $0x8  }
.Ltmp1:
0x45: {  	v8 =	vpop (erf);
	(pc) =	sbr.rel @p0 .LBB2_5-.Ltmp1, $4  }
0x46: {  	[tilespmem:s14+$0x1800] =	vst v8  }
0x47: {  	s14 =	sshra.s32 s15, $0x2;
	[tilespmem:v7+s1+$0x0] =	vst.idx.add.f32.msk $0xffff, v8  }
0x48: {  	v8 =	vld [tilespmem:s14+$0x0]  }
0x49: {  	s15 =	sadd.s32 $0x40, s15;
	v7 =	vld [tilespmem:s14+$0x800]  }
0x4a: {  	_ =	sdelay $0x2  }
0x4b: {  	v9 =	vld [tilespmem:s14+$0x1000]  }
0x4c: {  	v8 =	vcvt.s32.f32 v8;
	v10 =	vcvt.s32.f32 v7;
	_ =	sdelay $0x1  }
0x4d: {  	v8 =	vmul.f32 v8, v1;
	v10 =	vmul.f32 v10, v2;
	_ =	sdelay $0x1  }
0x4e: {  	v9 =	vmul.f32 v9, v3;
	v8 =	vadd.f32 v8, v10;
	_ =	sdelay $0x1  }
0x4f: {  	v8 =	vadd.f32 v8, v9;
	_ =	sdelay $0x1  }
0x50: {  	v8 =	vadd.f32 v8, v4;
	_ =	sdelay $0x1  }
0x51: {  	v8 =	vmax.f32 v8, $0.0e+00  }
0x52: {  	v8 =	vmul.f32 v8, v5;
	_ =	sdelay $0x1  }
0x53: {  	v8 =	vadd.f32 v8, v6;
	_ =	sdelay $0x1  }
0x54: {  	v8 =	vsub.f32 $0.0e+00, v8;
	_ =	sdelay $0x1  }
0x55: {  	v8 =	vmul.f32 $1.442695020e+00, v8;
	_ =	sdelay $0x1  }
0x56: {  	(erf) = vpow2.f32 v8;
	_ =	sdelay $0x8  }
0x57: {  	v8 =	vpop (erf)  }
0x58: {  	v8 =	vadd.f32 $1.000000000e+00, v8;
	_ =	sdelay $0x1  }
0x59: {  	(erf) = vrcp.f32 v8;
	_ =	sdelay $0x8  }
0x5a: {  	s12 =	sadd.s32 $0x1, s12;
	v8 =	vpop (erf)  }
0x5b: {  	p0 =	sne.s32 s12, $0x5;
	[tilespmem:s14+$0x1800] =	vst v8  }
.Ltmp2:
0x5c: {  	s13 =	sadd.s32 s7, s13;
	[tilespmem:v7+s1+$0x0] =	vst.idx.add.f32.msk $0xffff, v8;
	(pc) =	sbr.rel @p0 .LBB2_4-.Ltmp2, $4  }
0x5d: {  	[hbm4b:s13+s2] =	stream.linear.scatter [tilespmem:s29], [sflag:$0x1], $0x800, $0x38;
	[tilespmem:$0x7580] =	vst v63  }
0x5e: {  	_ =	swait.ge [sflag:s30], $0x800  }
0x5f: {  	[sflag:s30] =	ssyncset.done $0x0  }
0x60: {  	[sflag:s30] =	ssyncadd.s32 $0xFFFFF800  }
0x61: {  	s11 =	rddreg [dreg:$0x4]  }
0x62: {  	[spmem:s11] =	stream.linear.scatter [tilespmem:s1], [sflag:$0x1], $0x2800, $0x38;
	[tilespmem:$0x7580] =	vst v63  }
0x63: {  	_ =	swait.ge [sflag:s30], $0x2800  }
0x64: {  	[sflag:s30] =	ssyncset.done $0x0  }
0x65: {  	[sflag:s30] =	ssyncadd.s32 $0xFFFFD800  }
0x66: {  	[bflag:$0x0] =	sbarrier.arrive $0xFFFF  }
0x67: {  	[tilespmem:$0x4B00] =	vst v0  }
0x68: {  	[tilespmem:$0x4B10] =	vst v0  }
0x69: {  	[tilespmem:$0x4B20] =	vst v0  }
0x6a: {  	[tilespmem:$0x4B30] =	vst v0  }
0x6b: {  	[tilespmem:$0x4B40] =	vst v0  }
0x6c: {  	[tilespmem:$0x4B50] =	vst v0  }
0x6d: {  	[tilespmem:$0x4B60] =	vst v0  }
0x6e: {  	[tilespmem:$0x4B70] =	vst v0  }
0x6f: {  	[tilespmem:$0x4B80] =	vst v0  }
0x70: {  	[tilespmem:$0x4B90] =	vst v0  }
0x71: {  	[tilespmem:$0x4BA0] =	vst v0  }
0x72: {  	[tilespmem:$0x4BB0] =	vst v0  }
0x73: {  	[tilespmem:$0x4BC0] =	vst v0  }
0x74: {  	[tilespmem:$0x4BD0] =	vst v0  }
0x75: {  	[tilespmem:$0x4BE0] =	vst v0  }
0x76: {  	[tilespmem:$0x4BF0] =	vst v0  }
0x77: {  	[tilespmem:$0x4C00] =	vst v0  }
0x78: {  	[tilespmem:$0x4C10] =	vst v0  }
0x79: {  	[tilespmem:$0x4C20] =	vst v0  }
0x7a: {  	[tilespmem:$0x4C30] =	vst v0  }
0x7b: {  	[tilespmem:$0x4C40] =	vst v0  }
0x7c: {  	[tilespmem:$0x4C50] =	vst v0  }
0x7d: {  	[tilespmem:$0x4C60] =	vst v0  }
0x7e: {  	[tilespmem:$0x4C70] =	vst v0  }
0x7f: {  	[tilespmem:$0x4C80] =	vst v0  }
0x80: {  	[tilespmem:$0x4C90] =	vst v0  }
0x81: {  	[tilespmem:$0x4CA0] =	vst v0  }
0x82: {  	[tilespmem:$0x4CB0] =	vst v0  }
0x83: {  	[tilespmem:$0x4CC0] =	vst v0  }
0x84: {  	[tilespmem:$0x4CD0] =	vst v0  }
0x85: {  	[tilespmem:$0x4CE0] =	vst v0  }
0x86: {  	[tilespmem:$0x4CF0] =	vst v0  }
0x87: {  	[tilespmem:$0x4D00] =	vst v0  }
0x88: {  	[tilespmem:$0x4D10] =	vst v0  }
0x89: {  	[tilespmem:$0x4D20] =	vst v0  }
0x8a: {  	[tilespmem:$0x4D30] =	vst v0  }
0x8b: {  	[tilespmem:$0x4D40] =	vst v0  }
0x8c: {  	[tilespmem:$0x4D50] =	vst v0  }
0x8d: {  	[tilespmem:$0x4D60] =	vst v0  }
0x8e: {  	[tilespmem:$0x4D70] =	vst v0  }
0x8f: {  	[tilespmem:s6], [sflag:$0x1] =	stream.linear.gather [spmem:s9], $0x280, $0x38;
	[tilespmem:$0x7580] =	vst v63  }
0x90: {  	_ =	swait.ge [sflag:s30], $0x280  }
0x91: {  	[sflag:s30] =	ssyncset.done $0x0  }
0x92: {  	s11 =	simm.s32 $0x0;
	[sflag:s30] =	ssyncadd.s32 $0xFFFFFD80  }
0x93: {  	s12 =	simm.s32 $0x40;
	v1 =	vld [tilespmem:s11+$0x4880]  }
.LBB2_8:
0x94: {  	p0 =	sne.s32 s12, $0x9C0;
	v2 =	vld [tilespmem:s11+$0x4B00];
	_ =	sdelay $0x2  }
.Ltmp3:
0x95: {  	(pc) =	sbr.rel @p0 .LBB2_8-.Ltmp3, $4  }
0x96: {  	_ = 	snop  }
0x97: {  	v2 =	vadd.f32 v1, v2  }
0x98: {  	s13 =	sshra.s32 s12, $0x2  }
0x99: {  	s12 =	sadd.s32 $0x40, s12;
	v1 =	vld [tilespmem:s13+$0x4880];
	[tilespmem:s11+$0x4B00] =	vst v2;
	s11 =	smov.u32 s13  }
0x9a: {  	v2 =	vld [tilespmem:s11+$0x4B00];
	_ =	sdelay $0x4  }
0x9b: {  	v1 =	vadd.f32 v1, v2;
	_ =	sdelay $0x1  }
0x9c: {  	s15 =	rddreg [dreg:$0x5];
	[tilespmem:s11+$0x4B00] =	vst v1  }
0x9d: {  	[tilespmem:s6], [sflag:$0x1] =	stream.linear.gather [spmem:s15], $0x280, $0x38;
	[tilespmem:$0x7580] =	vst v63  }
0x9e: {  	_ =	swait.ge [sflag:s30], $0x280  }
0x9f: {  	[sflag:s30] =	ssyncset.done $0x0  }
0xa0: {  	s11 =	simm.s32 $0x0;
	[sflag:s30] =	ssyncadd.s32 $0xFFFFFD80  }
0xa1: {  	s12 =	simm.s32 $0x40;
	v1 =	vld [tilespmem:s11+$0x4880]  }
.LBB2_10:
0xa2: {  	p0 =	sne.s32 s12, $0x9C0;
	v2 =	vld [tilespmem:s11+$0x4B00];
	_ =	sdelay $0x2  }
.Ltmp4:
0xa3: {  	(pc) =	sbr.rel @p0 .LBB2_10-.Ltmp4, $4  }
0xa4: {  	_ = 	snop  }
0xa5: {  	v2 =	vadd.f32 v1, v2  }
0xa6: {  	s13 =	sshra.s32 s12, $0x2  }
0xa7: {  	s12 =	sadd.s32 $0x40, s12;
	v1 =	vld [tilespmem:s13+$0x4880];
	[tilespmem:s11+$0x4B00] =	vst v2;
	s11 =	smov.u32 s13  }
0xa8: {  	v2 =	vld [tilespmem:s11+$0x4B00];
	_ =	sdelay $0x4  }
0xa9: {  	v1 =	vadd.f32 v1, v2;
	_ =	sdelay $0x1  }
0xaa: {  	s15 =	rddreg [dreg:$0x6];
	[tilespmem:s11+$0x4B00] =	vst v1  }
0xab: {  	[tilespmem:s6], [sflag:$0x1] =	stream.linear.gather [spmem:s15], $0x280, $0x38;
	[tilespmem:$0x7580] =	vst v63  }
0xac: {  	_ =	swait.ge [sflag:s30], $0x280  }
0xad: {  	[sflag:s30] =	ssyncset.done $0x0  }
0xae: {  	s11 =	simm.s32 $0x0;
	[sflag:s30] =	ssyncadd.s32 $0xFFFFFD80  }
0xaf: {  	s12 =	simm.s32 $0x40;
	v1 =	vld [tilespmem:s11+$0x4880]  }
.LBB2_12:
0xb0: {  	p0 =	sne.s32 s12, $0x9C0;
	v2 =	vld [tilespmem:s11+$0x4B00];
	_ =	sdelay $0x2  }
.Ltmp5:
0xb1: {  	(pc) =	sbr.rel @p0 .LBB2_12-.Ltmp5, $4  }
0xb2: {  	_ = 	snop  }
0xb3: {  	v2 =	vadd.f32 v1, v2  }
0xb4: {  	s13 =	sshra.s32 s12, $0x2  }
0xb5: {  	s12 =	sadd.s32 $0x40, s12;
	v1 =	vld [tilespmem:s13+$0x4880];
	[tilespmem:s11+$0x4B00] =	vst v2;
	s11 =	smov.u32 s13  }
0xb6: {  	v2 =	vld [tilespmem:s11+$0x4B00];
	_ =	sdelay $0x4  }
0xb7: {  	v1 =	vadd.f32 v1, v2;
	_ =	sdelay $0x1  }
0xb8: {  	s15 =	rddreg [dreg:$0x7];
	[tilespmem:s11+$0x4B00] =	vst v1  }
0xb9: {  	[tilespmem:s6], [sflag:$0x1] =	stream.linear.gather [spmem:s15], $0x280, $0x38;
	[tilespmem:$0x7580] =	vst v63  }
0xba: {  	_ =	swait.ge [sflag:s30], $0x280  }
0xbb: {  	[sflag:s30] =	ssyncset.done $0x0  }
0xbc: {  	s11 =	simm.s32 $0x0;
	[sflag:s30] =	ssyncadd.s32 $0xFFFFFD80  }
0xbd: {  	s12 =	simm.s32 $0x40;
	v1 =	vld [tilespmem:s11+$0x4880]  }
.LBB2_14:
0xbe: {  	p0 =	sne.s32 s12, $0x9C0;
	v2 =	vld [tilespmem:s11+$0x4B00];
	_ =	sdelay $0x2  }
.Ltmp6:
0xbf: {  	(pc) =	sbr.rel @p0 .LBB2_14-.Ltmp6, $4  }
0xc0: {  	_ = 	snop  }
0xc1: {  	v2 =	vadd.f32 v1, v2  }
0xc2: {  	s13 =	sshra.s32 s12, $0x2  }
0xc3: {  	s12 =	sadd.s32 $0x40, s12;
	v1 =	vld [tilespmem:s13+$0x4880];
	[tilespmem:s11+$0x4B00] =	vst v2;
	s11 =	smov.u32 s13  }
0xc4: {  	v2 =	vld [tilespmem:s11+$0x4B00];
	_ =	sdelay $0x4  }
0xc5: {  	v1 =	vadd.f32 v1, v2;
	_ =	sdelay $0x1  }
0xc6: {  	s15 =	rddreg [dreg:$0x8];
	[tilespmem:s11+$0x4B00] =	vst v1  }
0xc7: {  	[tilespmem:s6], [sflag:$0x1] =	stream.linear.gather [spmem:s15], $0x280, $0x38;
	[tilespmem:$0x7580] =	vst v63  }
0xc8: {  	_ =	swait.ge [sflag:s30], $0x280  }
0xc9: {  	[sflag:s30] =	ssyncset.done $0x0  }
0xca: {  	s11 =	simm.s32 $0x0;
	[sflag:s30] =	ssyncadd.s32 $0xFFFFFD80  }
0xcb: {  	s12 =	simm.s32 $0x40;
	v1 =	vld [tilespmem:s11+$0x4880]  }
.LBB2_16:
0xcc: {  	p0 =	sne.s32 s12, $0x9C0;
	v2 =	vld [tilespmem:s11+$0x4B00];
	_ =	sdelay $0x2  }
.Ltmp7:
0xcd: {  	(pc) =	sbr.rel @p0 .LBB2_16-.Ltmp7, $4  }
0xce: {  	_ = 	snop  }
0xcf: {  	v2 =	vadd.f32 v1, v2  }
0xd0: {  	s13 =	sshra.s32 s12, $0x2  }
0xd1: {  	s12 =	sadd.s32 $0x40, s12;
	v1 =	vld [tilespmem:s13+$0x4880];
	[tilespmem:s11+$0x4B00] =	vst v2;
	s11 =	smov.u32 s13  }
0xd2: {  	v2 =	vld [tilespmem:s11+$0x4B00];
	_ =	sdelay $0x4  }
0xd3: {  	v1 =	vadd.f32 v1, v2;
	_ =	sdelay $0x1  }
0xd4: {  	s15 =	rddreg [dreg:$0x9];
	[tilespmem:s11+$0x4B00] =	vst v1  }
0xd5: {  	[tilespmem:s6], [sflag:$0x1] =	stream.linear.gather [spmem:s15], $0x280, $0x38;
	[tilespmem:$0x7580] =	vst v63  }
0xd6: {  	_ =	swait.ge [sflag:s30], $0x280  }
0xd7: {  	[sflag:s30] =	ssyncset.done $0x0  }
0xd8: {  	s11 =	simm.s32 $0x0;
	[sflag:s30] =	ssyncadd.s32 $0xFFFFFD80  }
0xd9: {  	s12 =	simm.s32 $0x40;
	v1 =	vld [tilespmem:s11+$0x4880]  }
.LBB2_18:
0xda: {  	p0 =	sne.s32 s12, $0x9C0;
	v2 =	vld [tilespmem:s11+$0x4B00];
	_ =	sdelay $0x2  }
.Ltmp8:
0xdb: {  	(pc) =	sbr.rel @p0 .LBB2_18-.Ltmp8, $4  }
0xdc: {  	_ = 	snop  }
0xdd: {  	v2 =	vadd.f32 v1, v2  }
0xde: {  	s13 =	sshra.s32 s12, $0x2  }
0xdf: {  	s12 =	sadd.s32 $0x40, s12;
	v1 =	vld [tilespmem:s13+$0x4880];
	[tilespmem:s11+$0x4B00] =	vst v2;
	s11 =	smov.u32 s13  }
0xe0: {  	v2 =	vld [tilespmem:s11+$0x4B00];
	_ =	sdelay $0x4  }
0xe1: {  	v1 =	vadd.f32 v1, v2;
	_ =	sdelay $0x1  }
0xe2: {  	[tilespmem:s11+$0x4B00] =	vst v1  }
0xe3: {  	[tilespmem:s6], [sflag:$0x1] =	stream.linear.gather [spmem:s16], $0x280, $0x38;
	[tilespmem:$0x7580] =	vst v63  }
0xe4: {  	_ =	swait.ge [sflag:s30], $0x280  }
0xe5: {  	[sflag:s30] =	ssyncset.done $0x0  }
0xe6: {  	s11 =	simm.s32 $0x0;
	[sflag:s30] =	ssyncadd.s32 $0xFFFFFD80  }
0xe7: {  	s12 =	simm.s32 $0x40;
	v1 =	vld [tilespmem:s11+$0x4880]  }
.LBB2_20:
0xe8: {  	p0 =	sne.s32 s12, $0x9C0;
	v2 =	vld [tilespmem:s11+$0x4B00];
	_ =	sdelay $0x2  }
.Ltmp9:
0xe9: {  	(pc) =	sbr.rel @p0 .LBB2_20-.Ltmp9, $4  }
0xea: {  	_ = 	snop  }
0xeb: {  	v2 =	vadd.f32 v1, v2  }
0xec: {  	s13 =	sshra.s32 s12, $0x2  }
0xed: {  	s12 =	sadd.s32 $0x40, s12;
	v1 =	vld [tilespmem:s13+$0x4880];
	[tilespmem:s11+$0x4B00] =	vst v2;
	s11 =	smov.u32 s13  }
0xee: {  	v2 =	vld [tilespmem:s11+$0x4B00];
	_ =	sdelay $0x4  }
0xef: {  	v1 =	vadd.f32 v1, v2;
	_ =	sdelay $0x1  }
0xf0: {  	[tilespmem:s11+$0x4B00] =	vst v1  }
0xf1: {  	[tilespmem:s6], [sflag:$0x1] =	stream.linear.gather [spmem:s17], $0x280, $0x38;
	[tilespmem:$0x7580] =	vst v63  }
0xf2: {  	_ =	swait.ge [sflag:s30], $0x280  }
0xf3: {  	[sflag:s30] =	ssyncset.done $0x0  }
0xf4: {  	s11 =	simm.s32 $0x0;
	[sflag:s30] =	ssyncadd.s32 $0xFFFFFD80  }
0xf5: {  	s12 =	simm.s32 $0x40;
	v1 =	vld [tilespmem:s11+$0x4880]  }
.LBB2_22:
0xf6: {  	p0 =	sne.s32 s12, $0x9C0;
	v2 =	vld [tilespmem:s11+$0x4B00];
	_ =	sdelay $0x2  }
.Ltmp10:
0xf7: {  	(pc) =	sbr.rel @p0 .LBB2_22-.Ltmp10, $4  }
0xf8: {  	_ = 	snop  }
0xf9: {  	v2 =	vadd.f32 v1, v2  }
0xfa: {  	s13 =	sshra.s32 s12, $0x2  }
0xfb: {  	s12 =	sadd.s32 $0x40, s12;
	v1 =	vld [tilespmem:s13+$0x4880];
	[tilespmem:s11+$0x4B00] =	vst v2;
	s11 =	smov.u32 s13  }
0xfc: {  	v2 =	vld [tilespmem:s11+$0x4B00];
	_ =	sdelay $0x4  }
0xfd: {  	v1 =	vadd.f32 v1, v2;
	_ =	sdelay $0x1  }
0xfe: {  	[tilespmem:s11+$0x4B00] =	vst v1  }
0xff: {  	[tilespmem:s6], [sflag:$0x1] =	stream.linear.gather [spmem:s18], $0x280, $0x38;
	[tilespmem:$0x7580] =	vst v63  }
0x100: {  	_ =	swait.ge [sflag:s30], $0x280  }
0x101: {  	[sflag:s30] =	ssyncset.done $0x0  }
0x102: {  	s11 =	simm.s32 $0x0;
	[sflag:s30] =	ssyncadd.s32 $0xFFFFFD80  }
0x103: {  	s12 =	simm.s32 $0x40;
	v1 =	vld [tilespmem:s11+$0x4880]  }
.LBB2_24:
0x104: {  	p0 =	sne.s32 s12, $0x9C0;
	v2 =	vld [tilespmem:s11+$0x4B00];
	_ =	sdelay $0x2  }
.Ltmp11:
0x105: {  	(pc) =	sbr.rel @p0 .LBB2_24-.Ltmp11, $4  }
0x106: {  	_ = 	snop  }
0x107: {  	v2 =	vadd.f32 v1, v2  }
0x108: {  	s13 =	sshra.s32 s12, $0x2  }
0x109: {  	s12 =	sadd.s32 $0x40, s12;
	v1 =	vld [tilespmem:s13+$0x4880];
	[tilespmem:s11+$0x4B00] =	vst v2;
	s11 =	smov.u32 s13  }
0x10a: {  	v2 =	vld [tilespmem:s11+$0x4B00];
	_ =	sdelay $0x4  }
0x10b: {  	v1 =	vadd.f32 v1, v2;
	_ =	sdelay $0x1  }
0x10c: {  	[tilespmem:s11+$0x4B00] =	vst v1  }
0x10d: {  	[tilespmem:s6], [sflag:$0x1] =	stream.linear.gather [spmem:s19], $0x280, $0x38;
	[tilespmem:$0x7580] =	vst v63  }
0x10e: {  	_ =	swait.ge [sflag:s30], $0x280  }
0x10f: {  	[sflag:s30] =	ssyncset.done $0x0  }
0x110: {  	s11 =	simm.s32 $0x0;
	[sflag:s30] =	ssyncadd.s32 $0xFFFFFD80  }
0x111: {  	s12 =	simm.s32 $0x40;
	v1 =	vld [tilespmem:s11+$0x4880]  }
.LBB2_26:
0x112: {  	p0 =	sne.s32 s12, $0x9C0;
	v2 =	vld [tilespmem:s11+$0x4B00];
	_ =	sdelay $0x2  }
.Ltmp12:
0x113: {  	(pc) =	sbr.rel @p0 .LBB2_26-.Ltmp12, $4  }
0x114: {  	_ = 	snop  }
0x115: {  	v2 =	vadd.f32 v1, v2  }
0x116: {  	s13 =	sshra.s32 s12, $0x2  }
0x117: {  	s12 =	sadd.s32 $0x40, s12;
	v1 =	vld [tilespmem:s13+$0x4880];
	[tilespmem:s11+$0x4B00] =	vst v2;
	s11 =	smov.u32 s13  }
0x118: {  	v2 =	vld [tilespmem:s11+$0x4B00];
	_ =	sdelay $0x4  }
0x119: {  	v1 =	vadd.f32 v1, v2;
	_ =	sdelay $0x1  }
0x11a: {  	[tilespmem:s11+$0x4B00] =	vst v1  }
0x11b: {  	[tilespmem:s6], [sflag:$0x1] =	stream.linear.gather [spmem:s20], $0x280, $0x38;
	[tilespmem:$0x7580] =	vst v63  }
0x11c: {  	_ =	swait.ge [sflag:s30], $0x280  }
0x11d: {  	[sflag:s30] =	ssyncset.done $0x0  }
0x11e: {  	s11 =	simm.s32 $0x0;
	[sflag:s30] =	ssyncadd.s32 $0xFFFFFD80  }
0x11f: {  	s12 =	simm.s32 $0x40;
	v1 =	vld [tilespmem:s11+$0x4880]  }
.LBB2_28:
0x120: {  	p0 =	sne.s32 s12, $0x9C0;
	v2 =	vld [tilespmem:s11+$0x4B00];
	_ =	sdelay $0x2  }
.Ltmp13:
0x121: {  	(pc) =	sbr.rel @p0 .LBB2_28-.Ltmp13, $4  }
0x122: {  	_ = 	snop  }
0x123: {  	v2 =	vadd.f32 v1, v2  }
0x124: {  	s13 =	sshra.s32 s12, $0x2  }
0x125: {  	s12 =	sadd.s32 $0x40, s12;
	v1 =	vld [tilespmem:s13+$0x4880];
	[tilespmem:s11+$0x4B00] =	vst v2;
	s11 =	smov.u32 s13  }
0x126: {  	v2 =	vld [tilespmem:s11+$0x4B00];
	_ =	sdelay $0x4  }
0x127: {  	v1 =	vadd.f32 v1, v2;
	_ =	sdelay $0x1  }
0x128: {  	[tilespmem:s11+$0x4B00] =	vst v1  }
0x129: {  	[tilespmem:s6], [sflag:$0x1] =	stream.linear.gather [spmem:s21], $0x280, $0x38;
	[tilespmem:$0x7580] =	vst v63  }
0x12a: {  	_ =	swait.ge [sflag:s30], $0x280  }
0x12b: {  	[sflag:s30] =	ssyncset.done $0x0  }
0x12c: {  	s11 =	simm.s32 $0x0;
	[sflag:s30] =	ssyncadd.s32 $0xFFFFFD80  }
0x12d: {  	s12 =	simm.s32 $0x40;
	v1 =	vld [tilespmem:s11+$0x4880]  }
.LBB2_30:
0x12e: {  	p0 =	sne.s32 s12, $0x9C0;
	v2 =	vld [tilespmem:s11+$0x4B00];
	_ =	sdelay $0x2  }
.Ltmp14:
0x12f: {  	(pc) =	sbr.rel @p0 .LBB2_30-.Ltmp14, $4  }
0x130: {  	_ = 	snop  }
0x131: {  	v2 =	vadd.f32 v1, v2  }
0x132: {  	s13 =	sshra.s32 s12, $0x2  }
0x133: {  	s12 =	sadd.s32 $0x40, s12;
	v1 =	vld [tilespmem:s13+$0x4880];
	[tilespmem:s11+$0x4B00] =	vst v2;
	s11 =	smov.u32 s13  }
0x134: {  	v2 =	vld [tilespmem:s11+$0x4B00];
	_ =	sdelay $0x4  }
0x135: {  	v1 =	vadd.f32 v1, v2;
	_ =	sdelay $0x1  }
0x136: {  	[tilespmem:s11+$0x4B00] =	vst v1  }
0x137: {  	[tilespmem:s6], [sflag:$0x1] =	stream.linear.gather [spmem:s22], $0x280, $0x38;
	[tilespmem:$0x7580] =	vst v63  }
0x138: {  	_ =	swait.ge [sflag:s30], $0x280  }
0x139: {  	[sflag:s30] =	ssyncset.done $0x0  }
0x13a: {  	s11 =	simm.s32 $0x0;
	[sflag:s30] =	ssyncadd.s32 $0xFFFFFD80  }
0x13b: {  	s12 =	simm.s32 $0x40;
	v1 =	vld [tilespmem:s11+$0x4880]  }
.LBB2_32:
0x13c: {  	p0 =	sne.s32 s12, $0x9C0;
	v2 =	vld [tilespmem:s11+$0x4B00];
	_ =	sdelay $0x2  }
.Ltmp15:
0x13d: {  	(pc) =	sbr.rel @p0 .LBB2_32-.Ltmp15, $4  }
0x13e: {  	_ = 	snop  }
0x13f: {  	v2 =	vadd.f32 v1, v2  }
0x140: {  	s13 =	sshra.s32 s12, $0x2  }
0x141: {  	s12 =	sadd.s32 $0x40, s12;
	v1 =	vld [tilespmem:s13+$0x4880];
	[tilespmem:s11+$0x4B00] =	vst v2;
	s11 =	smov.u32 s13  }
0x142: {  	v2 =	vld [tilespmem:s11+$0x4B00];
	_ =	sdelay $0x4  }
0x143: {  	v1 =	vadd.f32 v1, v2;
	_ =	sdelay $0x1  }
0x144: {  	[tilespmem:s11+$0x4B00] =	vst v1  }
0x145: {  	[tilespmem:s6], [sflag:$0x1] =	stream.linear.gather [spmem:s23], $0x280, $0x38;
	[tilespmem:$0x7580] =	vst v63  }
0x146: {  	_ =	swait.ge [sflag:s30], $0x280  }
0x147: {  	[sflag:s30] =	ssyncset.done $0x0  }
0x148: {  	s11 =	simm.s32 $0x0;
	[sflag:s30] =	ssyncadd.s32 $0xFFFFFD80  }
0x149: {  	s12 =	simm.s32 $0x40;
	v1 =	vld [tilespmem:s11+$0x4880]  }
.LBB2_34:
0x14a: {  	p0 =	sne.s32 s12, $0x9C0;
	v2 =	vld [tilespmem:s11+$0x4B00];
	_ =	sdelay $0x2  }
.Ltmp16:
0x14b: {  	(pc) =	sbr.rel @p0 .LBB2_34-.Ltmp16, $4  }
0x14c: {  	_ = 	snop  }
0x14d: {  	v2 =	vadd.f32 v1, v2  }
0x14e: {  	s13 =	sshra.s32 s12, $0x2  }
0x14f: {  	s12 =	sadd.s32 $0x40, s12;
	v1 =	vld [tilespmem:s13+$0x4880];
	[tilespmem:s11+$0x4B00] =	vst v2;
	s11 =	smov.u32 s13  }
0x150: {  	v2 =	vld [tilespmem:s11+$0x4B00];
	_ =	sdelay $0x4  }
0x151: {  	v1 =	vadd.f32 v1, v2;
	_ =	sdelay $0x1  }
0x152: {  	[tilespmem:s11+$0x4B00] =	vst v1  }
0x153: {  	[tilespmem:s6], [sflag:$0x1] =	stream.linear.gather [spmem:s26], $0x280, $0x38;
	[tilespmem:$0x7580] =	vst v63  }
0x154: {  	_ =	swait.ge [sflag:s30], $0x280  }
0x155: {  	[sflag:s30] =	ssyncset.done $0x0  }
0x156: {  	s11 =	simm.s32 $0x0;
	[sflag:s30] =	ssyncadd.s32 $0xFFFFFD80  }
0x157: {  	s12 =	simm.s32 $0x40;
	v1 =	vld [tilespmem:s11+$0x4880]  }
.LBB2_36:
0x158: {  	p0 =	sne.s32 s12, $0x9C0;
	v2 =	vld [tilespmem:s11+$0x4B00];
	_ =	sdelay $0x2  }
.Ltmp17:
0x159: {  	(pc) =	sbr.rel @p0 .LBB2_36-.Ltmp17, $4  }
0x15a: {  	_ = 	snop  }
0x15b: {  	v2 =	vadd.f32 v1, v2  }
0x15c: {  	s13 =	sshra.s32 s12, $0x2  }
0x15d: {  	s12 =	sadd.s32 $0x40, s12;
	v1 =	vld [tilespmem:s13+$0x4880];
	[tilespmem:s11+$0x4B00] =	vst v2;
	s11 =	smov.u32 s13  }
0x15e: {  	v2 =	vld [tilespmem:s11+$0x4B00];
	_ =	sdelay $0x4  }
0x15f: {  	v1 =	vadd.f32 v1, v2;
	_ =	sdelay $0x1  }
0x160: {  	[tilespmem:s11+$0x4B00] =	vst v1  }
0x161: {  	[tilespmem:s6], [sflag:$0x1] =	stream.linear.gather [spmem:s28], $0x280, $0x38;
	[tilespmem:$0x7580] =	vst v63  }
0x162: {  	_ =	swait.ge [sflag:s30], $0x280  }
0x163: {  	[sflag:s30] =	ssyncset.done $0x0  }
0x164: {  	s11 =	simm.s32 $0x0;
	[sflag:s30] =	ssyncadd.s32 $0xFFFFFD80  }
0x165: {  	s12 =	simm.s32 $0x40;
	v1 =	vld [tilespmem:s11+$0x4880]  }
.LBB2_38:
0x166: {  	p0 =	sne.s32 s12, $0x9C0;
	v2 =	vld [tilespmem:s11+$0x4B00];
	_ =	sdelay $0x2  }
.Ltmp18:
0x167: {  	(pc) =	sbr.rel @p0 .LBB2_38-.Ltmp18, $4  }
0x168: {  	_ = 	snop  }
0x169: {  	v2 =	vadd.f32 v1, v2  }
0x16a: {  	s13 =	sshra.s32 s12, $0x2  }
0x16b: {  	s12 =	sadd.s32 $0x40, s12;
	v1 =	vld [tilespmem:s13+$0x4880];
	[tilespmem:s11+$0x4B00] =	vst v2;
	s11 =	smov.u32 s13  }
0x16c: {  	v2 =	vld [tilespmem:s11+$0x4B00];
	_ =	sdelay $0x4  }
0x16d: {  	s10 =	sadd.s32 $0x1, s10;
	v1 =	vadd.f32 v1, v2  }
0x16e: {  	p0 =	sne.s32 s10, s25  }
.Ltmp19:
0x16f: {  	s15 =	simm.s32 $0x4B00;
	[tilespmem:s11+$0x4B00] =	vst v1;
	(pc) =	sbr.rel @p0 .LBB2_1-.Ltmp19, $4  }
0x170: {  	[hbm4b:s24+s2] =	stream.linear.scatter [tilespmem:s15], [sflag:$0x1], $0x280, $0x38;
	[tilespmem:$0x7580] =	vst v63  }
0x171: {  	_ =	swait.ge [sflag:s30], $0x280  }
0x172: {  	[sflag:s30] =	ssyncset.done $0x0  }
0x173: {  	[sflag:s30] =	ssyncadd.s32 $0xFFFFFD80  }
0x174: {  	_ =	sfence.sel $0x180000  }
0x175: {  	[bflag:$0x0] =	sbarrier.arrive $0xFFFF  }
0x176: {  	_ =	strace $0x90000047  }
0x177: {  	s0 =	stileid.u32;
	[bflag:$0x2] =	sbarrier.arrive $0xFFFF  }
0x178: {  	p0 =	sne.s32 s0, $0x0;
	s0 =	rddreg [dreg:$0x2]  }
0x179: {  	s0 =	sadd.s32 @!p0 $0x100000, s0  }
0x17a: {  	[sflag:s0] =	ssyncadd.tile.s32 @!p0 $0x1;
	_ =	shalt  }
.Lfunc_end2:
_tile_overlayer_lowered:
.L_overlay_start_2:
0x17b: {  	(tag) =	ssettag $0x2  }
0x17c: {  	s0 =	rddreg [dreg:$0x0];
	s2 =	stileid.u32  }
0x17d: {  	s1 =	rddreg [dreg:$0x1];
	p0 =	sne.s32 s2, $0x0  }
0x17e: {  	s3 =	rddreg [dreg:$0x2];
	[bflag:$0x3] =	sbarrier.arrive $0xFFFF;
	s2 =	simm.s32 @!p0 $0x1C01  }
0x17f: {  	[timem:s3], [sflag:s2] =	dma.local @!p0 [hbm:s0], s1  }
0x180: {  	s0 =	simm.s32 @!p0 $0x1  }
0x181: {  	_ =	swait.ge @!p0 [sflag:s0], s1  }
0x182: {  	s1 =	ssub.s32 @!p0 $0x0, s1;
	[sflag:s0] =	ssyncset.done @!p0 $0x0  }
0x183: {  	[sflag:s0] =	ssyncadd.s32 @!p0 s1  }
0x184: {  	[bflag:$0x3] =	sbarrier.arrive $0xFFFF  }
0x185: {  	_ =	shalt  }

</sc_bundles>
